<compile_context>
chip_gen: v7x
topology: tpu7x:2x2x1
jax: 0.10.2.dev20260603
libtpu: 0.0.44.dev20260713+nightly
codegen_flags: <defaults>
</compile_context>

<pallas_src>
import functools

import jax
import jax.numpy as jnp
from jax import lax
from jax.experimental import pallas as pl
from jax.experimental.pallas import tpu as pltpu
from jax.experimental.pallas import tpu_sc as plsc

N_NODES = 50000
D = 768
MSG_DIM = 100
MSG_PAD = 128
RAW_DIM = 3 * D
HID = RAW_DIM // 2
B = 8192
BE = 512


CW = 1024


def _dedup_body(si_ref, scat_ref, fix_ref):
    i = pl.program_id(0)
    src_e_col = si_ref[0, pl.ds(i * BE, BE)].reshape(BE, 1)
    row_ids = i * BE + lax.broadcasted_iota(jnp.int32, (BE, 1), 0)

    dup = jnp.zeros((BE, 1), jnp.bool_)
    for j in range(B // CW):
        cols = si_ref[0, pl.ds(j * CW, CW)].reshape(1, CW)
        col_ids = j * CW + lax.broadcasted_iota(jnp.int32, (1, CW), 1)
        hit = (src_e_col == cols) & (col_ids > row_ids)
        dup = dup | jnp.any(hit, axis=1, keepdims=True)
    rr = si_ref[0, B - 1]
    scat_ref[...] = jnp.where(dup, rr, src_e_col).reshape(1, BE)
    fix_ref[...] = jnp.full((1, 128), rr, jnp.int32)


def _dedup(src_idx):
    return pl.pallas_call(
        _dedup_body,
        grid=(B // BE,),
        in_specs=[pl.BlockSpec((1, B), lambda i: (0, 0))],
        out_specs=(pl.BlockSpec((1, BE), lambda i: (0, i)),
                   pl.BlockSpec((1, 128), lambda i: (0, 0))),
        out_shape=(jax.ShapeDtypeStruct((1, B), jnp.int32),
                   jax.ShapeDtypeStruct((1, 128), jnp.int32)),
    )(src_idx.reshape(1, B))


def _compute_body(dt_ref, ms_ref, md_ref, tw_ref, tb_ref, W1_ref, b1_ref,
                  W2_ref, b2_ref, Wx_ref, Wh_ref, bg_ref, out_ref):
    dt = dt_ref[...]
    ms = ms_ref[...]
    md = md_ref[...]
    y = dt * tw_ref[...] + tb_ref[...]
    rnd = (y + 12582912.0) - 12582912.0
    d = y - rnd
    u = d * d
    te = (0.99999944 + u * (-19.73903432 + u * (64.93061147 + u * (
        -85.29594601 + u * (58.91242234 + u * -21.28277633)))))
    W1 = W1_ref[...]
    f32 = jnp.float32
    bf16 = jnp.bfloat16
    msb = ms.astype(bf16)
    h1 = (jnp.dot(msb, W1[0:D], preferred_element_type=f32)
          + jnp.dot(md.astype(bf16), W1[D:2 * D], preferred_element_type=f32)
          + jnp.dot(te.astype(bf16), W1[2 * D:3 * D], preferred_element_type=f32)
          + b1_ref[...])
    h1 = jnp.maximum(h1, 0.0).astype(bf16)
    msg = jnp.dot(h1, W2_ref[...], preferred_element_type=f32) + b2_ref[...]
    gx = (jnp.dot(msg.astype(bf16), Wx_ref[...], preferred_element_type=f32)
          + bg_ref[...])
    gh = jnp.dot(msb, Wh_ref[...], preferred_element_type=f32)
    xr, xz, xn = gx[:, 0:D], gx[:, D:2 * D], gx[:, 2 * D:3 * D]
    hr, hz, hn = gh[:, 0:D], gh[:, D:2 * D], gh[:, 2 * D:3 * D]
    r = jax.nn.sigmoid(xr + hr)
    z = jax.nn.sigmoid(xz + hz)
    n = jnp.tanh(xn + r * hn)
    out_ref[...] = (1.0 - z) * n + z * ms


def _compute_h_new(dt, mem_src, mem_dst, tw, tb, W1, b1, W2p, b2p, Wxp, Wh,
                   bg):
    grid = (B // BE,)
    blk = lambda r, c: pl.BlockSpec((r, c), lambda i: (i, 0))
    full = lambda r, c: pl.BlockSpec((r, c), lambda i: (0, 0))
    return pl.pallas_call(
        _compute_body,
        grid=grid,
        in_specs=[
            blk(BE, 1),
            blk(BE, D),
            blk(BE, D),
            full(1, D),
            full(1, D),
            full(RAW_DIM, HID),
            full(1, HID),
            full(HID, MSG_PAD),
            full(1, MSG_PAD),
            full(MSG_PAD, 3 * D),
            full(D, 3 * D),
            full(1, 3 * D),
        ],
        out_specs=blk(BE, D),
        out_shape=jax.ShapeDtypeStruct((B, D), jnp.float32),
    )(dt, mem_src, mem_dst, tw.reshape(1, D), tb.reshape(1, D), W1,
      b1.reshape(1, HID), W2p, b2p, Wxp, Wh, bg.reshape(1, 3 * D))


NW = 32
EV_W = B // NW
GCH = 64


def _sc_gather(memory, src_idx, dst_idx, last_update):
    mesh = plsc.VectorSubcoreMesh(core_axis_name="c", subcore_axis_name="s")

    @functools.partial(
        pl.kernel,
        out_type=(
            jax.ShapeDtypeStruct((B, D), jnp.float32),
            jax.ShapeDtypeStruct((B, D), jnp.float32),
            jax.ShapeDtypeStruct((B,), jnp.float32),
        ),
        mesh=mesh,
        scratch_types=[
            pltpu.VMEM((GCH,), jnp.int32),
            pltpu.VMEM((GCH, D), jnp.float32),
            pltpu.VMEM((GCH,), jnp.float32),
            pltpu.SemaphoreType.DMA,
            pltpu.SemaphoreType.DMA,
        ],
    )
    def k(mem_hbm, src_hbm, dst_hbm, lu_hbm, osrc_hbm, odst_hbm, olu_hbm,
          idx_v, rows_v, lu_v, sem, sem2):
        c = lax.axis_index("c")
        s = lax.axis_index("s")
        wid = s * 2 + c
        base = wid * EV_W

        def do_rows(idx_hbm, out_hbm, with_lu):
            for ch in range(EV_W // GCH):
                off = base + ch * GCH
                pltpu.sync_copy(idx_hbm.at[pl.ds(off, GCH)], idx_v)
                pltpu.async_copy(mem_hbm.at[idx_v], rows_v, sem).wait()
                if with_lu:
                    pltpu.async_copy(lu_hbm.at[idx_v], lu_v, sem2).wait()
                    pltpu.sync_copy(lu_v, olu_hbm.at[pl.ds(off, GCH)])
                pltpu.sync_copy(rows_v, out_hbm.at[pl.ds(off, GCH)])

        do_rows(src_hbm, osrc_hbm, True)
        do_rows(dst_hbm, odst_hbm, False)

    return k(memory, src_idx, dst_idx, last_update)


SCH = 128


CCH2 = 80
CNCH = 19
CEXTRA = NW * CNCH * CCH2


def _sc_copy(tbl_ref, memory):
    mesh = plsc.VectorSubcoreMesh(core_axis_name="c", subcore_axis_name="s")

    @functools.partial(
        pl.kernel,
        out_type=(),
        mesh=mesh,
        scratch_types=[
            pltpu.VMEM((CCH2, D), jnp.float32),
        ],
    )
    def k(mem_hbm, tbl_hbm, cbuf0):
        wid = lax.axis_index("s") * 2 + lax.axis_index("c")
        r0 = wid * (CNCH * CCH2)
        for ch in range(CNCH):
            off = r0 + ch * CCH2
            pltpu.sync_copy(mem_hbm.at[pl.ds(off, CCH2)], cbuf0)
            pltpu.sync_copy(cbuf0, tbl_hbm.at[pl.ds(off, CCH2)])

        @pl.when(wid < (N_NODES - CEXTRA) // CCH2)
        def _cp_extra():
            off = CEXTRA + wid * CCH2
            pltpu.sync_copy(mem_hbm.at[pl.ds(off, CCH2)], cbuf0)
            pltpu.sync_copy(cbuf0, tbl_hbm.at[pl.ds(off, CCH2)])

    return k(memory, tbl_ref)


def _sc_scatter(tbl_ref, h_new, scat_idx):
    mesh = plsc.VectorSubcoreMesh(core_axis_name="c", subcore_axis_name="s")

    @functools.partial(
        pl.kernel,
        out_type=(),
        mesh=mesh,
        scratch_types=[
            pltpu.VMEM((SCH, D), jnp.float32),
            pltpu.VMEM((SCH,), jnp.int32),
            pltpu.SemaphoreType.DMA,
        ],
    )
    def k(h_hbm, si_hbm, tbl_hbm, rbuf, ibuf, sem):
        wid = lax.axis_index("s") * 2 + lax.axis_index("c")
        e0 = wid * (B // NW)
        for ch in range((B // NW) // SCH):
            off = e0 + ch * SCH
            pltpu.sync_copy(si_hbm.at[pl.ds(off, SCH)], ibuf)
            pltpu.sync_copy(h_hbm.at[pl.ds(off, SCH)], rbuf)
            pltpu.async_copy(rbuf, tbl_hbm.at[ibuf], sem).wait()

    return k(h_new, scat_idx, tbl_ref)


def _sc_fix(tbl_ref, h_new, fix_idx):
    mesh = plsc.VectorSubcoreMesh(core_axis_name="c", subcore_axis_name="s")

    @functools.partial(
        pl.kernel,
        out_type=(),
        mesh=mesh,
        scratch_types=[
            pltpu.VMEM((16, D), jnp.float32),
            pltpu.VMEM((16,), jnp.int32),
            pltpu.VMEM((16,), jnp.int32),
            pltpu.SemaphoreType.DMA,
        ],
    )
    def k(h_hbm, fx_hbm, tbl_hbm, fix_r, fix_i, fix_e, sem):
        wid = lax.axis_index("s") * 2 + lax.axis_index("c")

        @pl.when(wid == 0)
        def _fix():
            pltpu.sync_copy(fx_hbm.at[pl.ds(0, 16)], fix_i)
            fix_e[...] = jnp.full((16,), B - 1, jnp.int32)
            pltpu.async_copy(h_hbm.at[fix_e], fix_r, sem).wait()
            pltpu.async_copy(fix_r, tbl_hbm.at[fix_i], sem).wait()

    return k(h_new, fix_idx, tbl_ref)


def kernel(memory, last_update, edge_times, tw, tb, W1, b1, W2, b2, Wx, Wh,
           bg, src_idx, dst_idx):
    bf16 = jnp.bfloat16
    W2p = jnp.pad(W2, ((0, 0), (0, MSG_PAD - MSG_DIM))).astype(bf16)
    b2p = jnp.pad(b2, (0, MSG_PAD - MSG_DIM)).reshape(1, MSG_PAD)
    Wxp = jnp.pad(Wx, ((0, MSG_PAD - MSG_DIM), (0, 0))).astype(bf16)
    W1 = W1.astype(bf16)
    Wh = Wh.astype(bf16)
    inv2pi = 0.15915494309189535
    tw = tw * inv2pi
    tb = tb * inv2pi

    tbl = jax.new_ref(lax.empty((N_NODES, D), jnp.float32))
    _sc_copy(tbl, memory)
    scat_idx, fix_idx = _dedup(src_idx)
    mem_src, mem_dst, lu_src = _sc_gather(memory, src_idx, dst_idx,
                                          last_update)
    t = edge_times / 60.0
    dt = (t - lu_src).reshape(B, 1)
    h_new = _compute_h_new(dt, mem_src, mem_dst, tw, tb, W1, b1, W2p, b2p,
                           Wxp, Wh, bg)
    _sc_scatter(tbl, h_new, scat_idx.reshape(B))
    _sc_fix(tbl, h_new, fix_idx.reshape(128))
    return jax.freeze(tbl)

# --- scband reference (transcript-rebuilt; emitter-appended) ---
"""Pipeline reference for scband-tgn-40389872451809 (READ-ONLY COPY).

The authoritative reference and input builder live on the scoring server;
editing this copy changes nothing except your own understanding.
"""

import jax, jax.numpy as jnp
import numpy as np

N_NODES = 50000
D = 768            # memory_dimension = n_node_features in the module
MSG_DIM = 100      # message_dimension (mlp message function)
RAW_DIM = 3 * D    # 2*memory_dim + time_encoder.dimension
HID = RAW_DIM // 2
B = 8192


def setup_inputs(seed: int = 0) -> dict:
    key = jax.random.key(seed)
    ks = jax.random.split(key, 12)
    memory = jax.random.normal(ks[0], (N_NODES, D), dtype=jnp.float32)
    last_update = jnp.zeros((N_NODES,), dtype=jnp.float32)
    edge_times = jax.random.uniform(ks[1], (B,), dtype=jnp.float32) * 10000.0
    # TimeEncode params (cos(t*w + b))
    tw = jax.random.normal(ks[2], (D,), dtype=jnp.float32)
    tb = jax.random.normal(ks[3], (D,), dtype=jnp.float32)
    # MLP message function: raw_message_dim -> raw//2 -> message_dim
    W1 = jax.random.normal(ks[4], (RAW_DIM, HID), dtype=jnp.float32) * 0.02
    b1 = jnp.zeros((HID,), dtype=jnp.float32)
    W2 = jax.random.normal(ks[5], (HID, MSG_DIM), dtype=jnp.float32) * 0.02
    b2 = jnp.zeros((MSG_DIM,), dtype=jnp.float32)
    # GRU memory updater: input MSG_DIM, hidden D
    Wx = jax.random.normal(ks[6], (MSG_DIM, 3 * D), dtype=jnp.float32) * 0.02
    Wh = jax.random.normal(ks[7], (D, 3 * D), dtype=jnp.float32) * 0.02
    bg = jnp.zeros((3 * D,), dtype=jnp.float32)
    src_idx = jax.random.randint(ks[8], (B,), 0, N_NODES, dtype=jnp.int32)
    dst_idx = jax.random.randint(ks[9], (B,), 0, N_NODES, dtype=jnp.int32)
    return {
        'memory': memory, 'last_update': last_update, 'edge_times': edge_times,
        'tw': tw, 'tb': tb, 'W1': W1, 'b1': b1, 'W2': W2, 'b2': b2,
        'Wx': Wx, 'Wh': Wh, 'bg': bg, 'src_idx': src_idx, 'dst_idx': dst_idx,
    }


def reference(memory, last_update, edge_times, tw, tb, W1, b1, W2, b2, Wx, Wh, bg, src_idx, dst_idx):
    # TGN memory update path: gather memory for event endpoints, build raw
    # messages [mem_src || mem_dst || time_enc(dt)], run MLP message function,
    # GRU-update the source memories, scatter-write back into the memory table.
    t = edge_times / 60.0  # module rescales edge_times by 60
    dt = t - last_update[src_idx]
    time_enc = jnp.cos(dt[:, None] * tw[None, :] + tb[None, :])
    mem_src = memory[src_idx]
    mem_dst = memory[dst_idx]
    raw_msg = jnp.concatenate([mem_src, mem_dst, time_enc], axis=1)
    h1 = jax.nn.relu(raw_msg @ W1 + b1)
    msg = h1 @ W2 + b2
    # GRU cell update of source node memories
    gx = msg @ Wx + bg
    gh = mem_src @ Wh
    xr, xz, xn = jnp.split(gx, 3, axis=1)
    hr, hz, hn = jnp.split(gh, 3, axis=1)
    r = jax.nn.sigmoid(xr + hr)
    z = jax.nn.sigmoid(xz + hz)
    n = jnp.tanh(xn + r * hn)
    h_new = (1.0 - z) * n + z * mem_src
    # scatter-overwrite memory rows for updated nodes
    new_memory = memory.at[src_idx].set(h_new)
    return new_memory

if __name__ == "__main__":
    import jax
    _d = setup_inputs()
    print(jax.jit(kernel)(*tuple(_d.values())))

</pallas_src>

<mosaic_0001>
#map = affine_map<(d0, d1) -> (0, 0)>
module attributes {stable_mosaic.version = 14 : i64} {
  func.func @new_body(%arg0: i32, %arg1: i32, %arg2: memref<50000x768xf32, #tpu.memory_space<hbm>>, %arg3: memref<50000x768xf32, #tpu.memory_space<hbm>>, %arg4: memref<50000x768xf32, #tpu.memory_space<hbm>>, %arg5: memref<80x768xf32, #tpu.memory_space<vmem>>) attributes {dimension_semantics = [#tpu.dimension_semantics<core_parallel>, #tpu.dimension_semantics<subcore_parallel>], iteration_bounds = array<i64: 2, 16>, scalar_prefetch = 0 : i64, scratch_operands = 1 : i64, tpu.core_type = #tpu.core_type<sc_vector_subcore>, window_params = [{transform_indices = #map}, {transform_indices = #map}, {transform_indices = #map}]} {
    %mul3A = arith.constant 2 : i32
    %mul3A_0 = arith.muli %arg1, %mul3A : i32
    %add3A = arith.addi %mul3A_0, %arg0 : i32
    %mul3A_1 = arith.constant 1520 : i32
    %mul3A_2 = arith.muli %add3A, %mul3A_1 : i32
    %add3A_3 = arith.constant 0 : i32
    %add3A_4 = arith.addi %mul3A_2, %add3A_3 : i32
    "tpu.region"() ({
      %run_scoped3A = tpu.sem_alloc : memref<!tpu.dma_semaphore, #tpu.memory_space<semaphore_mem>>
      %dma_start3A = arith.constant 0 : i32
      %dma_start3A_43 = tpu.memref_slice %arg2[%add3A_4, %dma_start3A] : memref<50000x768xf32, #tpu.memory_space<hbm>> -> memref<80x768xf32, #tpu.memory_space<hbm>>
      %dma_start3A_44 = arith.constant 0 : i32
      %dma_start3A_45 = tpu.memref_slice %arg2[%add3A_4, %dma_start3A_44] : memref<50000x768xf32, #tpu.memory_space<hbm>> -> memref<80x768xf32, #tpu.memory_space<hbm>>
      tpu.enqueue_dma source(%dma_start3A_45 : memref<80x768xf32, #tpu.memory_space<hbm>>) target(%arg5 : memref<80x768xf32, #tpu.memory_space<vmem>>) target_semaphore(%run_scoped3A : memref<!tpu.dma_semaphore, #tpu.memory_space<semaphore_mem>>)
      %dma_wait3A = arith.constant 0 : i32
      %dma_wait3A_46 = tpu.memref_slice %arg2[%add3A_4, %dma_wait3A] : memref<50000x768xf32, #tpu.memory_space<hbm>> -> memref<80x768xf32, #tpu.memory_space<hbm>>
      %dma_wait3A_47 = arith.constant 0 : i32
      %dma_wait3A_48 = tpu.memref_slice %arg2[%add3A_4, %dma_wait3A_47] : memref<50000x768xf32, #tpu.memory_space<hbm>> -> memref<80x768xf32, #tpu.memory_space<hbm>>
      tpu.wait_dma2 semaphore(%run_scoped3A : memref<!tpu.dma_semaphore, #tpu.memory_space<semaphore_mem>>) src(%dma_wait3A_48 : memref<80x768xf32, #tpu.memory_space<hbm>>) dst(%arg5 : memref<80x768xf32, #tpu.memory_space<vmem>>)
      tpu.yield
    }) : () -> ()
    "tpu.region"() ({
      %run_scoped3A = tpu.sem_alloc : memref<!tpu.dma_semaphore, #tpu.memory_space<semaphore_mem>>
      %dma_start3A = arith.constant 0 : i32
      %dma_start3A_43 = tpu.memref_slice %arg3[%add3A_4, %dma_start3A] : memref<50000x768xf32, #tpu.memory_space<hbm>> -> memref<80x768xf32, #tpu.memory_space<hbm>>
      %dma_start3A_44 = arith.constant 0 : i32
      %dma_start3A_45 = tpu.memref_slice %arg3[%add3A_4, %dma_start3A_44] : memref<50000x768xf32, #tpu.memory_space<hbm>> -> memref<80x768xf32, #tpu.memory_space<hbm>>
      tpu.enqueue_dma source(%arg5 : memref<80x768xf32, #tpu.memory_space<vmem>>) target(%dma_start3A_45 : memref<80x768xf32, #tpu.memory_space<hbm>>) target_semaphore(%run_scoped3A : memref<!tpu.dma_semaphore, #tpu.memory_space<semaphore_mem>>)
      %dma_wait3A = arith.constant 0 : i32
      %dma_wait3A_46 = tpu.memref_slice %arg3[%add3A_4, %dma_wait3A] : memref<50000x768xf32, #tpu.memory_space<hbm>> -> memref<80x768xf32, #tpu.memory_space<hbm>>
      %dma_wait3A_47 = arith.constant 0 : i32
      %dma_wait3A_48 = tpu.memref_slice %arg3[%add3A_4, %dma_wait3A_47] : memref<50000x768xf32, #tpu.memory_space<hbm>> -> memref<80x768xf32, #tpu.memory_space<hbm>>
      tpu.wait_dma2 semaphore(%run_scoped3A : memref<!tpu.dma_semaphore, #tpu.memory_space<semaphore_mem>>) src(%arg5 : memref<80x768xf32, #tpu.memory_space<vmem>>) dst(%dma_wait3A_48 : memref<80x768xf32, #tpu.memory_space<hbm>>)
      tpu.yield
    }) : () -> ()
    %add3A_5 = arith.constant 80 : i32
    %add3A_6 = arith.addi %mul3A_2, %add3A_5 : i32
    "tpu.region"() ({
      %run_scoped3A = tpu.sem_alloc : memref<!tpu.dma_semaphore, #tpu.memory_space<semaphore_mem>>
      %dma_start3A = arith.constant 0 : i32
      %dma_start3A_43 = tpu.memref_slice %arg2[%add3A_6, %dma_start3A] : memref<50000x768xf32, #tpu.memory_space<hbm>> -> memref<80x768xf32, #tpu.memory_space<hbm>>
      %dma_start3A_44 = arith.constant 0 : i32
      %dma_start3A_45 = tpu.memref_slice %arg2[%add3A_6, %dma_start3A_44] : memref<50000x768xf32, #tpu.memory_space<hbm>> -> memref<80x768xf32, #tpu.memory_space<hbm>>
      tpu.enqueue_dma source(%dma_start3A_45 : memref<80x768xf32, #tpu.memory_space<hbm>>) target(%arg5 : memref<80x768xf32, #tpu.memory_space<vmem>>) target_semaphore(%run_scoped3A : memref<!tpu.dma_semaphore, #tpu.memory_space<semaphore_mem>>)
      %dma_wait3A = arith.constant 0 : i32
      %dma_wait3A_46 = tpu.memref_slice %arg2[%add3A_6, %dma_wait3A] : memref<50000x768xf32, #tpu.memory_space<hbm>> -> memref<80x768xf32, #tpu.memory_space<hbm>>
      %dma_wait3A_47 = arith.constant 0 : i32
      %dma_wait3A_48 = tpu.memref_slice %arg2[%add3A_6, %dma_wait3A_47] : memref<50000x768xf32, #tpu.memory_space<hbm>> -> memref<80x768xf32, #tpu.memory_space<hbm>>
      tpu.wait_dma2 semaphore(%run_scoped3A : memref<!tpu.dma_semaphore, #tpu.memory_space<semaphore_mem>>) src(%dma_wait3A_48 : memref<80x768xf32, #tpu.memory_space<hbm>>) dst(%arg5 : memref<80x768xf32, #tpu.memory_space<vmem>>)
      tpu.yield
    }) : () -> ()
    "tpu.region"() ({
      %run_scoped3A = tpu.sem_alloc : memref<!tpu.dma_semaphore, #tpu.memory_space<semaphore_mem>>
      %dma_start3A = arith.constant 0 : i32
      %dma_start3A_43 = tpu.memref_slice %arg3[%add3A_6, %dma_start3A] : memref<50000x768xf32, #tpu.memory_space<hbm>> -> memref<80x768xf32, #tpu.memory_space<hbm>>
      %dma_start3A_44 = arith.constant 0 : i32
      %dma_start3A_45 = tpu.memref_slice %arg3[%add3A_6, %dma_start3A_44] : memref<50000x768xf32, #tpu.memory_space<hbm>> -> memref<80x768xf32, #tpu.memory_space<hbm>>
      tpu.enqueue_dma source(%arg5 : memref<80x768xf32, #tpu.memory_space<vmem>>) target(%dma_start3A_45 : memref<80x768xf32, #tpu.memory_space<hbm>>) target_semaphore(%run_scoped3A : memref<!tpu.dma_semaphore, #tpu.memory_space<semaphore_mem>>)
      %dma_wait3A = arith.constant 0 : i32
      %dma_wait3A_46 = tpu.memref_slice %arg3[%add3A_6, %dma_wait3A] : memref<50000x768xf32, #tpu.memory_space<hbm>> -> memref<80x768xf32, #tpu.memory_space<hbm>>
      %dma_wait3A_47 = arith.constant 0 : i32
      %dma_wait3A_48 = tpu.memref_slice %arg3[%add3A_6, %dma_wait3A_47] : memref<50000x768xf32, #tpu.memory_space<hbm>> -> memref<80x768xf32, #tpu.memory_space<hbm>>
      tpu.wait_dma2 semaphore(%run_scoped3A : memref<!tpu.dma_semaphore, #tpu.memory_space<semaphore_mem>>) src(%arg5 : memref<80x768xf32, #tpu.memory_space<vmem>>) dst(%dma_wait3A_48 : memref<80x768xf32, #tpu.memory_space<hbm>>)
      tpu.yield
    }) : () -> ()
    %add3A_7 = arith.constant 160 : i32
    %add3A_8 = arith.addi %mul3A_2, %add3A_7 : i32
    "tpu.region"() ({
      %run_scoped3A = tpu.sem_alloc : memref<!tpu.dma_semaphore, #tpu.memory_space<semaphore_mem>>
      %dma_start3A = arith.constant 0 : i32
      %dma_start3A_43 = tpu.memref_slice %arg2[%add3A_8, %dma_start3A] : memref<50000x768xf32, #tpu.memory_space<hbm>> -> memref<80x768xf32, #tpu.memory_space<hbm>>
      %dma_start3A_44 = arith.constant 0 : i32
      %dma_start3A_45 = tpu.memref_slice %arg2[%add3A_8, %dma_start3A_44] : memref<50000x768xf32, #tpu.memory_space<hbm>> -> memref<80x768xf32, #tpu.memory_space<hbm>>
      tpu.enqueue_dma source(%dma_start3A_45 : memref<80x768xf32, #tpu.memory_space<hbm>>) target(%arg5 : memref<80x768xf32, #tpu.memory_space<vmem>>) target_semaphore(%run_scoped3A : memref<!tpu.dma_semaphore, #tpu.memory_space<semaphore_mem>>)
      %dma_wait3A = arith.constant 0 : i32
      %dma_wait3A_46 = tpu.memref_slice %arg2[%add3A_8, %dma_wait3A] : memref<50000x768xf32, #tpu.memory_space<hbm>> -> memref<80x768xf32, #tpu.memory_space<hbm>>
      %dma_wait3A_47 = arith.constant 0 : i32
      %dma_wait3A_48 = tpu.memref_slice %arg2[%add3A_8, %dma_wait3A_47] : memref<50000x768xf32, #tpu.memory_space<hbm>> -> memref<80x768xf32, #tpu.memory_space<hbm>>
      tpu.wait_dma2 semaphore(%run_scoped3A : memref<!tpu.dma_semaphore, #tpu.memory_space<semaphore_mem>>) src(%dma_wait3A_48 : memref<80x768xf32, #tpu.memory_space<hbm>>) dst(%arg5 : memref<80x768xf32, #tpu.memory_space<vmem>>)
      tpu.yield
    }) : () -> ()
    "tpu.region"() ({
      %run_scoped3A = tpu.sem_alloc : memref<!tpu.dma_semaphore, #tpu.memory_space<semaphore_mem>>
      %dma_start3A = arith.constant 0 : i32
      %dma_start3A_43 = tpu.memref_slice %arg3[%add3A_8, %dma_start3A] : memref<50000x768xf32, #tpu.memory_space<hbm>> -> memref<80x768xf32, #tpu.memory_space<hbm>>
      %dma_start3A_44 = arith.constant 0 : i32
      %dma_start3A_45 = tpu.memref_slice %arg3[%add3A_8, %dma_start3A_44] : memref<50000x768xf32, #tpu.memory_space<hbm>> -> memref<80x768xf32, #tpu.memory_space<hbm>>
      tpu.enqueue_dma source(%arg5 : memref<80x768xf32, #tpu.memory_space<vmem>>) target(%dma_start3A_45 : memref<80x768xf32, #tpu.memory_space<hbm>>) target_semaphore(%run_scoped3A : memref<!tpu.dma_semaphore, #tpu.memory_space<semaphore_mem>>)
      %dma_wait3A = arith.constant 0 : i32
      %dma_wait3A_46 = tpu.memref_slice %arg3[%add3A_8, %dma_wait3A] : memref<50000x768xf32, #tpu.memory_space<hbm>> -> memref<80x768xf32, #tpu.memory_space<hbm>>
      %dma_wait3A_47 = arith.constant 0 : i32
      %dma_wait3A_48 = tpu.memref_slice %arg3[%add3A_8, %dma_wait3A_47] : memref<50000x768xf32, #tpu.memory_space<hbm>> -> memref<80x768xf32, #tpu.memory_space<hbm>>
      tpu.wait_dma2 semaphore(%run_scoped3A : memref<!tpu.dma_semaphore, #tpu.memory_space<semaphore_mem>>) src(%arg5 : memref<80x768xf32, #tpu.memory_space<vmem>>) dst(%dma_wait3A_48 : memref<80x768xf32, #tpu.memory_space<hbm>>)
      tpu.yield
    }) : () -> ()
    %add3A_9 = arith.constant 240 : i32
    %add3A_10 = arith.addi %mul3A_2, %add3A_9 : i32
    "tpu.region"() ({
      %run_scoped3A = tpu.sem_alloc : memref<!tpu.dma_semaphore, #tpu.memory_space<semaphore_mem>>
      %dma_start3A = arith.constant 0 : i32
      %dma_start3A_43 = tpu.memref_slice %arg2[%add3A_10, %dma_start3A] : memref<50000x768xf32, #tpu.memory_space<hbm>> -> memref<80x768xf32, #tpu.memory_space<hbm>>
      %dma_start3A_44 = arith.constant 0 : i32
      %dma_start3A_45 = tpu.memref_slice %arg2[%add3A_10, %dma_start3A_44] : memref<50000x768xf32, #tpu.memory_space<hbm>> -> memref<80x768xf32, #tpu.memory_space<hbm>>
      tpu.enqueue_dma source(%dma_start3A_45 : memref<80x768xf32, #tpu.memory_space<hbm>>) target(%arg5 : memref<80x768xf32, #tpu.memory_space<vmem>>) target_semaphore(%run_scoped3A : memref<!tpu.dma_semaphore, #tpu.memory_space<semaphore_mem>>)
      %dma_wait3A = arith.constant 0 : i32
      %dma_wait3A_46 = tpu.memref_slice %arg2[%add3A_10, %dma_wait3A] : memref<50000x768xf32, #tpu.memory_space<hbm>> -> memref<80x768xf32, #tpu.memory_space<hbm>>
      %dma_wait3A_47 = arith.constant 0 : i32
      %dma_wait3A_48 = tpu.memref_slice %arg2[%add3A_10, %dma_wait3A_47] : memref<50000x768xf32, #tpu.memory_space<hbm>> -> memref<80x768xf32, #tpu.memory_space<hbm>>
      tpu.wait_dma2 semaphore(%run_scoped3A : memref<!tpu.dma_semaphore, #tpu.memory_space<semaphore_mem>>) src(%dma_wait3A_48 : memref<80x768xf32, #tpu.memory_space<hbm>>) dst(%arg5 : memref<80x768xf32, #tpu.memory_space<vmem>>)
      tpu.yield
    }) : () -> ()
    "tpu.region"() ({
      %run_scoped3A = tpu.sem_alloc : memref<!tpu.dma_semaphore, #tpu.memory_space<semaphore_mem>>
      %dma_start3A = arith.constant 0 : i32
      %dma_start3A_43 = tpu.memref_slice %arg3[%add3A_10, %dma_start3A] : memref<50000x768xf32, #tpu.memory_space<hbm>> -> memref<80x768xf32, #tpu.memory_space<hbm>>
      %dma_start3A_44 = arith.constant 0 : i32
      %dma_start3A_45 = tpu.memref_slice %arg3[%add3A_10, %dma_start3A_44] : memref<50000x768xf32, #tpu.memory_space<hbm>> -> memref<80x768xf32, #tpu.memory_space<hbm>>
      tpu.enqueue_dma source(%arg5 : memref<80x768xf32, #tpu.memory_space<vmem>>) target(%dma_start3A_45 : memref<80x768xf32, #tpu.memory_space<hbm>>) target_semaphore(%run_scoped3A : memref<!tpu.dma_semaphore, #tpu.memory_space<semaphore_mem>>)
      %dma_wait3A = arith.constant 0 : i32
      %dma_wait3A_46 = tpu.memref_slice %arg3[%add3A_10, %dma_wait3A] : memref<50000x768xf32, #tpu.memory_space<hbm>> -> memref<80x768xf32, #tpu.memory_space<hbm>>
      %dma_wait3A_47 = arith.constant 0 : i32
      %dma_wait3A_48 = tpu.memref_slice %arg3[%add3A_10, %dma_wait3A_47] : memref<50000x768xf32, #tpu.memory_space<hbm>> -> memref<80x768xf32, #tpu.memory_space<hbm>>
      tpu.wait_dma2 semaphore(%run_scoped3A : memref<!tpu.dma_semaphore, #tpu.memory_space<semaphore_mem>>) src(%arg5 : memref<80x768xf32, #tpu.memory_space<vmem>>) dst(%dma_wait3A_48 : memref<80x768xf32, #tpu.memory_space<hbm>>)
      tpu.yield
    }) : () -> ()
    %add3A_11 = arith.constant 320 : i32
    %add3A_12 = arith.addi %mul3A_2, %add3A_11 : i32
    "tpu.region"() ({
      %run_scoped3A = tpu.sem_alloc : memref<!tpu.dma_semaphore, #tpu.memory_space<semaphore_mem>>
      %dma_start3A = arith.constant 0 : i32
      %dma_start3A_43 = tpu.memref_slice %arg2[%add3A_12, %dma_start3A] : memref<50000x768xf32, #tpu.memory_space<hbm>> -> memref<80x768xf32, #tpu.memory_space<hbm>>
      %dma_start3A_44 = arith.constant 0 : i32
      %dma_start3A_45 = tpu.memref_slice %arg2[%add3A_12, %dma_start3A_44] : memref<50000x768xf32, #tpu.memory_space<hbm>> -> memref<80x768xf32, #tpu.memory_space<hbm>>
      tpu.enqueue_dma source(%dma_start3A_45 : memref<80x768xf32, #tpu.memory_space<hbm>>) target(%arg5 : memref<80x768xf32, #tpu.memory_space<vmem>>) target_semaphore(%run_scoped3A : memref<!tpu.dma_semaphore, #tpu.memory_space<semaphore_mem>>)
      %dma_wait3A = arith.constant 0 : i32
      %dma_wait3A_46 = tpu.memref_slice %arg2[%add3A_12, %dma_wait3A] : memref<50000x768xf32, #tpu.memory_space<hbm>> -> memref<80x768xf32, #tpu.memory_space<hbm>>
      %dma_wait3A_47 = arith.constant 0 : i32
      %dma_wait3A_48 = tpu.memref_slice %arg2[%add3A_12, %dma_wait3A_47] : memref<50000x768xf32, #tpu.memory_space<hbm>> -> memref<80x768xf32, #tpu.memory_space<hbm>>
      tpu.wait_dma2 semaphore(%run_scoped3A : memref<!tpu.dma_semaphore, #tpu.memory_space<semaphore_mem>>) src(%dma_wait3A_48 : memref<80x768xf32, #tpu.memory_space<hbm>>) dst(%arg5 : memref<80x768xf32, #tpu.memory_space<vmem>>)
      tpu.yield
    }) : () -> ()
    "tpu.region"() ({
      %run_scoped3A = tpu.sem_alloc : memref<!tpu.dma_semaphore, #tpu.memory_space<semaphore_mem>>
      %dma_start3A = arith.constant 0 : i32
      %dma_start3A_43 = tpu.memref_slice %arg3[%add3A_12, %dma_start3A] : memref<50000x768xf32, #tpu.memory_space<hbm>> -> memref<80x768xf32, #tpu.memory_space<hbm>>
      %dma_start3A_44 = arith.constant 0 : i32
      %dma_start3A_45 = tpu.memref_slice %arg3[%add3A_12, %dma_start3A_44] : memref<50000x768xf32, #tpu.memory_space<hbm>> -> memref<80x768xf32, #tpu.memory_space<hbm>>
      tpu.enqueue_dma source(%arg5 : memref<80x768xf32, #tpu.memory_space<vmem>>) target(%dma_start3A_45 : memref<80x768xf32, #tpu.memory_space<hbm>>) target_semaphore(%run_scoped3A : memref<!tpu.dma_semaphore, #tpu.memory_space<semaphore_mem>>)
      %dma_wait3A = arith.constant 0 : i32
      %dma_wait3A_46 = tpu.memref_slice %arg3[%add3A_12, %dma_wait3A] : memref<50000x768xf32, #tpu.memory_space<hbm>> -> memref<80x768xf32, #tpu.memory_space<hbm>>
      %dma_wait3A_47 = arith.constant 0 : i32
      %dma_wait3A_48 = tpu.memref_slice %arg3[%add3A_12, %dma_wait3A_47] : memref<50000x768xf32, #tpu.memory_space<hbm>> -> memref<80x768xf32, #tpu.memory_space<hbm>>
      tpu.wait_dma2 semaphore(%run_scoped3A : memref<!tpu.dma_semaphore, #tpu.memory_space<semaphore_mem>>) src(%arg5 : memref<80x768xf32, #tpu.memory_space<vmem>>) dst(%dma_wait3A_48 : memref<80x768xf32, #tpu.memory_space<hbm>>)
      tpu.yield
    }) : () -> ()
    %add3A_13 = arith.constant 400 : i32
    %add3A_14 = arith.addi %mul3A_2, %add3A_13 : i32
    "tpu.region"() ({
      %run_scoped3A = tpu.sem_alloc : memref<!tpu.dma_semaphore, #tpu.memory_space<semaphore_mem>>
      %dma_start3A = arith.constant 0 : i32
      %dma_start3A_43 = tpu.memref_slice %arg2[%add3A_14, %dma_start3A] : memref<50000x768xf32, #tpu.memory_space<hbm>> -> memref<80x768xf32, #tpu.memory_space<hbm>>
      %dma_start3A_44 = arith.constant 0 : i32
      %dma_start3A_45 = tpu.memref_slice %arg2[%add3A_14, %dma_start3A_44] : memref<50000x768xf32, #tpu.memory_space<hbm>> -> memref<80x768xf32, #tpu.memory_space<hbm>>
      tpu.enqueue_dma source(%dma_start3A_45 : memref<80x768xf32, #tpu.memory_space<hbm>>) target(%arg5 : memref<80x768xf32, #tpu.memory_space<vmem>>) target_semaphore(%run_scoped3A : memref<!tpu.dma_semaphore, #tpu.memory_space<semaphore_mem>>)
      %dma_wait3A = arith.constant 0 : i32
      %dma_wait3A_46 = tpu.memref_slice %arg2[%add3A_14, %dma_wait3A] : memref<50000x768xf32, #tpu.memory_space<hbm>> -> memref<80x768xf32, #tpu.memory_space<hbm>>
      %dma_wait3A_47 = arith.constant 0 : i32
      %dma_wait3A_48 = tpu.memref_slice %arg2[%add3A_14, %dma_wait3A_47] : memref<50000x768xf32, #tpu.memory_space<hbm>> -> memref<80x768xf32, #tpu.memory_space<hbm>>
      tpu.wait_dma2 semaphore(%run_scoped3A : memref<!tpu.dma_semaphore, #tpu.memory_space<semaphore_mem>>) src(%dma_wait3A_48 : memref<80x768xf32, #tpu.memory_space<hbm>>) dst(%arg5 : memref<80x768xf32, #tpu.memory_space<vmem>>)
      tpu.yield
    }) : () -> ()
    "tpu.region"() ({
      %run_scoped3A = tpu.sem_alloc : memref<!tpu.dma_semaphore, #tpu.memory_space<semaphore_mem>>
      %dma_start3A = arith.constant 0 : i32
      %dma_start3A_43 = tpu.memref_slice %arg3[%add3A_14, %dma_start3A] : memref<50000x768xf32, #tpu.memory_space<hbm>> -> memref<80x768xf32, #tpu.memory_space<hbm>>
      %dma_start3A_44 = arith.constant 0 : i32
      %dma_start3A_45 = tpu.memref_slice %arg3[%add3A_14, %dma_start3A_44] : memref<50000x768xf32, #tpu.memory_space<hbm>> -> memref<80x768xf32, #tpu.memory_space<hbm>>
      tpu.enqueue_dma source(%arg5 : memref<80x768xf32, #tpu.memory_space<vmem>>) target(%dma_start3A_45 : memref<80x768xf32, #tpu.memory_space<hbm>>) target_semaphore(%run_scoped3A : memref<!tpu.dma_semaphore, #tpu.memory_space<semaphore_mem>>)
      %dma_wait3A = arith.constant 0 : i32
      %dma_wait3A_46 = tpu.memref_slice %arg3[%add3A_14, %dma_wait3A] : memref<50000x768xf32, #tpu.memory_space<hbm>> -> memref<80x768xf32, #tpu.memory_space<hbm>>
      %dma_wait3A_47 = arith.constant 0 : i32
      %dma_wait3A_48 = tpu.memref_slice %arg3[%add3A_14, %dma_wait3A_47] : memref<50000x768xf32, #tpu.memory_space<hbm>> -> memref<80x768xf32, #tpu.memory_space<hbm>>
      tpu.wait_dma2 semaphore(%run_scoped3A : memref<!tpu.dma_semaphore, #tpu.memory_space<semaphore_mem>>) src(%arg5 : memref<80x768xf32, #tpu.memory_space<vmem>>) dst(%dma_wait3A_48 : memref<80x768xf32, #tpu.memory_space<hbm>>)
      tpu.yield
    }) : () -> ()
    %add3A_15 = arith.constant 480 : i32
    %add3A_16 = arith.addi %mul3A_2, %add3A_15 : i32
    "tpu.region"() ({
      %run_scoped3A = tpu.sem_alloc : memref<!tpu.dma_semaphore, #tpu.memory_space<semaphore_mem>>
      %dma_start3A = arith.constant 0 : i32
      %dma_start3A_43 = tpu.memref_slice %arg2[%add3A_16, %dma_start3A] : memref<50000x768xf32, #tpu.memory_space<hbm>> -> memref<80x768xf32, #tpu.memory_space<hbm>>
      %dma_start3A_44 = arith.constant 0 : i32
      %dma_start3A_45 = tpu.memref_slice %arg2[%add3A_16, %dma_start3A_44] : memref<50000x768xf32, #tpu.memory_space<hbm>> -> memref<80x768xf32, #tpu.memory_space<hbm>>
      tpu.enqueue_dma source(%dma_start3A_45 : memref<80x768xf32, #tpu.memory_space<hbm>>) target(%arg5 : memref<80x768xf32, #tpu.memory_space<vmem>>) target_semaphore(%run_scoped3A : memref<!tpu.dma_semaphore, #tpu.memory_space<semaphore_mem>>)
      %dma_wait3A = arith.constant 0 : i32
      %dma_wait3A_46 = tpu.memref_slice %arg2[%add3A_16, %dma_wait3A] : memref<50000x768xf32, #tpu.memory_space<hbm>> -> memref<80x768xf32, #tpu.memory_space<hbm>>
      %dma_wait3A_47 = arith.constant 0 : i32
      %dma_wait3A_48 = tpu.memref_slice %arg2[%add3A_16, %dma_wait3A_47] : memref<50000x768xf32, #tpu.memory_space<hbm>> -> memref<80x768xf32, #tpu.memory_space<hbm>>
      tpu.wait_dma2 semaphore(%run_scoped3A : memref<!tpu.dma_semaphore, #tpu.memory_space<semaphore_mem>>) src(%dma_wait3A_48 : memref<80x768xf32, #tpu.memory_space<hbm>>) dst(%arg5 : memref<80x768xf32, #tpu.memory_space<vmem>>)
      tpu.yield
    }) : () -> ()
    "tpu.region"() ({
      %run_scoped3A = tpu.sem_alloc : memref<!tpu.dma_semaphore, #tpu.memory_space<semaphore_mem>>
      %dma_start3A = arith.constant 0 : i32
      %dma_start3A_43 = tpu.memref_slice %arg3[%add3A_16, %dma_start3A] : memref<50000x768xf32, #tpu.memory_space<hbm>> -> memref<80x768xf32, #tpu.memory_space<hbm>>
      %dma_start3A_44 = arith.constant 0 : i32
      %dma_start3A_45 = tpu.memref_slice %arg3[%add3A_16, %dma_start3A_44] : memref<50000x768xf32, #tpu.memory_space<hbm>> -> memref<80x768xf32, #tpu.memory_space<hbm>>
      tpu.enqueue_dma source(%arg5 : memref<80x768xf32, #tpu.memory_space<vmem>>) target(%dma_start3A_45 : memref<80x768xf32, #tpu.memory_space<hbm>>) target_semaphore(%run_scoped3A : memref<!tpu.dma_semaphore, #tpu.memory_space<semaphore_mem>>)
      %dma_wait3A = arith.constant 0 : i32
      %dma_wait3A_46 = tpu.memref_slice %arg3[%add3A_16, %dma_wait3A] : memref<50000x768xf32, #tpu.memory_space<hbm>> -> memref<80x768xf32, #tpu.memory_space<hbm>>
      %dma_wait3A_47 = arith.constant 0 : i32
      %dma_wait3A_48 = tpu.memref_slice %arg3[%add3A_16, %dma_wait3A_47] : memref<50000x768xf32, #tpu.memory_space<hbm>> -> memref<80x768xf32, #tpu.memory_space<hbm>>
      tpu.wait_dma2 semaphore(%run_scoped3A : memref<!tpu.dma_semaphore, #tpu.memory_space<semaphore_mem>>) src(%arg5 : memref<80x768xf32, #tpu.memory_space<vmem>>) dst(%dma_wait3A_48 : memref<80x768xf32, #tpu.memory_space<hbm>>)
      tpu.yield
    }) : () -> ()
    %add3A_17 = arith.constant 560 : i32
    %add3A_18 = arith.addi %mul3A_2, %add3A_17 : i32
    "tpu.region"() ({
      %run_scoped3A = tpu.sem_alloc : memref<!tpu.dma_semaphore, #tpu.memory_space<semaphore_mem>>
      %dma_start3A = arith.constant 0 : i32
      %dma_start3A_43 = tpu.memref_slice %arg2[%add3A_18, %dma_start3A] : memref<50000x768xf32, #tpu.memory_space<hbm>> -> memref<80x768xf32, #tpu.memory_space<hbm>>
      %dma_start3A_44 = arith.constant 0 : i32
      %dma_start3A_45 = tpu.memref_slice %arg2[%add3A_18, %dma_start3A_44] : memref<50000x768xf32, #tpu.memory_space<hbm>> -> memref<80x768xf32, #tpu.memory_space<hbm>>
      tpu.enqueue_dma source(%dma_start3A_45 : memref<80x768xf32, #tpu.memory_space<hbm>>) target(%arg5 : memref<80x768xf32, #tpu.memory_space<vmem>>) target_semaphore(%run_scoped3A : memref<!tpu.dma_semaphore, #tpu.memory_space<semaphore_mem>>)
      %dma_wait3A = arith.constant 0 : i32
      %dma_wait3A_46 = tpu.memref_slice %arg2[%add3A_18, %dma_wait3A] : memref<50000x768xf32, #tpu.memory_space<hbm>> -> memref<80x768xf32, #tpu.memory_space<hbm>>
      %dma_wait3A_47 = arith.constant 0 : i32
      %dma_wait3A_48 = tpu.memref_slice %arg2[%add3A_18, %dma_wait3A_47] : memref<50000x768xf32, #tpu.memory_space<hbm>> -> memref<80x768xf32, #tpu.memory_space<hbm>>
      tpu.wait_dma2 semaphore(%run_scoped3A : memref<!tpu.dma_semaphore, #tpu.memory_space<semaphore_mem>>) src(%dma_wait3A_48 : memref<80x768xf32, #tpu.memory_space<hbm>>) dst(%arg5 : memref<80x768xf32, #tpu.memory_space<vmem>>)
      tpu.yield
    }) : () -> ()
    "tpu.region"() ({
      %run_scoped3A = tpu.sem_alloc : memref<!tpu.dma_semaphore, #tpu.memory_space<semaphore_mem>>
      %dma_start3A = arith.constant 0 : i32
      %dma_start3A_43 = tpu.memref_slice %arg3[%add3A_18, %dma_start3A] : memref<50000x768xf32, #tpu.memory_space<hbm>> -> memref<80x768xf32, #tpu.memory_space<hbm>>
      %dma_start3A_44 = arith.constant 0 : i32
      %dma_start3A_45 = tpu.memref_slice %arg3[%add3A_18, %dma_start3A_44] : memref<50000x768xf32, #tpu.memory_space<hbm>> -> memref<80x768xf32, #tpu.memory_space<hbm>>
      tpu.enqueue_dma source(%arg5 : memref<80x768xf32, #tpu.memory_space<vmem>>) target(%dma_start3A_45 : memref<80x768xf32, #tpu.memory_space<hbm>>) target_semaphore(%run_scoped3A : memref<!tpu.dma_semaphore, #tpu.memory_space<semaphore_mem>>)
      %dma_wait3A = arith.constant 0 : i32
      %dma_wait3A_46 = tpu.memref_slice %arg3[%add3A_18, %dma_wait3A] : memref<50000x768xf32, #tpu.memory_space<hbm>> -> memref<80x768xf32, #tpu.memory_space<hbm>>
      %dma_wait3A_47 = arith.constant 0 : i32
      %dma_wait3A_48 = tpu.memref_slice %arg3[%add3A_18, %dma_wait3A_47] : memref<50000x768xf32, #tpu.memory_space<hbm>> -> memref<80x768xf32, #tpu.memory_space<hbm>>
      tpu.wait_dma2 semaphore(%run_scoped3A : memref<!tpu.dma_semaphore, #tpu.memory_space<semaphore_mem>>) src(%arg5 : memref<80x768xf32, #tpu.memory_space<vmem>>) dst(%dma_wait3A_48 : memref<80x768xf32, #tpu.memory_space<hbm>>)
      tpu.yield
    }) : () -> ()
    %add3A_19 = arith.constant 640 : i32
    %add3A_20 = arith.addi %mul3A_2, %add3A_19 : i32
    "tpu.region"() ({
      %run_scoped3A = tpu.sem_alloc : memref<!tpu.dma_semaphore, #tpu.memory_space<semaphore_mem>>
      %dma_start3A = arith.constant 0 : i32
      %dma_start3A_43 = tpu.memref_slice %arg2[%add3A_20, %dma_start3A] : memref<50000x768xf32, #tpu.memory_space<hbm>> -> memref<80x768xf32, #tpu.memory_space<hbm>>
      %dma_start3A_44 = arith.constant 0 : i32
      %dma_start3A_45 = tpu.memref_slice %arg2[%add3A_20, %dma_start3A_44] : memref<50000x768xf32, #tpu.memory_space<hbm>> -> memref<80x768xf32, #tpu.memory_space<hbm>>
      tpu.enqueue_dma source(%dma_start3A_45 : memref<80x768xf32, #tpu.memory_space<hbm>>) target(%arg5 : memref<80x768xf32, #tpu.memory_space<vmem>>) target_semaphore(%run_scoped3A : memref<!tpu.dma_semaphore, #tpu.memory_space<semaphore_mem>>)
      %dma_wait3A = arith.constant 0 : i32
      %dma_wait3A_46 = tpu.memref_slice %arg2[%add3A_20, %dma_wait3A] : memref<50000x768xf32, #tpu.memory_space<hbm>> -> memref<80x768xf32, #tpu.memory_space<hbm>>
      %dma_wait3A_47 = arith.constant 0 : i32
      %dma_wait3A_48 = tpu.memref_slice %arg2[%add3A_20, %dma_wait3A_47] : memref<50000x768xf32, #tpu.memory_space<hbm>> -> memref<80x768xf32, #tpu.memory_space<hbm>>
      tpu.wait_dma2 semaphore(%run_scoped3A : memref<!tpu.dma_semaphore, #tpu.memory_space<semaphore_mem>>) src(%dma_wait3A_48 : memref<80x768xf32, #tpu.memory_space<hbm>>) dst(%arg5 : memref<80x768xf32, #tpu.memory_space<vmem>>)
      tpu.yield
    }) : () -> ()
    "tpu.region"() ({
      %run_scoped3A = tpu.sem_alloc : memref<!tpu.dma_semaphore, #tpu.memory_space<semaphore_mem>>
      %dma_start3A = arith.constant 0 : i32
      %dma_start3A_43 = tpu.memref_slice %arg3[%add3A_20, %dma_start3A] : memref<50000x768xf32, #tpu.memory_space<hbm>> -> memref<80x768xf32, #tpu.memory_space<hbm>>
      %dma_start3A_44 = arith.constant 0 : i32
      %dma_start3A_45 = tpu.memref_slice %arg3[%add3A_20, %dma_start3A_44] : memref<50000x768xf32, #tpu.memory_space<hbm>> -> memref<80x768xf32, #tpu.memory_space<hbm>>
      tpu.enqueue_dma source(%arg5 : memref<80x768xf32, #tpu.memory_space<vmem>>) target(%dma_start3A_45 : memref<80x768xf32, #tpu.memory_space<hbm>>) target_semaphore(%run_scoped3A : memref<!tpu.dma_semaphore, #tpu.memory_space<semaphore_mem>>)
      %dma_wait3A = arith.constant 0 : i32
      %dma_wait3A_46 = tpu.memref_slice %arg3[%add3A_20, %dma_wait3A] : memref<50000x768xf32, #tpu.memory_space<hbm>> -> memref<80x768xf32, #tpu.memory_space<hbm>>
      %dma_wait3A_47 = arith.constant 0 : i32
      %dma_wait3A_48 = tpu.memref_slice %arg3[%add3A_20, %dma_wait3A_47] : memref<50000x768xf32, #tpu.memory_space<hbm>> -> memref<80x768xf32, #tpu.memory_space<hbm>>
      tpu.wait_dma2 semaphore(%run_scoped3A : memref<!tpu.dma_semaphore, #tpu.memory_space<semaphore_mem>>) src(%arg5 : memref<80x768xf32, #tpu.memory_space<vmem>>) dst(%dma_wait3A_48 : memref<80x768xf32, #tpu.memory_space<hbm>>)
      tpu.yield
    }) : () -> ()
    %add3A_21 = arith.constant 720 : i32
    %add3A_22 = arith.addi %mul3A_2, %add3A_21 : i32
    "tpu.region"() ({
      %run_scoped3A = tpu.sem_alloc : memref<!tpu.dma_semaphore, #tpu.memory_space<semaphore_mem>>
      %dma_start3A = arith.constant 0 : i32
      %dma_start3A_43 = tpu.memref_slice %arg2[%add3A_22, %dma_start3A] : memref<50000x768xf32, #tpu.memory_space<hbm>> -> memref<80x768xf32, #tpu.memory_space<hbm>>
      %dma_start3A_44 = arith.constant 0 : i32
      %dma_start3A_45 = tpu.memref_slice %arg2[%add3A_22, %dma_start3A_44] : memref<50000x768xf32, #tpu.memory_space<hbm>> -> memref<80x768xf32, #tpu.memory_space<hbm>>
      tpu.enqueue_dma source(%dma_start3A_45 : memref<80x768xf32, #tpu.memory_space<hbm>>) target(%arg5 : memref<80x768xf32, #tpu.memory_space<vmem>>) target_semaphore(%run_scoped3A : memref<!tpu.dma_semaphore, #tpu.memory_space<semaphore_mem>>)
      %dma_wait3A = arith.constant 0 : i32
      %dma_wait3A_46 = tpu.memref_slice %arg2[%add3A_22, %dma_wait3A] : memref<50000x768xf32, #tpu.memory_space<hbm>> -> memref<80x768xf32, #tpu.memory_space<hbm>>
      %dma_wait3A_47 = arith.constant 0 : i32
      %dma_wait3A_48 = tpu.memref_slice %arg2[%add3A_22, %dma_wait3A_47] : memref<50000x768xf32, #tpu.memory_space<hbm>> -> memref<80x768xf32, #tpu.memory_space<hbm>>
      tpu.wait_dma2 semaphore(%run_scoped3A : memref<!tpu.dma_semaphore, #tpu.memory_space<semaphore_mem>>) src(%dma_wait3A_48 : memref<80x768xf32, #tpu.memory_space<hbm>>) dst(%arg5 : memref<80x768xf32, #tpu.memory_space<vmem>>)
      tpu.yield
    }) : () -> ()
    "tpu.region"() ({
      %run_scoped3A = tpu.sem_alloc : memref<!tpu.dma_semaphore, #tpu.memory_space<semaphore_mem>>
      %dma_start3A = arith.constant 0 : i32
      %dma_start3A_43 = tpu.memref_slice %arg3[%add3A_22, %dma_start3A] : memref<50000x768xf32, #tpu.memory_space<hbm>> -> memref<80x768xf32, #tpu.memory_space<hbm>>
      %dma_start3A_44 = arith.constant 0 : i32
      %dma_start3A_45 = tpu.memref_slice %arg3[%add3A_22, %dma_start3A_44] : memref<50000x768xf32, #tpu.memory_space<hbm>> -> memref<80x768xf32, #tpu.memory_space<hbm>>
      tpu.enqueue_dma source(%arg5 : memref<80x768xf32, #tpu.memory_space<vmem>>) target(%dma_start3A_45 : memref<80x768xf32, #tpu.memory_space<hbm>>) target_semaphore(%run_scoped3A : memref<!tpu.dma_semaphore, #tpu.memory_space<semaphore_mem>>)
      %dma_wait3A = arith.constant 0 : i32
      %dma_wait3A_46 = tpu.memref_slice %arg3[%add3A_22, %dma_wait3A] : memref<50000x768xf32, #tpu.memory_space<hbm>> -> memref<80x768xf32, #tpu.memory_space<hbm>>
      %dma_wait3A_47 = arith.constant 0 : i32
      %dma_wait3A_48 = tpu.memref_slice %arg3[%add3A_22, %dma_wait3A_47] : memref<50000x768xf32, #tpu.memory_space<hbm>> -> memref<80x768xf32, #tpu.memory_space<hbm>>
      tpu.wait_dma2 semaphore(%run_scoped3A : memref<!tpu.dma_semaphore, #tpu.memory_space<semaphore_mem>>) src(%arg5 : memref<80x768xf32, #tpu.memory_space<vmem>>) dst(%dma_wait3A_48 : memref<80x768xf32, #tpu.memory_space<hbm>>)
      tpu.yield
    }) : () -> ()
    %add3A_23 = arith.constant 800 : i32
    %add3A_24 = arith.addi %mul3A_2, %add3A_23 : i32
    "tpu.region"() ({
      %run_scoped3A = tpu.sem_alloc : memref<!tpu.dma_semaphore, #tpu.memory_space<semaphore_mem>>
      %dma_start3A = arith.constant 0 : i32
      %dma_start3A_43 = tpu.memref_slice %arg2[%add3A_24, %dma_start3A] : memref<50000x768xf32, #tpu.memory_space<hbm>> -> memref<80x768xf32, #tpu.memory_space<hbm>>
      %dma_start3A_44 = arith.constant 0 : i32
      %dma_start3A_45 = tpu.memref_slice %arg2[%add3A_24, %dma_start3A_44] : memref<50000x768xf32, #tpu.memory_space<hbm>> -> memref<80x768xf32, #tpu.memory_space<hbm>>
      tpu.enqueue_dma source(%dma_start3A_45 : memref<80x768xf32, #tpu.memory_space<hbm>>) target(%arg5 : memref<80x768xf32, #tpu.memory_space<vmem>>) target_semaphore(%run_scoped3A : memref<!tpu.dma_semaphore, #tpu.memory_space<semaphore_mem>>)
      %dma_wait3A = arith.constant 0 : i32
      %dma_wait3A_46 = tpu.memref_slice %arg2[%add3A_24, %dma_wait3A] : memref<50000x768xf32, #tpu.memory_space<hbm>> -> memref<80x768xf32, #tpu.memory_space<hbm>>
      %dma_wait3A_47 = arith.constant 0 : i32
      %dma_wait3A_48 = tpu.memref_slice %arg2[%add3A_24, %dma_wait3A_47] : memref<50000x768xf32, #tpu.memory_space<hbm>> -> memref<80x768xf32, #tpu.memory_space<hbm>>
      tpu.wait_dma2 semaphore(%run_scoped3A : memref<!tpu.dma_semaphore, #tpu.memory_space<semaphore_mem>>) src(%dma_wait3A_48 : memref<80x768xf32, #tpu.memory_space<hbm>>) dst(%arg5 : memref<80x768xf32, #tpu.memory_space<vmem>>)
      tpu.yield
    }) : () -> ()
    "tpu.region"() ({
      %run_scoped3A = tpu.sem_alloc : memref<!tpu.dma_semaphore, #tpu.memory_space<semaphore_mem>>
      %dma_start3A = arith.constant 0 : i32
      %dma_start3A_43 = tpu.memref_slice %arg3[%add3A_24, %dma_start3A] : memref<50000x768xf32, #tpu.memory_space<hbm>> -> memref<80x768xf32, #tpu.memory_space<hbm>>
      %dma_start3A_44 = arith.constant 0 : i32
      %dma_start3A_45 = tpu.memref_slice %arg3[%add3A_24, %dma_start3A_44] : memref<50000x768xf32, #tpu.memory_space<hbm>> -> memref<80x768xf32, #tpu.memory_space<hbm>>
      tpu.enqueue_dma source(%arg5 : memref<80x768xf32, #tpu.memory_space<vmem>>) target(%dma_start3A_45 : memref<80x768xf32, #tpu.memory_space<hbm>>) target_semaphore(%run_scoped3A : memref<!tpu.dma_semaphore, #tpu.memory_space<semaphore_mem>>)
      %dma_wait3A = arith.constant 0 : i32
      %dma_wait3A_46 = tpu.memref_slice %arg3[%add3A_24, %dma_wait3A] : memref<50000x768xf32, #tpu.memory_space<hbm>> -> memref<80x768xf32, #tpu.memory_space<hbm>>
      %dma_wait3A_47 = arith.constant 0 : i32
      %dma_wait3A_48 = tpu.memref_slice %arg3[%add3A_24, %dma_wait3A_47] : memref<50000x768xf32, #tpu.memory_space<hbm>> -> memref<80x768xf32, #tpu.memory_space<hbm>>
      tpu.wait_dma2 semaphore(%run_scoped3A : memref<!tpu.dma_semaphore, #tpu.memory_space<semaphore_mem>>) src(%arg5 : memref<80x768xf32, #tpu.memory_space<vmem>>) dst(%dma_wait3A_48 : memref<80x768xf32, #tpu.memory_space<hbm>>)
      tpu.yield
    }) : () -> ()
    %add3A_25 = arith.constant 880 : i32
    %add3A_26 = arith.addi %mul3A_2, %add3A_25 : i32
    "tpu.region"() ({
      %run_scoped3A = tpu.sem_alloc : memref<!tpu.dma_semaphore, #tpu.memory_space<semaphore_mem>>
      %dma_start3A = arith.constant 0 : i32
      %dma_start3A_43 = tpu.memref_slice %arg2[%add3A_26, %dma_start3A] : memref<50000x768xf32, #tpu.memory_space<hbm>> -> memref<80x768xf32, #tpu.memory_space<hbm>>
      %dma_start3A_44 = arith.constant 0 : i32
      %dma_start3A_45 = tpu.memref_slice %arg2[%add3A_26, %dma_start3A_44] : memref<50000x768xf32, #tpu.memory_space<hbm>> -> memref<80x768xf32, #tpu.memory_space<hbm>>
      tpu.enqueue_dma source(%dma_start3A_45 : memref<80x768xf32, #tpu.memory_space<hbm>>) target(%arg5 : memref<80x768xf32, #tpu.memory_space<vmem>>) target_semaphore(%run_scoped3A : memref<!tpu.dma_semaphore, #tpu.memory_space<semaphore_mem>>)
      %dma_wait3A = arith.constant 0 : i32
      %dma_wait3A_46 = tpu.memref_slice %arg2[%add3A_26, %dma_wait3A] : memref<50000x768xf32, #tpu.memory_space<hbm>> -> memref<80x768xf32, #tpu.memory_space<hbm>>
      %dma_wait3A_47 = arith.constant 0 : i32
      %dma_wait3A_48 = tpu.memref_slice %arg2[%add3A_26, %dma_wait3A_47] : memref<50000x768xf32, #tpu.memory_space<hbm>> -> memref<80x768xf32, #tpu.memory_space<hbm>>
      tpu.wait_dma2 semaphore(%run_scoped3A : memref<!tpu.dma_semaphore, #tpu.memory_space<semaphore_mem>>) src(%dma_wait3A_48 : memref<80x768xf32, #tpu.memory_space<hbm>>) dst(%arg5 : memref<80x768xf32, #tpu.memory_space<vmem>>)
      tpu.yield
    }) : () -> ()
    "tpu.region"() ({
      %run_scoped3A = tpu.sem_alloc : memref<!tpu.dma_semaphore, #tpu.memory_space<semaphore_mem>>
      %dma_start3A = arith.constant 0 : i32
      %dma_start3A_43 = tpu.memref_slice %arg3[%add3A_26, %dma_start3A] : memref<50000x768xf32, #tpu.memory_space<hbm>> -> memref<80x768xf32, #tpu.memory_space<hbm>>
      %dma_start3A_44 = arith.constant 0 : i32
      %dma_start3A_45 = tpu.memref_slice %arg3[%add3A_26, %dma_start3A_44] : memref<50000x768xf32, #tpu.memory_space<hbm>> -> memref<80x768xf32, #tpu.memory_space<hbm>>
      tpu.enqueue_dma source(%arg5 : memref<80x768xf32, #tpu.memory_space<vmem>>) target(%dma_start3A_45 : memref<80x768xf32, #tpu.memory_space<hbm>>) target_semaphore(%run_scoped3A : memref<!tpu.dma_semaphore, #tpu.memory_space<semaphore_mem>>)
      %dma_wait3A = arith.constant 0 : i32
      %dma_wait3A_46 = tpu.memref_slice %arg3[%add3A_26, %dma_wait3A] : memref<50000x768xf32, #tpu.memory_space<hbm>> -> memref<80x768xf32, #tpu.memory_space<hbm>>
      %dma_wait3A_47 = arith.constant 0 : i32
      %dma_wait3A_48 = tpu.memref_slice %arg3[%add3A_26, %dma_wait3A_47] : memref<50000x768xf32, #tpu.memory_space<hbm>> -> memref<80x768xf32, #tpu.memory_space<hbm>>
      tpu.wait_dma2 semaphore(%run_scoped3A : memref<!tpu.dma_semaphore, #tpu.memory_space<semaphore_mem>>) src(%arg5 : memref<80x768xf32, #tpu.memory_space<vmem>>) dst(%dma_wait3A_48 : memref<80x768xf32, #tpu.memory_space<hbm>>)
      tpu.yield
    }) : () -> ()
    %add3A_27 = arith.constant 960 : i32
    %add3A_28 = arith.addi %mul3A_2, %add3A_27 : i32
    "tpu.region"() ({
      %run_scoped3A = tpu.sem_alloc : memref<!tpu.dma_semaphore, #tpu.memory_space<semaphore_mem>>
      %dma_start3A = arith.constant 0 : i32
      %dma_start3A_43 = tpu.memref_slice %arg2[%add3A_28, %dma_start3A] : memref<50000x768xf32, #tpu.memory_space<hbm>> -> memref<80x768xf32, #tpu.memory_space<hbm>>
      %dma_start3A_44 = arith.constant 0 : i32
      %dma_start3A_45 = tpu.memref_slice %arg2[%add3A_28, %dma_start3A_44] : memref<50000x768xf32, #tpu.memory_space<hbm>> -> memref<80x768xf32, #tpu.memory_space<hbm>>
      tpu.enqueue_dma source(%dma_start3A_45 : memref<80x768xf32, #tpu.memory_space<hbm>>) target(%arg5 : memref<80x768xf32, #tpu.memory_space<vmem>>) target_semaphore(%run_scoped3A : memref<!tpu.dma_semaphore, #tpu.memory_space<semaphore_mem>>)
      %dma_wait3A = arith.constant 0 : i32
      %dma_wait3A_46 = tpu.memref_slice %arg2[%add3A_28, %dma_wait3A] : memref<50000x768xf32, #tpu.memory_space<hbm>> -> memref<80x768xf32, #tpu.memory_space<hbm>>
      %dma_wait3A_47 = arith.constant 0 : i32
      %dma_wait3A_48 = tpu.memref_slice %arg2[%add3A_28, %dma_wait3A_47] : memref<50000x768xf32, #tpu.memory_space<hbm>> -> memref<80x768xf32, #tpu.memory_space<hbm>>
      tpu.wait_dma2 semaphore(%run_scoped3A : memref<!tpu.dma_semaphore, #tpu.memory_space<semaphore_mem>>) src(%dma_wait3A_48 : memref<80x768xf32, #tpu.memory_space<hbm>>) dst(%arg5 : memref<80x768xf32, #tpu.memory_space<vmem>>)
      tpu.yield
    }) : () -> ()
    "tpu.region"() ({
      %run_scoped3A = tpu.sem_alloc : memref<!tpu.dma_semaphore, #tpu.memory_space<semaphore_mem>>
      %dma_start3A = arith.constant 0 : i32
      %dma_start3A_43 = tpu.memref_slice %arg3[%add3A_28, %dma_start3A] : memref<50000x768xf32, #tpu.memory_space<hbm>> -> memref<80x768xf32, #tpu.memory_space<hbm>>
      %dma_start3A_44 = arith.constant 0 : i32
      %dma_start3A_45 = tpu.memref_slice %arg3[%add3A_28, %dma_start3A_44] : memref<50000x768xf32, #tpu.memory_space<hbm>> -> memref<80x768xf32, #tpu.memory_space<hbm>>
      tpu.enqueue_dma source(%arg5 : memref<80x768xf32, #tpu.memory_space<vmem>>) target(%dma_start3A_45 : memref<80x768xf32, #tpu.memory_space<hbm>>) target_semaphore(%run_scoped3A : memref<!tpu.dma_semaphore, #tpu.memory_space<semaphore_mem>>)
      %dma_wait3A = arith.constant 0 : i32
      %dma_wait3A_46 = tpu.memref_slice %arg3[%add3A_28, %dma_wait3A] : memref<50000x768xf32, #tpu.memory_space<hbm>> -> memref<80x768xf32, #tpu.memory_space<hbm>>
      %dma_wait3A_47 = arith.constant 0 : i32
      %dma_wait3A_48 = tpu.memref_slice %arg3[%add3A_28, %dma_wait3A_47] : memref<50000x768xf32, #tpu.memory_space<hbm>> -> memref<80x768xf32, #tpu.memory_space<hbm>>
      tpu.wait_dma2 semaphore(%run_scoped3A : memref<!tpu.dma_semaphore, #tpu.memory_space<semaphore_mem>>) src(%arg5 : memref<80x768xf32, #tpu.memory_space<vmem>>) dst(%dma_wait3A_48 : memref<80x768xf32, #tpu.memory_space<hbm>>)
      tpu.yield
    }) : () -> ()
    %add3A_29 = arith.constant 1040 : i32
    %add3A_30 = arith.addi %mul3A_2, %add3A_29 : i32
    "tpu.region"() ({
      %run_scoped3A = tpu.sem_alloc : memref<!tpu.dma_semaphore, #tpu.memory_space<semaphore_mem>>
      %dma_start3A = arith.constant 0 : i32
      %dma_start3A_43 = tpu.memref_slice %arg2[%add3A_30, %dma_start3A] : memref<50000x768xf32, #tpu.memory_space<hbm>> -> memref<80x768xf32, #tpu.memory_space<hbm>>
      %dma_start3A_44 = arith.constant 0 : i32
      %dma_start3A_45 = tpu.memref_slice %arg2[%add3A_30, %dma_start3A_44] : memref<50000x768xf32, #tpu.memory_space<hbm>> -> memref<80x768xf32, #tpu.memory_space<hbm>>
      tpu.enqueue_dma source(%dma_start3A_45 : memref<80x768xf32, #tpu.memory_space<hbm>>) target(%arg5 : memref<80x768xf32, #tpu.memory_space<vmem>>) target_semaphore(%run_scoped3A : memref<!tpu.dma_semaphore, #tpu.memory_space<semaphore_mem>>)
      %dma_wait3A = arith.constant 0 : i32
      %dma_wait3A_46 = tpu.memref_slice %arg2[%add3A_30, %dma_wait3A] : memref<50000x768xf32, #tpu.memory_space<hbm>> -> memref<80x768xf32, #tpu.memory_space<hbm>>
      %dma_wait3A_47 = arith.constant 0 : i32
      %dma_wait3A_48 = tpu.memref_slice %arg2[%add3A_30, %dma_wait3A_47] : memref<50000x768xf32, #tpu.memory_space<hbm>> -> memref<80x768xf32, #tpu.memory_space<hbm>>
      tpu.wait_dma2 semaphore(%run_scoped3A : memref<!tpu.dma_semaphore, #tpu.memory_space<semaphore_mem>>) src(%dma_wait3A_48 : memref<80x768xf32, #tpu.memory_space<hbm>>) dst(%arg5 : memref<80x768xf32, #tpu.memory_space<vmem>>)
      tpu.yield
    }) : () -> ()
    "tpu.region"() ({
      %run_scoped3A = tpu.sem_alloc : memref<!tpu.dma_semaphore, #tpu.memory_space<semaphore_mem>>
      %dma_start3A = arith.constant 0 : i32
      %dma_start3A_43 = tpu.memref_slice %arg3[%add3A_30, %dma_start3A] : memref<50000x768xf32, #tpu.memory_space<hbm>> -> memref<80x768xf32, #tpu.memory_space<hbm>>
      %dma_start3A_44 = arith.constant 0 : i32
      %dma_start3A_45 = tpu.memref_slice %arg3[%add3A_30, %dma_start3A_44] : memref<50000x768xf32, #tpu.memory_space<hbm>> -> memref<80x768xf32, #tpu.memory_space<hbm>>
      tpu.enqueue_dma source(%arg5 : memref<80x768xf32, #tpu.memory_space<vmem>>) target(%dma_start3A_45 : memref<80x768xf32, #tpu.memory_space<hbm>>) target_semaphore(%run_scoped3A : memref<!tpu.dma_semaphore, #tpu.memory_space<semaphore_mem>>)
      %dma_wait3A = arith.constant 0 : i32
      %dma_wait3A_46 = tpu.memref_slice %arg3[%add3A_30, %dma_wait3A] : memref<50000x768xf32, #tpu.memory_space<hbm>> -> memref<80x768xf32, #tpu.memory_space<hbm>>
      %dma_wait3A_47 = arith.constant 0 : i32
      %dma_wait3A_48 = tpu.memref_slice %arg3[%add3A_30, %dma_wait3A_47] : memref<50000x768xf32, #tpu.memory_space<hbm>> -> memref<80x768xf32, #tpu.memory_space<hbm>>
      tpu.wait_dma2 semaphore(%run_scoped3A : memref<!tpu.dma_semaphore, #tpu.memory_space<semaphore_mem>>) src(%arg5 : memref<80x768xf32, #tpu.memory_space<vmem>>) dst(%dma_wait3A_48 : memref<80x768xf32, #tpu.memory_space<hbm>>)
      tpu.yield
    }) : () -> ()
    %add3A_31 = arith.constant 1120 : i32
    %add3A_32 = arith.addi %mul3A_2, %add3A_31 : i32
    "tpu.region"() ({
      %run_scoped3A = tpu.sem_alloc : memref<!tpu.dma_semaphore, #tpu.memory_space<semaphore_mem>>
      %dma_start3A = arith.constant 0 : i32
      %dma_start3A_43 = tpu.memref_slice %arg2[%add3A_32, %dma_start3A] : memref<50000x768xf32, #tpu.memory_space<hbm>> -> memref<80x768xf32, #tpu.memory_space<hbm>>
      %dma_start3A_44 = arith.constant 0 : i32
      %dma_start3A_45 = tpu.memref_slice %arg2[%add3A_32, %dma_start3A_44] : memref<50000x768xf32, #tpu.memory_space<hbm>> -> memref<80x768xf32, #tpu.memory_space<hbm>>
      tpu.enqueue_dma source(%dma_start3A_45 : memref<80x768xf32, #tpu.memory_space<hbm>>) target(%arg5 : memref<80x768xf32, #tpu.memory_space<vmem>>) target_semaphore(%run_scoped3A : memref<!tpu.dma_semaphore, #tpu.memory_space<semaphore_mem>>)
      %dma_wait3A = arith.constant 0 : i32
      %dma_wait3A_46 = tpu.memref_slice %arg2[%add3A_32, %dma_wait3A] : memref<50000x768xf32, #tpu.memory_space<hbm>> -> memref<80x768xf32, #tpu.memory_space<hbm>>
      %dma_wait3A_47 = arith.constant 0 : i32
      %dma_wait3A_48 = tpu.memref_slice %arg2[%add3A_32, %dma_wait3A_47] : memref<50000x768xf32, #tpu.memory_space<hbm>> -> memref<80x768xf32, #tpu.memory_space<hbm>>
      tpu.wait_dma2 semaphore(%run_scoped3A : memref<!tpu.dma_semaphore, #tpu.memory_space<semaphore_mem>>) src(%dma_wait3A_48 : memref<80x768xf32, #tpu.memory_space<hbm>>) dst(%arg5 : memref<80x768xf32, #tpu.memory_space<vmem>>)
      tpu.yield
    }) : () -> ()
    "tpu.region"() ({
      %run_scoped3A = tpu.sem_alloc : memref<!tpu.dma_semaphore, #tpu.memory_space<semaphore_mem>>
      %dma_start3A = arith.constant 0 : i32
      %dma_start3A_43 = tpu.memref_slice %arg3[%add3A_32, %dma_start3A] : memref<50000x768xf32, #tpu.memory_space<hbm>> -> memref<80x768xf32, #tpu.memory_space<hbm>>
      %dma_start3A_44 = arith.constant 0 : i32
      %dma_start3A_45 = tpu.memref_slice %arg3[%add3A_32, %dma_start3A_44] : memref<50000x768xf32, #tpu.memory_space<hbm>> -> memref<80x768xf32, #tpu.memory_space<hbm>>
      tpu.enqueue_dma source(%arg5 : memref<80x768xf32, #tpu.memory_space<vmem>>) target(%dma_start3A_45 : memref<80x768xf32, #tpu.memory_space<hbm>>) target_semaphore(%run_scoped3A : memref<!tpu.dma_semaphore, #tpu.memory_space<semaphore_mem>>)
      %dma_wait3A = arith.constant 0 : i32
      %dma_wait3A_46 = tpu.memref_slice %arg3[%add3A_32, %dma_wait3A] : memref<50000x768xf32, #tpu.memory_space<hbm>> -> memref<80x768xf32, #tpu.memory_space<hbm>>
      %dma_wait3A_47 = arith.constant 0 : i32
      %dma_wait3A_48 = tpu.memref_slice %arg3[%add3A_32, %dma_wait3A_47] : memref<50000x768xf32, #tpu.memory_space<hbm>> -> memref<80x768xf32, #tpu.memory_space<hbm>>
      tpu.wait_dma2 semaphore(%run_scoped3A : memref<!tpu.dma_semaphore, #tpu.memory_space<semaphore_mem>>) src(%arg5 : memref<80x768xf32, #tpu.memory_space<vmem>>) dst(%dma_wait3A_48 : memref<80x768xf32, #tpu.memory_space<hbm>>)
      tpu.yield
    }) : () -> ()
    %add3A_33 = arith.constant 1200 : i32
    %add3A_34 = arith.addi %mul3A_2, %add3A_33 : i32
    "tpu.region"() ({
      %run_scoped3A = tpu.sem_alloc : memref<!tpu.dma_semaphore, #tpu.memory_space<semaphore_mem>>
      %dma_start3A = arith.constant 0 : i32
      %dma_start3A_43 = tpu.memref_slice %arg2[%add3A_34, %dma_start3A] : memref<50000x768xf32, #tpu.memory_space<hbm>> -> memref<80x768xf32, #tpu.memory_space<hbm>>
      %dma_start3A_44 = arith.constant 0 : i32
      %dma_start3A_45 = tpu.memref_slice %arg2[%add3A_34, %dma_start3A_44] : memref<50000x768xf32, #tpu.memory_space<hbm>> -> memref<80x768xf32, #tpu.memory_space<hbm>>
      tpu.enqueue_dma source(%dma_start3A_45 : memref<80x768xf32, #tpu.memory_space<hbm>>) target(%arg5 : memref<80x768xf32, #tpu.memory_space<vmem>>) target_semaphore(%run_scoped3A : memref<!tpu.dma_semaphore, #tpu.memory_space<semaphore_mem>>)
      %dma_wait3A = arith.constant 0 : i32
      %dma_wait3A_46 = tpu.memref_slice %arg2[%add3A_34, %dma_wait3A] : memref<50000x768xf32, #tpu.memory_space<hbm>> -> memref<80x768xf32, #tpu.memory_space<hbm>>
      %dma_wait3A_47 = arith.constant 0 : i32
      %dma_wait3A_48 = tpu.memref_slice %arg2[%add3A_34, %dma_wait3A_47] : memref<50000x768xf32, #tpu.memory_space<hbm>> -> memref<80x768xf32, #tpu.memory_space<hbm>>
      tpu.wait_dma2 semaphore(%run_scoped3A : memref<!tpu.dma_semaphore, #tpu.memory_space<semaphore_mem>>) src(%dma_wait3A_48 : memref<80x768xf32, #tpu.memory_space<hbm>>) dst(%arg5 : memref<80x768xf32, #tpu.memory_space<vmem>>)
      tpu.yield
    }) : () -> ()
    "tpu.region"() ({
      %run_scoped3A = tpu.sem_alloc : memref<!tpu.dma_semaphore, #tpu.memory_space<semaphore_mem>>
      %dma_start3A = arith.constant 0 : i32
      %dma_start3A_43 = tpu.memref_slice %arg3[%add3A_34, %dma_start3A] : memref<50000x768xf32, #tpu.memory_space<hbm>> -> memref<80x768xf32, #tpu.memory_space<hbm>>
      %dma_start3A_44 = arith.constant 0 : i32
      %dma_start3A_45 = tpu.memref_slice %arg3[%add3A_34, %dma_start3A_44] : memref<50000x768xf32, #tpu.memory_space<hbm>> -> memref<80x768xf32, #tpu.memory_space<hbm>>
      tpu.enqueue_dma source(%arg5 : memref<80x768xf32, #tpu.memory_space<vmem>>) target(%dma_start3A_45 : memref<80x768xf32, #tpu.memory_space<hbm>>) target_semaphore(%run_scoped3A : memref<!tpu.dma_semaphore, #tpu.memory_space<semaphore_mem>>)
      %dma_wait3A = arith.constant 0 : i32
      %dma_wait3A_46 = tpu.memref_slice %arg3[%add3A_34, %dma_wait3A] : memref<50000x768xf32, #tpu.memory_space<hbm>> -> memref<80x768xf32, #tpu.memory_space<hbm>>
      %dma_wait3A_47 = arith.constant 0 : i32
      %dma_wait3A_48 = tpu.memref_slice %arg3[%add3A_34, %dma_wait3A_47] : memref<50000x768xf32, #tpu.memory_space<hbm>> -> memref<80x768xf32, #tpu.memory_space<hbm>>
      tpu.wait_dma2 semaphore(%run_scoped3A : memref<!tpu.dma_semaphore, #tpu.memory_space<semaphore_mem>>) src(%arg5 : memref<80x768xf32, #tpu.memory_space<vmem>>) dst(%dma_wait3A_48 : memref<80x768xf32, #tpu.memory_space<hbm>>)
      tpu.yield
    }) : () -> ()
    %add3A_35 = arith.constant 1280 : i32
    %add3A_36 = arith.addi %mul3A_2, %add3A_35 : i32
    "tpu.region"() ({
      %run_scoped3A = tpu.sem_alloc : memref<!tpu.dma_semaphore, #tpu.memory_space<semaphore_mem>>
      %dma_start3A = arith.constant 0 : i32
      %dma_start3A_43 = tpu.memref_slice %arg2[%add3A_36, %dma_start3A] : memref<50000x768xf32, #tpu.memory_space<hbm>> -> memref<80x768xf32, #tpu.memory_space<hbm>>
      %dma_start3A_44 = arith.constant 0 : i32
      %dma_start3A_45 = tpu.memref_slice %arg2[%add3A_36, %dma_start3A_44] : memref<50000x768xf32, #tpu.memory_space<hbm>> -> memref<80x768xf32, #tpu.memory_space<hbm>>
      tpu.enqueue_dma source(%dma_start3A_45 : memref<80x768xf32, #tpu.memory_space<hbm>>) target(%arg5 : memref<80x768xf32, #tpu.memory_space<vmem>>) target_semaphore(%run_scoped3A : memref<!tpu.dma_semaphore, #tpu.memory_space<semaphore_mem>>)
      %dma_wait3A = arith.constant 0 : i32
      %dma_wait3A_46 = tpu.memref_slice %arg2[%add3A_36, %dma_wait3A] : memref<50000x768xf32, #tpu.memory_space<hbm>> -> memref<80x768xf32, #tpu.memory_space<hbm>>
      %dma_wait3A_47 = arith.constant 0 : i32
      %dma_wait3A_48 = tpu.memref_slice %arg2[%add3A_36, %dma_wait3A_47] : memref<50000x768xf32, #tpu.memory_space<hbm>> -> memref<80x768xf32, #tpu.memory_space<hbm>>
      tpu.wait_dma2 semaphore(%run_scoped3A : memref<!tpu.dma_semaphore, #tpu.memory_space<semaphore_mem>>) src(%dma_wait3A_48 : memref<80x768xf32, #tpu.memory_space<hbm>>) dst(%arg5 : memref<80x768xf32, #tpu.memory_space<vmem>>)
      tpu.yield
    }) : () -> ()
    "tpu.region"() ({
      %run_scoped3A = tpu.sem_alloc : memref<!tpu.dma_semaphore, #tpu.memory_space<semaphore_mem>>
      %dma_start3A = arith.constant 0 : i32
      %dma_start3A_43 = tpu.memref_slice %arg3[%add3A_36, %dma_start3A] : memref<50000x768xf32, #tpu.memory_space<hbm>> -> memref<80x768xf32, #tpu.memory_space<hbm>>
      %dma_start3A_44 = arith.constant 0 : i32
      %dma_start3A_45 = tpu.memref_slice %arg3[%add3A_36, %dma_start3A_44] : memref<50000x768xf32, #tpu.memory_space<hbm>> -> memref<80x768xf32, #tpu.memory_space<hbm>>
      tpu.enqueue_dma source(%arg5 : memref<80x768xf32, #tpu.memory_space<vmem>>) target(%dma_start3A_45 : memref<80x768xf32, #tpu.memory_space<hbm>>) target_semaphore(%run_scoped3A : memref<!tpu.dma_semaphore, #tpu.memory_space<semaphore_mem>>)
      %dma_wait3A = arith.constant 0 : i32
      %dma_wait3A_46 = tpu.memref_slice %arg3[%add3A_36, %dma_wait3A] : memref<50000x768xf32, #tpu.memory_space<hbm>> -> memref<80x768xf32, #tpu.memory_space<hbm>>
      %dma_wait3A_47 = arith.constant 0 : i32
      %dma_wait3A_48 = tpu.memref_slice %arg3[%add3A_36, %dma_wait3A_47] : memref<50000x768xf32, #tpu.memory_space<hbm>> -> memref<80x768xf32, #tpu.memory_space<hbm>>
      tpu.wait_dma2 semaphore(%run_scoped3A : memref<!tpu.dma_semaphore, #tpu.memory_space<semaphore_mem>>) src(%arg5 : memref<80x768xf32, #tpu.memory_space<vmem>>) dst(%dma_wait3A_48 : memref<80x768xf32, #tpu.memory_space<hbm>>)
      tpu.yield
    }) : () -> ()
    %add3A_37 = arith.constant 1360 : i32
    %add3A_38 = arith.addi %mul3A_2, %add3A_37 : i32
    "tpu.region"() ({
      %run_scoped3A = tpu.sem_alloc : memref<!tpu.dma_semaphore, #tpu.memory_space<semaphore_mem>>
      %dma_start3A = arith.constant 0 : i32
      %dma_start3A_43 = tpu.memref_slice %arg2[%add3A_38, %dma_start3A] : memref<50000x768xf32, #tpu.memory_space<hbm>> -> memref<80x768xf32, #tpu.memory_space<hbm>>
      %dma_start3A_44 = arith.constant 0 : i32
      %dma_start3A_45 = tpu.memref_slice %arg2[%add3A_38, %dma_start3A_44] : memref<50000x768xf32, #tpu.memory_space<hbm>> -> memref<80x768xf32, #tpu.memory_space<hbm>>
      tpu.enqueue_dma source(%dma_start3A_45 : memref<80x768xf32, #tpu.memory_space<hbm>>) target(%arg5 : memref<80x768xf32, #tpu.memory_space<vmem>>) target_semaphore(%run_scoped3A : memref<!tpu.dma_semaphore, #tpu.memory_space<semaphore_mem>>)
      %dma_wait3A = arith.constant 0 : i32
      %dma_wait3A_46 = tpu.memref_slice %arg2[%add3A_38, %dma_wait3A] : memref<50000x768xf32, #tpu.memory_space<hbm>> -> memref<80x768xf32, #tpu.memory_space<hbm>>
      %dma_wait3A_47 = arith.constant 0 : i32
      %dma_wait3A_48 = tpu.memref_slice %arg2[%add3A_38, %dma_wait3A_47] : memref<50000x768xf32, #tpu.memory_space<hbm>> -> memref<80x768xf32, #tpu.memory_space<hbm>>
      tpu.wait_dma2 semaphore(%run_scoped3A : memref<!tpu.dma_semaphore, #tpu.memory_space<semaphore_mem>>) src(%dma_wait3A_48 : memref<80x768xf32, #tpu.memory_space<hbm>>) dst(%arg5 : memref<80x768xf32, #tpu.memory_space<vmem>>)
      tpu.yield
    }) : () -> ()
    "tpu.region"() ({
      %run_scoped3A = tpu.sem_alloc : memref<!tpu.dma_semaphore, #tpu.memory_space<semaphore_mem>>
      %dma_start3A = arith.constant 0 : i32
      %dma_start3A_43 = tpu.memref_slice %arg3[%add3A_38, %dma_start3A] : memref<50000x768xf32, #tpu.memory_space<hbm>> -> memref<80x768xf32, #tpu.memory_space<hbm>>
      %dma_start3A_44 = arith.constant 0 : i32
      %dma_start3A_45 = tpu.memref_slice %arg3[%add3A_38, %dma_start3A_44] : memref<50000x768xf32, #tpu.memory_space<hbm>> -> memref<80x768xf32, #tpu.memory_space<hbm>>
      tpu.enqueue_dma source(%arg5 : memref<80x768xf32, #tpu.memory_space<vmem>>) target(%dma_start3A_45 : memref<80x768xf32, #tpu.memory_space<hbm>>) target_semaphore(%run_scoped3A : memref<!tpu.dma_semaphore, #tpu.memory_space<semaphore_mem>>)
      %dma_wait3A = arith.constant 0 : i32
      %dma_wait3A_46 = tpu.memref_slice %arg3[%add3A_38, %dma_wait3A] : memref<50000x768xf32, #tpu.memory_space<hbm>> -> memref<80x768xf32, #tpu.memory_space<hbm>>
      %dma_wait3A_47 = arith.constant 0 : i32
      %dma_wait3A_48 = tpu.memref_slice %arg3[%add3A_38, %dma_wait3A_47] : memref<50000x768xf32, #tpu.memory_space<hbm>> -> memref<80x768xf32, #tpu.memory_space<hbm>>
      tpu.wait_dma2 semaphore(%run_scoped3A : memref<!tpu.dma_semaphore, #tpu.memory_space<semaphore_mem>>) src(%arg5 : memref<80x768xf32, #tpu.memory_space<vmem>>) dst(%dma_wait3A_48 : memref<80x768xf32, #tpu.memory_space<hbm>>)
      tpu.yield
    }) : () -> ()
    %add3A_39 = arith.constant 1440 : i32
    %add3A_40 = arith.addi %mul3A_2, %add3A_39 : i32
    "tpu.region"() ({
      %run_scoped3A = tpu.sem_alloc : memref<!tpu.dma_semaphore, #tpu.memory_space<semaphore_mem>>
      %dma_start3A = arith.constant 0 : i32
      %dma_start3A_43 = tpu.memref_slice %arg2[%add3A_40, %dma_start3A] : memref<50000x768xf32, #tpu.memory_space<hbm>> -> memref<80x768xf32, #tpu.memory_space<hbm>>
      %dma_start3A_44 = arith.constant 0 : i32
      %dma_start3A_45 = tpu.memref_slice %arg2[%add3A_40, %dma_start3A_44] : memref<50000x768xf32, #tpu.memory_space<hbm>> -> memref<80x768xf32, #tpu.memory_space<hbm>>
      tpu.enqueue_dma source(%dma_start3A_45 : memref<80x768xf32, #tpu.memory_space<hbm>>) target(%arg5 : memref<80x768xf32, #tpu.memory_space<vmem>>) target_semaphore(%run_scoped3A : memref<!tpu.dma_semaphore, #tpu.memory_space<semaphore_mem>>)
      %dma_wait3A = arith.constant 0 : i32
      %dma_wait3A_46 = tpu.memref_slice %arg2[%add3A_40, %dma_wait3A] : memref<50000x768xf32, #tpu.memory_space<hbm>> -> memref<80x768xf32, #tpu.memory_space<hbm>>
      %dma_wait3A_47 = arith.constant 0 : i32
      %dma_wait3A_48 = tpu.memref_slice %arg2[%add3A_40, %dma_wait3A_47] : memref<50000x768xf32, #tpu.memory_space<hbm>> -> memref<80x768xf32, #tpu.memory_space<hbm>>
      tpu.wait_dma2 semaphore(%run_scoped3A : memref<!tpu.dma_semaphore, #tpu.memory_space<semaphore_mem>>) src(%dma_wait3A_48 : memref<80x768xf32, #tpu.memory_space<hbm>>) dst(%arg5 : memref<80x768xf32, #tpu.memory_space<vmem>>)
      tpu.yield
    }) : () -> ()
    "tpu.region"() ({
      %run_scoped3A = tpu.sem_alloc : memref<!tpu.dma_semaphore, #tpu.memory_space<semaphore_mem>>
      %dma_start3A = arith.constant 0 : i32
      %dma_start3A_43 = tpu.memref_slice %arg3[%add3A_40, %dma_start3A] : memref<50000x768xf32, #tpu.memory_space<hbm>> -> memref<80x768xf32, #tpu.memory_space<hbm>>
      %dma_start3A_44 = arith.constant 0 : i32
      %dma_start3A_45 = tpu.memref_slice %arg3[%add3A_40, %dma_start3A_44] : memref<50000x768xf32, #tpu.memory_space<hbm>> -> memref<80x768xf32, #tpu.memory_space<hbm>>
      tpu.enqueue_dma source(%arg5 : memref<80x768xf32, #tpu.memory_space<vmem>>) target(%dma_start3A_45 : memref<80x768xf32, #tpu.memory_space<hbm>>) target_semaphore(%run_scoped3A : memref<!tpu.dma_semaphore, #tpu.memory_space<semaphore_mem>>)
      %dma_wait3A = arith.constant 0 : i32
      %dma_wait3A_46 = tpu.memref_slice %arg3[%add3A_40, %dma_wait3A] : memref<50000x768xf32, #tpu.memory_space<hbm>> -> memref<80x768xf32, #tpu.memory_space<hbm>>
      %dma_wait3A_47 = arith.constant 0 : i32
      %dma_wait3A_48 = tpu.memref_slice %arg3[%add3A_40, %dma_wait3A_47] : memref<50000x768xf32, #tpu.memory_space<hbm>> -> memref<80x768xf32, #tpu.memory_space<hbm>>
      tpu.wait_dma2 semaphore(%run_scoped3A : memref<!tpu.dma_semaphore, #tpu.memory_space<semaphore_mem>>) src(%arg5 : memref<80x768xf32, #tpu.memory_space<vmem>>) dst(%dma_wait3A_48 : memref<80x768xf32, #tpu.memory_space<hbm>>)
      tpu.yield
    }) : () -> ()
    %lt3A = arith.constant 17 : i32
    %lt3A_41 = arith.cmpi slt, %add3A, %lt3A : i32
    %convert_element_type3A = arith.extui %lt3A_41 : i1 to i32
    %cond3A = arith.constant 0 : i32
    %cond3A_42 = arith.cmpi ne, %convert_element_type3A, %cond3A : i32
    scf.if %cond3A_42 {
      %mul3A_43 = arith.constant 80 : i32
      %mul3A_44 = arith.muli %add3A, %mul3A_43 : i32
      %add3A_45 = arith.constant 48640 : i32
      %add3A_46 = arith.addi %add3A_45, %mul3A_44 : i32
      "tpu.region"() ({
        %run_scoped3A = tpu.sem_alloc : memref<!tpu.dma_semaphore, #tpu.memory_space<semaphore_mem>>
        %dma_start3A = arith.constant 0 : i32
        %dma_start3A_47 = tpu.memref_slice %arg2[%add3A_46, %dma_start3A] : memref<50000x768xf32, #tpu.memory_space<hbm>> -> memref<80x768xf32, #tpu.memory_space<hbm>>
        %dma_start3A_48 = arith.constant 0 : i32
        %dma_start3A_49 = tpu.memref_slice %arg2[%add3A_46, %dma_start3A_48] : memref<50000x768xf32, #tpu.memory_space<hbm>> -> memref<80x768xf32, #tpu.memory_space<hbm>>
        tpu.enqueue_dma source(%dma_start3A_49 : memref<80x768xf32, #tpu.memory_space<hbm>>) target(%arg5 : memref<80x768xf32, #tpu.memory_space<vmem>>) target_semaphore(%run_scoped3A : memref<!tpu.dma_semaphore, #tpu.memory_space<semaphore_mem>>)
        %dma_wait3A = arith.constant 0 : i32
        %dma_wait3A_50 = tpu.memref_slice %arg2[%add3A_46, %dma_wait3A] : memref<50000x768xf32, #tpu.memory_space<hbm>> -> memref<80x768xf32, #tpu.memory_space<hbm>>
        %dma_wait3A_51 = arith.constant 0 : i32
        %dma_wait3A_52 = tpu.memref_slice %arg2[%add3A_46, %dma_wait3A_51] : memref<50000x768xf32, #tpu.memory_space<hbm>> -> memref<80x768xf32, #tpu.memory_space<hbm>>
        tpu.wait_dma2 semaphore(%run_scoped3A : memref<!tpu.dma_semaphore, #tpu.memory_space<semaphore_mem>>) src(%dma_wait3A_52 : memref<80x768xf32, #tpu.memory_space<hbm>>) dst(%arg5 : memref<80x768xf32, #tpu.memory_space<vmem>>)
        tpu.yield
      }) : () -> ()
      "tpu.region"() ({
        %run_scoped3A = tpu.sem_alloc : memref<!tpu.dma_semaphore, #tpu.memory_space<semaphore_mem>>
        %dma_start3A = arith.constant 0 : i32
        %dma_start3A_47 = tpu.memref_slice %arg3[%add3A_46, %dma_start3A] : memref<50000x768xf32, #tpu.memory_space<hbm>> -> memref<80x768xf32, #tpu.memory_space<hbm>>
        %dma_start3A_48 = arith.constant 0 : i32
        %dma_start3A_49 = tpu.memref_slice %arg3[%add3A_46, %dma_start3A_48] : memref<50000x768xf32, #tpu.memory_space<hbm>> -> memref<80x768xf32, #tpu.memory_space<hbm>>
        tpu.enqueue_dma source(%arg5 : memref<80x768xf32, #tpu.memory_space<vmem>>) target(%dma_start3A_49 : memref<80x768xf32, #tpu.memory_space<hbm>>) target_semaphore(%run_scoped3A : memref<!tpu.dma_semaphore, #tpu.memory_space<semaphore_mem>>)
        %dma_wait3A = arith.constant 0 : i32
        %dma_wait3A_50 = tpu.memref_slice %arg3[%add3A_46, %dma_wait3A] : memref<50000x768xf32, #tpu.memory_space<hbm>> -> memref<80x768xf32, #tpu.memory_space<hbm>>
        %dma_wait3A_51 = arith.constant 0 : i32
        %dma_wait3A_52 = tpu.memref_slice %arg3[%add3A_46, %dma_wait3A_51] : memref<50000x768xf32, #tpu.memory_space<hbm>> -> memref<80x768xf32, #tpu.memory_space<hbm>>
        tpu.wait_dma2 semaphore(%run_scoped3A : memref<!tpu.dma_semaphore, #tpu.memory_space<semaphore_mem>>) src(%arg5 : memref<80x768xf32, #tpu.memory_space<vmem>>) dst(%dma_wait3A_52 : memref<80x768xf32, #tpu.memory_space<hbm>>)
        tpu.yield
      }) : () -> ()
    } else {
    }
    return
  }
}

#map = affine_map<(d0, d1) -> (0, 0)>
#map1 = affine_map<(d0, d1) -> (0)>
module attributes {stable_mosaic.version = 14 : i64} {
  func.func @new_body(%arg0: i32, %arg1: i32, %arg2: memref<8192x768xf32, #tpu.memory_space<hbm>>, %arg3: memref<8192xi32, #tpu.memory_space<hbm>>, %arg4: memref<50000x768xf32, #tpu.memory_space<hbm>>, %arg5: memref<50000x768xf32, #tpu.memory_space<hbm>>, %arg6: memref<128x768xf32, #tpu.memory_space<vmem>>, %arg7: memref<128xi32, #tpu.memory_space<vmem>>, %arg8: memref<!tpu.dma_semaphore, #tpu.memory_space<semaphore_mem>>) attributes {dimension_semantics = [#tpu.dimension_semantics<core_parallel>, #tpu.dimension_semantics<subcore_parallel>], iteration_bounds = array<i64: 2, 16>, scalar_prefetch = 0 : i64, scratch_operands = 3 : i64, tpu.core_type = #tpu.core_type<sc_vector_subcore>, window_params = [{transform_indices = #map}, {transform_indices = #map1}, {transform_indices = #map}, {transform_indices = #map}]} {
    %mul3A = arith.constant 2 : i32
    %mul3A_0 = arith.muli %arg1, %mul3A : i32
    %add3A = arith.addi %mul3A_0, %arg0 : i32
    %mul3A_1 = arith.constant 256 : i32
    %mul3A_2 = arith.muli %add3A, %mul3A_1 : i32
    %add3A_3 = arith.constant 0 : i32
    %add3A_4 = arith.addi %mul3A_2, %add3A_3 : i32
    "tpu.region"() ({
      %run_scoped3A = tpu.sem_alloc : memref<!tpu.dma_semaphore, #tpu.memory_space<semaphore_mem>>
      %dma_start3A_17 = tpu.memref_slice %arg3[%add3A_4] : memref<8192xi32, #tpu.memory_space<hbm>> -> memref<128xi32, #tpu.memory_space<hbm>>
      %dma_start3A_18 = tpu.memref_slice %arg3[%add3A_4] : memref<8192xi32, #tpu.memory_space<hbm>> -> memref<128xi32, #tpu.memory_space<hbm>>
      tpu.enqueue_dma source(%dma_start3A_18 : memref<128xi32, #tpu.memory_space<hbm>>) target(%arg7 : memref<128xi32, #tpu.memory_space<vmem>>) target_semaphore(%run_scoped3A : memref<!tpu.dma_semaphore, #tpu.memory_space<semaphore_mem>>)
      %dma_wait3A_19 = tpu.memref_slice %arg3[%add3A_4] : memref<8192xi32, #tpu.memory_space<hbm>> -> memref<128xi32, #tpu.memory_space<hbm>>
      %dma_wait3A_20 = tpu.memref_slice %arg3[%add3A_4] : memref<8192xi32, #tpu.memory_space<hbm>> -> memref<128xi32, #tpu.memory_space<hbm>>
      tpu.wait_dma2 semaphore(%run_scoped3A : memref<!tpu.dma_semaphore, #tpu.memory_space<semaphore_mem>>) src(%dma_wait3A_20 : memref<128xi32, #tpu.memory_space<hbm>>) dst(%arg7 : memref<128xi32, #tpu.memory_space<vmem>>)
      tpu.yield
    }) : () -> ()
    "tpu.region"() ({
      %run_scoped3A = tpu.sem_alloc : memref<!tpu.dma_semaphore, #tpu.memory_space<semaphore_mem>>
      %dma_start3A_17 = arith.constant 0 : i32
      %dma_start3A_18 = tpu.memref_slice %arg2[%add3A_4, %dma_start3A_17] : memref<8192x768xf32, #tpu.memory_space<hbm>> -> memref<128x768xf32, #tpu.memory_space<hbm>>
      %dma_start3A_19 = arith.constant 0 : i32
      %dma_start3A_20 = tpu.memref_slice %arg2[%add3A_4, %dma_start3A_19] : memref<8192x768xf32, #tpu.memory_space<hbm>> -> memref<128x768xf32, #tpu.memory_space<hbm>>
      tpu.enqueue_dma source(%dma_start3A_20 : memref<128x768xf32, #tpu.memory_space<hbm>>) target(%arg6 : memref<128x768xf32, #tpu.memory_space<vmem>>) target_semaphore(%run_scoped3A : memref<!tpu.dma_semaphore, #tpu.memory_space<semaphore_mem>>)
      %dma_wait3A_21 = arith.constant 0 : i32
      %dma_wait3A_22 = tpu.memref_slice %arg2[%add3A_4, %dma_wait3A_21] : memref<8192x768xf32, #tpu.memory_space<hbm>> -> memref<128x768xf32, #tpu.memory_space<hbm>>
      %dma_wait3A_23 = arith.constant 0 : i32
      %dma_wait3A_24 = tpu.memref_slice %arg2[%add3A_4, %dma_wait3A_23] : memref<8192x768xf32, #tpu.memory_space<hbm>> -> memref<128x768xf32, #tpu.memory_space<hbm>>
      tpu.wait_dma2 semaphore(%run_scoped3A : memref<!tpu.dma_semaphore, #tpu.memory_space<semaphore_mem>>) src(%dma_wait3A_24 : memref<128x768xf32, #tpu.memory_space<hbm>>) dst(%arg6 : memref<128x768xf32, #tpu.memory_space<vmem>>)
      tpu.yield
    }) : () -> ()
    %dma_start3A = arith.constant 0 : i32
    %dma_start3A_5 = arith.constant 0 : i32
    %dma_start3A_6 = tpu.memref_slice %arg4[%dma_start3A, %dma_start3A_5] : memref<50000x768xf32, #tpu.memory_space<hbm>> -> memref<50000x768xf32, #tpu.memory_space<hbm>>
    tpu.enqueue_indirect_dma source(%arg6 : memref<128x768xf32, #tpu.memory_space<vmem>>) target(%dma_start3A_6 : memref<50000x768xf32, #tpu.memory_space<hbm>>) offsets(%arg7 : memref<128xi32, #tpu.memory_space<vmem>>) semaphore(%arg8 : memref<!tpu.dma_semaphore, #tpu.memory_space<semaphore_mem>>)
    %dma_wait3A = arith.constant 0 : i32
    %dma_wait3A_7 = arith.constant 0 : i32
    %dma_wait3A_8 = tpu.memref_slice %arg4[%dma_wait3A, %dma_wait3A_7] : memref<50000x768xf32, #tpu.memory_space<hbm>> -> memref<50000x768xf32, #tpu.memory_space<hbm>>
    tpu.wait_indirect_dma semaphore(%arg8 : memref<!tpu.dma_semaphore, #tpu.memory_space<semaphore_mem>>) src(%arg6 : memref<128x768xf32, #tpu.memory_space<vmem>>) dst(%dma_wait3A_8 : memref<50000x768xf32, #tpu.memory_space<hbm>>)
    %add3A_9 = arith.constant 128 : i32
    %add3A_10 = arith.addi %mul3A_2, %add3A_9 : i32
    "tpu.region"() ({
      %run_scoped3A = tpu.sem_alloc : memref<!tpu.dma_semaphore, #tpu.memory_space<semaphore_mem>>
      %dma_start3A_17 = tpu.memref_slice %arg3[%add3A_10] : memref<8192xi32, #tpu.memory_space<hbm>> -> memref<128xi32, #tpu.memory_space<hbm>>
      %dma_start3A_18 = tpu.memref_slice %arg3[%add3A_10] : memref<8192xi32, #tpu.memory_space<hbm>> -> memref<128xi32, #tpu.memory_space<hbm>>
      tpu.enqueue_dma source(%dma_start3A_18 : memref<128xi32, #tpu.memory_space<hbm>>) target(%arg7 : memref<128xi32, #tpu.memory_space<vmem>>) target_semaphore(%run_scoped3A : memref<!tpu.dma_semaphore, #tpu.memory_space<semaphore_mem>>)
      %dma_wait3A_19 = tpu.memref_slice %arg3[%add3A_10] : memref<8192xi32, #tpu.memory_space<hbm>> -> memref<128xi32, #tpu.memory_space<hbm>>
      %dma_wait3A_20 = tpu.memref_slice %arg3[%add3A_10] : memref<8192xi32, #tpu.memory_space<hbm>> -> memref<128xi32, #tpu.memory_space<hbm>>
      tpu.wait_dma2 semaphore(%run_scoped3A : memref<!tpu.dma_semaphore, #tpu.memory_space<semaphore_mem>>) src(%dma_wait3A_20 : memref<128xi32, #tpu.memory_space<hbm>>) dst(%arg7 : memref<128xi32, #tpu.memory_space<vmem>>)
      tpu.yield
    }) : () -> ()
    "tpu.region"() ({
      %run_scoped3A = tpu.sem_alloc : memref<!tpu.dma_semaphore, #tpu.memory_space<semaphore_mem>>
      %dma_start3A_17 = arith.constant 0 : i32
      %dma_start3A_18 = tpu.memref_slice %arg2[%add3A_10, %dma_start3A_17] : memref<8192x768xf32, #tpu.memory_space<hbm>> -> memref<128x768xf32, #tpu.memory_space<hbm>>
      %dma_start3A_19 = arith.constant 0 : i32
      %dma_start3A_20 = tpu.memref_slice %arg2[%add3A_10, %dma_start3A_19] : memref<8192x768xf32, #tpu.memory_space<hbm>> -> memref<128x768xf32, #tpu.memory_space<hbm>>
      tpu.enqueue_dma source(%dma_start3A_20 : memref<128x768xf32, #tpu.memory_space<hbm>>) target(%arg6 : memref<128x768xf32, #tpu.memory_space<vmem>>) target_semaphore(%run_scoped3A : memref<!tpu.dma_semaphore, #tpu.memory_space<semaphore_mem>>)
      %dma_wait3A_21 = arith.constant 0 : i32
      %dma_wait3A_22 = tpu.memref_slice %arg2[%add3A_10, %dma_wait3A_21] : memref<8192x768xf32, #tpu.memory_space<hbm>> -> memref<128x768xf32, #tpu.memory_space<hbm>>
      %dma_wait3A_23 = arith.constant 0 : i32
      %dma_wait3A_24 = tpu.memref_slice %arg2[%add3A_10, %dma_wait3A_23] : memref<8192x768xf32, #tpu.memory_space<hbm>> -> memref<128x768xf32, #tpu.memory_space<hbm>>
      tpu.wait_dma2 semaphore(%run_scoped3A : memref<!tpu.dma_semaphore, #tpu.memory_space<semaphore_mem>>) src(%dma_wait3A_24 : memref<128x768xf32, #tpu.memory_space<hbm>>) dst(%arg6 : memref<128x768xf32, #tpu.memory_space<vmem>>)
      tpu.yield
    }) : () -> ()
    %dma_start3A_11 = arith.constant 0 : i32
    %dma_start3A_12 = arith.constant 0 : i32
    %dma_start3A_13 = tpu.memref_slice %arg4[%dma_start3A_11, %dma_start3A_12] : memref<50000x768xf32, #tpu.memory_space<hbm>> -> memref<50000x768xf32, #tpu.memory_space<hbm>>
    tpu.enqueue_indirect_dma source(%arg6 : memref<128x768xf32, #tpu.memory_space<vmem>>) target(%dma_start3A_13 : memref<50000x768xf32, #tpu.memory_space<hbm>>) offsets(%arg7 : memref<128xi32, #tpu.memory_space<vmem>>) semaphore(%arg8 : memref<!tpu.dma_semaphore, #tpu.memory_space<semaphore_mem>>)
    %dma_wait3A_14 = arith.constant 0 : i32
    %dma_wait3A_15 = arith.constant 0 : i32
    %dma_wait3A_16 = tpu.memref_slice %arg4[%dma_wait3A_14, %dma_wait3A_15] : memref<50000x768xf32, #tpu.memory_space<hbm>> -> memref<50000x768xf32, #tpu.memory_space<hbm>>
    tpu.wait_indirect_dma semaphore(%arg8 : memref<!tpu.dma_semaphore, #tpu.memory_space<semaphore_mem>>) src(%arg6 : memref<128x768xf32, #tpu.memory_space<vmem>>) dst(%dma_wait3A_16 : memref<50000x768xf32, #tpu.memory_space<hbm>>)
    return
  }
}

#map = affine_map<(d0, d1) -> (0, 0)>
#map1 = affine_map<(d0, d1) -> (0)>
module attributes {stable_mosaic.version = 14 : i64} {
  func.func @k(%arg0: i32, %arg1: i32, %arg2: memref<50000x768xf32, #tpu.memory_space<hbm>>, %arg3: memref<8192xi32, #tpu.memory_space<hbm>>, %arg4: memref<8192xi32, #tpu.memory_space<hbm>>, %arg5: memref<50000xf32, #tpu.memory_space<hbm>>, %arg6: memref<8192x768xf32, #tpu.memory_space<hbm>>, %arg7: memref<8192x768xf32, #tpu.memory_space<hbm>>, %arg8: memref<8192xf32, #tpu.memory_space<hbm>>, %arg9: memref<64xi32, #tpu.memory_space<vmem>>, %arg10: memref<64x768xf32, #tpu.memory_space<vmem>>, %arg11: memref<64xf32, #tpu.memory_space<vmem>>, %arg12: memref<!tpu.dma_semaphore, #tpu.memory_space<semaphore_mem>>, %arg13: memref<!tpu.dma_semaphore, #tpu.memory_space<semaphore_mem>>) attributes {dimension_semantics = [#tpu.dimension_semantics<core_parallel>, #tpu.dimension_semantics<subcore_parallel>], iteration_bounds = array<i64: 2, 16>, scalar_prefetch = 0 : i64, scratch_operands = 5 : i64, tpu.core_type = #tpu.core_type<sc_vector_subcore>, window_params = [{transform_indices = #map}, {transform_indices = #map1}, {transform_indices = #map1}, {transform_indices = #map1}, {transform_indices = #map}, {transform_indices = #map}, {transform_indices = #map1}]} {
    %mul3A = arith.constant 2 : i32
    %mul3A_0 = arith.muli %arg1, %mul3A : i32
    %add3A = arith.addi %mul3A_0, %arg0 : i32
    %mul3A_1 = arith.constant 256 : i32
    %mul3A_2 = arith.muli %add3A, %mul3A_1 : i32
    %add3A_3 = arith.constant 0 : i32
    %add3A_4 = arith.addi %mul3A_2, %add3A_3 : i32
    "tpu.region"() ({
      %run_scoped3A = tpu.sem_alloc : memref<!tpu.dma_semaphore, #tpu.memory_space<semaphore_mem>>
      %dma_start3A_81 = tpu.memref_slice %arg3[%add3A_4] : memref<8192xi32, #tpu.memory_space<hbm>> -> memref<64xi32, #tpu.memory_space<hbm>>
      %dma_start3A_82 = tpu.memref_slice %arg3[%add3A_4] : memref<8192xi32, #tpu.memory_space<hbm>> -> memref<64xi32, #tpu.memory_space<hbm>>
      tpu.enqueue_dma source(%dma_start3A_82 : memref<64xi32, #tpu.memory_space<hbm>>) target(%arg9 : memref<64xi32, #tpu.memory_space<vmem>>) target_semaphore(%run_scoped3A : memref<!tpu.dma_semaphore, #tpu.memory_space<semaphore_mem>>)
      %dma_wait3A_83 = tpu.memref_slice %arg3[%add3A_4] : memref<8192xi32, #tpu.memory_space<hbm>> -> memref<64xi32, #tpu.memory_space<hbm>>
      %dma_wait3A_84 = tpu.memref_slice %arg3[%add3A_4] : memref<8192xi32, #tpu.memory_space<hbm>> -> memref<64xi32, #tpu.memory_space<hbm>>
      tpu.wait_dma2 semaphore(%run_scoped3A : memref<!tpu.dma_semaphore, #tpu.memory_space<semaphore_mem>>) src(%dma_wait3A_84 : memref<64xi32, #tpu.memory_space<hbm>>) dst(%arg9 : memref<64xi32, #tpu.memory_space<vmem>>)
      tpu.yield
    }) : () -> ()
    %dma_start3A = arith.constant 0 : i32
    %dma_start3A_5 = arith.constant 0 : i32
    %dma_start3A_6 = tpu.memref_slice %arg2[%dma_start3A, %dma_start3A_5] : memref<50000x768xf32, #tpu.memory_space<hbm>> -> memref<50000x768xf32, #tpu.memory_space<hbm>>
    tpu.enqueue_indirect_dma source(%dma_start3A_6 : memref<50000x768xf32, #tpu.memory_space<hbm>>) target(%arg10 : memref<64x768xf32, #tpu.memory_space<vmem>>) offsets(%arg9 : memref<64xi32, #tpu.memory_space<vmem>>) semaphore(%arg12 : memref<!tpu.dma_semaphore, #tpu.memory_space<semaphore_mem>>)
    %dma_wait3A = arith.constant 0 : i32
    %dma_wait3A_7 = arith.constant 0 : i32
    %dma_wait3A_8 = tpu.memref_slice %arg2[%dma_wait3A, %dma_wait3A_7] : memref<50000x768xf32, #tpu.memory_space<hbm>> -> memref<50000x768xf32, #tpu.memory_space<hbm>>
    tpu.wait_indirect_dma semaphore(%arg12 : memref<!tpu.dma_semaphore, #tpu.memory_space<semaphore_mem>>) src(%dma_wait3A_8 : memref<50000x768xf32, #tpu.memory_space<hbm>>) dst(%arg10 : memref<64x768xf32, #tpu.memory_space<vmem>>)
    %dma_start3A_9 = arith.constant 0 : i32
    %dma_start3A_10 = tpu.memref_slice %arg5[%dma_start3A_9] : memref<50000xf32, #tpu.memory_space<hbm>> -> memref<50000xf32, #tpu.memory_space<hbm>>
    tpu.enqueue_indirect_dma source(%dma_start3A_10 : memref<50000xf32, #tpu.memory_space<hbm>>) target(%arg11 : memref<64xf32, #tpu.memory_space<vmem>>) offsets(%arg9 : memref<64xi32, #tpu.memory_space<vmem>>) semaphore(%arg13 : memref<!tpu.dma_semaphore, #tpu.memory_space<semaphore_mem>>)
    %dma_wait3A_11 = arith.constant 0 : i32
    %dma_wait3A_12 = tpu.memref_slice %arg5[%dma_wait3A_11] : memref<50000xf32, #tpu.memory_space<hbm>> -> memref<50000xf32, #tpu.memory_space<hbm>>
    tpu.wait_indirect_dma semaphore(%arg13 : memref<!tpu.dma_semaphore, #tpu.memory_space<semaphore_mem>>) src(%dma_wait3A_12 : memref<50000xf32, #tpu.memory_space<hbm>>) dst(%arg11 : memref<64xf32, #tpu.memory_space<vmem>>)
    "tpu.region"() ({
      %run_scoped3A = tpu.sem_alloc : memref<!tpu.dma_semaphore, #tpu.memory_space<semaphore_mem>>
      %dma_start3A_81 = tpu.memref_slice %arg8[%add3A_4] : memref<8192xf32, #tpu.memory_space<hbm>> -> memref<64xf32, #tpu.memory_space<hbm>>
      %dma_start3A_82 = tpu.memref_slice %arg8[%add3A_4] : memref<8192xf32, #tpu.memory_space<hbm>> -> memref<64xf32, #tpu.memory_space<hbm>>
      tpu.enqueue_dma source(%arg11 : memref<64xf32, #tpu.memory_space<vmem>>) target(%dma_start3A_82 : memref<64xf32, #tpu.memory_space<hbm>>) target_semaphore(%run_scoped3A : memref<!tpu.dma_semaphore, #tpu.memory_space<semaphore_mem>>)
      %dma_wait3A_83 = tpu.memref_slice %arg8[%add3A_4] : memref<8192xf32, #tpu.memory_space<hbm>> -> memref<64xf32, #tpu.memory_space<hbm>>
      %dma_wait3A_84 = tpu.memref_slice %arg8[%add3A_4] : memref<8192xf32, #tpu.memory_space<hbm>> -> memref<64xf32, #tpu.memory_space<hbm>>
      tpu.wait_dma2 semaphore(%run_scoped3A : memref<!tpu.dma_semaphore, #tpu.memory_space<semaphore_mem>>) src(%arg11 : memref<64xf32, #tpu.memory_space<vmem>>) dst(%dma_wait3A_84 : memref<64xf32, #tpu.memory_space<hbm>>)
      tpu.yield
    }) : () -> ()
    "tpu.region"() ({
      %run_scoped3A = tpu.sem_alloc : memref<!tpu.dma_semaphore, #tpu.memory_space<semaphore_mem>>
      %dma_start3A_81 = arith.constant 0 : i32
      %dma_start3A_82 = tpu.memref_slice %arg6[%add3A_4, %dma_start3A_81] : memref<8192x768xf32, #tpu.memory_space<hbm>> -> memref<64x768xf32, #tpu.memory_space<hbm>>
      %dma_start3A_83 = arith.constant 0 : i32
      %dma_start3A_84 = tpu.memref_slice %arg6[%add3A_4, %dma_start3A_83] : memref<8192x768xf32, #tpu.memory_space<hbm>> -> memref<64x768xf32, #tpu.memory_space<hbm>>
      tpu.enqueue_dma source(%arg10 : memref<64x768xf32, #tpu.memory_space<vmem>>) target(%dma_start3A_84 : memref<64x768xf32, #tpu.memory_space<hbm>>) target_semaphore(%run_scoped3A : memref<!tpu.dma_semaphore, #tpu.memory_space<semaphore_mem>>)
      %dma_wait3A_85 = arith.constant 0 : i32
      %dma_wait3A_86 = tpu.memref_slice %arg6[%add3A_4, %dma_wait3A_85] : memref<8192x768xf32, #tpu.memory_space<hbm>> -> memref<64x768xf32, #tpu.memory_space<hbm>>
      %dma_wait3A_87 = arith.constant 0 : i32
      %dma_wait3A_88 = tpu.memref_slice %arg6[%add3A_4, %dma_wait3A_87] : memref<8192x768xf32, #tpu.memory_space<hbm>> -> memref<64x768xf32, #tpu.memory_space<hbm>>
      tpu.wait_dma2 semaphore(%run_scoped3A : memref<!tpu.dma_semaphore, #tpu.memory_space<semaphore_mem>>) src(%arg10 : memref<64x768xf32, #tpu.memory_space<vmem>>) dst(%dma_wait3A_88 : memref<64x768xf32, #tpu.memory_space<hbm>>)
      tpu.yield
    }) : () -> ()
    %add3A_13 = arith.constant 64 : i32
    %add3A_14 = arith.addi %mul3A_2, %add3A_13 : i32
    "tpu.region"() ({
      %run_scoped3A = tpu.sem_alloc : memref<!tpu.dma_semaphore, #tpu.memory_space<semaphore_mem>>
      %dma_start3A_81 = tpu.memref_slice %arg3[%add3A_14] : memref<8192xi32, #tpu.memory_space<hbm>> -> memref<64xi32, #tpu.memory_space<hbm>>
      %dma_start3A_82 = tpu.memref_slice %arg3[%add3A_14] : memref<8192xi32, #tpu.memory_space<hbm>> -> memref<64xi32, #tpu.memory_space<hbm>>
      tpu.enqueue_dma source(%dma_start3A_82 : memref<64xi32, #tpu.memory_space<hbm>>) target(%arg9 : memref<64xi32, #tpu.memory_space<vmem>>) target_semaphore(%run_scoped3A : memref<!tpu.dma_semaphore, #tpu.memory_space<semaphore_mem>>)
      %dma_wait3A_83 = tpu.memref_slice %arg3[%add3A_14] : memref<8192xi32, #tpu.memory_space<hbm>> -> memref<64xi32, #tpu.memory_space<hbm>>
      %dma_wait3A_84 = tpu.memref_slice %arg3[%add3A_14] : memref<8192xi32, #tpu.memory_space<hbm>> -> memref<64xi32, #tpu.memory_space<hbm>>
      tpu.wait_dma2 semaphore(%run_scoped3A : memref<!tpu.dma_semaphore, #tpu.memory_space<semaphore_mem>>) src(%dma_wait3A_84 : memref<64xi32, #tpu.memory_space<hbm>>) dst(%arg9 : memref<64xi32, #tpu.memory_space<vmem>>)
      tpu.yield
    }) : () -> ()
    %dma_start3A_15 = arith.constant 0 : i32
    %dma_start3A_16 = arith.constant 0 : i32
    %dma_start3A_17 = tpu.memref_slice %arg2[%dma_start3A_15, %dma_start3A_16] : memref<50000x768xf32, #tpu.memory_space<hbm>> -> memref<50000x768xf32, #tpu.memory_space<hbm>>
    tpu.enqueue_indirect_dma source(%dma_start3A_17 : memref<50000x768xf32, #tpu.memory_space<hbm>>) target(%arg10 : memref<64x768xf32, #tpu.memory_space<vmem>>) offsets(%arg9 : memref<64xi32, #tpu.memory_space<vmem>>) semaphore(%arg12 : memref<!tpu.dma_semaphore, #tpu.memory_space<semaphore_mem>>)
    %dma_wait3A_18 = arith.constant 0 : i32
    %dma_wait3A_19 = arith.constant 0 : i32
    %dma_wait3A_20 = tpu.memref_slice %arg2[%dma_wait3A_18, %dma_wait3A_19] : memref<50000x768xf32, #tpu.memory_space<hbm>> -> memref<50000x768xf32, #tpu.memory_space<hbm>>
    tpu.wait_indirect_dma semaphore(%arg12 : memref<!tpu.dma_semaphore, #tpu.memory_space<semaphore_mem>>) src(%dma_wait3A_20 : memref<50000x768xf32, #tpu.memory_space<hbm>>) dst(%arg10 : memref<64x768xf32, #tpu.memory_space<vmem>>)
    %dma_start3A_21 = arith.constant 0 : i32
    %dma_start3A_22 = tpu.memref_slice %arg5[%dma_start3A_21] : memref<50000xf32, #tpu.memory_space<hbm>> -> memref<50000xf32, #tpu.memory_space<hbm>>
    tpu.enqueue_indirect_dma source(%dma_start3A_22 : memref<50000xf32, #tpu.memory_space<hbm>>) target(%arg11 : memref<64xf32, #tpu.memory_space<vmem>>) offsets(%arg9 : memref<64xi32, #tpu.memory_space<vmem>>) semaphore(%arg13 : memref<!tpu.dma_semaphore, #tpu.memory_space<semaphore_mem>>)
    %dma_wait3A_23 = arith.constant 0 : i32
    %dma_wait3A_24 = tpu.memref_slice %arg5[%dma_wait3A_23] : memref<50000xf32, #tpu.memory_space<hbm>> -> memref<50000xf32, #tpu.memory_space<hbm>>
    tpu.wait_indirect_dma semaphore(%arg13 : memref<!tpu.dma_semaphore, #tpu.memory_space<semaphore_mem>>) src(%dma_wait3A_24 : memref<50000xf32, #tpu.memory_space<hbm>>) dst(%arg11 : memref<64xf32, #tpu.memory_space<vmem>>)
    "tpu.region"() ({
      %run_scoped3A = tpu.sem_alloc : memref<!tpu.dma_semaphore, #tpu.memory_space<semaphore_mem>>
      %dma_start3A_81 = tpu.memref_slice %arg8[%add3A_14] : memref<8192xf32, #tpu.memory_space<hbm>> -> memref<64xf32, #tpu.memory_space<hbm>>
      %dma_start3A_82 = tpu.memref_slice %arg8[%add3A_14] : memref<8192xf32, #tpu.memory_space<hbm>> -> memref<64xf32, #tpu.memory_space<hbm>>
      tpu.enqueue_dma source(%arg11 : memref<64xf32, #tpu.memory_space<vmem>>) target(%dma_start3A_82 : memref<64xf32, #tpu.memory_space<hbm>>) target_semaphore(%run_scoped3A : memref<!tpu.dma_semaphore, #tpu.memory_space<semaphore_mem>>)
      %dma_wait3A_83 = tpu.memref_slice %arg8[%add3A_14] : memref<8192xf32, #tpu.memory_space<hbm>> -> memref<64xf32, #tpu.memory_space<hbm>>
      %dma_wait3A_84 = tpu.memref_slice %arg8[%add3A_14] : memref<8192xf32, #tpu.memory_space<hbm>> -> memref<64xf32, #tpu.memory_space<hbm>>
      tpu.wait_dma2 semaphore(%run_scoped3A : memref<!tpu.dma_semaphore, #tpu.memory_space<semaphore_mem>>) src(%arg11 : memref<64xf32, #tpu.memory_space<vmem>>) dst(%dma_wait3A_84 : memref<64xf32, #tpu.memory_space<hbm>>)
      tpu.yield
    }) : () -> ()
    "tpu.region"() ({
      %run_scoped3A = tpu.sem_alloc : memref<!tpu.dma_semaphore, #tpu.memory_space<semaphore_mem>>
      %dma_start3A_81 = arith.constant 0 : i32
      %dma_start3A_82 = tpu.memref_slice %arg6[%add3A_14, %dma_start3A_81] : memref<8192x768xf32, #tpu.memory_space<hbm>> -> memref<64x768xf32, #tpu.memory_space<hbm>>
      %dma_start3A_83 = arith.constant 0 : i32
      %dma_start3A_84 = tpu.memref_slice %arg6[%add3A_14, %dma_start3A_83] : memref<8192x768xf32, #tpu.memory_space<hbm>> -> memref<64x768xf32, #tpu.memory_space<hbm>>
      tpu.enqueue_dma source(%arg10 : memref<64x768xf32, #tpu.memory_space<vmem>>) target(%dma_start3A_84 : memref<64x768xf32, #tpu.memory_space<hbm>>) target_semaphore(%run_scoped3A : memref<!tpu.dma_semaphore, #tpu.memory_space<semaphore_mem>>)
      %dma_wait3A_85 = arith.constant 0 : i32
      %dma_wait3A_86 = tpu.memref_slice %arg6[%add3A_14, %dma_wait3A_85] : memref<8192x768xf32, #tpu.memory_space<hbm>> -> memref<64x768xf32, #tpu.memory_space<hbm>>
      %dma_wait3A_87 = arith.constant 0 : i32
      %dma_wait3A_88 = tpu.memref_slice %arg6[%add3A_14, %dma_wait3A_87] : memref<8192x768xf32, #tpu.memory_space<hbm>> -> memref<64x768xf32, #tpu.memory_space<hbm>>
      tpu.wait_dma2 semaphore(%run_scoped3A : memref<!tpu.dma_semaphore, #tpu.memory_space<semaphore_mem>>) src(%arg10 : memref<64x768xf32, #tpu.memory_space<vmem>>) dst(%dma_wait3A_88 : memref<64x768xf32, #tpu.memory_space<hbm>>)
      tpu.yield
    }) : () -> ()
    %add3A_25 = arith.constant 128 : i32
    %add3A_26 = arith.addi %mul3A_2, %add3A_25 : i32
    "tpu.region"() ({
      %run_scoped3A = tpu.sem_alloc : memref<!tpu.dma_semaphore, #tpu.memory_space<semaphore_mem>>
      %dma_start3A_81 = tpu.memref_slice %arg3[%add3A_26] : memref<8192xi32, #tpu.memory_space<hbm>> -> memref<64xi32, #tpu.memory_space<hbm>>
      %dma_start3A_82 = tpu.memref_slice %arg3[%add3A_26] : memref<8192xi32, #tpu.memory_space<hbm>> -> memref<64xi32, #tpu.memory_space<hbm>>
      tpu.enqueue_dma source(%dma_start3A_82 : memref<64xi32, #tpu.memory_space<hbm>>) target(%arg9 : memref<64xi32, #tpu.memory_space<vmem>>) target_semaphore(%run_scoped3A : memref<!tpu.dma_semaphore, #tpu.memory_space<semaphore_mem>>)
      %dma_wait3A_83 = tpu.memref_slice %arg3[%add3A_26] : memref<8192xi32, #tpu.memory_space<hbm>> -> memref<64xi32, #tpu.memory_space<hbm>>
      %dma_wait3A_84 = tpu.memref_slice %arg3[%add3A_26] : memref<8192xi32, #tpu.memory_space<hbm>> -> memref<64xi32, #tpu.memory_space<hbm>>
      tpu.wait_dma2 semaphore(%run_scoped3A : memref<!tpu.dma_semaphore, #tpu.memory_space<semaphore_mem>>) src(%dma_wait3A_84 : memref<64xi32, #tpu.memory_space<hbm>>) dst(%arg9 : memref<64xi32, #tpu.memory_space<vmem>>)
      tpu.yield
    }) : () -> ()
    %dma_start3A_27 = arith.constant 0 : i32
    %dma_start3A_28 = arith.constant 0 : i32
    %dma_start3A_29 = tpu.memref_slice %arg2[%dma_start3A_27, %dma_start3A_28] : memref<50000x768xf32, #tpu.memory_space<hbm>> -> memref<50000x768xf32, #tpu.memory_space<hbm>>
    tpu.enqueue_indirect_dma source(%dma_start3A_29 : memref<50000x768xf32, #tpu.memory_space<hbm>>) target(%arg10 : memref<64x768xf32, #tpu.memory_space<vmem>>) offsets(%arg9 : memref<64xi32, #tpu.memory_space<vmem>>) semaphore(%arg12 : memref<!tpu.dma_semaphore, #tpu.memory_space<semaphore_mem>>)
    %dma_wait3A_30 = arith.constant 0 : i32
    %dma_wait3A_31 = arith.constant 0 : i32
    %dma_wait3A_32 = tpu.memref_slice %arg2[%dma_wait3A_30, %dma_wait3A_31] : memref<50000x768xf32, #tpu.memory_space<hbm>> -> memref<50000x768xf32, #tpu.memory_space<hbm>>
    tpu.wait_indirect_dma semaphore(%arg12 : memref<!tpu.dma_semaphore, #tpu.memory_space<semaphore_mem>>) src(%dma_wait3A_32 : memref<50000x768xf32, #tpu.memory_space<hbm>>) dst(%arg10 : memref<64x768xf32, #tpu.memory_space<vmem>>)
    %dma_start3A_33 = arith.constant 0 : i32
    %dma_start3A_34 = tpu.memref_slice %arg5[%dma_start3A_33] : memref<50000xf32, #tpu.memory_space<hbm>> -> memref<50000xf32, #tpu.memory_space<hbm>>
    tpu.enqueue_indirect_dma source(%dma_start3A_34 : memref<50000xf32, #tpu.memory_space<hbm>>) target(%arg11 : memref<64xf32, #tpu.memory_space<vmem>>) offsets(%arg9 : memref<64xi32, #tpu.memory_space<vmem>>) semaphore(%arg13 : memref<!tpu.dma_semaphore, #tpu.memory_space<semaphore_mem>>)
    %dma_wait3A_35 = arith.constant 0 : i32
    %dma_wait3A_36 = tpu.memref_slice %arg5[%dma_wait3A_35] : memref<50000xf32, #tpu.memory_space<hbm>> -> memref<50000xf32, #tpu.memory_space<hbm>>
    tpu.wait_indirect_dma semaphore(%arg13 : memref<!tpu.dma_semaphore, #tpu.memory_space<semaphore_mem>>) src(%dma_wait3A_36 : memref<50000xf32, #tpu.memory_space<hbm>>) dst(%arg11 : memref<64xf32, #tpu.memory_space<vmem>>)
    "tpu.region"() ({
      %run_scoped3A = tpu.sem_alloc : memref<!tpu.dma_semaphore, #tpu.memory_space<semaphore_mem>>
      %dma_start3A_81 = tpu.memref_slice %arg8[%add3A_26] : memref<8192xf32, #tpu.memory_space<hbm>> -> memref<64xf32, #tpu.memory_space<hbm>>
      %dma_start3A_82 = tpu.memref_slice %arg8[%add3A_26] : memref<8192xf32, #tpu.memory_space<hbm>> -> memref<64xf32, #tpu.memory_space<hbm>>
      tpu.enqueue_dma source(%arg11 : memref<64xf32, #tpu.memory_space<vmem>>) target(%dma_start3A_82 : memref<64xf32, #tpu.memory_space<hbm>>) target_semaphore(%run_scoped3A : memref<!tpu.dma_semaphore, #tpu.memory_space<semaphore_mem>>)
      %dma_wait3A_83 = tpu.memref_slice %arg8[%add3A_26] : memref<8192xf32, #tpu.memory_space<hbm>> -> memref<64xf32, #tpu.memory_space<hbm>>
      %dma_wait3A_84 = tpu.memref_slice %arg8[%add3A_26] : memref<8192xf32, #tpu.memory_space<hbm>> -> memref<64xf32, #tpu.memory_space<hbm>>
      tpu.wait_dma2 semaphore(%run_scoped3A : memref<!tpu.dma_semaphore, #tpu.memory_space<semaphore_mem>>) src(%arg11 : memref<64xf32, #tpu.memory_space<vmem>>) dst(%dma_wait3A_84 : memref<64xf32, #tpu.memory_space<hbm>>)
      tpu.yield
    }) : () -> ()
    "tpu.region"() ({
      %run_scoped3A = tpu.sem_alloc : memref<!tpu.dma_semaphore, #tpu.memory_space<semaphore_mem>>
      %dma_start3A_81 = arith.constant 0 : i32
      %dma_start3A_82 = tpu.memref_slice %arg6[%add3A_26, %dma_start3A_81] : memref<8192x768xf32, #tpu.memory_space<hbm>> -> memref<64x768xf32, #tpu.memory_space<hbm>>
      %dma_start3A_83 = arith.constant 0 : i32
      %dma_start3A_84 = tpu.memref_slice %arg6[%add3A_26, %dma_start3A_83] : memref<8192x768xf32, #tpu.memory_space<hbm>> -> memref<64x768xf32, #tpu.memory_space<hbm>>
      tpu.enqueue_dma source(%arg10 : memref<64x768xf32, #tpu.memory_space<vmem>>) target(%dma_start3A_84 : memref<64x768xf32, #tpu.memory_space<hbm>>) target_semaphore(%run_scoped3A : memref<!tpu.dma_semaphore, #tpu.memory_space<semaphore_mem>>)
      %dma_wait3A_85 = arith.constant 0 : i32
      %dma_wait3A_86 = tpu.memref_slice %arg6[%add3A_26, %dma_wait3A_85] : memref<8192x768xf32, #tpu.memory_space<hbm>> -> memref<64x768xf32, #tpu.memory_space<hbm>>
      %dma_wait3A_87 = arith.constant 0 : i32
      %dma_wait3A_88 = tpu.memref_slice %arg6[%add3A_26, %dma_wait3A_87] : memref<8192x768xf32, #tpu.memory_space<hbm>> -> memref<64x768xf32, #tpu.memory_space<hbm>>
      tpu.wait_dma2 semaphore(%run_scoped3A : memref<!tpu.dma_semaphore, #tpu.memory_space<semaphore_mem>>) src(%arg10 : memref<64x768xf32, #tpu.memory_space<vmem>>) dst(%dma_wait3A_88 : memref<64x768xf32, #tpu.memory_space<hbm>>)
      tpu.yield
    }) : () -> ()
    %add3A_37 = arith.constant 192 : i32
    %add3A_38 = arith.addi %mul3A_2, %add3A_37 : i32
    "tpu.region"() ({
      %run_scoped3A = tpu.sem_alloc : memref<!tpu.dma_semaphore, #tpu.memory_space<semaphore_mem>>
      %dma_start3A_81 = tpu.memref_slice %arg3[%add3A_38] : memref<8192xi32, #tpu.memory_space<hbm>> -> memref<64xi32, #tpu.memory_space<hbm>>
      %dma_start3A_82 = tpu.memref_slice %arg3[%add3A_38] : memref<8192xi32, #tpu.memory_space<hbm>> -> memref<64xi32, #tpu.memory_space<hbm>>
      tpu.enqueue_dma source(%dma_start3A_82 : memref<64xi32, #tpu.memory_space<hbm>>) target(%arg9 : memref<64xi32, #tpu.memory_space<vmem>>) target_semaphore(%run_scoped3A : memref<!tpu.dma_semaphore, #tpu.memory_space<semaphore_mem>>)
      %dma_wait3A_83 = tpu.memref_slice %arg3[%add3A_38] : memref<8192xi32, #tpu.memory_space<hbm>> -> memref<64xi32, #tpu.memory_space<hbm>>
      %dma_wait3A_84 = tpu.memref_slice %arg3[%add3A_38] : memref<8192xi32, #tpu.memory_space<hbm>> -> memref<64xi32, #tpu.memory_space<hbm>>
      tpu.wait_dma2 semaphore(%run_scoped3A : memref<!tpu.dma_semaphore, #tpu.memory_space<semaphore_mem>>) src(%dma_wait3A_84 : memref<64xi32, #tpu.memory_space<hbm>>) dst(%arg9 : memref<64xi32, #tpu.memory_space<vmem>>)
      tpu.yield
    }) : () -> ()
    %dma_start3A_39 = arith.constant 0 : i32
    %dma_start3A_40 = arith.constant 0 : i32
    %dma_start3A_41 = tpu.memref_slice %arg2[%dma_start3A_39, %dma_start3A_40] : memref<50000x768xf32, #tpu.memory_space<hbm>> -> memref<50000x768xf32, #tpu.memory_space<hbm>>
    tpu.enqueue_indirect_dma source(%dma_start3A_41 : memref<50000x768xf32, #tpu.memory_space<hbm>>) target(%arg10 : memref<64x768xf32, #tpu.memory_space<vmem>>) offsets(%arg9 : memref<64xi32, #tpu.memory_space<vmem>>) semaphore(%arg12 : memref<!tpu.dma_semaphore, #tpu.memory_space<semaphore_mem>>)
    %dma_wait3A_42 = arith.constant 0 : i32
    %dma_wait3A_43 = arith.constant 0 : i32
    %dma_wait3A_44 = tpu.memref_slice %arg2[%dma_wait3A_42, %dma_wait3A_43] : memref<50000x768xf32, #tpu.memory_space<hbm>> -> memref<50000x768xf32, #tpu.memory_space<hbm>>
    tpu.wait_indirect_dma semaphore(%arg12 : memref<!tpu.dma_semaphore, #tpu.memory_space<semaphore_mem>>) src(%dma_wait3A_44 : memref<50000x768xf32, #tpu.memory_space<hbm>>) dst(%arg10 : memref<64x768xf32, #tpu.memory_space<vmem>>)
    %dma_start3A_45 = arith.constant 0 : i32
    %dma_start3A_46 = tpu.memref_slice %arg5[%dma_start3A_45] : memref<50000xf32, #tpu.memory_space<hbm>> -> memref<50000xf32, #tpu.memory_space<hbm>>
    tpu.enqueue_indirect_dma source(%dma_start3A_46 : memref<50000xf32, #tpu.memory_space<hbm>>) target(%arg11 : memref<64xf32, #tpu.memory_space<vmem>>) offsets(%arg9 : memref<64xi32, #tpu.memory_space<vmem>>) semaphore(%arg13 : memref<!tpu.dma_semaphore, #tpu.memory_space<semaphore_mem>>)
    %dma_wait3A_47 = arith.constant 0 : i32
    %dma_wait3A_48 = tpu.memref_slice %arg5[%dma_wait3A_47] : memref<50000xf32, #tpu.memory_space<hbm>> -> memref<50000xf32, #tpu.memory_space<hbm>>
    tpu.wait_indirect_dma semaphore(%arg13 : memref<!tpu.dma_semaphore, #tpu.memory_space<semaphore_mem>>) src(%dma_wait3A_48 : memref<50000xf32, #tpu.memory_space<hbm>>) dst(%arg11 : memref<64xf32, #tpu.memory_space<vmem>>)
    "tpu.region"() ({
      %run_scoped3A = tpu.sem_alloc : memref<!tpu.dma_semaphore, #tpu.memory_space<semaphore_mem>>
      %dma_start3A_81 = tpu.memref_slice %arg8[%add3A_38] : memref<8192xf32, #tpu.memory_space<hbm>> -> memref<64xf32, #tpu.memory_space<hbm>>
      %dma_start3A_82 = tpu.memref_slice %arg8[%add3A_38] : memref<8192xf32, #tpu.memory_space<hbm>> -> memref<64xf32, #tpu.memory_space<hbm>>
      tpu.enqueue_dma source(%arg11 : memref<64xf32, #tpu.memory_space<vmem>>) target(%dma_start3A_82 : memref<64xf32, #tpu.memory_space<hbm>>) target_semaphore(%run_scoped3A : memref<!tpu.dma_semaphore, #tpu.memory_space<semaphore_mem>>)
      %dma_wait3A_83 = tpu.memref_slice %arg8[%add3A_38] : memref<8192xf32, #tpu.memory_space<hbm>> -> memref<64xf32, #tpu.memory_space<hbm>>
      %dma_wait3A_84 = tpu.memref_slice %arg8[%add3A_38] : memref<8192xf32, #tpu.memory_space<hbm>> -> memref<64xf32, #tpu.memory_space<hbm>>
      tpu.wait_dma2 semaphore(%run_scoped3A : memref<!tpu.dma_semaphore, #tpu.memory_space<semaphore_mem>>) src(%arg11 : memref<64xf32, #tpu.memory_space<vmem>>) dst(%dma_wait3A_84 : memref<64xf32, #tpu.memory_space<hbm>>)
      tpu.yield
    }) : () -> ()
    "tpu.region"() ({
      %run_scoped3A = tpu.sem_alloc : memref<!tpu.dma_semaphore, #tpu.memory_space<semaphore_mem>>
      %dma_start3A_81 = arith.constant 0 : i32
      %dma_start3A_82 = tpu.memref_slice %arg6[%add3A_38, %dma_start3A_81] : memref<8192x768xf32, #tpu.memory_space<hbm>> -> memref<64x768xf32, #tpu.memory_space<hbm>>
      %dma_start3A_83 = arith.constant 0 : i32
      %dma_start3A_84 = tpu.memref_slice %arg6[%add3A_38, %dma_start3A_83] : memref<8192x768xf32, #tpu.memory_space<hbm>> -> memref<64x768xf32, #tpu.memory_space<hbm>>
      tpu.enqueue_dma source(%arg10 : memref<64x768xf32, #tpu.memory_space<vmem>>) target(%dma_start3A_84 : memref<64x768xf32, #tpu.memory_space<hbm>>) target_semaphore(%run_scoped3A : memref<!tpu.dma_semaphore, #tpu.memory_space<semaphore_mem>>)
      %dma_wait3A_85 = arith.constant 0 : i32
      %dma_wait3A_86 = tpu.memref_slice %arg6[%add3A_38, %dma_wait3A_85] : memref<8192x768xf32, #tpu.memory_space<hbm>> -> memref<64x768xf32, #tpu.memory_space<hbm>>
      %dma_wait3A_87 = arith.constant 0 : i32
      %dma_wait3A_88 = tpu.memref_slice %arg6[%add3A_38, %dma_wait3A_87] : memref<8192x768xf32, #tpu.memory_space<hbm>> -> memref<64x768xf32, #tpu.memory_space<hbm>>
      tpu.wait_dma2 semaphore(%run_scoped3A : memref<!tpu.dma_semaphore, #tpu.memory_space<semaphore_mem>>) src(%arg10 : memref<64x768xf32, #tpu.memory_space<vmem>>) dst(%dma_wait3A_88 : memref<64x768xf32, #tpu.memory_space<hbm>>)
      tpu.yield
    }) : () -> ()
    %add3A_49 = arith.constant 0 : i32
    %add3A_50 = arith.addi %mul3A_2, %add3A_49 : i32
    "tpu.region"() ({
      %run_scoped3A = tpu.sem_alloc : memref<!tpu.dma_semaphore, #tpu.memory_space<semaphore_mem>>
      %dma_start3A_81 = tpu.memref_slice %arg4[%add3A_50] : memref<8192xi32, #tpu.memory_space<hbm>> -> memref<64xi32, #tpu.memory_space<hbm>>
      %dma_start3A_82 = tpu.memref_slice %arg4[%add3A_50] : memref<8192xi32, #tpu.memory_space<hbm>> -> memref<64xi32, #tpu.memory_space<hbm>>
      tpu.enqueue_dma source(%dma_start3A_82 : memref<64xi32, #tpu.memory_space<hbm>>) target(%arg9 : memref<64xi32, #tpu.memory_space<vmem>>) target_semaphore(%run_scoped3A : memref<!tpu.dma_semaphore, #tpu.memory_space<semaphore_mem>>)
      %dma_wait3A_83 = tpu.memref_slice %arg4[%add3A_50] : memref<8192xi32, #tpu.memory_space<hbm>> -> memref<64xi32, #tpu.memory_space<hbm>>
      %dma_wait3A_84 = tpu.memref_slice %arg4[%add3A_50] : memref<8192xi32, #tpu.memory_space<hbm>> -> memref<64xi32, #tpu.memory_space<hbm>>
      tpu.wait_dma2 semaphore(%run_scoped3A : memref<!tpu.dma_semaphore, #tpu.memory_space<semaphore_mem>>) src(%dma_wait3A_84 : memref<64xi32, #tpu.memory_space<hbm>>) dst(%arg9 : memref<64xi32, #tpu.memory_space<vmem>>)
      tpu.yield
    }) : () -> ()
    %dma_start3A_51 = arith.constant 0 : i32
    %dma_start3A_52 = arith.constant 0 : i32
    %dma_start3A_53 = tpu.memref_slice %arg2[%dma_start3A_51, %dma_start3A_52] : memref<50000x768xf32, #tpu.memory_space<hbm>> -> memref<50000x768xf32, #tpu.memory_space<hbm>>
    tpu.enqueue_indirect_dma source(%dma_start3A_53 : memref<50000x768xf32, #tpu.memory_space<hbm>>) target(%arg10 : memref<64x768xf32, #tpu.memory_space<vmem>>) offsets(%arg9 : memref<64xi32, #tpu.memory_space<vmem>>) semaphore(%arg12 : memref<!tpu.dma_semaphore, #tpu.memory_space<semaphore_mem>>)
    %dma_wait3A_54 = arith.constant 0 : i32
    %dma_wait3A_55 = arith.constant 0 : i32
    %dma_wait3A_56 = tpu.memref_slice %arg2[%dma_wait3A_54, %dma_wait3A_55] : memref<50000x768xf32, #tpu.memory_space<hbm>> -> memref<50000x768xf32, #tpu.memory_space<hbm>>
    tpu.wait_indirect_dma semaphore(%arg12 : memref<!tpu.dma_semaphore, #tpu.memory_space<semaphore_mem>>) src(%dma_wait3A_56 : memref<50000x768xf32, #tpu.memory_space<hbm>>) dst(%arg10 : memref<64x768xf32, #tpu.memory_space<vmem>>)
    "tpu.region"() ({
      %run_scoped3A = tpu.sem_alloc : memref<!tpu.dma_semaphore, #tpu.memory_space<semaphore_mem>>
      %dma_start3A_81 = arith.constant 0 : i32
      %dma_start3A_82 = tpu.memref_slice %arg7[%add3A_50, %dma_start3A_81] : memref<8192x768xf32, #tpu.memory_space<hbm>> -> memref<64x768xf32, #tpu.memory_space<hbm>>
      %dma_start3A_83 = arith.constant 0 : i32
      %dma_start3A_84 = tpu.memref_slice %arg7[%add3A_50, %dma_start3A_83] : memref<8192x768xf32, #tpu.memory_space<hbm>> -> memref<64x768xf32, #tpu.memory_space<hbm>>
      tpu.enqueue_dma source(%arg10 : memref<64x768xf32, #tpu.memory_space<vmem>>) target(%dma_start3A_84 : memref<64x768xf32, #tpu.memory_space<hbm>>) target_semaphore(%run_scoped3A : memref<!tpu.dma_semaphore, #tpu.memory_space<semaphore_mem>>)
      %dma_wait3A_85 = arith.constant 0 : i32
      %dma_wait3A_86 = tpu.memref_slice %arg7[%add3A_50, %dma_wait3A_85] : memref<8192x768xf32, #tpu.memory_space<hbm>> -> memref<64x768xf32, #tpu.memory_space<hbm>>
      %dma_wait3A_87 = arith.constant 0 : i32
      %dma_wait3A_88 = tpu.memref_slice %arg7[%add3A_50, %dma_wait3A_87] : memref<8192x768xf32, #tpu.memory_space<hbm>> -> memref<64x768xf32, #tpu.memory_space<hbm>>
      tpu.wait_dma2 semaphore(%run_scoped3A : memref<!tpu.dma_semaphore, #tpu.memory_space<semaphore_mem>>) src(%arg10 : memref<64x768xf32, #tpu.memory_space<vmem>>) dst(%dma_wait3A_88 : memref<64x768xf32, #tpu.memory_space<hbm>>)
      tpu.yield
    }) : () -> ()
    %add3A_57 = arith.constant 64 : i32
    %add3A_58 = arith.addi %mul3A_2, %add3A_57 : i32
    "tpu.region"() ({
      %run_scoped3A = tpu.sem_alloc : memref<!tpu.dma_semaphore, #tpu.memory_space<semaphore_mem>>
      %dma_start3A_81 = tpu.memref_slice %arg4[%add3A_58] : memref<8192xi32, #tpu.memory_space<hbm>> -> memref<64xi32, #tpu.memory_space<hbm>>
      %dma_start3A_82 = tpu.memref_slice %arg4[%add3A_58] : memref<8192xi32, #tpu.memory_space<hbm>> -> memref<64xi32, #tpu.memory_space<hbm>>
      tpu.enqueue_dma source(%dma_start3A_82 : memref<64xi32, #tpu.memory_space<hbm>>) target(%arg9 : memref<64xi32, #tpu.memory_space<vmem>>) target_semaphore(%run_scoped3A : memref<!tpu.dma_semaphore, #tpu.memory_space<semaphore_mem>>)
      %dma_wait3A_83 = tpu.memref_slice %arg4[%add3A_58] : memref<8192xi32, #tpu.memory_space<hbm>> -> memref<64xi32, #tpu.memory_space<hbm>>
      %dma_wait3A_84 = tpu.memref_slice %arg4[%add3A_58] : memref<8192xi32, #tpu.memory_space<hbm>> -> memref<64xi32, #tpu.memory_space<hbm>>
      tpu.wait_dma2 semaphore(%run_scoped3A : memref<!tpu.dma_semaphore, #tpu.memory_space<semaphore_mem>>) src(%dma_wait3A_84 : memref<64xi32, #tpu.memory_space<hbm>>) dst(%arg9 : memref<64xi32, #tpu.memory_space<vmem>>)
      tpu.yield
    }) : () -> ()
    %dma_start3A_59 = arith.constant 0 : i32
    %dma_start3A_60 = arith.constant 0 : i32
    %dma_start3A_61 = tpu.memref_slice %arg2[%dma_start3A_59, %dma_start3A_60] : memref<50000x768xf32, #tpu.memory_space<hbm>> -> memref<50000x768xf32, #tpu.memory_space<hbm>>
    tpu.enqueue_indirect_dma source(%dma_start3A_61 : memref<50000x768xf32, #tpu.memory_space<hbm>>) target(%arg10 : memref<64x768xf32, #tpu.memory_space<vmem>>) offsets(%arg9 : memref<64xi32, #tpu.memory_space<vmem>>) semaphore(%arg12 : memref<!tpu.dma_semaphore, #tpu.memory_space<semaphore_mem>>)
    %dma_wait3A_62 = arith.constant 0 : i32
    %dma_wait3A_63 = arith.constant 0 : i32
    %dma_wait3A_64 = tpu.memref_slice %arg2[%dma_wait3A_62, %dma_wait3A_63] : memref<50000x768xf32, #tpu.memory_space<hbm>> -> memref<50000x768xf32, #tpu.memory_space<hbm>>
    tpu.wait_indirect_dma semaphore(%arg12 : memref<!tpu.dma_semaphore, #tpu.memory_space<semaphore_mem>>) src(%dma_wait3A_64 : memref<50000x768xf32, #tpu.memory_space<hbm>>) dst(%arg10 : memref<64x768xf32, #tpu.memory_space<vmem>>)
    "tpu.region"() ({
      %run_scoped3A = tpu.sem_alloc : memref<!tpu.dma_semaphore, #tpu.memory_space<semaphore_mem>>
      %dma_start3A_81 = arith.constant 0 : i32
      %dma_start3A_82 = tpu.memref_slice %arg7[%add3A_58, %dma_start3A_81] : memref<8192x768xf32, #tpu.memory_space<hbm>> -> memref<64x768xf32, #tpu.memory_space<hbm>>
      %dma_start3A_83 = arith.constant 0 : i32
      %dma_start3A_84 = tpu.memref_slice %arg7[%add3A_58, %dma_start3A_83] : memref<8192x768xf32, #tpu.memory_space<hbm>> -> memref<64x768xf32, #tpu.memory_space<hbm>>
      tpu.enqueue_dma source(%arg10 : memref<64x768xf32, #tpu.memory_space<vmem>>) target(%dma_start3A_84 : memref<64x768xf32, #tpu.memory_space<hbm>>) target_semaphore(%run_scoped3A : memref<!tpu.dma_semaphore, #tpu.memory_space<semaphore_mem>>)
      %dma_wait3A_85 = arith.constant 0 : i32
      %dma_wait3A_86 = tpu.memref_slice %arg7[%add3A_58, %dma_wait3A_85] : memref<8192x768xf32, #tpu.memory_space<hbm>> -> memref<64x768xf32, #tpu.memory_space<hbm>>
      %dma_wait3A_87 = arith.constant 0 : i32
      %dma_wait3A_88 = tpu.memref_slice %arg7[%add3A_58, %dma_wait3A_87] : memref<8192x768xf32, #tpu.memory_space<hbm>> -> memref<64x768xf32, #tpu.memory_space<hbm>>
      tpu.wait_dma2 semaphore(%run_scoped3A : memref<!tpu.dma_semaphore, #tpu.memory_space<semaphore_mem>>) src(%arg10 : memref<64x768xf32, #tpu.memory_space<vmem>>) dst(%dma_wait3A_88 : memref<64x768xf32, #tpu.memory_space<hbm>>)
      tpu.yield
    }) : () -> ()
    %add3A_65 = arith.constant 128 : i32
    %add3A_66 = arith.addi %mul3A_2, %add3A_65 : i32
    "tpu.region"() ({
      %run_scoped3A = tpu.sem_alloc : memref<!tpu.dma_semaphore, #tpu.memory_space<semaphore_mem>>
      %dma_start3A_81 = tpu.memref_slice %arg4[%add3A_66] : memref<8192xi32, #tpu.memory_space<hbm>> -> memref<64xi32, #tpu.memory_space<hbm>>
      %dma_start3A_82 = tpu.memref_slice %arg4[%add3A_66] : memref<8192xi32, #tpu.memory_space<hbm>> -> memref<64xi32, #tpu.memory_space<hbm>>
      tpu.enqueue_dma source(%dma_start3A_82 : memref<64xi32, #tpu.memory_space<hbm>>) target(%arg9 : memref<64xi32, #tpu.memory_space<vmem>>) target_semaphore(%run_scoped3A : memref<!tpu.dma_semaphore, #tpu.memory_space<semaphore_mem>>)
      %dma_wait3A_83 = tpu.memref_slice %arg4[%add3A_66] : memref<8192xi32, #tpu.memory_space<hbm>> -> memref<64xi32, #tpu.memory_space<hbm>>
      %dma_wait3A_84 = tpu.memref_slice %arg4[%add3A_66] : memref<8192xi32, #tpu.memory_space<hbm>> -> memref<64xi32, #tpu.memory_space<hbm>>
      tpu.wait_dma2 semaphore(%run_scoped3A : memref<!tpu.dma_semaphore, #tpu.memory_space<semaphore_mem>>) src(%dma_wait3A_84 : memref<64xi32, #tpu.memory_space<hbm>>) dst(%arg9 : memref<64xi32, #tpu.memory_space<vmem>>)
      tpu.yield
    }) : () -> ()
    %dma_start3A_67 = arith.constant 0 : i32
    %dma_start3A_68 = arith.constant 0 : i32
    %dma_start3A_69 = tpu.memref_slice %arg2[%dma_start3A_67, %dma_start3A_68] : memref<50000x768xf32, #tpu.memory_space<hbm>> -> memref<50000x768xf32, #tpu.memory_space<hbm>>
    tpu.enqueue_indirect_dma source(%dma_start3A_69 : memref<50000x768xf32, #tpu.memory_space<hbm>>) target(%arg10 : memref<64x768xf32, #tpu.memory_space<vmem>>) offsets(%arg9 : memref<64xi32, #tpu.memory_space<vmem>>) semaphore(%arg12 : memref<!tpu.dma_semaphore, #tpu.memory_space<semaphore_mem>>)
    %dma_wait3A_70 = arith.constant 0 : i32
    %dma_wait3A_71 = arith.constant 0 : i32
    %dma_wait3A_72 = tpu.memref_slice %arg2[%dma_wait3A_70, %dma_wait3A_71] : memref<50000x768xf32, #tpu.memory_space<hbm>> -> memref<50000x768xf32, #tpu.memory_space<hbm>>
    tpu.wait_indirect_dma semaphore(%arg12 : memref<!tpu.dma_semaphore, #tpu.memory_space<semaphore_mem>>) src(%dma_wait3A_72 : memref<50000x768xf32, #tpu.memory_space<hbm>>) dst(%arg10 : memref<64x768xf32, #tpu.memory_space<vmem>>)
    "tpu.region"() ({
      %run_scoped3A = tpu.sem_alloc : memref<!tpu.dma_semaphore, #tpu.memory_space<semaphore_mem>>
      %dma_start3A_81 = arith.constant 0 : i32
      %dma_start3A_82 = tpu.memref_slice %arg7[%add3A_66, %dma_start3A_81] : memref<8192x768xf32, #tpu.memory_space<hbm>> -> memref<64x768xf32, #tpu.memory_space<hbm>>
      %dma_start3A_83 = arith.constant 0 : i32
      %dma_start3A_84 = tpu.memref_slice %arg7[%add3A_66, %dma_start3A_83] : memref<8192x768xf32, #tpu.memory_space<hbm>> -> memref<64x768xf32, #tpu.memory_space<hbm>>
      tpu.enqueue_dma source(%arg10 : memref<64x768xf32, #tpu.memory_space<vmem>>) target(%dma_start3A_84 : memref<64x768xf32, #tpu.memory_space<hbm>>) target_semaphore(%run_scoped3A : memref<!tpu.dma_semaphore, #tpu.memory_space<semaphore_mem>>)
      %dma_wait3A_85 = arith.constant 0 : i32
      %dma_wait3A_86 = tpu.memref_slice %arg7[%add3A_66, %dma_wait3A_85] : memref<8192x768xf32, #tpu.memory_space<hbm>> -> memref<64x768xf32, #tpu.memory_space<hbm>>
      %dma_wait3A_87 = arith.constant 0 : i32
      %dma_wait3A_88 = tpu.memref_slice %arg7[%add3A_66, %dma_wait3A_87] : memref<8192x768xf32, #tpu.memory_space<hbm>> -> memref<64x768xf32, #tpu.memory_space<hbm>>
      tpu.wait_dma2 semaphore(%run_scoped3A : memref<!tpu.dma_semaphore, #tpu.memory_space<semaphore_mem>>) src(%arg10 : memref<64x768xf32, #tpu.memory_space<vmem>>) dst(%dma_wait3A_88 : memref<64x768xf32, #tpu.memory_space<hbm>>)
      tpu.yield
    }) : () -> ()
    %add3A_73 = arith.constant 192 : i32
    %add3A_74 = arith.addi %mul3A_2, %add3A_73 : i32
    "tpu.region"() ({
      %run_scoped3A = tpu.sem_alloc : memref<!tpu.dma_semaphore, #tpu.memory_space<semaphore_mem>>
      %dma_start3A_81 = tpu.memref_slice %arg4[%add3A_74] : memref<8192xi32, #tpu.memory_space<hbm>> -> memref<64xi32, #tpu.memory_space<hbm>>
      %dma_start3A_82 = tpu.memref_slice %arg4[%add3A_74] : memref<8192xi32, #tpu.memory_space<hbm>> -> memref<64xi32, #tpu.memory_space<hbm>>
      tpu.enqueue_dma source(%dma_start3A_82 : memref<64xi32, #tpu.memory_space<hbm>>) target(%arg9 : memref<64xi32, #tpu.memory_space<vmem>>) target_semaphore(%run_scoped3A : memref<!tpu.dma_semaphore, #tpu.memory_space<semaphore_mem>>)
      %dma_wait3A_83 = tpu.memref_slice %arg4[%add3A_74] : memref<8192xi32, #tpu.memory_space<hbm>> -> memref<64xi32, #tpu.memory_space<hbm>>
      %dma_wait3A_84 = tpu.memref_slice %arg4[%add3A_74] : memref<8192xi32, #tpu.memory_space<hbm>> -> memref<64xi32, #tpu.memory_space<hbm>>
      tpu.wait_dma2 semaphore(%run_scoped3A : memref<!tpu.dma_semaphore, #tpu.memory_space<semaphore_mem>>) src(%dma_wait3A_84 : memref<64xi32, #tpu.memory_space<hbm>>) dst(%arg9 : memref<64xi32, #tpu.memory_space<vmem>>)
      tpu.yield
    }) : () -> ()
    %dma_start3A_75 = arith.constant 0 : i32
    %dma_start3A_76 = arith.constant 0 : i32
    %dma_start3A_77 = tpu.memref_slice %arg2[%dma_start3A_75, %dma_start3A_76] : memref<50000x768xf32, #tpu.memory_space<hbm>> -> memref<50000x768xf32, #tpu.memory_space<hbm>>
    tpu.enqueue_indirect_dma source(%dma_start3A_77 : memref<50000x768xf32, #tpu.memory_space<hbm>>) target(%arg10 : memref<64x768xf32, #tpu.memory_space<vmem>>) offsets(%arg9 : memref<64xi32, #tpu.memory_space<vmem>>) semaphore(%arg12 : memref<!tpu.dma_semaphore, #tpu.memory_space<semaphore_mem>>)
    %dma_wait3A_78 = arith.constant 0 : i32
    %dma_wait3A_79 = arith.constant 0 : i32
    %dma_wait3A_80 = tpu.memref_slice %arg2[%dma_wait3A_78, %dma_wait3A_79] : memref<50000x768xf32, #tpu.memory_space<hbm>> -> memref<50000x768xf32, #tpu.memory_space<hbm>>
    tpu.wait_indirect_dma semaphore(%arg12 : memref<!tpu.dma_semaphore, #tpu.memory_space<semaphore_mem>>) src(%dma_wait3A_80 : memref<50000x768xf32, #tpu.memory_space<hbm>>) dst(%arg10 : memref<64x768xf32, #tpu.memory_space<vmem>>)
    "tpu.region"() ({
      %run_scoped3A = tpu.sem_alloc : memref<!tpu.dma_semaphore, #tpu.memory_space<semaphore_mem>>
      %dma_start3A_81 = arith.constant 0 : i32
      %dma_start3A_82 = tpu.memref_slice %arg7[%add3A_74, %dma_start3A_81] : memref<8192x768xf32, #tpu.memory_space<hbm>> -> memref<64x768xf32, #tpu.memory_space<hbm>>
      %dma_start3A_83 = arith.constant 0 : i32
      %dma_start3A_84 = tpu.memref_slice %arg7[%add3A_74, %dma_start3A_83] : memref<8192x768xf32, #tpu.memory_space<hbm>> -> memref<64x768xf32, #tpu.memory_space<hbm>>
      tpu.enqueue_dma source(%arg10 : memref<64x768xf32, #tpu.memory_space<vmem>>) target(%dma_start3A_84 : memref<64x768xf32, #tpu.memory_space<hbm>>) target_semaphore(%run_scoped3A : memref<!tpu.dma_semaphore, #tpu.memory_space<semaphore_mem>>)
      %dma_wait3A_85 = arith.constant 0 : i32
      %dma_wait3A_86 = tpu.memref_slice %arg7[%add3A_74, %dma_wait3A_85] : memref<8192x768xf32, #tpu.memory_space<hbm>> -> memref<64x768xf32, #tpu.memory_space<hbm>>
      %dma_wait3A_87 = arith.constant 0 : i32
      %dma_wait3A_88 = tpu.memref_slice %arg7[%add3A_74, %dma_wait3A_87] : memref<8192x768xf32, #tpu.memory_space<hbm>> -> memref<64x768xf32, #tpu.memory_space<hbm>>
      tpu.wait_dma2 semaphore(%run_scoped3A : memref<!tpu.dma_semaphore, #tpu.memory_space<semaphore_mem>>) src(%arg10 : memref<64x768xf32, #tpu.memory_space<vmem>>) dst(%dma_wait3A_88 : memref<64x768xf32, #tpu.memory_space<hbm>>)
      tpu.yield
    }) : () -> ()
    return
  }
}

#map = affine_map<(d0, d1) -> (0, 0)>
#map1 = affine_map<(d0, d1) -> (0)>
module attributes {stable_mosaic.version = 14 : i64} {
  func.func @new_body(%arg0: i32, %arg1: i32, %arg2: memref<8192x768xf32, #tpu.memory_space<hbm>>, %arg3: memref<128xi32, #tpu.memory_space<hbm>>, %arg4: memref<50000x768xf32, #tpu.memory_space<hbm>>, %arg5: memref<50000x768xf32, #tpu.memory_space<hbm>>, %arg6: memref<16x768xf32, #tpu.memory_space<vmem>>, %arg7: memref<16xi32, #tpu.memory_space<vmem>>, %arg8: memref<16xi32, #tpu.memory_space<vmem>>, %arg9: memref<!tpu.dma_semaphore, #tpu.memory_space<semaphore_mem>>) attributes {dimension_semantics = [#tpu.dimension_semantics<core_parallel>, #tpu.dimension_semantics<subcore_parallel>], iteration_bounds = array<i64: 2, 16>, scalar_prefetch = 0 : i64, scratch_operands = 4 : i64, tpu.core_type = #tpu.core_type<sc_vector_subcore>, window_params = [{transform_indices = #map}, {transform_indices = #map1}, {transform_indices = #map}, {transform_indices = #map}]} {
    %mul3A = arith.constant 2 : i32
    %mul3A_0 = arith.muli %arg1, %mul3A : i32
    %add3A = arith.addi %mul3A_0, %arg0 : i32
    %eq3A = arith.constant 0 : i32
    %eq3A_1 = arith.cmpi eq, %add3A, %eq3A : i32
    %convert_element_type3A = arith.extui %eq3A_1 : i1 to i32
    %cond3A = arith.constant 0 : i32
    %cond3A_2 = arith.cmpi ne, %convert_element_type3A, %cond3A : i32
    scf.if %cond3A_2 {
      "tpu.region"() ({
        %run_scoped3A = tpu.sem_alloc : memref<!tpu.dma_semaphore, #tpu.memory_space<semaphore_mem>>
        %dma_start3A_17 = arith.constant 0 : i32
        %dma_start3A_18 = tpu.memref_slice %arg3[%dma_start3A_17] : memref<128xi32, #tpu.memory_space<hbm>> -> memref<16xi32, #tpu.memory_space<hbm>>
        %dma_start3A_19 = arith.constant 0 : i32
        %dma_start3A_20 = tpu.memref_slice %arg3[%dma_start3A_19] : memref<128xi32, #tpu.memory_space<hbm>> -> memref<16xi32, #tpu.memory_space<hbm>>
        tpu.enqueue_dma source(%dma_start3A_20 : memref<16xi32, #tpu.memory_space<hbm>>) target(%arg7 : memref<16xi32, #tpu.memory_space<vmem>>) target_semaphore(%run_scoped3A : memref<!tpu.dma_semaphore, #tpu.memory_space<semaphore_mem>>)
        %dma_wait3A_21 = arith.constant 0 : i32
        %dma_wait3A_22 = tpu.memref_slice %arg3[%dma_wait3A_21] : memref<128xi32, #tpu.memory_space<hbm>> -> memref<16xi32, #tpu.memory_space<hbm>>
        %dma_wait3A_23 = arith.constant 0 : i32
        %dma_wait3A_24 = tpu.memref_slice %arg3[%dma_wait3A_23] : memref<128xi32, #tpu.memory_space<hbm>> -> memref<16xi32, #tpu.memory_space<hbm>>
        tpu.wait_dma2 semaphore(%run_scoped3A : memref<!tpu.dma_semaphore, #tpu.memory_space<semaphore_mem>>) src(%dma_wait3A_24 : memref<16xi32, #tpu.memory_space<hbm>>) dst(%arg7 : memref<16xi32, #tpu.memory_space<vmem>>)
        tpu.yield
      }) : () -> ()
      %broadcast_in_dim3A = arith.constant 8191 : i32
      %broadcast_in_dim3A_3 = vector.broadcast %broadcast_in_dim3A : i32 to vector<16xi32>
      %swap3A = arith.constant 0 : index
      %swap3A_4 = tpu.vector_load %arg8[%swap3A] {strides = array<i32>} : memref<16xi32, #tpu.memory_space<vmem>>, vector<16xi32>,
      %swap3A_5 = vector.shape_cast %swap3A_4 : vector<16xi32> to vector<16xi32>
      %swap3A_6 = vector.shape_cast %broadcast_in_dim3A_3 : vector<16xi32> to vector<16xi32>
      tpu.vector_store %arg8[%swap3A], %swap3A_6 {strides = array<i32>} : memref<16xi32, #tpu.memory_space<vmem>>, vector<16xi32>,
      %dma_start3A = arith.constant 0 : i32
      %dma_start3A_7 = arith.constant 0 : i32
      %dma_start3A_8 = tpu.memref_slice %arg2[%dma_start3A, %dma_start3A_7] : memref<8192x768xf32, #tpu.memory_space<hbm>> -> memref<8192x768xf32, #tpu.memory_space<hbm>>
      tpu.enqueue_indirect_dma source(%dma_start3A_8 : memref<8192x768xf32, #tpu.memory_space<hbm>>) target(%arg6 : memref<16x768xf32, #tpu.memory_space<vmem>>) offsets(%arg8 : memref<16xi32, #tpu.memory_space<vmem>>) semaphore(%arg9 : memref<!tpu.dma_semaphore, #tpu.memory_space<semaphore_mem>>)
      %dma_wait3A = arith.constant 0 : i32
      %dma_wait3A_9 = arith.constant 0 : i32
      %dma_wait3A_10 = tpu.memref_slice %arg2[%dma_wait3A, %dma_wait3A_9] : memref<8192x768xf32, #tpu.memory_space<hbm>> -> memref<8192x768xf32, #tpu.memory_space<hbm>>
      tpu.wait_indirect_dma semaphore(%arg9 : memref<!tpu.dma_semaphore, #tpu.memory_space<semaphore_mem>>) src(%dma_wait3A_10 : memref<8192x768xf32, #tpu.memory_space<hbm>>) dst(%arg6 : memref<16x768xf32, #tpu.memory_space<vmem>>)
      %dma_start3A_11 = arith.constant 0 : i32
      %dma_start3A_12 = arith.constant 0 : i32
      %dma_start3A_13 = tpu.memref_slice %arg4[%dma_start3A_11, %dma_start3A_12] : memref<50000x768xf32, #tpu.memory_space<hbm>> -> memref<50000x768xf32, #tpu.memory_space<hbm>>
      tpu.enqueue_indirect_dma source(%arg6 : memref<16x768xf32, #tpu.memory_space<vmem>>) target(%dma_start3A_13 : memref<50000x768xf32, #tpu.memory_space<hbm>>) offsets(%arg7 : memref<16xi32, #tpu.memory_space<vmem>>) semaphore(%arg9 : memref<!tpu.dma_semaphore, #tpu.memory_space<semaphore_mem>>)
      %dma_wait3A_14 = arith.constant 0 : i32
      %dma_wait3A_15 = arith.constant 0 : i32
      %dma_wait3A_16 = tpu.memref_slice %arg4[%dma_wait3A_14, %dma_wait3A_15] : memref<50000x768xf32, #tpu.memory_space<hbm>> -> memref<50000x768xf32, #tpu.memory_space<hbm>>
      tpu.wait_indirect_dma semaphore(%arg9 : memref<!tpu.dma_semaphore, #tpu.memory_space<semaphore_mem>>) src(%arg6 : memref<16x768xf32, #tpu.memory_space<vmem>>) dst(%dma_wait3A_16 : memref<50000x768xf32, #tpu.memory_space<hbm>>)
    } else {
    }
    return
  }
}

module attributes {stable_mosaic.version = 14 : i64} {
  func.func @_dedup_body(%arg0: i32, %arg1: memref<1x8192xi32, #tpu.memory_space<vmem>>, %arg2: memref<1x512xi32, #tpu.memory_space<vmem>>, %arg3: memref<1x128xi32, #tpu.memory_space<vmem>>) attributes {dimension_semantics = [#tpu.dimension_semantics<arbitrary>], iteration_bounds = array<i64: 16>, scalar_prefetch = 0 : i64, scratch_operands = 0 : i64, tpu.core_type = #tpu.core_type<tc>, window_params = [{pipeline_mode = #tpu.pipeline_mode<synchronous>, transform_indices = @transform_0, window_bounds = array<i64: 1, 8192>}, {transform_indices = @transform_1, window_bounds = array<i64: 1, 512>}, {pipeline_mode = #tpu.pipeline_mode<synchronous>, transform_indices = @transform_2, window_bounds = array<i64: 1, 128>}]} {
    %mul3A = arith.constant 512 : i32
    %mul3A_0 = arith.muli %arg0, %mul3A : i32
    %get3A = arith.constant 0 : index
    %get3A_1 = arith.index_cast %mul3A_0 : i32 to index
    %get3A_2 = vector.load %arg1[%get3A, %get3A_1] : memref<1x8192xi32, #tpu.memory_space<vmem>>, vector<1x512xi32>
    %get3A_3 = vector.shape_cast %get3A_2 : vector<1x512xi32> to vector<512xi32>
    %reshape3A = vector.shape_cast %get3A_3 : vector<512xi32> to vector<512x1xi32>
    %mul3A_4 = arith.constant 512 : i32
    %mul3A_5 = arith.muli %arg0, %mul3A_4 : i32
    %iota3A = tpu.iota {dimensions = array<i32: 0>} : vector<512x1xi32>
    %add3A = vector.broadcast %mul3A_5 : i32 to vector<512x1xi32>
    %add3A_6 = arith.addi %add3A, %iota3A : vector<512x1xi32>
    %broadcast_in_dim3A = arith.constant false
    %broadcast_in_dim3A_7 = vector.broadcast %broadcast_in_dim3A : i1 to vector<512x1xi1>
    %get3A_8 = arith.constant 0 : index
    %get3A_9 = arith.constant 0 : index
    %get3A_10 = vector.load %arg1[%get3A_8, %get3A_9] : memref<1x8192xi32, #tpu.memory_space<vmem>>, vector<1x1024xi32>
    %get3A_11 = vector.shape_cast %get3A_10 : vector<1x1024xi32> to vector<1024xi32>
    %reshape3A_12 = vector.shape_cast %get3A_11 : vector<1024xi32> to vector<1x1024xi32>
    %iota3A_13 = tpu.iota {dimensions = array<i32: 1>} : vector<1x1024xi32>
    %add3A_14 = arith.constant 0 : i32
    %add3A_15 = vector.broadcast %add3A_14 : i32 to vector<1x1024xi32>
    %add3A_16 = arith.addi %add3A_15, %iota3A_13 : vector<1x1024xi32>
    %eq3A = vector.broadcast %reshape3A : vector<512x1xi32> to vector<512x1024xi32>
    %eq3A_17 = vector.broadcast %reshape3A_12 : vector<1x1024xi32> to vector<512x1024xi32>
    %eq3A_18 = arith.cmpi eq, %eq3A, %eq3A_17 : vector<512x1024xi32>
    %gt3A = vector.broadcast %add3A_16 : vector<1x1024xi32> to vector<512x1024xi32>
    %gt3A_19 = vector.broadcast %add3A_6 : vector<512x1xi32> to vector<512x1024xi32>
    %gt3A_20 = arith.cmpi sgt, %gt3A, %gt3A_19 : vector<512x1024xi32>
    %and3A = arith.andi %eq3A_18, %gt3A_20 : vector<512x1024xi1>
    %reduce_or3A = arith.constant 1.000000e+00 : f32
    %reduce_or3A_21 = arith.constant 0.000000e+00 : f32
    %reduce_or3A_22 = vector.broadcast %reduce_or3A : f32 to vector<512x1024xf32>
    %reduce_or3A_23 = vector.broadcast %reduce_or3A_21 : f32 to vector<512x1024xf32>
    %reduce_or3A_24 = arith.select %and3A, %reduce_or3A_22, %reduce_or3A_23 : vector<512x1024xi1>, vector<512x1024xf32>
    %reduce_or3A_25 = arith.constant dense<0xFF800000> : vector<512xf32>
    %reduce_or3A_26 = vector.multi_reduction <maximumf>, %reduce_or3A_24, %reduce_or3A_25 [1] : vector<512x1024xf32> to vector<512xf32>
    %reduce_or3A_27 = arith.constant 0.000000e+00 : f32
    %reduce_or3A_28 = vector.broadcast %reduce_or3A_27 : f32 to vector<512xf32>
    %reduce_or3A_29 = arith.cmpf ogt, %reduce_or3A_26, %reduce_or3A_28 : vector<512xf32>
    %broadcast_in_dim3A_30 = vector.shape_cast %reduce_or3A_29 : vector<512xi1> to vector<512x1xi1>
    %or3A = arith.ori %broadcast_in_dim3A_7, %broadcast_in_dim3A_30 : vector<512x1xi1>
    %get3A_31 = arith.constant 0 : index
    %get3A_32 = arith.constant 1024 : index
    %get3A_33 = vector.load %arg1[%get3A_31, %get3A_32] : memref<1x8192xi32, #tpu.memory_space<vmem>>, vector<1x1024xi32>
    %get3A_34 = vector.shape_cast %get3A_33 : vector<1x1024xi32> to vector<1024xi32>
    %reshape3A_35 = vector.shape_cast %get3A_34 : vector<1024xi32> to vector<1x1024xi32>
    %iota3A_36 = tpu.iota {dimensions = array<i32: 1>} : vector<1x1024xi32>
    %add3A_37 = arith.constant 1024 : i32
    %add3A_38 = vector.broadcast %add3A_37 : i32 to vector<1x1024xi32>
    %add3A_39 = arith.addi %add3A_38, %iota3A_36 : vector<1x1024xi32>
    %eq3A_40 = vector.broadcast %reshape3A : vector<512x1xi32> to vector<512x1024xi32>
    %eq3A_41 = vector.broadcast %reshape3A_35 : vector<1x1024xi32> to vector<512x1024xi32>
    %eq3A_42 = arith.cmpi eq, %eq3A_40, %eq3A_41 : vector<512x1024xi32>
    %gt3A_43 = vector.broadcast %add3A_39 : vector<1x1024xi32> to vector<512x1024xi32>
    %gt3A_44 = vector.broadcast %add3A_6 : vector<512x1xi32> to vector<512x1024xi32>
    %gt3A_45 = arith.cmpi sgt, %gt3A_43, %gt3A_44 : vector<512x1024xi32>
    %and3A_46 = arith.andi %eq3A_42, %gt3A_45 : vector<512x1024xi1>
    %reduce_or3A_47 = arith.constant 1.000000e+00 : f32
    %reduce_or3A_48 = arith.constant 0.000000e+00 : f32
    %reduce_or3A_49 = vector.broadcast %reduce_or3A_47 : f32 to vector<512x1024xf32>
    %reduce_or3A_50 = vector.broadcast %reduce_or3A_48 : f32 to vector<512x1024xf32>
    %reduce_or3A_51 = arith.select %and3A_46, %reduce_or3A_49, %reduce_or3A_50 : vector<512x1024xi1>, vector<512x1024xf32>
    %reduce_or3A_52 = arith.constant dense<0xFF800000> : vector<512xf32>
    %reduce_or3A_53 = vector.multi_reduction <maximumf>, %reduce_or3A_51, %reduce_or3A_52 [1] : vector<512x1024xf32> to vector<512xf32>
    %reduce_or3A_54 = arith.constant 0.000000e+00 : f32
    %reduce_or3A_55 = vector.broadcast %reduce_or3A_54 : f32 to vector<512xf32>
    %reduce_or3A_56 = arith.cmpf ogt, %reduce_or3A_53, %reduce_or3A_55 : vector<512xf32>
    %broadcast_in_dim3A_57 = vector.shape_cast %reduce_or3A_56 : vector<512xi1> to vector<512x1xi1>
    %or3A_58 = arith.ori %or3A, %broadcast_in_dim3A_57 : vector<512x1xi1>
    %get3A_59 = arith.constant 0 : index
    %get3A_60 = arith.constant 2048 : index
    %get3A_61 = vector.load %arg1[%get3A_59, %get3A_60] : memref<1x8192xi32, #tpu.memory_space<vmem>>, vector<1x1024xi32>
    %get3A_62 = vector.shape_cast %get3A_61 : vector<1x1024xi32> to vector<1024xi32>
    %reshape3A_63 = vector.shape_cast %get3A_62 : vector<1024xi32> to vector<1x1024xi32>
    %iota3A_64 = tpu.iota {dimensions = array<i32: 1>} : vector<1x1024xi32>
    %add3A_65 = arith.constant 2048 : i32
    %add3A_66 = vector.broadcast %add3A_65 : i32 to vector<1x1024xi32>
    %add3A_67 = arith.addi %add3A_66, %iota3A_64 : vector<1x1024xi32>
    %eq3A_68 = vector.broadcast %reshape3A : vector<512x1xi32> to vector<512x1024xi32>
    %eq3A_69 = vector.broadcast %reshape3A_63 : vector<1x1024xi32> to vector<512x1024xi32>
    %eq3A_70 = arith.cmpi eq, %eq3A_68, %eq3A_69 : vector<512x1024xi32>
    %gt3A_71 = vector.broadcast %add3A_67 : vector<1x1024xi32> to vector<512x1024xi32>
    %gt3A_72 = vector.broadcast %add3A_6 : vector<512x1xi32> to vector<512x1024xi32>
    %gt3A_73 = arith.cmpi sgt, %gt3A_71, %gt3A_72 : vector<512x1024xi32>
    %and3A_74 = arith.andi %eq3A_70, %gt3A_73 : vector<512x1024xi1>
    %reduce_or3A_75 = arith.constant 1.000000e+00 : f32
    %reduce_or3A_76 = arith.constant 0.000000e+00 : f32
    %reduce_or3A_77 = vector.broadcast %reduce_or3A_75 : f32 to vector<512x1024xf32>
    %reduce_or3A_78 = vector.broadcast %reduce_or3A_76 : f32 to vector<512x1024xf32>
    %reduce_or3A_79 = arith.select %and3A_74, %reduce_or3A_77, %reduce_or3A_78 : vector<512x1024xi1>, vector<512x1024xf32>
    %reduce_or3A_80 = arith.constant dense<0xFF800000> : vector<512xf32>
    %reduce_or3A_81 = vector.multi_reduction <maximumf>, %reduce_or3A_79, %reduce_or3A_80 [1] : vector<512x1024xf32> to vector<512xf32>
    %reduce_or3A_82 = arith.constant 0.000000e+00 : f32
    %reduce_or3A_83 = vector.broadcast %reduce_or3A_82 : f32 to vector<512xf32>
    %reduce_or3A_84 = arith.cmpf ogt, %reduce_or3A_81, %reduce_or3A_83 : vector<512xf32>
    %broadcast_in_dim3A_85 = vector.shape_cast %reduce_or3A_84 : vector<512xi1> to vector<512x1xi1>
    %or3A_86 = arith.ori %or3A_58, %broadcast_in_dim3A_85 : vector<512x1xi1>
    %get3A_87 = arith.constant 0 : index
    %get3A_88 = arith.constant 3072 : index
    %get3A_89 = vector.load %arg1[%get3A_87, %get3A_88] : memref<1x8192xi32, #tpu.memory_space<vmem>>, vector<1x1024xi32>
    %get3A_90 = vector.shape_cast %get3A_89 : vector<1x1024xi32> to vector<1024xi32>
    %reshape3A_91 = vector.shape_cast %get3A_90 : vector<1024xi32> to vector<1x1024xi32>
    %iota3A_92 = tpu.iota {dimensions = array<i32: 1>} : vector<1x1024xi32>
    %add3A_93 = arith.constant 3072 : i32
    %add3A_94 = vector.broadcast %add3A_93 : i32 to vector<1x1024xi32>
    %add3A_95 = arith.addi %add3A_94, %iota3A_92 : vector<1x1024xi32>
    %eq3A_96 = vector.broadcast %reshape3A : vector<512x1xi32> to vector<512x1024xi32>
    %eq3A_97 = vector.broadcast %reshape3A_91 : vector<1x1024xi32> to vector<512x1024xi32>
    %eq3A_98 = arith.cmpi eq, %eq3A_96, %eq3A_97 : vector<512x1024xi32>
    %gt3A_99 = vector.broadcast %add3A_95 : vector<1x1024xi32> to vector<512x1024xi32>
    %gt3A_100 = vector.broadcast %add3A_6 : vector<512x1xi32> to vector<512x1024xi32>
    %gt3A_101 = arith.cmpi sgt, %gt3A_99, %gt3A_100 : vector<512x1024xi32>
    %and3A_102 = arith.andi %eq3A_98, %gt3A_101 : vector<512x1024xi1>
    %reduce_or3A_103 = arith.constant 1.000000e+00 : f32
    %reduce_or3A_104 = arith.constant 0.000000e+00 : f32
    %reduce_or3A_105 = vector.broadcast %reduce_or3A_103 : f32 to vector<512x1024xf32>
    %reduce_or3A_106 = vector.broadcast %reduce_or3A_104 : f32 to vector<512x1024xf32>
    %reduce_or3A_107 = arith.select %and3A_102, %reduce_or3A_105, %reduce_or3A_106 : vector<512x1024xi1>, vector<512x1024xf32>
    %reduce_or3A_108 = arith.constant dense<0xFF800000> : vector<512xf32>
    %reduce_or3A_109 = vector.multi_reduction <maximumf>, %reduce_or3A_107, %reduce_or3A_108 [1] : vector<512x1024xf32> to vector<512xf32>
    %reduce_or3A_110 = arith.constant 0.000000e+00 : f32
    %reduce_or3A_111 = vector.broadcast %reduce_or3A_110 : f32 to vector<512xf32>
    %reduce_or3A_112 = arith.cmpf ogt, %reduce_or3A_109, %reduce_or3A_111 : vector<512xf32>
    %broadcast_in_dim3A_113 = vector.shape_cast %reduce_or3A_112 : vector<512xi1> to vector<512x1xi1>
    %or3A_114 = arith.ori %or3A_86, %broadcast_in_dim3A_113 : vector<512x1xi1>
    %get3A_115 = arith.constant 0 : index
    %get3A_116 = arith.constant 4096 : index
    %get3A_117 = vector.load %arg1[%get3A_115, %get3A_116] : memref<1x8192xi32, #tpu.memory_space<vmem>>, vector<1x1024xi32>
    %get3A_118 = vector.shape_cast %get3A_117 : vector<1x1024xi32> to vector<1024xi32>
    %reshape3A_119 = vector.shape_cast %get3A_118 : vector<1024xi32> to vector<1x1024xi32>
    %iota3A_120 = tpu.iota {dimensions = array<i32: 1>} : vector<1x1024xi32>
    %add3A_121 = arith.constant 4096 : i32
    %add3A_122 = vector.broadcast %add3A_121 : i32 to vector<1x1024xi32>
    %add3A_123 = arith.addi %add3A_122, %iota3A_120 : vector<1x1024xi32>
    %eq3A_124 = vector.broadcast %reshape3A : vector<512x1xi32> to vector<512x1024xi32>
    %eq3A_125 = vector.broadcast %reshape3A_119 : vector<1x1024xi32> to vector<512x1024xi32>
    %eq3A_126 = arith.cmpi eq, %eq3A_124, %eq3A_125 : vector<512x1024xi32>
    %gt3A_127 = vector.broadcast %add3A_123 : vector<1x1024xi32> to vector<512x1024xi32>
    %gt3A_128 = vector.broadcast %add3A_6 : vector<512x1xi32> to vector<512x1024xi32>
    %gt3A_129 = arith.cmpi sgt, %gt3A_127, %gt3A_128 : vector<512x1024xi32>
    %and3A_130 = arith.andi %eq3A_126, %gt3A_129 : vector<512x1024xi1>
    %reduce_or3A_131 = arith.constant 1.000000e+00 : f32
    %reduce_or3A_132 = arith.constant 0.000000e+00 : f32
    %reduce_or3A_133 = vector.broadcast %reduce_or3A_131 : f32 to vector<512x1024xf32>
    %reduce_or3A_134 = vector.broadcast %reduce_or3A_132 : f32 to vector<512x1024xf32>
    %reduce_or3A_135 = arith.select %and3A_130, %reduce_or3A_133, %reduce_or3A_134 : vector<512x1024xi1>, vector<512x1024xf32>
    %reduce_or3A_136 = arith.constant dense<0xFF800000> : vector<512xf32>
    %reduce_or3A_137 = vector.multi_reduction <maximumf>, %reduce_or3A_135, %reduce_or3A_136 [1] : vector<512x1024xf32> to vector<512xf32>
    %reduce_or3A_138 = arith.constant 0.000000e+00 : f32
    %reduce_or3A_139 = vector.broadcast %reduce_or3A_138 : f32 to vector<512xf32>
    %reduce_or3A_140 = arith.cmpf ogt, %reduce_or3A_137, %reduce_or3A_139 : vector<512xf32>
    %broadcast_in_dim3A_141 = vector.shape_cast %reduce_or3A_140 : vector<512xi1> to vector<512x1xi1>
    %or3A_142 = arith.ori %or3A_114, %broadcast_in_dim3A_141 : vector<512x1xi1>
    %get3A_143 = arith.constant 0 : index
    %get3A_144 = arith.constant 5120 : index
    %get3A_145 = vector.load %arg1[%get3A_143, %get3A_144] : memref<1x8192xi32, #tpu.memory_space<vmem>>, vector<1x1024xi32>
    %get3A_146 = vector.shape_cast %get3A_145 : vector<1x1024xi32> to vector<1024xi32>
    %reshape3A_147 = vector.shape_cast %get3A_146 : vector<1024xi32> to vector<1x1024xi32>
    %iota3A_148 = tpu.iota {dimensions = array<i32: 1>} : vector<1x1024xi32>
    %add3A_149 = arith.constant 5120 : i32
    %add3A_150 = vector.broadcast %add3A_149 : i32 to vector<1x1024xi32>
    %add3A_151 = arith.addi %add3A_150, %iota3A_148 : vector<1x1024xi32>
    %eq3A_152 = vector.broadcast %reshape3A : vector<512x1xi32> to vector<512x1024xi32>
    %eq3A_153 = vector.broadcast %reshape3A_147 : vector<1x1024xi32> to vector<512x1024xi32>
    %eq3A_154 = arith.cmpi eq, %eq3A_152, %eq3A_153 : vector<512x1024xi32>
    %gt3A_155 = vector.broadcast %add3A_151 : vector<1x1024xi32> to vector<512x1024xi32>
    %gt3A_156 = vector.broadcast %add3A_6 : vector<512x1xi32> to vector<512x1024xi32>
    %gt3A_157 = arith.cmpi sgt, %gt3A_155, %gt3A_156 : vector<512x1024xi32>
    %and3A_158 = arith.andi %eq3A_154, %gt3A_157 : vector<512x1024xi1>
    %reduce_or3A_159 = arith.constant 1.000000e+00 : f32
    %reduce_or3A_160 = arith.constant 0.000000e+00 : f32
    %reduce_or3A_161 = vector.broadcast %reduce_or3A_159 : f32 to vector<512x1024xf32>
    %reduce_or3A_162 = vector.broadcast %reduce_or3A_160 : f32 to vector<512x1024xf32>
    %reduce_or3A_163 = arith.select %and3A_158, %reduce_or3A_161, %reduce_or3A_162 : vector<512x1024xi1>, vector<512x1024xf32>
    %reduce_or3A_164 = arith.constant dense<0xFF800000> : vector<512xf32>
    %reduce_or3A_165 = vector.multi_reduction <maximumf>, %reduce_or3A_163, %reduce_or3A_164 [1] : vector<512x1024xf32> to vector<512xf32>
    %reduce_or3A_166 = arith.constant 0.000000e+00 : f32
    %reduce_or3A_167 = vector.broadcast %reduce_or3A_166 : f32 to vector<512xf32>
    %reduce_or3A_168 = arith.cmpf ogt, %reduce_or3A_165, %reduce_or3A_167 : vector<512xf32>
    %broadcast_in_dim3A_169 = vector.shape_cast %reduce_or3A_168 : vector<512xi1> to vector<512x1xi1>
    %or3A_170 = arith.ori %or3A_142, %broadcast_in_dim3A_169 : vector<512x1xi1>
    %get3A_171 = arith.constant 0 : index
    %get3A_172 = arith.constant 6144 : index
    %get3A_173 = vector.load %arg1[%get3A_171, %get3A_172] : memref<1x8192xi32, #tpu.memory_space<vmem>>, vector<1x1024xi32>
    %get3A_174 = vector.shape_cast %get3A_173 : vector<1x1024xi32> to vector<1024xi32>
    %reshape3A_175 = vector.shape_cast %get3A_174 : vector<1024xi32> to vector<1x1024xi32>
    %iota3A_176 = tpu.iota {dimensions = array<i32: 1>} : vector<1x1024xi32>
    %add3A_177 = arith.constant 6144 : i32
    %add3A_178 = vector.broadcast %add3A_177 : i32 to vector<1x1024xi32>
    %add3A_179 = arith.addi %add3A_178, %iota3A_176 : vector<1x1024xi32>
    %eq3A_180 = vector.broadcast %reshape3A : vector<512x1xi32> to vector<512x1024xi32>
    %eq3A_181 = vector.broadcast %reshape3A_175 : vector<1x1024xi32> to vector<512x1024xi32>
    %eq3A_182 = arith.cmpi eq, %eq3A_180, %eq3A_181 : vector<512x1024xi32>
    %gt3A_183 = vector.broadcast %add3A_179 : vector<1x1024xi32> to vector<512x1024xi32>
    %gt3A_184 = vector.broadcast %add3A_6 : vector<512x1xi32> to vector<512x1024xi32>
    %gt3A_185 = arith.cmpi sgt, %gt3A_183, %gt3A_184 : vector<512x1024xi32>
    %and3A_186 = arith.andi %eq3A_182, %gt3A_185 : vector<512x1024xi1>
    %reduce_or3A_187 = arith.constant 1.000000e+00 : f32
    %reduce_or3A_188 = arith.constant 0.000000e+00 : f32
    %reduce_or3A_189 = vector.broadcast %reduce_or3A_187 : f32 to vector<512x1024xf32>
    %reduce_or3A_190 = vector.broadcast %reduce_or3A_188 : f32 to vector<512x1024xf32>
    %reduce_or3A_191 = arith.select %and3A_186, %reduce_or3A_189, %reduce_or3A_190 : vector<512x1024xi1>, vector<512x1024xf32>
    %reduce_or3A_192 = arith.constant dense<0xFF800000> : vector<512xf32>
    %reduce_or3A_193 = vector.multi_reduction <maximumf>, %reduce_or3A_191, %reduce_or3A_192 [1] : vector<512x1024xf32> to vector<512xf32>
    %reduce_or3A_194 = arith.constant 0.000000e+00 : f32
    %reduce_or3A_195 = vector.broadcast %reduce_or3A_194 : f32 to vector<512xf32>
    %reduce_or3A_196 = arith.cmpf ogt, %reduce_or3A_193, %reduce_or3A_195 : vector<512xf32>
    %broadcast_in_dim3A_197 = vector.shape_cast %reduce_or3A_196 : vector<512xi1> to vector<512x1xi1>
    %or3A_198 = arith.ori %or3A_170, %broadcast_in_dim3A_197 : vector<512x1xi1>
    %get3A_199 = arith.constant 0 : index
    %get3A_200 = arith.constant 7168 : index
    %get3A_201 = vector.load %arg1[%get3A_199, %get3A_200] : memref<1x8192xi32, #tpu.memory_space<vmem>>, vector<1x1024xi32>
    %get3A_202 = vector.shape_cast %get3A_201 : vector<1x1024xi32> to vector<1024xi32>
    %reshape3A_203 = vector.shape_cast %get3A_202 : vector<1024xi32> to vector<1x1024xi32>
    %iota3A_204 = tpu.iota {dimensions = array<i32: 1>} : vector<1x1024xi32>
    %add3A_205 = arith.constant 7168 : i32
    %add3A_206 = vector.broadcast %add3A_205 : i32 to vector<1x1024xi32>
    %add3A_207 = arith.addi %add3A_206, %iota3A_204 : vector<1x1024xi32>
    %eq3A_208 = vector.broadcast %reshape3A : vector<512x1xi32> to vector<512x1024xi32>
    %eq3A_209 = vector.broadcast %reshape3A_203 : vector<1x1024xi32> to vector<512x1024xi32>
    %eq3A_210 = arith.cmpi eq, %eq3A_208, %eq3A_209 : vector<512x1024xi32>
    %gt3A_211 = vector.broadcast %add3A_207 : vector<1x1024xi32> to vector<512x1024xi32>
    %gt3A_212 = vector.broadcast %add3A_6 : vector<512x1xi32> to vector<512x1024xi32>
    %gt3A_213 = arith.cmpi sgt, %gt3A_211, %gt3A_212 : vector<512x1024xi32>
    %and3A_214 = arith.andi %eq3A_210, %gt3A_213 : vector<512x1024xi1>
    %reduce_or3A_215 = arith.constant 1.000000e+00 : f32
    %reduce_or3A_216 = arith.constant 0.000000e+00 : f32
    %reduce_or3A_217 = vector.broadcast %reduce_or3A_215 : f32 to vector<512x1024xf32>
    %reduce_or3A_218 = vector.broadcast %reduce_or3A_216 : f32 to vector<512x1024xf32>
    %reduce_or3A_219 = arith.select %and3A_214, %reduce_or3A_217, %reduce_or3A_218 : vector<512x1024xi1>, vector<512x1024xf32>
    %reduce_or3A_220 = arith.constant dense<0xFF800000> : vector<512xf32>
    %reduce_or3A_221 = vector.multi_reduction <maximumf>, %reduce_or3A_219, %reduce_or3A_220 [1] : vector<512x1024xf32> to vector<512xf32>
    %reduce_or3A_222 = arith.constant 0.000000e+00 : f32
    %reduce_or3A_223 = vector.broadcast %reduce_or3A_222 : f32 to vector<512xf32>
    %reduce_or3A_224 = arith.cmpf ogt, %reduce_or3A_221, %reduce_or3A_223 : vector<512xf32>
    %broadcast_in_dim3A_225 = vector.shape_cast %reduce_or3A_224 : vector<512xi1> to vector<512x1xi1>
    %or3A_226 = arith.ori %or3A_198, %broadcast_in_dim3A_225 : vector<512x1xi1>
    %get3A_227 = arith.constant 0 : index
    %get3A_228 = arith.constant 8191 : index
    %get3A_229 = vector.load %arg1[%get3A_227, %get3A_228] : memref<1x8192xi32, #tpu.memory_space<vmem>>, vector<1x1xi32>
    %get3A_230 = vector.extract %get3A_229[0, 0] : i32 from vector<1x1xi32>
    %broadcast_in_dim3A_231 = vector.broadcast %get3A_230 : i32 to vector<512x1xi32>
    %select_n3A = arith.select %or3A_226, %broadcast_in_dim3A_231, %reshape3A : vector<512x1xi1>, vector<512x1xi32>
    %reshape3A_232 = vector.shape_cast %select_n3A : vector<512x1xi32> to vector<1x512xi32>
    %swap3A = arith.constant 0 : index
    %swap3A_233 = arith.constant 0 : index
    %swap3A_234 = vector.load %arg2[%swap3A, %swap3A_233] : memref<1x512xi32, #tpu.memory_space<vmem>>, vector<1x512xi32>
    tpu.vector_store %arg2[%swap3A, %swap3A_233], %reshape3A_232 {strides = array<i32>} : memref<1x512xi32, #tpu.memory_space<vmem>>, vector<1x512xi32>,
    %broadcast_in_dim3A_235 = vector.broadcast %get3A_230 : i32 to vector<1x128xi32>
    %swap3A_236 = arith.constant 0 : index
    %swap3A_237 = arith.constant 0 : index
    %swap3A_238 = vector.load %arg3[%swap3A_236, %swap3A_237] : memref<1x128xi32, #tpu.memory_space<vmem>>, vector<1x128xi32>
    tpu.vector_store %arg3[%swap3A_236, %swap3A_237], %broadcast_in_dim3A_235 {strides = array<i32>} : memref<1x128xi32, #tpu.memory_space<vmem>>, vector<1x128xi32>,
    return
  }
  func.func @transform_0(%arg0: i32) -> (i32, i32) {
    %c0_i32 = arith.constant 0 : i32
    %c0_i32_0 = arith.constant 0 : i32
    %c0_i32_1 = arith.constant 0 : i32
    return %c0_i32, %c0_i32_0 : i32, i32
  }
  func.func @transform_1(%arg0: i32) -> (i32, i32) {
    %c0_i32 = arith.constant 0 : i32
    %c0_i32_0 = arith.constant 0 : i32
    return %c0_i32, %arg0 : i32, i32
  }
  func.func @transform_2(%arg0: i32) -> (i32, i32) {
    %c0_i32 = arith.constant 0 : i32
    %c0_i32_0 = arith.constant 0 : i32
    %c0_i32_1 = arith.constant 0 : i32
    return %c0_i32, %c0_i32_0 : i32, i32
  }
}

module attributes {stable_mosaic.version = 14 : i64} {
  func.func @_compute_body(%arg0: i32, %arg1: memref<512x1xf32, #tpu.memory_space<vmem>>, %arg2: memref<512x768xf32, #tpu.memory_space<vmem>>, %arg3: memref<512x768xf32, #tpu.memory_space<vmem>>, %arg4: memref<1x768xf32, #tpu.memory_space<vmem>>, %arg5: memref<1x768xf32, #tpu.memory_space<vmem>>, %arg6: memref<2304x1152xbf16, #tpu.memory_space<vmem>>, %arg7: memref<1x1152xf32, #tpu.memory_space<vmem>>, %arg8: memref<1152x128xbf16, #tpu.memory_space<vmem>>, %arg9: memref<1x128xf32, #tpu.memory_space<vmem>>, %arg10: memref<128x2304xbf16, #tpu.memory_space<vmem>>, %arg11: memref<768x2304xbf16, #tpu.memory_space<vmem>>, %arg12: memref<1x2304xf32, #tpu.memory_space<vmem>>, %arg13: memref<512x768xf32, #tpu.memory_space<vmem>>) attributes {dimension_semantics = [#tpu.dimension_semantics<arbitrary>], iteration_bounds = array<i64: 16>, scalar_prefetch = 0 : i64, scratch_operands = 0 : i64, tpu.core_type = #tpu.core_type<tc>, window_params = [{transform_indices = @transform_0, window_bounds = array<i64: 512, 1>}, {transform_indices = @transform_1, window_bounds = array<i64: 512, 768>}, {transform_indices = @transform_2, window_bounds = array<i64: 512, 768>}, {pipeline_mode = #tpu.pipeline_mode<synchronous>, transform_indices = @transform_3, window_bounds = array<i64: 1, 768>}, {pipeline_mode = #tpu.pipeline_mode<synchronous>, transform_indices = @transform_4, window_bounds = array<i64: 1, 768>}, {pipeline_mode = #tpu.pipeline_mode<synchronous>, transform_indices = @transform_5, window_bounds = array<i64: 2304, 1152>}, {pipeline_mode = #tpu.pipeline_mode<synchronous>, transform_indices = @transform_6, window_bounds = array<i64: 1, 1152>}, {pipeline_mode = #tpu.pipeline_mode<synchronous>, transform_indices = @transform_7, window_bounds = array<i64: 1152, 128>}, {pipeline_mode = #tpu.pipeline_mode<synchronous>, transform_indices = @transform_8, window_bounds = array<i64: 1, 128>}, {pipeline_mode = #tpu.pipeline_mode<synchronous>, transform_indices = @transform_9, window_bounds = array<i64: 128, 2304>}, {pipeline_mode = #tpu.pipeline_mode<synchronous>, transform_indices = @transform_10, window_bounds = array<i64: 768, 2304>}, {pipeline_mode = #tpu.pipeline_mode<synchronous>, transform_indices = @transform_11, window_bounds = array<i64: 1, 2304>}, {transform_indices = @transform_12, window_bounds = array<i64: 512, 768>}]} {
    %get3A = arith.constant 0 : index
    %get3A_0 = arith.constant 0 : index
    %get3A_1 = vector.load %arg1[%get3A, %get3A_0] : memref<512x1xf32, #tpu.memory_space<vmem>>, vector<512x1xf32>
    %get3A_2 = arith.constant 0 : index
    %get3A_3 = arith.constant 0 : index
    %get3A_4 = vector.load %arg2[%get3A_2, %get3A_3] : memref<512x768xf32, #tpu.memory_space<vmem>>, vector<512x768xf32>
    %get3A_5 = arith.constant 0 : index
    %get3A_6 = arith.constant 0 : index
    %get3A_7 = vector.load %arg3[%get3A_5, %get3A_6] : memref<512x768xf32, #tpu.memory_space<vmem>>, vector<512x768xf32>
    %get3A_8 = arith.constant 0 : index
    %get3A_9 = arith.constant 0 : index
    %get3A_10 = vector.load %arg4[%get3A_8, %get3A_9] : memref<1x768xf32, #tpu.memory_space<vmem>>, vector<1x768xf32>
    %mul3A = vector.broadcast %get3A_1 : vector<512x1xf32> to vector<512x768xf32>
    %mul3A_11 = vector.broadcast %get3A_10 : vector<1x768xf32> to vector<512x768xf32>
    %mul3A_12 = arith.mulf %mul3A, %mul3A_11 : vector<512x768xf32>
    %get3A_13 = arith.constant 0 : index
    %get3A_14 = arith.constant 0 : index
    %get3A_15 = vector.load %arg5[%get3A_13, %get3A_14] : memref<1x768xf32, #tpu.memory_space<vmem>>, vector<1x768xf32>
    %add3A = vector.broadcast %get3A_15 : vector<1x768xf32> to vector<512x768xf32>
    %add3A_16 = arith.addf %mul3A_12, %add3A : vector<512x768xf32>
    %add3A_17 = arith.constant 0x4B400000 : f32
    %add3A_18 = vector.broadcast %add3A_17 : f32 to vector<512x768xf32>
    %add3A_19 = arith.addf %add3A_16, %add3A_18 : vector<512x768xf32>
    %sub3A = arith.constant 0x4B400000 : f32
    %sub3A_20 = vector.broadcast %sub3A : f32 to vector<512x768xf32>
    %sub3A_21 = arith.subf %add3A_19, %sub3A_20 : vector<512x768xf32>
    %sub3A_22 = arith.subf %add3A_16, %sub3A_21 : vector<512x768xf32>
    %mul3A_23 = arith.mulf %sub3A_22, %sub3A_22 : vector<512x768xf32>
    %mul3A_24 = arith.constant -21.2827759 : f32
    %mul3A_25 = vector.broadcast %mul3A_24 : f32 to vector<512x768xf32>
    %mul3A_26 = arith.mulf %mul3A_23, %mul3A_25 : vector<512x768xf32>
    %add3A_27 = arith.constant 58.9124222 : f32
    %add3A_28 = vector.broadcast %add3A_27 : f32 to vector<512x768xf32>
    %add3A_29 = arith.addf %add3A_28, %mul3A_26 : vector<512x768xf32>
    %mul3A_30 = arith.mulf %mul3A_23, %add3A_29 : vector<512x768xf32>
    %add3A_31 = arith.constant -85.2959442 : f32
    %add3A_32 = vector.broadcast %add3A_31 : f32 to vector<512x768xf32>
    %add3A_33 = arith.addf %add3A_32, %mul3A_30 : vector<512x768xf32>
    %mul3A_34 = arith.mulf %mul3A_23, %add3A_33 : vector<512x768xf32>
    %add3A_35 = arith.constant 64.9306107 : f32
    %add3A_36 = vector.broadcast %add3A_35 : f32 to vector<512x768xf32>
    %add3A_37 = arith.addf %add3A_36, %mul3A_34 : vector<512x768xf32>
    %mul3A_38 = arith.mulf %mul3A_23, %add3A_37 : vector<512x768xf32>
    %add3A_39 = arith.constant -19.7390347 : f32
    %add3A_40 = vector.broadcast %add3A_39 : f32 to vector<512x768xf32>
    %add3A_41 = arith.addf %add3A_40, %mul3A_38 : vector<512x768xf32>
    %mul3A_42 = arith.mulf %mul3A_23, %add3A_41 : vector<512x768xf32>
    %add3A_43 = arith.constant 0.999999463 : f32
    %add3A_44 = vector.broadcast %add3A_43 : f32 to vector<512x768xf32>
    %add3A_45 = arith.addf %add3A_44, %mul3A_42 : vector<512x768xf32>
    %get3A_46 = arith.constant 0 : index
    %get3A_47 = arith.constant 0 : index
    %get3A_48 = vector.load %arg6[%get3A_46, %get3A_47] : memref<2304x1152xbf16, #tpu.memory_space<vmem>>, vector<2304x1152xbf16>
    %convert_element_type3A = arith.truncf %get3A_4 : vector<512x768xf32> to vector<512x768xbf16>
    %slice3A = vector.extract_strided_slice %get3A_48 {offsets = [0, 0], sizes = [768, 1152], strides = [1, 1]} : vector<2304x1152xbf16> to vector<768x1152xbf16>
    %dot_general3A = arith.constant dense<0.000000e+00> : vector<512x1152xf32>
    %dot_general3A_49 = tpu.matmul %convert_element_type3A, %slice3A, %dot_general3A {dimension_numbers = #tpu.dot_dimension_numbers<[1], [0], [0], [1], [0, 0, 1, 1], [], []>, transpose_lhs_hint = false} : vector<512x768xbf16>, vector<768x1152xbf16>, vector<512x1152xf32> -> vector<512x1152xf32>
    %convert_element_type3A_50 = arith.truncf %get3A_7 : vector<512x768xf32> to vector<512x768xbf16>
    %slice3A_51 = vector.extract_strided_slice %get3A_48 {offsets = [768, 0], sizes = [768, 1152], strides = [1, 1]} : vector<2304x1152xbf16> to vector<768x1152xbf16>
    %dot_general3A_52 = arith.constant dense<0.000000e+00> : vector<512x1152xf32>
    %dot_general3A_53 = tpu.matmul %convert_element_type3A_50, %slice3A_51, %dot_general3A_52 {dimension_numbers = #tpu.dot_dimension_numbers<[1], [0], [0], [1], [0, 0, 1, 1], [], []>, transpose_lhs_hint = false} : vector<512x768xbf16>, vector<768x1152xbf16>, vector<512x1152xf32> -> vector<512x1152xf32>
    %add3A_54 = arith.addf %dot_general3A_49, %dot_general3A_53 : vector<512x1152xf32>
    %convert_element_type3A_55 = arith.truncf %add3A_45 : vector<512x768xf32> to vector<512x768xbf16>
    %slice3A_56 = vector.extract_strided_slice %get3A_48 {offsets = [1536, 0], sizes = [768, 1152], strides = [1, 1]} : vector<2304x1152xbf16> to vector<768x1152xbf16>
    %dot_general3A_57 = arith.constant dense<0.000000e+00> : vector<512x1152xf32>
    %dot_general3A_58 = tpu.matmul %convert_element_type3A_55, %slice3A_56, %dot_general3A_57 {dimension_numbers = #tpu.dot_dimension_numbers<[1], [0], [0], [1], [0, 0, 1, 1], [], []>, transpose_lhs_hint = false} : vector<512x768xbf16>, vector<768x1152xbf16>, vector<512x1152xf32> -> vector<512x1152xf32>
    %add3A_59 = arith.addf %add3A_54, %dot_general3A_58 : vector<512x1152xf32>
    %get3A_60 = arith.constant 0 : index
    %get3A_61 = arith.constant 0 : index
    %get3A_62 = vector.load %arg7[%get3A_60, %get3A_61] : memref<1x1152xf32, #tpu.memory_space<vmem>>, vector<1x1152xf32>
    %add3A_63 = vector.broadcast %get3A_62 : vector<1x1152xf32> to vector<512x1152xf32>
    %add3A_64 = arith.addf %add3A_59, %add3A_63 : vector<512x1152xf32>
    %max3A = arith.constant 0.000000e+00 : f32
    %max3A_65 = vector.broadcast %max3A : f32 to vector<512x1152xf32>
    %max3A_66 = arith.maximumf %add3A_64, %max3A_65 : vector<512x1152xf32>
    %convert_element_type3A_67 = arith.truncf %max3A_66 : vector<512x1152xf32> to vector<512x1152xbf16>
    %get3A_68 = arith.constant 0 : index
    %get3A_69 = arith.constant 0 : index
    %get3A_70 = vector.load %arg8[%get3A_68, %get3A_69] : memref<1152x128xbf16, #tpu.memory_space<vmem>>, vector<1152x128xbf16>
    %dot_general3A_71 = arith.constant dense<0.000000e+00> : vector<512x128xf32>
    %dot_general3A_72 = tpu.matmul %convert_element_type3A_67, %get3A_70, %dot_general3A_71 {dimension_numbers = #tpu.dot_dimension_numbers<[1], [0], [0], [1], [0, 0, 1, 1], [], []>, transpose_lhs_hint = false} : vector<512x1152xbf16>, vector<1152x128xbf16>, vector<512x128xf32> -> vector<512x128xf32>
    %get3A_73 = arith.constant 0 : index
    %get3A_74 = arith.constant 0 : index
    %get3A_75 = vector.load %arg9[%get3A_73, %get3A_74] : memref<1x128xf32, #tpu.memory_space<vmem>>, vector<1x128xf32>
    %add3A_76 = vector.broadcast %get3A_75 : vector<1x128xf32> to vector<512x128xf32>
    %add3A_77 = arith.addf %dot_general3A_72, %add3A_76 : vector<512x128xf32>
    %convert_element_type3A_78 = arith.truncf %add3A_77 : vector<512x128xf32> to vector<512x128xbf16>
    %get3A_79 = arith.constant 0 : index
    %get3A_80 = arith.constant 0 : index
    %get3A_81 = vector.load %arg10[%get3A_79, %get3A_80] : memref<128x2304xbf16, #tpu.memory_space<vmem>>, vector<128x2304xbf16>
    %dot_general3A_82 = arith.constant dense<0.000000e+00> : vector<512x2304xf32>
    %dot_general3A_83 = tpu.matmul %convert_element_type3A_78, %get3A_81, %dot_general3A_82 {dimension_numbers = #tpu.dot_dimension_numbers<[1], [0], [0], [1], [0, 0, 1, 1], [], []>, transpose_lhs_hint = false} : vector<512x128xbf16>, vector<128x2304xbf16>, vector<512x2304xf32> -> vector<512x2304xf32>
    %get3A_84 = arith.constant 0 : index
    %get3A_85 = arith.constant 0 : index
    %get3A_86 = vector.load %arg12[%get3A_84, %get3A_85] : memref<1x2304xf32, #tpu.memory_space<vmem>>, vector<1x2304xf32>
    %add3A_87 = vector.broadcast %get3A_86 : vector<1x2304xf32> to vector<512x2304xf32>
    %add3A_88 = arith.addf %dot_general3A_83, %add3A_87 : vector<512x2304xf32>
    %get3A_89 = arith.constant 0 : index
    %get3A_90 = arith.constant 0 : index
    %get3A_91 = vector.load %arg11[%get3A_89, %get3A_90] : memref<768x2304xbf16, #tpu.memory_space<vmem>>, vector<768x2304xbf16>
    %dot_general3A_92 = arith.constant dense<0.000000e+00> : vector<512x2304xf32>
    %dot_general3A_93 = tpu.matmul %convert_element_type3A, %get3A_91, %dot_general3A_92 {dimension_numbers = #tpu.dot_dimension_numbers<[1], [0], [0], [1], [0, 0, 1, 1], [], []>, transpose_lhs_hint = false} : vector<512x768xbf16>, vector<768x2304xbf16>, vector<512x2304xf32> -> vector<512x2304xf32>
    %slice3A_94 = vector.extract_strided_slice %add3A_88 {offsets = [0, 0], sizes = [512, 768], strides = [1, 1]} : vector<512x2304xf32> to vector<512x768xf32>
    %slice3A_95 = vector.extract_strided_slice %add3A_88 {offsets = [0, 768], sizes = [512, 768], strides = [1, 1]} : vector<512x2304xf32> to vector<512x768xf32>
    %slice3A_96 = vector.extract_strided_slice %add3A_88 {offsets = [0, 1536], sizes = [512, 768], strides = [1, 1]} : vector<512x2304xf32> to vector<512x768xf32>
    %slice3A_97 = vector.extract_strided_slice %dot_general3A_93 {offsets = [0, 0], sizes = [512, 768], strides = [1, 1]} : vector<512x2304xf32> to vector<512x768xf32>
    %slice3A_98 = vector.extract_strided_slice %dot_general3A_93 {offsets = [0, 768], sizes = [512, 768], strides = [1, 1]} : vector<512x2304xf32> to vector<512x768xf32>
    %slice3A_99 = vector.extract_strided_slice %dot_general3A_93 {offsets = [0, 1536], sizes = [512, 768], strides = [1, 1]} : vector<512x2304xf32> to vector<512x768xf32>
    %add3A_100 = arith.addf %slice3A_94, %slice3A_97 : vector<512x768xf32>
    %logistic3A = arith.negf %add3A_100 : vector<512x768xf32>
    %logistic3A_101 = math.exp %logistic3A : vector<512x768xf32>
    %logistic3A_102 = arith.constant 1.000000e+00 : f32
    %logistic3A_103 = vector.broadcast %logistic3A_102 : f32 to vector<512x768xf32>
    %logistic3A_104 = arith.addf %logistic3A_103, %logistic3A_101 : vector<512x768xf32>
    %logistic3A_105 = arith.divf %logistic3A_103, %logistic3A_104 : vector<512x768xf32>
    %add3A_106 = arith.addf %slice3A_95, %slice3A_98 : vector<512x768xf32>
    %logistic3A_107 = arith.negf %add3A_106 : vector<512x768xf32>
    %logistic3A_108 = math.exp %logistic3A_107 : vector<512x768xf32>
    %logistic3A_109 = arith.constant 1.000000e+00 : f32
    %logistic3A_110 = vector.broadcast %logistic3A_109 : f32 to vector<512x768xf32>
    %logistic3A_111 = arith.addf %logistic3A_110, %logistic3A_108 : vector<512x768xf32>
    %logistic3A_112 = arith.divf %logistic3A_110, %logistic3A_111 : vector<512x768xf32>
    %mul3A_113 = arith.mulf %logistic3A_105, %slice3A_99 : vector<512x768xf32>
    %add3A_114 = arith.addf %slice3A_96, %mul3A_113 : vector<512x768xf32>
    %tanh3A = math.tanh %add3A_114 : vector<512x768xf32>
    %sub3A_115 = arith.constant 1.000000e+00 : f32
    %sub3A_116 = vector.broadcast %sub3A_115 : f32 to vector<512x768xf32>
    %sub3A_117 = arith.subf %sub3A_116, %logistic3A_112 : vector<512x768xf32>
    %mul3A_118 = arith.mulf %sub3A_117, %tanh3A : vector<512x768xf32>
    %mul3A_119 = arith.mulf %logistic3A_112, %get3A_4 : vector<512x768xf32>
    %add3A_120 = arith.addf %mul3A_118, %mul3A_119 : vector<512x768xf32>
    %swap3A = arith.constant 0 : index
    %swap3A_121 = arith.constant 0 : index
    %swap3A_122 = vector.load %arg13[%swap3A, %swap3A_121] : memref<512x768xf32, #tpu.memory_space<vmem>>, vector<512x768xf32>
    tpu.vector_store %arg13[%swap3A, %swap3A_121], %add3A_120 {strides = array<i32>} : memref<512x768xf32, #tpu.memory_space<vmem>>, vector<512x768xf32>,
    return
  }
  func.func @transform_0(%arg0: i32) -> (i32, i32) {
    %c0_i32 = arith.constant 0 : i32
    %c0_i32_0 = arith.constant 0 : i32
    return %arg0, %c0_i32 : i32, i32
  }
  func.func @transform_1(%arg0: i32) -> (i32, i32) {
    %c0_i32 = arith.constant 0 : i32
    %c0_i32_0 = arith.constant 0 : i32
    return %arg0, %c0_i32 : i32, i32
  }
  func.func @transform_2(%arg0: i32) -> (i32, i32) {
    %c0_i32 = arith.constant 0 : i32
    %c0_i32_0 = arith.constant 0 : i32
    return %arg0, %c0_i32 : i32, i32
  }
  func.func @transform_3(%arg0: i32) -> (i32, i32) {
    %c0_i32 = arith.constant 0 : i32
    %c0_i32_0 = arith.constant 0 : i32
    %c0_i32_1 = arith.constant 0 : i32
    return %c0_i32, %c0_i32_0 : i32, i32
  }
  func.func @transform_4(%arg0: i32) -> (i32, i32) {
    %c0_i32 = arith.constant 0 : i32
    %c0_i32_0 = arith.constant 0 : i32
    %c0_i32_1 = arith.constant 0 : i32
    return %c0_i32, %c0_i32_0 : i32, i32
  }
  func.func @transform_5(%arg0: i32) -> (i32, i32) {
    %c0_i32 = arith.constant 0 : i32
    %c0_i32_0 = arith.constant 0 : i32
    %c0_i32_1 = arith.constant 0 : i32
    return %c0_i32, %c0_i32_0 : i32, i32
  }
  func.func @transform_6(%arg0: i32) -> (i32, i32) {
    %c0_i32 = arith.constant 0 : i32
    %c0_i32_0 = arith.constant 0 : i32
    %c0_i32_1 = arith.constant 0 : i32
    return %c0_i32, %c0_i32_0 : i32, i32
  }
  func.func @transform_7(%arg0: i32) -> (i32, i32) {
    %c0_i32 = arith.constant 0 : i32
    %c0_i32_0 = arith.constant 0 : i32
    %c0_i32_1 = arith.constant 0 : i32
    return %c0_i32, %c0_i32_0 : i32, i32
  }
  func.func @transform_8(%arg0: i32) -> (i32, i32) {
    %c0_i32 = arith.constant 0 : i32
    %c0_i32_0 = arith.constant 0 : i32
    %c0_i32_1 = arith.constant 0 : i32
    return %c0_i32, %c0_i32_0 : i32, i32
  }
  func.func @transform_9(%arg0: i32) -> (i32, i32) {
    %c0_i32 = arith.constant 0 : i32
    %c0_i32_0 = arith.constant 0 : i32
    %c0_i32_1 = arith.constant 0 : i32
    return %c0_i32, %c0_i32_0 : i32, i32
  }
  func.func @transform_10(%arg0: i32) -> (i32, i32) {
    %c0_i32 = arith.constant 0 : i32
    %c0_i32_0 = arith.constant 0 : i32
    %c0_i32_1 = arith.constant 0 : i32
    return %c0_i32, %c0_i32_0 : i32, i32
  }
  func.func @transform_11(%arg0: i32) -> (i32, i32) {
    %c0_i32 = arith.constant 0 : i32
    %c0_i32_0 = arith.constant 0 : i32
    %c0_i32_1 = arith.constant 0 : i32
    return %c0_i32, %c0_i32_0 : i32, i32
  }
  func.func @transform_12(%arg0: i32) -> (i32, i32) {
    %c0_i32 = arith.constant 0 : i32
    %c0_i32_0 = arith.constant 0 : i32
    return %arg0, %c0_i32 : i32, i32
  }
}

</mosaic_0001>

<sc_bundles>
// kernel: kernel.11.cloned.1.call-start
scs
__scs_entry_jumppad:
0x0: {  	(pc) =	sbr.rel $0x88, $3  }
0x1: {  	(tag) =	ssettag $0x0;
	lr =	simm.s32 $0x1  }
0x2: {  	[smem:$0x3F93] =	sst lr;
	_ =	strace $0xD0000000  }
0x3: {  	_ = 	snop  }
0x4: {  	_ = 	snop  }
0x5: {  	_ = 	snop  }
0x6: {  	_ = 	snop  }
0x7: {  	_ = 	snop  }
__scs_overlays_trampoline_lowered:
0x8: {  	[smem:$0x3FA2] =	sst s0  }
0x9: {  	[smem:$0x3FA3] =	sst s1  }
0xa: {  	[smem:$0x3FA4] =	sst s2  }
0xb: {  	[smem:$0x3FA5] =	sst s3  }
0xc: {  	[smem:$0x3FA6] =	sst s4  }
0xd: {  	[smem:$0x3FA7] =	sst s5  }
0xe: {  	[smem:$0x3FA8] =	sst s6  }
0xf: {  	[smem:$0x3FA9] =	sst s7  }
0x10: {  	[smem:$0x3FAA] =	sst s8  }
0x11: {  	[smem:$0x3FAB] =	sst s9;
	s0 =	simm.s32 @!p0 $0x0  }
0x12: {  	s1 =	sld [smem:$0x3F91];
	s0 =	simm.s32 @p0 $0x1  }
0x13: {  	[smem:$0x3FAC] =	sst s0;
	s0 =	simm.s32 @!p1 $0x0  }
0x14: {  	s2 =	sld [smem:$0x3F90];
	s0 =	simm.s32 @p1 $0x1  }
0x15: {  	[smem:$0x3FAD] =	sst s0;
	s0 =	simm.s32 @!p2 $0x0  }
0x16: {  	s3 =	sld [smem:$0x3FDB];
	s0 =	simm.s32 @p2 $0x1  }
0x17: {  	s4 =	simm.s32 $0x1BF5;
	[smem:$0x3FAF] =	sst s0  }
0x18: {  	s0 =	sld [smem:$0x3F92];
	_ =	swait.ge [sflag:s4], $0x0  }
0x19: {  	s7 =	sld [smem:$0x3F93]  }
0x1a: {  	s8 =	sadd.s32 $0xFFFFE003, lr  }
0x1b: {  	s9 =	sadd.s32 $0xFFFFFEF7, lr;
	s5 =	simm.s32 $0xFFFFFFFF;
	p2 =	slt.u32 s8, $0xFFFFF086  }
0x1c: {  	p1 =	slt.u32 s9, $0xF7A;
	s5 =	simm.s32 @!p2 $0x0  }
0x1d: {  	s5 =	simm.s32 @p1 $0x1;
	p0 =	seq.s32 s7, s2  }
0x1e: {  	s7 =	smul.u32 @!p0 $0xF7A, s2;
	p2 =	seq.s32 @!p0 s5, $0x0  }
0x1f: {  	s9 =	smul.u32 $0xF7A, s1;
	s8 =	simm.s32 @!p0 $0x1BF5;
	p2 =	por !p2, p0  }
0x20: {  	[sflag:s8] =	ssyncset.s32 @!p0 $0xFFFFF086;
	s6 =	sadd.s32 @!p0 s3, s7;
	s7 =	simm.s32 @!p0 $0x108  }
0x21: {  	s3 =	sadd.s32 s3, s9;
	s6 =	sadd.s32 @!p0 $0x88, s6;
	s7 =	simm.s32 @p2 $0x1082  }
0x22: {  	[simem:s7], [sflag:s8] =	dma.local @!p0 [hbm:s6], $0xF7A  }
0x23: {  	s9 =	sor.u32 $0xD0000000, s2;
	s6 =	simm.s32 $0x108;
	_ =	swait.ge @!p0 [sflag:s8], $0x0  }
0x24: {  	s3 =	sadd.s32 $0x88, s3;
	s6 =	simm.s32 @!p1 $0x1082;
	[sflag:s4] =	ssyncset.s32 $0xFFFFF086  }
0x25: {  	[simem:s6], [sflag:s4] =	dma.local [hbm:s3], $0xF7A  }
0x26: {  	[smem:$0x3F93] =	sst s1;
	(tag) =	ssettag s2;
	_ =	strace s9  }
0x27: {  	s1 =	sld [smem:$0x3FA3]  }
0x28: {  	s2 =	sld [smem:$0x3FA4]  }
0x29: {  	s4 =	sld [smem:$0x3FA6]  }
0x2a: {  	p0 =	seq.s32 s5, $0x0;
	s5 =	sld [smem:$0x3FA7]  }
0x2b: {  	s6 =	sld [smem:$0x3FA8]  }
0x2c: {  	s7 =	sld [smem:$0x3FA9]  }
0x2d: {  	s3 =	simm.s32 $0x108;
	s8 =	sld [smem:$0x3FAA]  }
0x2e: {  	s3 =	simm.s32 @!p0 $0x1082;
	s9 =	sld [smem:$0x3FAB]  }
0x2f: {  	lr =	sadd.s32 s0, s3;
	s0 =	sld [smem:$0x3FA2]  }
0x30: {  	s3 =	sld [smem:$0x3FA5]  }
0x31: {  	[smem:$0x3FAE] =	sst s10  }
0x32: {  	s10 =	sld [smem:$0x3FAC];
	_ =	sdelay $0x3  }
0x33: {  	p0 =	seq.s32 s10, $0x1;
	s10 =	sld [smem:$0x3FAE];
	_ =	sdelay $0x3  }
0x34: {  	[smem:$0x3FAE] =	sst s10  }
0x35: {  	s10 =	sld [smem:$0x3FAD];
	_ =	sdelay $0x3  }
0x36: {  	p1 =	seq.s32 s10, $0x1;
	s10 =	sld [smem:$0x3FAE];
	_ =	sdelay $0x3  }
0x37: {  	[smem:$0x3FAE] =	sst s10  }
0x38: {  	s10 =	sld [smem:$0x3FAF]  }
0x39: {  	_ = 	snop;
	(pc) =	sbr.ind lr, $3  }
0x3a: {  	_ = 	snop  }
0x3b: {  	_ = 	snop  }
0x3c: {  	p2 =	seq.s32 s10, $0x1;
	s10 =	sld [smem:$0x3FAE]  }
0x3d: {  	_ =	shalt  }
0x3e: {  	_ =	shalt  }
0x3f: {  	_ =	shalt  }
0x40: {  	_ =	shalt  }
0x41: {  	_ =	shalt  }
0x42: {  	_ =	shalt  }
0x43: {  	_ =	shalt  }
0x44: {  	_ =	shalt  }
0x45: {  	_ =	shalt  }
0x46: {  	_ =	shalt  }
0x47: {  	_ =	shalt  }
0x48: {  	_ =	shalt  }
0x49: {  	_ =	shalt  }
0x4a: {  	_ =	shalt  }
0x4b: {  	_ =	shalt  }
0x4c: {  	_ =	shalt  }
0x4d: {  	_ =	shalt  }
0x4e: {  	_ =	shalt  }
0x4f: {  	_ =	shalt  }
0x50: {  	_ =	shalt  }
0x51: {  	_ =	shalt  }
0x52: {  	_ =	shalt  }
0x53: {  	_ =	shalt  }
0x54: {  	_ =	shalt  }
0x55: {  	_ =	shalt  }
0x56: {  	_ =	shalt  }
0x57: {  	_ =	shalt  }
0x58: {  	_ =	shalt  }
0x59: {  	_ =	shalt  }
0x5a: {  	_ =	shalt  }
0x5b: {  	_ =	shalt  }
0x5c: {  	_ =	shalt  }
0x5d: {  	_ =	shalt  }
0x5e: {  	_ =	shalt  }
0x5f: {  	_ =	shalt  }
0x60: {  	_ =	shalt  }
0x61: {  	_ =	shalt  }
0x62: {  	_ =	shalt  }
0x63: {  	_ =	shalt  }
0x64: {  	_ =	shalt  }
0x65: {  	_ =	shalt  }
0x66: {  	_ =	shalt  }
0x67: {  	_ =	shalt  }
0x68: {  	_ =	shalt  }
0x69: {  	_ =	shalt  }
0x6a: {  	_ =	shalt  }
0x6b: {  	_ =	shalt  }
0x6c: {  	_ =	shalt  }
0x6d: {  	_ =	shalt  }
0x6e: {  	_ =	shalt  }
0x6f: {  	_ =	shalt  }
0x70: {  	_ =	shalt  }
0x71: {  	_ =	shalt  }
0x72: {  	_ =	shalt  }
0x73: {  	_ =	shalt  }
0x74: {  	_ =	shalt  }
0x75: {  	_ =	shalt  }
0x76: {  	_ =	shalt  }
0x77: {  	_ =	shalt  }
0x78: {  	_ =	shalt  }
0x79: {  	_ =	shalt  }
0x7a: {  	_ =	shalt  }
0x7b: {  	_ =	shalt  }
0x7c: {  	_ =	shalt  }
0x7d: {  	_ =	shalt  }
0x7e: {  	_ =	shalt  }
0x7f: {  	_ =	shalt  }
0x80: {  	_ =	shalt  }
0x81: {  	_ =	shalt  }
0x82: {  	_ =	shalt  }
0x83: {  	_ =	shalt  }
0x84: {  	_ =	shalt  }
0x85: {  	_ =	shalt  }
0x86: {  	_ =	shalt  }
0x87: {  	_ =	shalt  }
.Lfunc_end0:
.L_simem_size_0:
called_computation.1_lowered:
.L_overlay_start_0:
0x88: {  	s2 =	sld [smem:$0x3FD9]  }
0x89: {  	s3 =	sld [smem:$0x3FFE];
	_ =	sdelay $0x1  }
0x8a: {  	s1 =	srdreg.scid  }
0x8b: {  	s0 =	sand.u32 $0x1, s1  }
0x8c: {  	s17 =	sshll.u32 s0, $0xA;
	s2 =	sadd.s32 s3, s2  }
0x8d: {  	s2 =	sadd.s32 s2, s17  }
0x8e: {  	[smem:$0x3FBA] =	sst s2  }
0x8f: {  	_ = 	snop  }
0x90: {  	s2 =	sld [smem:$0x3FC9]  }
0x91: {  	s18 =	sld [smem:$0x3FC8]  }
0x92: {  	s4 =	sld [smem:$0x3FBD]  }
0x93: {  	s5 =	sld [smem:$0x3FBC];
	(tm) =	ssettm $0x1  }
0x94: {  	s6 =	sld [smem:$0x3FFB];
	_ =	sdelay $0x3  }
0x95: {  	_ =	strace s6  }
0x96: {  	s6 =	sld [smem:$0x3FFC];
	_ =	sdelay $0x3  }
0x97: {  	_ =	strace s6  }
0x98: {  	s6 =	sld [smem:$0x3FFD];
	_ =	sdelay $0x3  }
0x99: {  	_ =	strace s6  }
0x9a: {  	_ =	strace $0x8FFFFFFF  }
0x9b: {  	s19 =	sld [smem:$0x3FDB];
	_ =	sdelay $0x1  }
0x9c: {  	s7 =	simm.s32 $_scs_section_size  }
0x9d: {  	s8 =	simm.s32 $_size__tile_overlayer_lowered;
	s9 =	simm.s32 $_tile_overlayer_lowered  }
0x9e: {  	s22 =	simm.s32 $0x1BFF;
	s21 =	sshll.u32 s9, $0x1;
	s6 =	sadd.s32 s7, s19  }
0x9f: {  	s10 =	simm.s32 $0x0;
	s20 =	sshll.u32 s8, $0x1;
	s8 =	sadd.s32 s21, s6  }
0xa0: {  	[timem:s10], [sflag:s22] =	dma.local [hbm:s8], s20  }
0xa1: {  	_ =	swait.ge [sflag:s22], s20  }
0xa2: {  	s7 =	ssub.s32 $0x0, s20;
	[sflag:s22] =	ssyncset.done $0x0  }
0xa3: {  	[sflag:s22] =	ssyncadd.s32 s7;
	_ =	sdelay $0x1  }
0xa4: {  	s23 =	simm.s32 $0x1B8B  }
0xa5: {  	_ =	swait.ge [sflag:s23], $0x1  }
0xa6: {  	[sflag:s23] =	ssyncset.done $0x0  }
0xa7: {  	s25 =	simm.s32 $0x1B8E;
	s24 =	sld [smem:$0x3FFE];
	[sflag:s23] =	ssyncadd.s32 $0xFFFFFFFF  }
0xa8: {  	s26 =	simm.s32 $execute0_lowered;
	[smem:$0x3FD2] =	sst s25  }
0xa9: {  	s8 =	sshll.u32 s26, $0x1;
	_ =	strace $0x80000046;
	[dreg:$0x1] =	wrdreg $0xFFFFFFFF  }
0xaa: {  	s28 =	simm.s32 $_size_execute0_lowered;
	s6 =	sadd.s32 s6, s8;
	[dreg:$0x0] =	wrdreg $0x0  }
0xab: {  	s8 =	sshll.u32 s28, $0x1;
	[dreg:$0x2] =	wrdreg s6  }
0xac: {  	[dreg:$0x3] =	wrdreg s8  }
0xad: {  	[dreg:$0x4] =	wrdreg $0xC0  }
0xae: {  	_ =	task [dreg:s10], $0x5FFFF  }
0xaf: {  	[dreg:$0x1] =	wrdreg $0xFFFFFFFF  }
0xb0: {  	[dreg:$0x0] =	wrdreg $0x60  }
0xb1: {  	[dreg:$0x2] =	wrdreg s2  }
0xb2: {  	[dreg:$0x3] =	wrdreg s4  }
0xb3: {  	[dreg:$0x4] =	wrdreg s5  }
0xb4: {  	[dreg:$0x5] =	wrdreg s18  }
0xb5: {  	[dreg:$0x6] =	wrdreg s24  }
0xb6: {  	[dreg:$0x7] =	wrdreg $0xA  }
0xb7: {  	_ =	task.clear_ibuf [dreg:s10], $0x8FFFF;
	_ =	strace $0x90000046  }
0xb8: {  	s29 =	simm.s32 $0xA;
	_ =	strace $0x80000048  }
0xb9: {  	_ =	swait.ge [sflag:s29], $0x1  }
0xba: {  	[sflag:s29] =	ssyncadd.s32 $0xFFFFFFFF  }
0xbb: {  	_ =	strace $0x90000048  }
0xbc: {  	_ =	sfence  }
0xbd: {  	s30 =	sld [smem:$0x0];
	_ =	sdelay $0x2  }
0xbe: {  	s31 =	sshll.u32 s1, $0xD;
	s1 =	sshrl.u32 s1, $0x2  }
0xbf: {  	s3 =	sand.u32 $0x4000, s31;
	s1 =	sadd.s32 s1, s30  }
0xc0: {  	s0 =	sor.u32 s3, s0;
	s1 =	sshll.u32 s1, $0x11  }
0xc1: {  	s0 =	sor.u32 s1, s0  }
0xc2: {  	s0 =	sadd.s32 $0x8F2B, s0  }
0xc3: {  	[sflag:s0] =	ssyncadd.remote.s32 $0x1  }
0xc4: {  	_ =	sfence.sel $0xFFFF  }
0xc5: {  	[dreg:$0x0] =	wrdreg $0xFFFFFFFF;
	(pc) =	sbr.abs _section_cstart, $3  }
0xc6: {  	[dreg:$0x1] =	wrdreg $0xFFFFFFFF  }
0xc7: {  	_ =	task.clear_ibuf [dreg:s10], $0x2FFFF;
	_ =	strace $0x9FFFFFFF  }
0xc8: {  	(tm) =	ssettm $0x7FFFFFFF  }
0xc9: {  	_ =	shalt  }
tec
execute0_lowered:
.L_overlay_start_1:
0x0: {  	(tag) =	ssettag $0x1  }
0x1: {  	s1 =	rddreg [dreg:$0x0];
	s5 =	srdreg.scid  }
0x2: {  	s0 =	rddreg [dreg:$0x1];
	s6 =	stileid.u32;
	s5 =	sand.u32 $0x1, s5  }
0x3: {  	s2 =	rddreg [dreg:$0x2];
	s6 =	sshll.u32 s6, $0x6;
	s7 =	sshll.u32 s5, $0x5  }
0x4: {  	s3 =	rddreg [dreg:$0x4];
	s4 =	simm.s32 $0x0;
	s6 =	sor.u32 s7, s6  }
0x5: {  	[smem:$0x7FF] =	sst s4;
	s28 =	sadd.s32 $0x3000, s3;
	s8 =	sadd.s32 s0, s6  }
0x6: {  	_ =	strace $0x80000047;
	s29 =	sadd.s32 s28, s6;
	[dreg:$0x6] =	wrdreg s8  }
0x7: {  	s11 =	sor.u32 $0x8, s6;
	s21 =	sadd.s32 s2, s6;
	[dreg:$0x7] =	wrdreg s29  }
0x8: {  	s10 =	sadd.s32 $0x3400, s3;
	s31 =	sadd.s32 s0, s11;
	[dreg:$0x12] =	wrdreg s21  }
0x9: {  	s9 =	smul.u32 $0x300, s6;
	s13 =	sadd.s32 s28, s11;
	[dreg:$0x9] =	wrdreg s31  }
0xa: {  	s3 =	sadd.s32 $0xC3400, s3;
	s23 =	sadd.s32 s2, s11;
	[dreg:$0xa] =	wrdreg s13  }
0xb: {  	s12 =	smul.u32 $0x300, s11;
	s30 =	sadd.s32 s10, s9;
	[dreg:$0x14] =	wrdreg s23  }
0xc: {  	s22 =	sadd.s32 s3, s9;
	[dreg:$0x8] =	wrdreg s30  }
0xd: {  	s13 =	sor.u32 $0x10, s6;
	s14 =	sadd.s32 s10, s12;
	[dreg:$0x13] =	wrdreg s22  }
0xe: {  	s15 =	sadd.s32 s0, s13;
	[dreg:$0xb] =	wrdreg s14  }
0xf: {  	s5 =	ssub.s32 $0x2, s5;
	s16 =	sadd.s32 s28, s13;
	[dreg:$0xc] =	wrdreg s15  }
0x10: {  	s8 =	simm.s32 $0x3;
	s24 =	sadd.s32 s3, s12;
	[dreg:$0xd] =	wrdreg s16  }
0x11: {  	s25 =	sadd.s32 s2, s13;
	s15 =	sor.u32 $0x18, s6;
	[dreg:$0x15] =	wrdreg s24  }
0x12: {  	s9 =	simm.s32 $0x80;
	[dreg:$0x16] =	wrdreg s25;
	s0 =	sadd.s32 s0, s15  }
0x13: {  	s14 =	smul.u32 $0x300, s13;
	s19 =	sadd.s32 s28, s15;
	[dreg:$0xf] =	wrdreg s0  }
0x14: {  	s6 =	sadd.s32 $0x200, s1;
	s29 =	sadd.s32 s2, s15;
	[dreg:$0x10] =	wrdreg s19  }
0x15: {  	s18 =	smul.u32 $0x300, s15;
	s17 =	sadd.s32 s10, s14;
	[dreg:$0x18] =	wrdreg s29  }
0x16: {  	s28 =	sshrl.u32 s5, $0x1;
	s26 =	sadd.s32 s3, s14;
	[dreg:$0xe] =	wrdreg s17  }
0x17: {  	v2 =	vlaneseq.u32;
	s2 =	simm.s32 $0x1;
	s20 =	sadd.s32 s10, s18;
	[dreg:$0x17] =	wrdreg s26  }
0x18: {  	vm0 =	vmmov $0xffff;
	v1 =	vshrl.u32 v2, $0x3;
	s30 =	ssub.s32 s5, s28;
	s31 =	sadd.s32 s3, s18;
	[dreg:$0x11] =	wrdreg s20  }
0x19: {  	v0 =	vand.u32 $0x7, v2;
	v2 =	vor.u32 $0x8, v2;
	v1 =	vmul.u32 $0x8, v1;
	s5 =	sadd.s32 $0x100, s1;
	s0 =	smax.u32 s30, $0x1;
	[dreg:$0x19] =	wrdreg s31  }
.LBB2_1:
0x1a: {  	[dreg:$0x1a] =	wrdreg s0  }
0x1b: {  	s12 =	rddreg [dreg:$0x6]  }
0x1c: {  	[tilespmem:s4], [sflag:$0x3] =	stream.linear.gather [hbm4b:s12+s4], $0x40, $0x38;
	[tilespmem:$0xC100] =	vst v63  }
0x1d: {  	_ =	swait.ge [sflag:s8], $0x40  }
0x1e: {  	[sflag:s8] =	ssyncset.done $0x0  }
0x1f: {  	[sflag:s8] =	ssyncadd.s32 $0xFFFFFFC0  }
0x20: {  	v3 =	vld [tilespmem:$0x0];
	_ =	sdelay $0x4  }
0x21: {  	v4 =	vshrl.u32 v3, $0x3  }
0x22: {  	v4 =	vmul.u32 $0x30, v4  }
0x23: {  	v3 =	vand.u32 $0x7, v3  }
0x24: {  	v3 =	vor.u32 v3, v4  }
0x25: {  	v4 =	vperm.xlane v3, v0;
	_ =	sdelay $0x1  }
0x26: {  	v4 =	vadd.s32 v1, v4;
	_ =	sdelay $0x3  }
0x27: {  	v3 =	vperm.xlane v3, v2  }
0x28: {  	[tilespmem:s9], [sflag:$0x1] =	stream.indirect_vreg.gather [hbm4b:s1+s4], $0x80, v4, vm0, $0xb8;
	[tilespmem:$0xC100] =	vst v63  }
0x29: {  	s26 =	simm.s32 $0x880;
	v3 =	vadd.s32 v1, v3  }
0x2a: {  	[tilespmem:s26], [sflag:$0x1] =	stream.indirect_vreg.gather [hbm4b:s5+s4], $0x80, v4, vm0, $0xb8;
	[tilespmem:$0xC100] =	vst v63  }
0x2b: {  	s28 =	simm.s32 $0x1080  }
0x2c: {  	[tilespmem:s28], [sflag:$0x1] =	stream.indirect_vreg.gather [hbm4b:s6+s4], $0x80, v4, vm0, $0xb8;
	[tilespmem:$0xC100] =	vst v63  }
0x2d: {  	s29 =	simm.s32 $0x1880  }
0x2e: {  	[tilespmem:s29], [sflag:$0x1] =	stream.indirect_vreg.gather [hbm4b:s1+s4], $0x80, v3, vm0, $0xb8;
	[tilespmem:$0xC100] =	vst v63  }
0x2f: {  	s30 =	simm.s32 $0x2080  }
0x30: {  	[tilespmem:s30], [sflag:$0x1] =	stream.indirect_vreg.gather [hbm4b:s5+s4], $0x80, v3, vm0, $0xb8;
	[tilespmem:$0xC100] =	vst v63  }
0x31: {  	s31 =	simm.s32 $0x2880  }
0x32: {  	[tilespmem:s31], [sflag:$0x1] =	stream.indirect_vreg.gather [hbm4b:s6+s4], $0x80, v3, vm0, $0xb8;
	[tilespmem:$0xC100] =	vst v63  }
0x33: {  	v3 =	vld [tilespmem:$0x10];
	_ =	sdelay $0x4  }
0x34: {  	v33 =	vshrl.u32 v3, $0x3  }
0x35: {  	v4 =	vmul.u32 $0x30, v33  }
0x36: {  	v3 =	vand.u32 $0x7, v3  }
0x37: {  	v3 =	vor.u32 v3, v4  }
0x38: {  	v4 =	vperm.xlane v3, v0;
	_ =	sdelay $0x1  }
0x39: {  	v4 =	vadd.s32 v1, v4;
	_ =	sdelay $0x3  }
0x3a: {  	s7 =	simm.s32 $0x3080;
	v3 =	vperm.xlane v3, v2  }
0x3b: {  	[tilespmem:s7], [sflag:$0x1] =	stream.indirect_vreg.gather [hbm4b:s1+s4], $0x80, v4, vm0, $0xb8;
	[tilespmem:$0xC100] =	vst v63  }
0x3c: {  	s10 =	simm.s32 $0x3880;
	v3 =	vadd.s32 v1, v3  }
0x3d: {  	[tilespmem:s10], [sflag:$0x1] =	stream.indirect_vreg.gather [hbm4b:s5+s4], $0x80, v4, vm0, $0xb8;
	[tilespmem:$0xC100] =	vst v63  }
0x3e: {  	s11 =	simm.s32 $0x4080  }
0x3f: {  	[tilespmem:s11], [sflag:$0x1] =	stream.indirect_vreg.gather [hbm4b:s6+s4], $0x80, v4, vm0, $0xb8;
	[tilespmem:$0xC100] =	vst v63  }
0x40: {  	s12 =	simm.s32 $0x4880  }
0x41: {  	[tilespmem:s12], [sflag:$0x1] =	stream.indirect_vreg.gather [hbm4b:s1+s4], $0x80, v3, vm0, $0xb8;
	[tilespmem:$0xC100] =	vst v63  }
0x42: {  	s13 =	simm.s32 $0x5080  }
0x43: {  	[tilespmem:s13], [sflag:$0x1] =	stream.indirect_vreg.gather [hbm4b:s5+s4], $0x80, v3, vm0, $0xb8;
	[tilespmem:$0xC100] =	vst v63  }
0x44: {  	s17 =	simm.s32 $0x5880  }
0x45: {  	[tilespmem:s17], [sflag:$0x1] =	stream.indirect_vreg.gather [hbm4b:s6+s4], $0x80, v3, vm0, $0xb8;
	[tilespmem:$0xC100] =	vst v63  }
0x46: {  	v3 =	vld [tilespmem:$0x20];
	_ =	sdelay $0x4  }
0x47: {  	v34 =	vshrl.u32 v3, $0x3  }
0x48: {  	v4 =	vmul.u32 $0x30, v34  }
0x49: {  	v3 =	vand.u32 $0x7, v3  }
0x4a: {  	v3 =	vor.u32 v3, v4  }
0x4b: {  	v4 =	vperm.xlane v3, v0;
	_ =	sdelay $0x1  }
0x4c: {  	v4 =	vadd.s32 v1, v4;
	_ =	sdelay $0x3  }
0x4d: {  	s18 =	simm.s32 $0x6080;
	v3 =	vperm.xlane v3, v2  }
0x4e: {  	[tilespmem:s18], [sflag:$0x1] =	stream.indirect_vreg.gather [hbm4b:s1+s4], $0x80, v4, vm0, $0xb8;
	[tilespmem:$0xC100] =	vst v63  }
0x4f: {  	s19 =	simm.s32 $0x6880;
	v3 =	vadd.s32 v1, v3  }
0x50: {  	[tilespmem:s19], [sflag:$0x1] =	stream.indirect_vreg.gather [hbm4b:s5+s4], $0x80, v4, vm0, $0xb8;
	[tilespmem:$0xC100] =	vst v63  }
0x51: {  	s20 =	simm.s32 $0x7080  }
0x52: {  	[tilespmem:s20], [sflag:$0x1] =	stream.indirect_vreg.gather [hbm4b:s6+s4], $0x80, v4, vm0, $0xb8;
	[tilespmem:$0xC100] =	vst v63  }
0x53: {  	s21 =	simm.s32 $0x7880  }
0x54: {  	[tilespmem:s21], [sflag:$0x1] =	stream.indirect_vreg.gather [hbm4b:s1+s4], $0x80, v3, vm0, $0xb8;
	[tilespmem:$0xC100] =	vst v63  }
0x55: {  	s22 =	simm.s32 $0x8080  }
0x56: {  	[tilespmem:s22], [sflag:$0x1] =	stream.indirect_vreg.gather [hbm4b:s5+s4], $0x80, v3, vm0, $0xb8;
	[tilespmem:$0xC100] =	vst v63  }
0x57: {  	s23 =	simm.s32 $0x8880  }
0x58: {  	[tilespmem:s23], [sflag:$0x1] =	stream.indirect_vreg.gather [hbm4b:s6+s4], $0x80, v3, vm0, $0xb8;
	[tilespmem:$0xC100] =	vst v63  }
0x59: {  	v3 =	vld [tilespmem:$0x30];
	_ =	sdelay $0x4  }
0x5a: {  	v35 =	vshrl.u32 v3, $0x3  }
0x5b: {  	v4 =	vmul.u32 $0x30, v35  }
0x5c: {  	v3 =	vand.u32 $0x7, v3  }
0x5d: {  	v3 =	vor.u32 v3, v4  }
0x5e: {  	v4 =	vperm.xlane v3, v0;
	_ =	sdelay $0x1  }
0x5f: {  	v4 =	vadd.s32 v1, v4;
	_ =	sdelay $0x3  }
0x60: {  	s24 =	simm.s32 $0x9080;
	v3 =	vperm.xlane v3, v2  }
0x61: {  	[tilespmem:s24], [sflag:$0x1] =	stream.indirect_vreg.gather [hbm4b:s1+s4], $0x80, v4, vm0, $0xb8;
	[tilespmem:$0xC100] =	vst v63  }
0x62: {  	s25 =	simm.s32 $0x9880;
	v3 =	vadd.s32 v1, v3  }
0x63: {  	[tilespmem:s25], [sflag:$0x1] =	stream.indirect_vreg.gather [hbm4b:s5+s4], $0x80, v4, vm0, $0xb8;
	[tilespmem:$0xC100] =	vst v63  }
0x64: {  	s26 =	simm.s32 $0xA080  }
0x65: {  	[tilespmem:s26], [sflag:$0x1] =	stream.indirect_vreg.gather [hbm4b:s6+s4], $0x80, v4, vm0, $0xb8;
	[tilespmem:$0xC100] =	vst v63  }
0x66: {  	s28 =	simm.s32 $0xA880  }
0x67: {  	[tilespmem:s28], [sflag:$0x1] =	stream.indirect_vreg.gather [hbm4b:s1+s4], $0x80, v3, vm0, $0xb8;
	[tilespmem:$0xC100] =	vst v63  }
0x68: {  	s29 =	simm.s32 $0xB080  }
0x69: {  	[tilespmem:s29], [sflag:$0x1] =	stream.indirect_vreg.gather [hbm4b:s5+s4], $0x80, v3, vm0, $0xb8;
	[tilespmem:$0xC100] =	vst v63  }
0x6a: {  	s30 =	simm.s32 $0xB880  }
0x6b: {  	[tilespmem:s30], [sflag:$0x1] =	stream.indirect_vreg.gather [hbm4b:s6+s4], $0x80, v3, vm0, $0xb8;
	[tilespmem:$0xC100] =	vst v63  }
0x6c: {  	_ =	swait.ge [sflag:s2], $0xC000  }
0x6d: {  	[sflag:s2] =	ssyncset.done $0x0  }
0x6e: {  	[sflag:s2] =	ssyncadd.s32 $0xFFFF4000  }
0x6f: {  	s0 =	simm.s32 $0xC080;
	s7 =	simm.s32 $0x40;
	s13 =	rddreg [dreg:$0x3]  }
0x70: {  	[tilespmem:s0], [sflag:$0x2] =	stream.indirect.gather [hbm4b:s13+s7], $0x1, s4, s7, $0xb8;
	[tilespmem:$0xC100] =	vst v63  }
0x71: {  	s7 =	simm.s32 $0x2  }
0x72: {  	_ =	swait.ge [sflag:s7], $0x40  }
0x73: {  	[sflag:s7] =	ssyncset.done $0x0  }
0x74: {  	s31 =	rddreg [dreg:$0x7];
	[sflag:s7] =	ssyncadd.s32 $0xFFFFFFC0  }
0x75: {  	[hbm4b:s31+s4] =	stream.linear.scatter [tilespmem:s0], [sflag:$0x3], $0x40, $0x38;
	[tilespmem:$0xC100] =	vst v63  }
0x76: {  	_ =	swait.ge [sflag:s8], $0x40  }
0x77: {  	[sflag:s8] =	ssyncset.done $0x0  }
0x78: {  	s10 =	rddreg [dreg:$0x8];
	[sflag:s8] =	ssyncadd.s32 $0xFFFFFFC0  }
0x79: {  	[hbm4b:s10+s4] =	stream.linear.scatter [tilespmem:s9], [sflag:$0x3], $0xC000, $0x38;
	[tilespmem:$0xC100] =	vst v63  }
0x7a: {  	_ =	swait.ge [sflag:s8], $0xC000  }
0x7b: {  	[sflag:s8] =	ssyncset.done $0x0  }
0x7c: {  	s17 =	rddreg [dreg:$0x9];
	[sflag:s8] =	ssyncadd.s32 $0xFFFF4000  }
0x7d: {  	[tilespmem:s4], [sflag:$0x3] =	stream.linear.gather [hbm4b:s17+s4], $0x40, $0x38;
	[tilespmem:$0xC100] =	vst v63  }
0x7e: {  	_ =	swait.ge [sflag:s8], $0x40  }
0x7f: {  	[sflag:s8] =	ssyncset.done $0x0  }
0x80: {  	[sflag:s8] =	ssyncadd.s32 $0xFFFFFFC0  }
0x81: {  	v3 =	vld [tilespmem:$0x0];
	_ =	sdelay $0x4  }
0x82: {  	v36 =	vshrl.u32 v3, $0x3  }
0x83: {  	v4 =	vmul.u32 $0x30, v36  }
0x84: {  	v3 =	vand.u32 $0x7, v3  }
0x85: {  	v3 =	vor.u32 v3, v4  }
0x86: {  	v4 =	vperm.xlane v3, v0;
	_ =	sdelay $0x1  }
0x87: {  	v4 =	vadd.s32 v1, v4;
	_ =	sdelay $0x3  }
0x88: {  	v3 =	vperm.xlane v3, v2  }
0x89: {  	[tilespmem:s9], [sflag:$0x1] =	stream.indirect_vreg.gather [hbm4b:s1+s4], $0x80, v4, vm0, $0xb8;
	[tilespmem:$0xC100] =	vst v63  }
0x8a: {  	s3 =	simm.s32 $0x880;
	v3 =	vadd.s32 v1, v3  }
0x8b: {  	[tilespmem:s3], [sflag:$0x1] =	stream.indirect_vreg.gather [hbm4b:s5+s4], $0x80, v4, vm0, $0xb8;
	[tilespmem:$0xC100] =	vst v63  }
0x8c: {  	s14 =	simm.s32 $0x1080  }
0x8d: {  	[tilespmem:s14], [sflag:$0x1] =	stream.indirect_vreg.gather [hbm4b:s6+s4], $0x80, v4, vm0, $0xb8;
	[tilespmem:$0xC100] =	vst v63  }
0x8e: {  	s15 =	simm.s32 $0x1880  }
0x8f: {  	[tilespmem:s15], [sflag:$0x1] =	stream.indirect_vreg.gather [hbm4b:s1+s4], $0x80, v3, vm0, $0xb8;
	[tilespmem:$0xC100] =	vst v63  }
0x90: {  	s16 =	simm.s32 $0x2080  }
0x91: {  	[tilespmem:s16], [sflag:$0x1] =	stream.indirect_vreg.gather [hbm4b:s5+s4], $0x80, v3, vm0, $0xb8;
	[tilespmem:$0xC100] =	vst v63  }
0x92: {  	s17 =	simm.s32 $0x2880  }
0x93: {  	[tilespmem:s17], [sflag:$0x1] =	stream.indirect_vreg.gather [hbm4b:s6+s4], $0x80, v3, vm0, $0xb8;
	[tilespmem:$0xC100] =	vst v63  }
0x94: {  	v3 =	vld [tilespmem:$0x10];
	_ =	sdelay $0x4  }
0x95: {  	v37 =	vshrl.u32 v3, $0x3  }
0x96: {  	v4 =	vmul.u32 $0x30, v37  }
0x97: {  	v3 =	vand.u32 $0x7, v3  }
0x98: {  	v3 =	vor.u32 v3, v4  }
0x99: {  	v4 =	vperm.xlane v3, v0;
	_ =	sdelay $0x1  }
0x9a: {  	v4 =	vadd.s32 v1, v4;
	_ =	sdelay $0x3  }
0x9b: {  	s19 =	simm.s32 $0x3080;
	v3 =	vperm.xlane v3, v2  }
0x9c: {  	[tilespmem:s19], [sflag:$0x1] =	stream.indirect_vreg.gather [hbm4b:s1+s4], $0x80, v4, vm0, $0xb8;
	[tilespmem:$0xC100] =	vst v63  }
0x9d: {  	s20 =	simm.s32 $0x3880;
	v3 =	vadd.s32 v1, v3  }
0x9e: {  	[tilespmem:s20], [sflag:$0x1] =	stream.indirect_vreg.gather [hbm4b:s5+s4], $0x80, v4, vm0, $0xb8;
	[tilespmem:$0xC100] =	vst v63  }
0x9f: {  	s21 =	simm.s32 $0x4080  }
0xa0: {  	[tilespmem:s21], [sflag:$0x1] =	stream.indirect_vreg.gather [hbm4b:s6+s4], $0x80, v4, vm0, $0xb8;
	[tilespmem:$0xC100] =	vst v63  }
0xa1: {  	s22 =	simm.s32 $0x4880  }
0xa2: {  	[tilespmem:s22], [sflag:$0x1] =	stream.indirect_vreg.gather [hbm4b:s1+s4], $0x80, v3, vm0, $0xb8;
	[tilespmem:$0xC100] =	vst v63  }
0xa3: {  	s23 =	simm.s32 $0x5080  }
0xa4: {  	[tilespmem:s23], [sflag:$0x1] =	stream.indirect_vreg.gather [hbm4b:s5+s4], $0x80, v3, vm0, $0xb8;
	[tilespmem:$0xC100] =	vst v63  }
0xa5: {  	s24 =	simm.s32 $0x5880  }
0xa6: {  	[tilespmem:s24], [sflag:$0x1] =	stream.indirect_vreg.gather [hbm4b:s6+s4], $0x80, v3, vm0, $0xb8;
	[tilespmem:$0xC100] =	vst v63  }
0xa7: {  	v3 =	vld [tilespmem:$0x20];
	_ =	sdelay $0x4  }
0xa8: {  	v38 =	vshrl.u32 v3, $0x3  }
0xa9: {  	v4 =	vmul.u32 $0x30, v38  }
0xaa: {  	v3 =	vand.u32 $0x7, v3  }
0xab: {  	v3 =	vor.u32 v3, v4  }
0xac: {  	v4 =	vperm.xlane v3, v0;
	_ =	sdelay $0x1  }
0xad: {  	v4 =	vadd.s32 v1, v4;
	_ =	sdelay $0x3  }
0xae: {  	s25 =	simm.s32 $0x6080;
	v3 =	vperm.xlane v3, v2  }
0xaf: {  	[tilespmem:s25], [sflag:$0x1] =	stream.indirect_vreg.gather [hbm4b:s1+s4], $0x80, v4, vm0, $0xb8;
	[tilespmem:$0xC100] =	vst v63  }
0xb0: {  	s26 =	simm.s32 $0x6880;
	v3 =	vadd.s32 v1, v3  }
0xb1: {  	[tilespmem:s26], [sflag:$0x1] =	stream.indirect_vreg.gather [hbm4b:s5+s4], $0x80, v4, vm0, $0xb8;
	[tilespmem:$0xC100] =	vst v63  }
0xb2: {  	s28 =	simm.s32 $0x7080  }
0xb3: {  	[tilespmem:s28], [sflag:$0x1] =	stream.indirect_vreg.gather [hbm4b:s6+s4], $0x80, v4, vm0, $0xb8;
	[tilespmem:$0xC100] =	vst v63  }
0xb4: {  	s29 =	simm.s32 $0x7880  }
0xb5: {  	[tilespmem:s29], [sflag:$0x1] =	stream.indirect_vreg.gather [hbm4b:s1+s4], $0x80, v3, vm0, $0xb8;
	[tilespmem:$0xC100] =	vst v63  }
0xb6: {  	s30 =	simm.s32 $0x8080  }
0xb7: {  	[tilespmem:s30], [sflag:$0x1] =	stream.indirect_vreg.gather [hbm4b:s5+s4], $0x80, v3, vm0, $0xb8;
	[tilespmem:$0xC100] =	vst v63  }
0xb8: {  	s31 =	simm.s32 $0x8880  }
0xb9: {  	[tilespmem:s31], [sflag:$0x1] =	stream.indirect_vreg.gather [hbm4b:s6+s4], $0x80, v3, vm0, $0xb8;
	[tilespmem:$0xC100] =	vst v63  }
0xba: {  	v3 =	vld [tilespmem:$0x30];
	_ =	sdelay $0x4  }
0xbb: {  	v39 =	vshrl.u32 v3, $0x3  }
0xbc: {  	v4 =	vmul.u32 $0x30, v39  }
0xbd: {  	v3 =	vand.u32 $0x7, v3  }
0xbe: {  	v3 =	vor.u32 v3, v4  }
0xbf: {  	v4 =	vperm.xlane v3, v0;
	_ =	sdelay $0x1  }
0xc0: {  	v4 =	vadd.s32 v1, v4;
	_ =	sdelay $0x3  }
0xc1: {  	s15 =	simm.s32 $0x9080;
	v3 =	vperm.xlane v3, v2  }
0xc2: {  	[tilespmem:s15], [sflag:$0x1] =	stream.indirect_vreg.gather [hbm4b:s1+s4], $0x80, v4, vm0, $0xb8;
	[tilespmem:$0xC100] =	vst v63  }
0xc3: {  	s3 =	simm.s32 $0x9880;
	v3 =	vadd.s32 v1, v3  }
0xc4: {  	[tilespmem:s3], [sflag:$0x1] =	stream.indirect_vreg.gather [hbm4b:s5+s4], $0x80, v4, vm0, $0xb8;
	[tilespmem:$0xC100] =	vst v63  }
0xc5: {  	s11 =	simm.s32 $0xA080  }
0xc6: {  	[tilespmem:s11], [sflag:$0x1] =	stream.indirect_vreg.gather [hbm4b:s6+s4], $0x80, v4, vm0, $0xb8;
	[tilespmem:$0xC100] =	vst v63  }
0xc7: {  	s11 =	simm.s32 $0xA880  }
0xc8: {  	[tilespmem:s11], [sflag:$0x1] =	stream.indirect_vreg.gather [hbm4b:s1+s4], $0x80, v3, vm0, $0xb8;
	[tilespmem:$0xC100] =	vst v63  }
0xc9: {  	s14 =	simm.s32 $0xB080  }
0xca: {  	[tilespmem:s14], [sflag:$0x1] =	stream.indirect_vreg.gather [hbm4b:s5+s4], $0x80, v3, vm0, $0xb8;
	[tilespmem:$0xC100] =	vst v63  }
0xcb: {  	s16 =	simm.s32 $0xB880  }
0xcc: {  	[tilespmem:s16], [sflag:$0x1] =	stream.indirect_vreg.gather [hbm4b:s6+s4], $0x80, v3, vm0, $0xb8;
	[tilespmem:$0xC100] =	vst v63  }
0xcd: {  	_ =	swait.ge [sflag:s2], $0xC000  }
0xce: {  	[sflag:s2] =	ssyncset.done $0x0  }
0xcf: {  	s10 =	simm.s32 $0x40;
	[sflag:s2] =	ssyncadd.s32 $0xFFFF4000  }
0xd0: {  	[tilespmem:s0], [sflag:$0x2] =	stream.indirect.gather [hbm4b:s13+s10], $0x1, s4, s10, $0xb8;
	[tilespmem:$0xC100] =	vst v63  }
0xd1: {  	_ =	swait.ge [sflag:s7], $0x40  }
0xd2: {  	[sflag:s7] =	ssyncset.done $0x0  }
0xd3: {  	s12 =	rddreg [dreg:$0xa];
	[sflag:s7] =	ssyncadd.s32 $0xFFFFFFC0  }
0xd4: {  	[hbm4b:s12+s4] =	stream.linear.scatter [tilespmem:s0], [sflag:$0x3], $0x40, $0x38;
	[tilespmem:$0xC100] =	vst v63  }
0xd5: {  	_ =	swait.ge [sflag:s8], $0x40  }
0xd6: {  	[sflag:s8] =	ssyncset.done $0x0  }
0xd7: {  	s12 =	rddreg [dreg:$0xb];
	[sflag:s8] =	ssyncadd.s32 $0xFFFFFFC0  }
0xd8: {  	[hbm4b:s12+s4] =	stream.linear.scatter [tilespmem:s9], [sflag:$0x3], $0xC000, $0x38;
	[tilespmem:$0xC100] =	vst v63  }
0xd9: {  	_ =	swait.ge [sflag:s8], $0xC000  }
0xda: {  	[sflag:s8] =	ssyncset.done $0x0  }
0xdb: {  	s12 =	rddreg [dreg:$0xc];
	[sflag:s8] =	ssyncadd.s32 $0xFFFF4000  }
0xdc: {  	[tilespmem:s4], [sflag:$0x3] =	stream.linear.gather [hbm4b:s12+s4], $0x40, $0x38;
	[tilespmem:$0xC100] =	vst v63  }
0xdd: {  	_ =	swait.ge [sflag:s8], $0x40  }
0xde: {  	[sflag:s8] =	ssyncset.done $0x0  }
0xdf: {  	[sflag:s8] =	ssyncadd.s32 $0xFFFFFFC0  }
0xe0: {  	v3 =	vld [tilespmem:$0x0];
	_ =	sdelay $0x4  }
0xe1: {  	v40 =	vshrl.u32 v3, $0x3  }
0xe2: {  	v4 =	vmul.u32 $0x30, v40  }
0xe3: {  	v3 =	vand.u32 $0x7, v3  }
0xe4: {  	v3 =	vor.u32 v3, v4  }
0xe5: {  	v4 =	vperm.xlane v3, v0;
	_ =	sdelay $0x1  }
0xe6: {  	v4 =	vadd.s32 v1, v4;
	_ =	sdelay $0x3  }
0xe7: {  	v3 =	vperm.xlane v3, v2  }
0xe8: {  	[tilespmem:s9], [sflag:$0x1] =	stream.indirect_vreg.gather [hbm4b:s1+s4], $0x80, v4, vm0, $0xb8;
	[tilespmem:$0xC100] =	vst v63  }
0xe9: {  	s18 =	simm.s32 $0x880;
	v3 =	vadd.s32 v1, v3  }
0xea: {  	[tilespmem:s18], [sflag:$0x1] =	stream.indirect_vreg.gather [hbm4b:s5+s4], $0x80, v4, vm0, $0xb8;
	[tilespmem:$0xC100] =	vst v63  }
0xeb: {  	s18 =	simm.s32 $0x1080  }
0xec: {  	[tilespmem:s18], [sflag:$0x1] =	stream.indirect_vreg.gather [hbm4b:s6+s4], $0x80, v4, vm0, $0xb8;
	[tilespmem:$0xC100] =	vst v63  }
0xed: {  	s18 =	simm.s32 $0x1880  }
0xee: {  	[tilespmem:s18], [sflag:$0x1] =	stream.indirect_vreg.gather [hbm4b:s1+s4], $0x80, v3, vm0, $0xb8;
	[tilespmem:$0xC100] =	vst v63  }
0xef: {  	s18 =	simm.s32 $0x2080  }
0xf0: {  	[tilespmem:s18], [sflag:$0x1] =	stream.indirect_vreg.gather [hbm4b:s5+s4], $0x80, v3, vm0, $0xb8;
	[tilespmem:$0xC100] =	vst v63  }
0xf1: {  	_ = 	snop  }
0xf2: {  	[tilespmem:s17], [sflag:$0x1] =	stream.indirect_vreg.gather [hbm4b:s6+s4], $0x80, v3, vm0, $0xb8;
	[tilespmem:$0xC100] =	vst v63  }
0xf3: {  	v3 =	vld [tilespmem:$0x10];
	_ =	sdelay $0x4  }
0xf4: {  	v41 =	vshrl.u32 v3, $0x3  }
0xf5: {  	v4 =	vmul.u32 $0x30, v41  }
0xf6: {  	v3 =	vand.u32 $0x7, v3  }
0xf7: {  	v3 =	vor.u32 v3, v4  }
0xf8: {  	v4 =	vperm.xlane v3, v0;
	_ =	sdelay $0x1  }
0xf9: {  	v4 =	vadd.s32 v1, v4;
	_ =	sdelay $0x3  }
0xfa: {  	v3 =	vperm.xlane v3, v2  }
0xfb: {  	[tilespmem:s19], [sflag:$0x1] =	stream.indirect_vreg.gather [hbm4b:s1+s4], $0x80, v4, vm0, $0xb8;
	[tilespmem:$0xC100] =	vst v63  }
0xfc: {  	v3 =	vadd.s32 v1, v3  }
0xfd: {  	[tilespmem:s20], [sflag:$0x1] =	stream.indirect_vreg.gather [hbm4b:s5+s4], $0x80, v4, vm0, $0xb8;
	[tilespmem:$0xC100] =	vst v63  }
0xfe: {  	_ = 	snop  }
0xff: {  	[tilespmem:s21], [sflag:$0x1] =	stream.indirect_vreg.gather [hbm4b:s6+s4], $0x80, v4, vm0, $0xb8;
	[tilespmem:$0xC100] =	vst v63  }
0x100: {  	_ = 	snop  }
0x101: {  	[tilespmem:s22], [sflag:$0x1] =	stream.indirect_vreg.gather [hbm4b:s1+s4], $0x80, v3, vm0, $0xb8;
	[tilespmem:$0xC100] =	vst v63  }
0x102: {  	_ = 	snop  }
0x103: {  	[tilespmem:s23], [sflag:$0x1] =	stream.indirect_vreg.gather [hbm4b:s5+s4], $0x80, v3, vm0, $0xb8;
	[tilespmem:$0xC100] =	vst v63  }
0x104: {  	_ = 	snop  }
0x105: {  	[tilespmem:s24], [sflag:$0x1] =	stream.indirect_vreg.gather [hbm4b:s6+s4], $0x80, v3, vm0, $0xb8;
	[tilespmem:$0xC100] =	vst v63  }
0x106: {  	v3 =	vld [tilespmem:$0x20];
	_ =	sdelay $0x4  }
0x107: {  	v42 =	vshrl.u32 v3, $0x3  }
0x108: {  	v4 =	vmul.u32 $0x30, v42  }
0x109: {  	v3 =	vand.u32 $0x7, v3  }
0x10a: {  	v3 =	vor.u32 v3, v4  }
0x10b: {  	v4 =	vperm.xlane v3, v0;
	_ =	sdelay $0x1  }
0x10c: {  	v4 =	vadd.s32 v1, v4;
	_ =	sdelay $0x3  }
0x10d: {  	v3 =	vperm.xlane v3, v2  }
0x10e: {  	[tilespmem:s25], [sflag:$0x1] =	stream.indirect_vreg.gather [hbm4b:s1+s4], $0x80, v4, vm0, $0xb8;
	[tilespmem:$0xC100] =	vst v63  }
0x10f: {  	v3 =	vadd.s32 v1, v3  }
0x110: {  	[tilespmem:s26], [sflag:$0x1] =	stream.indirect_vreg.gather [hbm4b:s5+s4], $0x80, v4, vm0, $0xb8;
	[tilespmem:$0xC100] =	vst v63  }
0x111: {  	_ = 	snop  }
0x112: {  	[tilespmem:s28], [sflag:$0x1] =	stream.indirect_vreg.gather [hbm4b:s6+s4], $0x80, v4, vm0, $0xb8;
	[tilespmem:$0xC100] =	vst v63  }
0x113: {  	_ = 	snop  }
0x114: {  	[tilespmem:s29], [sflag:$0x1] =	stream.indirect_vreg.gather [hbm4b:s1+s4], $0x80, v3, vm0, $0xb8;
	[tilespmem:$0xC100] =	vst v63  }
0x115: {  	_ = 	snop  }
0x116: {  	[tilespmem:s30], [sflag:$0x1] =	stream.indirect_vreg.gather [hbm4b:s5+s4], $0x80, v3, vm0, $0xb8;
	[tilespmem:$0xC100] =	vst v63  }
0x117: {  	_ = 	snop  }
0x118: {  	[tilespmem:s31], [sflag:$0x1] =	stream.indirect_vreg.gather [hbm4b:s6+s4], $0x80, v3, vm0, $0xb8;
	[tilespmem:$0xC100] =	vst v63  }
0x119: {  	v3 =	vld [tilespmem:$0x30];
	_ =	sdelay $0x4  }
0x11a: {  	v43 =	vshrl.u32 v3, $0x3  }
0x11b: {  	v4 =	vmul.u32 $0x30, v43  }
0x11c: {  	v3 =	vand.u32 $0x7, v3  }
0x11d: {  	v3 =	vor.u32 v3, v4  }
0x11e: {  	v4 =	vperm.xlane v3, v0;
	_ =	sdelay $0x1  }
0x11f: {  	v4 =	vadd.s32 v1, v4;
	_ =	sdelay $0x3  }
0x120: {  	v3 =	vperm.xlane v3, v2  }
0x121: {  	[tilespmem:s15], [sflag:$0x1] =	stream.indirect_vreg.gather [hbm4b:s1+s4], $0x80, v4, vm0, $0xb8;
	[tilespmem:$0xC100] =	vst v63  }
0x122: {  	v3 =	vadd.s32 v1, v3  }
0x123: {  	[tilespmem:s3], [sflag:$0x1] =	stream.indirect_vreg.gather [hbm4b:s5+s4], $0x80, v4, vm0, $0xb8;
	[tilespmem:$0xC100] =	vst v63  }
0x124: {  	s15 =	simm.s32 $0xA080  }
0x125: {  	[tilespmem:s15], [sflag:$0x1] =	stream.indirect_vreg.gather [hbm4b:s6+s4], $0x80, v4, vm0, $0xb8;
	[tilespmem:$0xC100] =	vst v63  }
0x126: {  	_ = 	snop  }
0x127: {  	[tilespmem:s11], [sflag:$0x1] =	stream.indirect_vreg.gather [hbm4b:s1+s4], $0x80, v3, vm0, $0xb8;
	[tilespmem:$0xC100] =	vst v63  }
0x128: {  	_ = 	snop  }
0x129: {  	[tilespmem:s14], [sflag:$0x1] =	stream.indirect_vreg.gather [hbm4b:s5+s4], $0x80, v3, vm0, $0xb8;
	[tilespmem:$0xC100] =	vst v63  }
0x12a: {  	_ = 	snop  }
0x12b: {  	[tilespmem:s16], [sflag:$0x1] =	stream.indirect_vreg.gather [hbm4b:s6+s4], $0x80, v3, vm0, $0xb8;
	[tilespmem:$0xC100] =	vst v63  }
0x12c: {  	_ =	swait.ge [sflag:s2], $0xC000  }
0x12d: {  	[sflag:s2] =	ssyncset.done $0x0  }
0x12e: {  	[sflag:s2] =	ssyncadd.s32 $0xFFFF4000  }
0x12f: {  	[tilespmem:s0], [sflag:$0x2] =	stream.indirect.gather [hbm4b:s13+s10], $0x1, s4, s10, $0xb8;
	[tilespmem:$0xC100] =	vst v63  }
0x130: {  	_ =	swait.ge [sflag:s7], $0x40  }
0x131: {  	[sflag:s7] =	ssyncset.done $0x0  }
0x132: {  	s16 =	rddreg [dreg:$0xd];
	[sflag:s7] =	ssyncadd.s32 $0xFFFFFFC0  }
0x133: {  	[hbm4b:s16+s4] =	stream.linear.scatter [tilespmem:s0], [sflag:$0x3], $0x40, $0x38;
	[tilespmem:$0xC100] =	vst v63  }
0x134: {  	_ =	swait.ge [sflag:s8], $0x40  }
0x135: {  	[sflag:s8] =	ssyncset.done $0x0  }
0x136: {  	s16 =	rddreg [dreg:$0xe];
	[sflag:s8] =	ssyncadd.s32 $0xFFFFFFC0  }
0x137: {  	[hbm4b:s16+s4] =	stream.linear.scatter [tilespmem:s9], [sflag:$0x3], $0xC000, $0x38;
	[tilespmem:$0xC100] =	vst v63  }
0x138: {  	_ =	swait.ge [sflag:s8], $0xC000  }
0x139: {  	[sflag:s8] =	ssyncset.done $0x0  }
0x13a: {  	s16 =	rddreg [dreg:$0xf];
	[sflag:s8] =	ssyncadd.s32 $0xFFFF4000  }
0x13b: {  	[tilespmem:s4], [sflag:$0x3] =	stream.linear.gather [hbm4b:s16+s4], $0x40, $0x38;
	[tilespmem:$0xC100] =	vst v63  }
0x13c: {  	_ =	swait.ge [sflag:s8], $0x40  }
0x13d: {  	[sflag:s8] =	ssyncset.done $0x0  }
0x13e: {  	[sflag:s8] =	ssyncadd.s32 $0xFFFFFFC0  }
0x13f: {  	v3 =	vld [tilespmem:$0x0];
	_ =	sdelay $0x4  }
0x140: {  	v44 =	vshrl.u32 v3, $0x3  }
0x141: {  	v4 =	vmul.u32 $0x30, v44  }
0x142: {  	v3 =	vand.u32 $0x7, v3  }
0x143: {  	v3 =	vor.u32 v3, v4  }
0x144: {  	v4 =	vperm.xlane v3, v0;
	_ =	sdelay $0x1  }
0x145: {  	v4 =	vadd.s32 v1, v4;
	_ =	sdelay $0x3  }
0x146: {  	v3 =	vperm.xlane v3, v2  }
0x147: {  	[tilespmem:s9], [sflag:$0x1] =	stream.indirect_vreg.gather [hbm4b:s1+s4], $0x80, v4, vm0, $0xb8;
	[tilespmem:$0xC100] =	vst v63  }
0x148: {  	s16 =	simm.s32 $0x880;
	v3 =	vadd.s32 v1, v3  }
0x149: {  	[tilespmem:s16], [sflag:$0x1] =	stream.indirect_vreg.gather [hbm4b:s5+s4], $0x80, v4, vm0, $0xb8;
	[tilespmem:$0xC100] =	vst v63  }
0x14a: {  	s16 =	simm.s32 $0x1080  }
0x14b: {  	[tilespmem:s16], [sflag:$0x1] =	stream.indirect_vreg.gather [hbm4b:s6+s4], $0x80, v4, vm0, $0xb8;
	[tilespmem:$0xC100] =	vst v63  }
0x14c: {  	s16 =	simm.s32 $0x1880  }
0x14d: {  	[tilespmem:s16], [sflag:$0x1] =	stream.indirect_vreg.gather [hbm4b:s1+s4], $0x80, v3, vm0, $0xb8;
	[tilespmem:$0xC100] =	vst v63  }
0x14e: {  	s16 =	simm.s32 $0x2080  }
0x14f: {  	[tilespmem:s16], [sflag:$0x1] =	stream.indirect_vreg.gather [hbm4b:s5+s4], $0x80, v3, vm0, $0xb8;
	[tilespmem:$0xC100] =	vst v63  }
0x150: {  	s16 =	simm.s32 $0x2880  }
0x151: {  	[tilespmem:s16], [sflag:$0x1] =	stream.indirect_vreg.gather [hbm4b:s6+s4], $0x80, v3, vm0, $0xb8;
	[tilespmem:$0xC100] =	vst v63  }
0x152: {  	v3 =	vld [tilespmem:$0x10];
	_ =	sdelay $0x4  }
0x153: {  	v45 =	vshrl.u32 v3, $0x3  }
0x154: {  	v4 =	vmul.u32 $0x30, v45  }
0x155: {  	v3 =	vand.u32 $0x7, v3  }
0x156: {  	v3 =	vor.u32 v3, v4  }
0x157: {  	v4 =	vperm.xlane v3, v0;
	_ =	sdelay $0x1  }
0x158: {  	v4 =	vadd.s32 v1, v4;
	_ =	sdelay $0x3  }
0x159: {  	s18 =	simm.s32 $0x3080;
	v3 =	vperm.xlane v3, v2  }
0x15a: {  	[tilespmem:s18], [sflag:$0x1] =	stream.indirect_vreg.gather [hbm4b:s1+s4], $0x80, v4, vm0, $0xb8;
	[tilespmem:$0xC100] =	vst v63  }
0x15b: {  	s20 =	simm.s32 $0x3880;
	v3 =	vadd.s32 v1, v3  }
0x15c: {  	[tilespmem:s20], [sflag:$0x1] =	stream.indirect_vreg.gather [hbm4b:s5+s4], $0x80, v4, vm0, $0xb8;
	[tilespmem:$0xC100] =	vst v63  }
0x15d: {  	s21 =	simm.s32 $0x4080  }
0x15e: {  	[tilespmem:s21], [sflag:$0x1] =	stream.indirect_vreg.gather [hbm4b:s6+s4], $0x80, v4, vm0, $0xb8;
	[tilespmem:$0xC100] =	vst v63  }
0x15f: {  	s22 =	simm.s32 $0x4880  }
0x160: {  	[tilespmem:s22], [sflag:$0x1] =	stream.indirect_vreg.gather [hbm4b:s1+s4], $0x80, v3, vm0, $0xb8;
	[tilespmem:$0xC100] =	vst v63  }
0x161: {  	s23 =	simm.s32 $0x5080  }
0x162: {  	[tilespmem:s23], [sflag:$0x1] =	stream.indirect_vreg.gather [hbm4b:s5+s4], $0x80, v3, vm0, $0xb8;
	[tilespmem:$0xC100] =	vst v63  }
0x163: {  	s24 =	simm.s32 $0x5880  }
0x164: {  	[tilespmem:s24], [sflag:$0x1] =	stream.indirect_vreg.gather [hbm4b:s6+s4], $0x80, v3, vm0, $0xb8;
	[tilespmem:$0xC100] =	vst v63  }
0x165: {  	v3 =	vld [tilespmem:$0x20];
	_ =	sdelay $0x4  }
0x166: {  	v46 =	vshrl.u32 v3, $0x3  }
0x167: {  	v4 =	vmul.u32 $0x30, v46  }
0x168: {  	v3 =	vand.u32 $0x7, v3  }
0x169: {  	v3 =	vor.u32 v3, v4  }
0x16a: {  	v4 =	vperm.xlane v3, v0;
	_ =	sdelay $0x1  }
0x16b: {  	v4 =	vadd.s32 v1, v4;
	_ =	sdelay $0x3  }
0x16c: {  	s25 =	simm.s32 $0x6080;
	v3 =	vperm.xlane v3, v2  }
0x16d: {  	[tilespmem:s25], [sflag:$0x1] =	stream.indirect_vreg.gather [hbm4b:s1+s4], $0x80, v4, vm0, $0xb8;
	[tilespmem:$0xC100] =	vst v63  }
0x16e: {  	s26 =	simm.s32 $0x6880;
	v3 =	vadd.s32 v1, v3  }
0x16f: {  	[tilespmem:s26], [sflag:$0x1] =	stream.indirect_vreg.gather [hbm4b:s5+s4], $0x80, v4, vm0, $0xb8;
	[tilespmem:$0xC100] =	vst v63  }
0x170: {  	s28 =	simm.s32 $0x7080  }
0x171: {  	[tilespmem:s28], [sflag:$0x1] =	stream.indirect_vreg.gather [hbm4b:s6+s4], $0x80, v4, vm0, $0xb8;
	[tilespmem:$0xC100] =	vst v63  }
0x172: {  	s29 =	simm.s32 $0x7880  }
0x173: {  	[tilespmem:s29], [sflag:$0x1] =	stream.indirect_vreg.gather [hbm4b:s1+s4], $0x80, v3, vm0, $0xb8;
	[tilespmem:$0xC100] =	vst v63  }
0x174: {  	s30 =	simm.s32 $0x8080  }
0x175: {  	[tilespmem:s30], [sflag:$0x1] =	stream.indirect_vreg.gather [hbm4b:s5+s4], $0x80, v3, vm0, $0xb8;
	[tilespmem:$0xC100] =	vst v63  }
0x176: {  	s31 =	simm.s32 $0x8880  }
0x177: {  	[tilespmem:s31], [sflag:$0x1] =	stream.indirect_vreg.gather [hbm4b:s6+s4], $0x80, v3, vm0, $0xb8;
	[tilespmem:$0xC100] =	vst v63  }
0x178: {  	v3 =	vld [tilespmem:$0x30];
	_ =	sdelay $0x4  }
0x179: {  	v47 =	vshrl.u32 v3, $0x3  }
0x17a: {  	v4 =	vmul.u32 $0x30, v47  }
0x17b: {  	v3 =	vand.u32 $0x7, v3  }
0x17c: {  	v3 =	vor.u32 v3, v4  }
0x17d: {  	v4 =	vperm.xlane v3, v0;
	_ =	sdelay $0x1  }
0x17e: {  	v4 =	vadd.s32 v1, v4;
	_ =	sdelay $0x3  }
0x17f: {  	s19 =	simm.s32 $0x9080;
	v3 =	vperm.xlane v3, v2  }
0x180: {  	[tilespmem:s19], [sflag:$0x1] =	stream.indirect_vreg.gather [hbm4b:s1+s4], $0x80, v4, vm0, $0xb8;
	[tilespmem:$0xC100] =	vst v63  }
0x181: {  	s3 =	simm.s32 $0x9880;
	v3 =	vadd.s32 v1, v3  }
0x182: {  	[tilespmem:s3], [sflag:$0x1] =	stream.indirect_vreg.gather [hbm4b:s5+s4], $0x80, v4, vm0, $0xb8;
	[tilespmem:$0xC100] =	vst v63  }
0x183: {  	s17 =	simm.s32 $0xA080  }
0x184: {  	[tilespmem:s17], [sflag:$0x1] =	stream.indirect_vreg.gather [hbm4b:s6+s4], $0x80, v4, vm0, $0xb8;
	[tilespmem:$0xC100] =	vst v63  }
0x185: {  	s11 =	simm.s32 $0xA880  }
0x186: {  	[tilespmem:s11], [sflag:$0x1] =	stream.indirect_vreg.gather [hbm4b:s1+s4], $0x80, v3, vm0, $0xb8;
	[tilespmem:$0xC100] =	vst v63  }
0x187: {  	s14 =	simm.s32 $0xB080  }
0x188: {  	[tilespmem:s14], [sflag:$0x1] =	stream.indirect_vreg.gather [hbm4b:s5+s4], $0x80, v3, vm0, $0xb8;
	[tilespmem:$0xC100] =	vst v63  }
0x189: {  	s15 =	simm.s32 $0xB880  }
0x18a: {  	[tilespmem:s15], [sflag:$0x1] =	stream.indirect_vreg.gather [hbm4b:s6+s4], $0x80, v3, vm0, $0xb8;
	[tilespmem:$0xC100] =	vst v63  }
0x18b: {  	_ =	swait.ge [sflag:s2], $0xC000  }
0x18c: {  	[sflag:s2] =	ssyncset.done $0x0  }
0x18d: {  	s10 =	simm.s32 $0x40;
	[sflag:s2] =	ssyncadd.s32 $0xFFFF4000  }
0x18e: {  	[tilespmem:s0], [sflag:$0x2] =	stream.indirect.gather [hbm4b:s13+s10], $0x1, s4, s10, $0xb8;
	[tilespmem:$0xC100] =	vst v63  }
0x18f: {  	_ =	swait.ge [sflag:s7], $0x40  }
0x190: {  	[sflag:s7] =	ssyncset.done $0x0  }
0x191: {  	s28 =	rddreg [dreg:$0x10];
	[sflag:s7] =	ssyncadd.s32 $0xFFFFFFC0  }
0x192: {  	[hbm4b:s28+s4] =	stream.linear.scatter [tilespmem:s0], [sflag:$0x3], $0x40, $0x38;
	[tilespmem:$0xC100] =	vst v63  }
0x193: {  	_ =	swait.ge [sflag:s8], $0x40  }
0x194: {  	[sflag:s8] =	ssyncset.done $0x0  }
0x195: {  	s29 =	rddreg [dreg:$0x11];
	[sflag:s8] =	ssyncadd.s32 $0xFFFFFFC0  }
0x196: {  	[hbm4b:s29+s4] =	stream.linear.scatter [tilespmem:s9], [sflag:$0x3], $0xC000, $0x38;
	[tilespmem:$0xC100] =	vst v63  }
0x197: {  	_ =	swait.ge [sflag:s8], $0xC000  }
0x198: {  	[sflag:s8] =	ssyncset.done $0x0  }
0x199: {  	s30 =	rddreg [dreg:$0x12];
	[sflag:s8] =	ssyncadd.s32 $0xFFFF4000  }
0x19a: {  	[tilespmem:s4], [sflag:$0x3] =	stream.linear.gather [hbm4b:s30+s4], $0x40, $0x38;
	[tilespmem:$0xC100] =	vst v63  }
0x19b: {  	_ =	swait.ge [sflag:s8], $0x40  }
0x19c: {  	[sflag:s8] =	ssyncset.done $0x0  }
0x19d: {  	[sflag:s8] =	ssyncadd.s32 $0xFFFFFFC0  }
0x19e: {  	v3 =	vld [tilespmem:$0x0];
	_ =	sdelay $0x4  }
0x19f: {  	v48 =	vshrl.u32 v3, $0x3  }
0x1a0: {  	v4 =	vmul.u32 $0x30, v48  }
0x1a1: {  	v3 =	vand.u32 $0x7, v3  }
0x1a2: {  	v3 =	vor.u32 v3, v4  }
0x1a3: {  	v4 =	vperm.xlane v3, v0;
	_ =	sdelay $0x1  }
0x1a4: {  	v4 =	vadd.s32 v1, v4;
	_ =	sdelay $0x3  }
0x1a5: {  	v3 =	vperm.xlane v3, v2  }
0x1a6: {  	[tilespmem:s9], [sflag:$0x1] =	stream.indirect_vreg.gather [hbm4b:s1+s4], $0x80, v4, vm0, $0xb8;
	[tilespmem:$0xC100] =	vst v63  }
0x1a7: {  	s15 =	simm.s32 $0x880;
	v3 =	vadd.s32 v1, v3  }
0x1a8: {  	[tilespmem:s15], [sflag:$0x1] =	stream.indirect_vreg.gather [hbm4b:s5+s4], $0x80, v4, vm0, $0xb8;
	[tilespmem:$0xC100] =	vst v63  }
0x1a9: {  	s0 =	simm.s32 $0x1080  }
0x1aa: {  	[tilespmem:s0], [sflag:$0x1] =	stream.indirect_vreg.gather [hbm4b:s6+s4], $0x80, v4, vm0, $0xb8;
	[tilespmem:$0xC100] =	vst v63  }
0x1ab: {  	s7 =	simm.s32 $0x1880  }
0x1ac: {  	[tilespmem:s7], [sflag:$0x1] =	stream.indirect_vreg.gather [hbm4b:s1+s4], $0x80, v3, vm0, $0xb8;
	[tilespmem:$0xC100] =	vst v63  }
0x1ad: {  	s3 =	simm.s32 $0x2080  }
0x1ae: {  	[tilespmem:s3], [sflag:$0x1] =	stream.indirect_vreg.gather [hbm4b:s5+s4], $0x80, v3, vm0, $0xb8;
	[tilespmem:$0xC100] =	vst v63  }
0x1af: {  	s16 =	simm.s32 $0x2880  }
0x1b0: {  	[tilespmem:s16], [sflag:$0x1] =	stream.indirect_vreg.gather [hbm4b:s6+s4], $0x80, v3, vm0, $0xb8;
	[tilespmem:$0xC100] =	vst v63  }
0x1b1: {  	v3 =	vld [tilespmem:$0x10];
	_ =	sdelay $0x4  }
0x1b2: {  	v49 =	vshrl.u32 v3, $0x3  }
0x1b3: {  	v4 =	vmul.u32 $0x30, v49  }
0x1b4: {  	v3 =	vand.u32 $0x7, v3  }
0x1b5: {  	v3 =	vor.u32 v3, v4  }
0x1b6: {  	v4 =	vperm.xlane v3, v0;
	_ =	sdelay $0x1  }
0x1b7: {  	v4 =	vadd.s32 v1, v4;
	_ =	sdelay $0x3  }
0x1b8: {  	s18 =	simm.s32 $0x3080;
	v3 =	vperm.xlane v3, v2  }
0x1b9: {  	[tilespmem:s18], [sflag:$0x1] =	stream.indirect_vreg.gather [hbm4b:s1+s4], $0x80, v4, vm0, $0xb8;
	[tilespmem:$0xC100] =	vst v63  }
0x1ba: {  	v3 =	vadd.s32 v1, v3;
	s18 =	simm.s32 $0x3880  }
0x1bb: {  	[tilespmem:s18], [sflag:$0x1] =	stream.indirect_vreg.gather [hbm4b:s5+s4], $0x80, v4, vm0, $0xb8;
	[tilespmem:$0xC100] =	vst v63  }
0x1bc: {  	s20 =	simm.s32 $0x4080  }
0x1bd: {  	[tilespmem:s20], [sflag:$0x1] =	stream.indirect_vreg.gather [hbm4b:s6+s4], $0x80, v4, vm0, $0xb8;
	[tilespmem:$0xC100] =	vst v63  }
0x1be: {  	s19 =	simm.s32 $0x4880  }
0x1bf: {  	[tilespmem:s19], [sflag:$0x1] =	stream.indirect_vreg.gather [hbm4b:s1+s4], $0x80, v3, vm0, $0xb8;
	[tilespmem:$0xC100] =	vst v63  }
0x1c0: {  	s20 =	simm.s32 $0x5080  }
0x1c1: {  	[tilespmem:s20], [sflag:$0x1] =	stream.indirect_vreg.gather [hbm4b:s5+s4], $0x80, v3, vm0, $0xb8;
	[tilespmem:$0xC100] =	vst v63  }
0x1c2: {  	s21 =	simm.s32 $0x5880  }
0x1c3: {  	[tilespmem:s21], [sflag:$0x1] =	stream.indirect_vreg.gather [hbm4b:s6+s4], $0x80, v3, vm0, $0xb8;
	[tilespmem:$0xC100] =	vst v63  }
0x1c4: {  	v3 =	vld [tilespmem:$0x20];
	_ =	sdelay $0x4  }
0x1c5: {  	v50 =	vshrl.u32 v3, $0x3  }
0x1c6: {  	v4 =	vmul.u32 $0x30, v50  }
0x1c7: {  	v3 =	vand.u32 $0x7, v3  }
0x1c8: {  	v3 =	vor.u32 v3, v4  }
0x1c9: {  	v4 =	vperm.xlane v3, v0;
	_ =	sdelay $0x1  }
0x1ca: {  	v4 =	vadd.s32 v1, v4;
	_ =	sdelay $0x3  }
0x1cb: {  	s24 =	simm.s32 $0x6080;
	v3 =	vperm.xlane v3, v2  }
0x1cc: {  	[tilespmem:s24], [sflag:$0x1] =	stream.indirect_vreg.gather [hbm4b:s1+s4], $0x80, v4, vm0, $0xb8;
	[tilespmem:$0xC100] =	vst v63  }
0x1cd: {  	s22 =	simm.s32 $0x6880;
	v3 =	vadd.s32 v1, v3  }
0x1ce: {  	[tilespmem:s22], [sflag:$0x1] =	stream.indirect_vreg.gather [hbm4b:s5+s4], $0x80, v4, vm0, $0xb8;
	[tilespmem:$0xC100] =	vst v63  }
0x1cf: {  	s23 =	simm.s32 $0x7080  }
0x1d0: {  	[tilespmem:s23], [sflag:$0x1] =	stream.indirect_vreg.gather [hbm4b:s6+s4], $0x80, v4, vm0, $0xb8;
	[tilespmem:$0xC100] =	vst v63  }
0x1d1: {  	s24 =	simm.s32 $0x7880  }
0x1d2: {  	[tilespmem:s24], [sflag:$0x1] =	stream.indirect_vreg.gather [hbm4b:s1+s4], $0x80, v3, vm0, $0xb8;
	[tilespmem:$0xC100] =	vst v63  }
0x1d3: {  	s25 =	simm.s32 $0x8080  }
0x1d4: {  	[tilespmem:s25], [sflag:$0x1] =	stream.indirect_vreg.gather [hbm4b:s5+s4], $0x80, v3, vm0, $0xb8;
	[tilespmem:$0xC100] =	vst v63  }
0x1d5: {  	s26 =	simm.s32 $0x8880  }
0x1d6: {  	[tilespmem:s26], [sflag:$0x1] =	stream.indirect_vreg.gather [hbm4b:s6+s4], $0x80, v3, vm0, $0xb8;
	[tilespmem:$0xC100] =	vst v63  }
0x1d7: {  	v3 =	vld [tilespmem:$0x30];
	_ =	sdelay $0x4  }
0x1d8: {  	v51 =	vshrl.u32 v3, $0x3  }
0x1d9: {  	v4 =	vmul.u32 $0x30, v51  }
0x1da: {  	v3 =	vand.u32 $0x7, v3  }
0x1db: {  	v3 =	vor.u32 v3, v4  }
0x1dc: {  	v4 =	vperm.xlane v3, v0;
	_ =	sdelay $0x1  }
0x1dd: {  	v4 =	vadd.s32 v1, v4;
	_ =	sdelay $0x3  }
0x1de: {  	s17 =	simm.s32 $0x9080;
	v3 =	vperm.xlane v3, v2  }
0x1df: {  	[tilespmem:s17], [sflag:$0x1] =	stream.indirect_vreg.gather [hbm4b:s1+s4], $0x80, v4, vm0, $0xb8;
	[tilespmem:$0xC100] =	vst v63  }
0x1e0: {  	s31 =	simm.s32 $0x9880;
	v3 =	vadd.s32 v1, v3  }
0x1e1: {  	[tilespmem:s31], [sflag:$0x1] =	stream.indirect_vreg.gather [hbm4b:s5+s4], $0x80, v4, vm0, $0xb8;
	[tilespmem:$0xC100] =	vst v63  }
0x1e2: {  	s16 =	simm.s32 $0xA080  }
0x1e3: {  	[tilespmem:s16], [sflag:$0x1] =	stream.indirect_vreg.gather [hbm4b:s6+s4], $0x80, v4, vm0, $0xb8;
	[tilespmem:$0xC100] =	vst v63  }
0x1e4: {  	s11 =	simm.s32 $0xA880  }
0x1e5: {  	[tilespmem:s11], [sflag:$0x1] =	stream.indirect_vreg.gather [hbm4b:s1+s4], $0x80, v3, vm0, $0xb8;
	[tilespmem:$0xC100] =	vst v63  }
0x1e6: {  	s13 =	simm.s32 $0xB080  }
0x1e7: {  	[tilespmem:s13], [sflag:$0x1] =	stream.indirect_vreg.gather [hbm4b:s5+s4], $0x80, v3, vm0, $0xb8;
	[tilespmem:$0xC100] =	vst v63  }
0x1e8: {  	s14 =	simm.s32 $0xB880  }
0x1e9: {  	[tilespmem:s14], [sflag:$0x1] =	stream.indirect_vreg.gather [hbm4b:s6+s4], $0x80, v3, vm0, $0xb8;
	[tilespmem:$0xC100] =	vst v63  }
0x1ea: {  	_ =	swait.ge [sflag:s2], $0xC000  }
0x1eb: {  	[sflag:s2] =	ssyncset.done $0x0  }
0x1ec: {  	s12 =	rddreg [dreg:$0x13];
	[sflag:s2] =	ssyncadd.s32 $0xFFFF4000  }
0x1ed: {  	[hbm4b:s12+s4] =	stream.linear.scatter [tilespmem:s9], [sflag:$0x3], $0xC000, $0x38;
	[tilespmem:$0xC100] =	vst v63  }
0x1ee: {  	_ =	swait.ge [sflag:s8], $0xC000  }
0x1ef: {  	[sflag:s8] =	ssyncset.done $0x0  }
0x1f0: {  	s12 =	rddreg [dreg:$0x14];
	[sflag:s8] =	ssyncadd.s32 $0xFFFF4000  }
0x1f1: {  	[tilespmem:s4], [sflag:$0x3] =	stream.linear.gather [hbm4b:s12+s4], $0x40, $0x38;
	[tilespmem:$0xC100] =	vst v63  }
0x1f2: {  	_ =	swait.ge [sflag:s8], $0x40  }
0x1f3: {  	[sflag:s8] =	ssyncset.done $0x0  }
0x1f4: {  	[sflag:s8] =	ssyncadd.s32 $0xFFFFFFC0  }
0x1f5: {  	v3 =	vld [tilespmem:$0x0];
	_ =	sdelay $0x4  }
0x1f6: {  	v52 =	vshrl.u32 v3, $0x3  }
0x1f7: {  	v4 =	vmul.u32 $0x30, v52  }
0x1f8: {  	v3 =	vand.u32 $0x7, v3  }
0x1f9: {  	v3 =	vor.u32 v3, v4  }
0x1fa: {  	v4 =	vperm.xlane v3, v0;
	_ =	sdelay $0x1  }
0x1fb: {  	v4 =	vadd.s32 v1, v4;
	_ =	sdelay $0x3  }
0x1fc: {  	v3 =	vperm.xlane v3, v2  }
0x1fd: {  	[tilespmem:s9], [sflag:$0x1] =	stream.indirect_vreg.gather [hbm4b:s1+s4], $0x80, v4, vm0, $0xb8;
	[tilespmem:$0xC100] =	vst v63  }
0x1fe: {  	v3 =	vadd.s32 v1, v3  }
0x1ff: {  	[tilespmem:s15], [sflag:$0x1] =	stream.indirect_vreg.gather [hbm4b:s5+s4], $0x80, v4, vm0, $0xb8;
	[tilespmem:$0xC100] =	vst v63  }
0x200: {  	_ = 	snop  }
0x201: {  	[tilespmem:s0], [sflag:$0x1] =	stream.indirect_vreg.gather [hbm4b:s6+s4], $0x80, v4, vm0, $0xb8;
	[tilespmem:$0xC100] =	vst v63  }
0x202: {  	_ = 	snop  }
0x203: {  	[tilespmem:s7], [sflag:$0x1] =	stream.indirect_vreg.gather [hbm4b:s1+s4], $0x80, v3, vm0, $0xb8;
	[tilespmem:$0xC100] =	vst v63  }
0x204: {  	_ = 	snop  }
0x205: {  	[tilespmem:s3], [sflag:$0x1] =	stream.indirect_vreg.gather [hbm4b:s5+s4], $0x80, v3, vm0, $0xb8;
	[tilespmem:$0xC100] =	vst v63  }
0x206: {  	s28 =	simm.s32 $0x2880  }
0x207: {  	[tilespmem:s28], [sflag:$0x1] =	stream.indirect_vreg.gather [hbm4b:s6+s4], $0x80, v3, vm0, $0xb8;
	[tilespmem:$0xC100] =	vst v63  }
0x208: {  	v3 =	vld [tilespmem:$0x10];
	_ =	sdelay $0x4  }
0x209: {  	v53 =	vshrl.u32 v3, $0x3  }
0x20a: {  	v4 =	vmul.u32 $0x30, v53  }
0x20b: {  	v3 =	vand.u32 $0x7, v3  }
0x20c: {  	v3 =	vor.u32 v3, v4  }
0x20d: {  	v4 =	vperm.xlane v3, v0;
	_ =	sdelay $0x1  }
0x20e: {  	v4 =	vadd.s32 v1, v4;
	_ =	sdelay $0x3  }
0x20f: {  	s30 =	simm.s32 $0x3080;
	v3 =	vperm.xlane v3, v2  }
0x210: {  	[tilespmem:s30], [sflag:$0x1] =	stream.indirect_vreg.gather [hbm4b:s1+s4], $0x80, v4, vm0, $0xb8;
	[tilespmem:$0xC100] =	vst v63  }
0x211: {  	v3 =	vadd.s32 v1, v3  }
0x212: {  	[tilespmem:s18], [sflag:$0x1] =	stream.indirect_vreg.gather [hbm4b:s5+s4], $0x80, v4, vm0, $0xb8;
	[tilespmem:$0xC100] =	vst v63  }
0x213: {  	s29 =	simm.s32 $0x4080  }
0x214: {  	[tilespmem:s29], [sflag:$0x1] =	stream.indirect_vreg.gather [hbm4b:s6+s4], $0x80, v4, vm0, $0xb8;
	[tilespmem:$0xC100] =	vst v63  }
0x215: {  	_ = 	snop  }
0x216: {  	[tilespmem:s19], [sflag:$0x1] =	stream.indirect_vreg.gather [hbm4b:s1+s4], $0x80, v3, vm0, $0xb8;
	[tilespmem:$0xC100] =	vst v63  }
0x217: {  	_ = 	snop  }
0x218: {  	[tilespmem:s20], [sflag:$0x1] =	stream.indirect_vreg.gather [hbm4b:s5+s4], $0x80, v3, vm0, $0xb8;
	[tilespmem:$0xC100] =	vst v63  }
0x219: {  	_ = 	snop  }
0x21a: {  	[tilespmem:s21], [sflag:$0x1] =	stream.indirect_vreg.gather [hbm4b:s6+s4], $0x80, v3, vm0, $0xb8;
	[tilespmem:$0xC100] =	vst v63  }
0x21b: {  	v3 =	vld [tilespmem:$0x20];
	_ =	sdelay $0x4  }
0x21c: {  	v54 =	vshrl.u32 v3, $0x3  }
0x21d: {  	v4 =	vmul.u32 $0x30, v54  }
0x21e: {  	v3 =	vand.u32 $0x7, v3  }
0x21f: {  	v3 =	vor.u32 v3, v4  }
0x220: {  	v4 =	vperm.xlane v3, v0;
	_ =	sdelay $0x1  }
0x221: {  	v4 =	vadd.s32 v1, v4;
	_ =	sdelay $0x3  }
0x222: {  	s10 =	simm.s32 $0x6080;
	v3 =	vperm.xlane v3, v2  }
0x223: {  	[tilespmem:s10], [sflag:$0x1] =	stream.indirect_vreg.gather [hbm4b:s1+s4], $0x80, v4, vm0, $0xb8;
	[tilespmem:$0xC100] =	vst v63  }
0x224: {  	v3 =	vadd.s32 v1, v3  }
0x225: {  	[tilespmem:s22], [sflag:$0x1] =	stream.indirect_vreg.gather [hbm4b:s5+s4], $0x80, v4, vm0, $0xb8;
	[tilespmem:$0xC100] =	vst v63  }
0x226: {  	_ = 	snop  }
0x227: {  	[tilespmem:s23], [sflag:$0x1] =	stream.indirect_vreg.gather [hbm4b:s6+s4], $0x80, v4, vm0, $0xb8;
	[tilespmem:$0xC100] =	vst v63  }
0x228: {  	_ = 	snop  }
0x229: {  	[tilespmem:s24], [sflag:$0x1] =	stream.indirect_vreg.gather [hbm4b:s1+s4], $0x80, v3, vm0, $0xb8;
	[tilespmem:$0xC100] =	vst v63  }
0x22a: {  	_ = 	snop  }
0x22b: {  	[tilespmem:s25], [sflag:$0x1] =	stream.indirect_vreg.gather [hbm4b:s5+s4], $0x80, v3, vm0, $0xb8;
	[tilespmem:$0xC100] =	vst v63  }
0x22c: {  	s26 =	simm.s32 $0x8880  }
0x22d: {  	[tilespmem:s26], [sflag:$0x1] =	stream.indirect_vreg.gather [hbm4b:s6+s4], $0x80, v3, vm0, $0xb8;
	[tilespmem:$0xC100] =	vst v63  }
0x22e: {  	v3 =	vld [tilespmem:$0x30];
	_ =	sdelay $0x4  }
0x22f: {  	v55 =	vshrl.u32 v3, $0x3  }
0x230: {  	v4 =	vmul.u32 $0x30, v55  }
0x231: {  	v3 =	vand.u32 $0x7, v3  }
0x232: {  	v3 =	vor.u32 v3, v4  }
0x233: {  	v4 =	vperm.xlane v3, v0;
	_ =	sdelay $0x1  }
0x234: {  	v4 =	vadd.s32 v1, v4;
	_ =	sdelay $0x3  }
0x235: {  	v3 =	vperm.xlane v3, v2  }
0x236: {  	[tilespmem:s17], [sflag:$0x1] =	stream.indirect_vreg.gather [hbm4b:s1+s4], $0x80, v4, vm0, $0xb8;
	[tilespmem:$0xC100] =	vst v63  }
0x237: {  	s31 =	simm.s32 $0x9880;
	v3 =	vadd.s32 v1, v3  }
0x238: {  	[tilespmem:s31], [sflag:$0x1] =	stream.indirect_vreg.gather [hbm4b:s5+s4], $0x80, v4, vm0, $0xb8;
	[tilespmem:$0xC100] =	vst v63  }
0x239: {  	_ = 	snop  }
0x23a: {  	[tilespmem:s16], [sflag:$0x1] =	stream.indirect_vreg.gather [hbm4b:s6+s4], $0x80, v4, vm0, $0xb8;
	[tilespmem:$0xC100] =	vst v63  }
0x23b: {  	_ = 	snop  }
0x23c: {  	[tilespmem:s11], [sflag:$0x1] =	stream.indirect_vreg.gather [hbm4b:s1+s4], $0x80, v3, vm0, $0xb8;
	[tilespmem:$0xC100] =	vst v63  }
0x23d: {  	_ = 	snop  }
0x23e: {  	[tilespmem:s13], [sflag:$0x1] =	stream.indirect_vreg.gather [hbm4b:s5+s4], $0x80, v3, vm0, $0xb8;
	[tilespmem:$0xC100] =	vst v63  }
0x23f: {  	_ = 	snop  }
0x240: {  	[tilespmem:s14], [sflag:$0x1] =	stream.indirect_vreg.gather [hbm4b:s6+s4], $0x80, v3, vm0, $0xb8;
	[tilespmem:$0xC100] =	vst v63  }
0x241: {  	_ =	swait.ge [sflag:s2], $0xC000  }
0x242: {  	[sflag:s2] =	ssyncset.done $0x0  }
0x243: {  	s11 =	rddreg [dreg:$0x15];
	[sflag:s2] =	ssyncadd.s32 $0xFFFF4000  }
0x244: {  	[hbm4b:s11+s4] =	stream.linear.scatter [tilespmem:s9], [sflag:$0x3], $0xC000, $0x38;
	[tilespmem:$0xC100] =	vst v63  }
0x245: {  	_ =	swait.ge [sflag:s8], $0xC000  }
0x246: {  	[sflag:s8] =	ssyncset.done $0x0  }
0x247: {  	s13 =	rddreg [dreg:$0x16];
	[sflag:s8] =	ssyncadd.s32 $0xFFFF4000  }
0x248: {  	[tilespmem:s4], [sflag:$0x3] =	stream.linear.gather [hbm4b:s13+s4], $0x40, $0x38;
	[tilespmem:$0xC100] =	vst v63  }
0x249: {  	_ =	swait.ge [sflag:s8], $0x40  }
0x24a: {  	[sflag:s8] =	ssyncset.done $0x0  }
0x24b: {  	[sflag:s8] =	ssyncadd.s32 $0xFFFFFFC0  }
0x24c: {  	v3 =	vld [tilespmem:$0x0];
	_ =	sdelay $0x4  }
0x24d: {  	v56 =	vshrl.u32 v3, $0x3  }
0x24e: {  	v4 =	vmul.u32 $0x30, v56  }
0x24f: {  	v3 =	vand.u32 $0x7, v3  }
0x250: {  	v3 =	vor.u32 v3, v4  }
0x251: {  	v4 =	vperm.xlane v3, v0;
	_ =	sdelay $0x1  }
0x252: {  	v4 =	vadd.s32 v1, v4;
	_ =	sdelay $0x3  }
0x253: {  	v3 =	vperm.xlane v3, v2  }
0x254: {  	[tilespmem:s9], [sflag:$0x1] =	stream.indirect_vreg.gather [hbm4b:s1+s4], $0x80, v4, vm0, $0xb8;
	[tilespmem:$0xC100] =	vst v63  }
0x255: {  	s14 =	simm.s32 $0x880;
	v3 =	vadd.s32 v1, v3  }
0x256: {  	[tilespmem:s14], [sflag:$0x1] =	stream.indirect_vreg.gather [hbm4b:s5+s4], $0x80, v4, vm0, $0xb8;
	[tilespmem:$0xC100] =	vst v63  }
0x257: {  	_ = 	snop  }
0x258: {  	[tilespmem:s0], [sflag:$0x1] =	stream.indirect_vreg.gather [hbm4b:s6+s4], $0x80, v4, vm0, $0xb8;
	[tilespmem:$0xC100] =	vst v63  }
0x259: {  	_ = 	snop  }
0x25a: {  	[tilespmem:s7], [sflag:$0x1] =	stream.indirect_vreg.gather [hbm4b:s1+s4], $0x80, v3, vm0, $0xb8;
	[tilespmem:$0xC100] =	vst v63  }
0x25b: {  	s15 =	simm.s32 $0x2080  }
0x25c: {  	[tilespmem:s15], [sflag:$0x1] =	stream.indirect_vreg.gather [hbm4b:s5+s4], $0x80, v3, vm0, $0xb8;
	[tilespmem:$0xC100] =	vst v63  }
0x25d: {  	s3 =	simm.s32 $0x2880  }
0x25e: {  	[tilespmem:s3], [sflag:$0x1] =	stream.indirect_vreg.gather [hbm4b:s6+s4], $0x80, v3, vm0, $0xb8;
	[tilespmem:$0xC100] =	vst v63  }
0x25f: {  	v3 =	vld [tilespmem:$0x10];
	_ =	sdelay $0x4  }
0x260: {  	v57 =	vshrl.u32 v3, $0x3  }
0x261: {  	v4 =	vmul.u32 $0x30, v57  }
0x262: {  	v3 =	vand.u32 $0x7, v3  }
0x263: {  	v3 =	vor.u32 v3, v4  }
0x264: {  	v4 =	vperm.xlane v3, v0;
	_ =	sdelay $0x1  }
0x265: {  	v4 =	vadd.s32 v1, v4;
	_ =	sdelay $0x3  }
0x266: {  	s22 =	simm.s32 $0x3080;
	v3 =	vperm.xlane v3, v2  }
0x267: {  	[tilespmem:s22], [sflag:$0x1] =	stream.indirect_vreg.gather [hbm4b:s1+s4], $0x80, v4, vm0, $0xb8;
	[tilespmem:$0xC100] =	vst v63  }
0x268: {  	s28 =	simm.s32 $0x3880;
	v3 =	vadd.s32 v1, v3  }
0x269: {  	[tilespmem:s28], [sflag:$0x1] =	stream.indirect_vreg.gather [hbm4b:s5+s4], $0x80, v4, vm0, $0xb8;
	[tilespmem:$0xC100] =	vst v63  }
0x26a: {  	s24 =	simm.s32 $0x4080  }
0x26b: {  	[tilespmem:s24], [sflag:$0x1] =	stream.indirect_vreg.gather [hbm4b:s6+s4], $0x80, v4, vm0, $0xb8;
	[tilespmem:$0xC100] =	vst v63  }
0x26c: {  	s29 =	simm.s32 $0x4880  }
0x26d: {  	[tilespmem:s29], [sflag:$0x1] =	stream.indirect_vreg.gather [hbm4b:s1+s4], $0x80, v3, vm0, $0xb8;
	[tilespmem:$0xC100] =	vst v63  }
0x26e: {  	s30 =	simm.s32 $0x5080  }
0x26f: {  	[tilespmem:s30], [sflag:$0x1] =	stream.indirect_vreg.gather [hbm4b:s5+s4], $0x80, v3, vm0, $0xb8;
	[tilespmem:$0xC100] =	vst v63  }
0x270: {  	s25 =	simm.s32 $0x5880  }
0x271: {  	[tilespmem:s25], [sflag:$0x1] =	stream.indirect_vreg.gather [hbm4b:s6+s4], $0x80, v3, vm0, $0xb8;
	[tilespmem:$0xC100] =	vst v63  }
0x272: {  	v3 =	vld [tilespmem:$0x20];
	_ =	sdelay $0x4  }
0x273: {  	v58 =	vshrl.u32 v3, $0x3  }
0x274: {  	v4 =	vmul.u32 $0x30, v58  }
0x275: {  	v3 =	vand.u32 $0x7, v3  }
0x276: {  	v3 =	vor.u32 v3, v4  }
0x277: {  	v4 =	vperm.xlane v3, v0;
	_ =	sdelay $0x1  }
0x278: {  	v4 =	vadd.s32 v1, v4;
	_ =	sdelay $0x3  }
0x279: {  	s21 =	simm.s32 $0x6080;
	v3 =	vperm.xlane v3, v2  }
0x27a: {  	[tilespmem:s21], [sflag:$0x1] =	stream.indirect_vreg.gather [hbm4b:s1+s4], $0x80, v4, vm0, $0xb8;
	[tilespmem:$0xC100] =	vst v63  }
0x27b: {  	s26 =	simm.s32 $0x6880;
	v3 =	vadd.s32 v1, v3  }
0x27c: {  	[tilespmem:s26], [sflag:$0x1] =	stream.indirect_vreg.gather [hbm4b:s5+s4], $0x80, v4, vm0, $0xb8;
	[tilespmem:$0xC100] =	vst v63  }
0x27d: {  	s12 =	simm.s32 $0x7080  }
0x27e: {  	[tilespmem:s12], [sflag:$0x1] =	stream.indirect_vreg.gather [hbm4b:s6+s4], $0x80, v4, vm0, $0xb8;
	[tilespmem:$0xC100] =	vst v63  }
0x27f: {  	s13 =	simm.s32 $0x7880  }
0x280: {  	[tilespmem:s13], [sflag:$0x1] =	stream.indirect_vreg.gather [hbm4b:s1+s4], $0x80, v3, vm0, $0xb8;
	[tilespmem:$0xC100] =	vst v63  }
0x281: {  	s15 =	simm.s32 $0x8080  }
0x282: {  	[tilespmem:s15], [sflag:$0x1] =	stream.indirect_vreg.gather [hbm4b:s5+s4], $0x80, v3, vm0, $0xb8;
	[tilespmem:$0xC100] =	vst v63  }
0x283: {  	s23 =	simm.s32 $0x8880  }
0x284: {  	[tilespmem:s23], [sflag:$0x1] =	stream.indirect_vreg.gather [hbm4b:s6+s4], $0x80, v3, vm0, $0xb8;
	[tilespmem:$0xC100] =	vst v63  }
0x285: {  	v3 =	vld [tilespmem:$0x30];
	_ =	sdelay $0x4  }
0x286: {  	v59 =	vshrl.u32 v3, $0x3  }
0x287: {  	v4 =	vmul.u32 $0x30, v59  }
0x288: {  	v3 =	vand.u32 $0x7, v3  }
0x289: {  	v3 =	vor.u32 v3, v4  }
0x28a: {  	v4 =	vperm.xlane v3, v0;
	_ =	sdelay $0x1  }
0x28b: {  	v4 =	vadd.s32 v1, v4;
	_ =	sdelay $0x3  }
0x28c: {  	s18 =	simm.s32 $0x9080;
	v3 =	vperm.xlane v3, v2  }
0x28d: {  	[tilespmem:s18], [sflag:$0x1] =	stream.indirect_vreg.gather [hbm4b:s1+s4], $0x80, v4, vm0, $0xb8;
	[tilespmem:$0xC100] =	vst v63  }
0x28e: {  	v3 =	vadd.s32 v1, v3;
	s18 =	simm.s32 $0x9880  }
0x28f: {  	[tilespmem:s18], [sflag:$0x1] =	stream.indirect_vreg.gather [hbm4b:s5+s4], $0x80, v4, vm0, $0xb8;
	[tilespmem:$0xC100] =	vst v63  }
0x290: {  	s17 =	simm.s32 $0xA080  }
0x291: {  	[tilespmem:s17], [sflag:$0x1] =	stream.indirect_vreg.gather [hbm4b:s6+s4], $0x80, v4, vm0, $0xb8;
	[tilespmem:$0xC100] =	vst v63  }
0x292: {  	s16 =	simm.s32 $0xA880  }
0x293: {  	[tilespmem:s16], [sflag:$0x1] =	stream.indirect_vreg.gather [hbm4b:s1+s4], $0x80, v3, vm0, $0xb8;
	[tilespmem:$0xC100] =	vst v63  }
0x294: {  	s19 =	simm.s32 $0xB080  }
0x295: {  	[tilespmem:s19], [sflag:$0x1] =	stream.indirect_vreg.gather [hbm4b:s5+s4], $0x80, v3, vm0, $0xb8;
	[tilespmem:$0xC100] =	vst v63  }
0x296: {  	s20 =	simm.s32 $0xB880  }
0x297: {  	[tilespmem:s20], [sflag:$0x1] =	stream.indirect_vreg.gather [hbm4b:s6+s4], $0x80, v3, vm0, $0xb8;
	[tilespmem:$0xC100] =	vst v63  }
0x298: {  	_ =	swait.ge [sflag:s2], $0xC000  }
0x299: {  	[sflag:s2] =	ssyncset.done $0x0  }
0x29a: {  	s19 =	rddreg [dreg:$0x17];
	[sflag:s2] =	ssyncadd.s32 $0xFFFF4000  }
0x29b: {  	[hbm4b:s19+s4] =	stream.linear.scatter [tilespmem:s9], [sflag:$0x3], $0xC000, $0x38;
	[tilespmem:$0xC100] =	vst v63  }
0x29c: {  	_ =	swait.ge [sflag:s8], $0xC000  }
0x29d: {  	[sflag:s8] =	ssyncset.done $0x0  }
0x29e: {  	s20 =	rddreg [dreg:$0x18];
	[sflag:s8] =	ssyncadd.s32 $0xFFFF4000  }
0x29f: {  	[tilespmem:s4], [sflag:$0x3] =	stream.linear.gather [hbm4b:s20+s4], $0x40, $0x38;
	[tilespmem:$0xC100] =	vst v63  }
0x2a0: {  	_ =	swait.ge [sflag:s8], $0x40  }
0x2a1: {  	[sflag:s8] =	ssyncset.done $0x0  }
0x2a2: {  	[sflag:s8] =	ssyncadd.s32 $0xFFFFFFC0  }
0x2a3: {  	v3 =	vld [tilespmem:$0x0];
	_ =	sdelay $0x4  }
0x2a4: {  	v60 =	vshrl.u32 v3, $0x3  }
0x2a5: {  	v4 =	vmul.u32 $0x30, v60  }
0x2a6: {  	v3 =	vand.u32 $0x7, v3  }
0x2a7: {  	v3 =	vor.u32 v3, v4  }
0x2a8: {  	v4 =	vperm.xlane v3, v0;
	_ =	sdelay $0x1  }
0x2a9: {  	v4 =	vadd.s32 v1, v4;
	_ =	sdelay $0x3  }
0x2aa: {  	v3 =	vperm.xlane v3, v2  }
0x2ab: {  	[tilespmem:s9], [sflag:$0x1] =	stream.indirect_vreg.gather [hbm4b:s1+s4], $0x80, v4, vm0, $0xb8;
	[tilespmem:$0xC100] =	vst v63  }
0x2ac: {  	s11 =	simm.s32 $0x880;
	v3 =	vadd.s32 v1, v3  }
0x2ad: {  	[tilespmem:s11], [sflag:$0x1] =	stream.indirect_vreg.gather [hbm4b:s5+s4], $0x80, v4, vm0, $0xb8;
	[tilespmem:$0xC100] =	vst v63  }
0x2ae: {  	s0 =	simm.s32 $0x1080  }
0x2af: {  	[tilespmem:s0], [sflag:$0x1] =	stream.indirect_vreg.gather [hbm4b:s6+s4], $0x80, v4, vm0, $0xb8;
	[tilespmem:$0xC100] =	vst v63  }
0x2b0: {  	s7 =	simm.s32 $0x1880  }
0x2b1: {  	[tilespmem:s7], [sflag:$0x1] =	stream.indirect_vreg.gather [hbm4b:s1+s4], $0x80, v3, vm0, $0xb8;
	[tilespmem:$0xC100] =	vst v63  }
0x2b2: {  	s10 =	simm.s32 $0x2080  }
0x2b3: {  	[tilespmem:s10], [sflag:$0x1] =	stream.indirect_vreg.gather [hbm4b:s5+s4], $0x80, v3, vm0, $0xb8;
	[tilespmem:$0xC100] =	vst v63  }
0x2b4: {  	s31 =	simm.s32 $0x2880  }
0x2b5: {  	[tilespmem:s31], [sflag:$0x1] =	stream.indirect_vreg.gather [hbm4b:s6+s4], $0x80, v3, vm0, $0xb8;
	[tilespmem:$0xC100] =	vst v63  }
0x2b6: {  	v3 =	vld [tilespmem:$0x10];
	_ =	sdelay $0x4  }
0x2b7: {  	v61 =	vshrl.u32 v3, $0x3  }
0x2b8: {  	v4 =	vmul.u32 $0x30, v61  }
0x2b9: {  	v3 =	vand.u32 $0x7, v3  }
0x2ba: {  	v3 =	vor.u32 v3, v4  }
0x2bb: {  	v4 =	vperm.xlane v3, v0;
	_ =	sdelay $0x1  }
0x2bc: {  	v4 =	vadd.s32 v1, v4;
	_ =	sdelay $0x3  }
0x2bd: {  	s19 =	simm.s32 $0x3080;
	v3 =	vperm.xlane v3, v2  }
0x2be: {  	[tilespmem:s19], [sflag:$0x1] =	stream.indirect_vreg.gather [hbm4b:s1+s4], $0x80, v4, vm0, $0xb8;
	[tilespmem:$0xC100] =	vst v63  }
0x2bf: {  	s14 =	simm.s32 $0x3880;
	v3 =	vadd.s32 v1, v3  }
0x2c0: {  	[tilespmem:s14], [sflag:$0x1] =	stream.indirect_vreg.gather [hbm4b:s5+s4], $0x80, v4, vm0, $0xb8;
	[tilespmem:$0xC100] =	vst v63  }
0x2c1: {  	s20 =	simm.s32 $0x4080  }
0x2c2: {  	[tilespmem:s20], [sflag:$0x1] =	stream.indirect_vreg.gather [hbm4b:s6+s4], $0x80, v4, vm0, $0xb8;
	[tilespmem:$0xC100] =	vst v63  }
0x2c3: {  	s28 =	simm.s32 $0x4880  }
0x2c4: {  	[tilespmem:s28], [sflag:$0x1] =	stream.indirect_vreg.gather [hbm4b:s1+s4], $0x80, v3, vm0, $0xb8;
	[tilespmem:$0xC100] =	vst v63  }
0x2c5: {  	s29 =	simm.s32 $0x5080  }
0x2c6: {  	[tilespmem:s29], [sflag:$0x1] =	stream.indirect_vreg.gather [hbm4b:s5+s4], $0x80, v3, vm0, $0xb8;
	[tilespmem:$0xC100] =	vst v63  }
0x2c7: {  	s22 =	simm.s32 $0x5880  }
0x2c8: {  	[tilespmem:s22], [sflag:$0x1] =	stream.indirect_vreg.gather [hbm4b:s6+s4], $0x80, v3, vm0, $0xb8;
	[tilespmem:$0xC100] =	vst v63  }
0x2c9: {  	v3 =	vld [tilespmem:$0x20];
	_ =	sdelay $0x4  }
0x2ca: {  	v62 =	vshrl.u32 v3, $0x3  }
0x2cb: {  	v4 =	vmul.u32 $0x30, v62  }
0x2cc: {  	v3 =	vand.u32 $0x7, v3  }
0x2cd: {  	v3 =	vor.u32 v3, v4  }
0x2ce: {  	v4 =	vperm.xlane v3, v0;
	_ =	sdelay $0x1  }
0x2cf: {  	v4 =	vadd.s32 v1, v4;
	_ =	sdelay $0x3  }
0x2d0: {  	s30 =	simm.s32 $0x6080;
	v3 =	vperm.xlane v3, v2  }
0x2d1: {  	[tilespmem:s30], [sflag:$0x1] =	stream.indirect_vreg.gather [hbm4b:s1+s4], $0x80, v4, vm0, $0xb8;
	[tilespmem:$0xC100] =	vst v63  }
0x2d2: {  	s21 =	simm.s32 $0x6880;
	v3 =	vadd.s32 v1, v3  }
0x2d3: {  	[tilespmem:s21], [sflag:$0x1] =	stream.indirect_vreg.gather [hbm4b:s5+s4], $0x80, v4, vm0, $0xb8;
	[tilespmem:$0xC100] =	vst v63  }
0x2d4: {  	s24 =	simm.s32 $0x7080  }
0x2d5: {  	[tilespmem:s24], [sflag:$0x1] =	stream.indirect_vreg.gather [hbm4b:s6+s4], $0x80, v4, vm0, $0xb8;
	[tilespmem:$0xC100] =	vst v63  }
0x2d6: {  	s25 =	simm.s32 $0x7880  }
0x2d7: {  	[tilespmem:s25], [sflag:$0x1] =	stream.indirect_vreg.gather [hbm4b:s1+s4], $0x80, v3, vm0, $0xb8;
	[tilespmem:$0xC100] =	vst v63  }
0x2d8: {  	s26 =	simm.s32 $0x8080  }
0x2d9: {  	[tilespmem:s26], [sflag:$0x1] =	stream.indirect_vreg.gather [hbm4b:s5+s4], $0x80, v3, vm0, $0xb8;
	[tilespmem:$0xC100] =	vst v63  }
0x2da: {  	s23 =	simm.s32 $0x8880  }
0x2db: {  	[tilespmem:s23], [sflag:$0x1] =	stream.indirect_vreg.gather [hbm4b:s6+s4], $0x80, v3, vm0, $0xb8;
	[tilespmem:$0xC100] =	vst v63  }
0x2dc: {  	v3 =	vld [tilespmem:$0x30];
	_ =	sdelay $0x4  }
0x2dd: {  	v63 =	vshrl.u32 v3, $0x3  }
0x2de: {  	v4 =	vmul.u32 $0x30, v63  }
0x2df: {  	v3 =	vand.u32 $0x7, v3  }
0x2e0: {  	v3 =	vor.u32 v3, v4  }
0x2e1: {  	v4 =	vperm.xlane v3, v0;
	_ =	sdelay $0x1  }
0x2e2: {  	v4 =	vadd.s32 v1, v4;
	_ =	sdelay $0x3  }
0x2e3: {  	s13 =	simm.s32 $0x9080;
	v3 =	vperm.xlane v3, v2  }
0x2e4: {  	[tilespmem:s13], [sflag:$0x1] =	stream.indirect_vreg.gather [hbm4b:s1+s4], $0x80, v4, vm0, $0xb8;
	[tilespmem:$0xC100] =	vst v63  }
0x2e5: {  	s18 =	simm.s32 $0x9880;
	v3 =	vadd.s32 v1, v3  }
0x2e6: {  	[tilespmem:s18], [sflag:$0x1] =	stream.indirect_vreg.gather [hbm4b:s5+s4], $0x80, v4, vm0, $0xb8;
	[tilespmem:$0xC100] =	vst v63  }
0x2e7: {  	s15 =	simm.s32 $0xA080  }
0x2e8: {  	[tilespmem:s15], [sflag:$0x1] =	stream.indirect_vreg.gather [hbm4b:s6+s4], $0x80, v4, vm0, $0xb8;
	[tilespmem:$0xC100] =	vst v63  }
0x2e9: {  	s3 =	simm.s32 $0xA880  }
0x2ea: {  	[tilespmem:s3], [sflag:$0x1] =	stream.indirect_vreg.gather [hbm4b:s1+s4], $0x80, v3, vm0, $0xb8;
	[tilespmem:$0xC100] =	vst v63  }
0x2eb: {  	s16 =	simm.s32 $0xB080  }
0x2ec: {  	[tilespmem:s16], [sflag:$0x1] =	stream.indirect_vreg.gather [hbm4b:s5+s4], $0x80, v3, vm0, $0xb8;
	[tilespmem:$0xC100] =	vst v63  }
0x2ed: {  	s17 =	simm.s32 $0xB880  }
0x2ee: {  	[tilespmem:s17], [sflag:$0x1] =	stream.indirect_vreg.gather [hbm4b:s6+s4], $0x80, v3, vm0, $0xb8;
	[tilespmem:$0xC100] =	vst v63  }
0x2ef: {  	s11 =	rddreg [dreg:$0x1a];
	_ =	swait.ge [sflag:s2], $0xC000  }
0x2f0: {  	p0 =	sne.s32 s11, $0x1;
	[sflag:s2] =	ssyncset.done $0x0  }
.Ltmp0:
0x2f1: {  	s31 =	rddreg [dreg:$0x19];
	[sflag:s2] =	ssyncadd.s32 $0xFFFF4000;
	(pc) =	sbr.rel @p0 .LBB2_1-.Ltmp0, $4  }
0x2f2: {  	[hbm4b:s31+s4] =	stream.linear.scatter [tilespmem:s9], [sflag:$0x3], $0xC000, $0x38;
	[tilespmem:$0xC100] =	vst v63  }
0x2f3: {  	_ =	swait.ge [sflag:s8], $0xC000  }
0x2f4: {  	[sflag:s8] =	ssyncset.done $0x0  }
0x2f5: {  	s0 =	sadd.s32 $0xFFFFFFFF, s11;
	[sflag:s8] =	ssyncadd.s32 $0xFFFF4000  }
0x2f6: {  	_ =	sfence.sel $0x180000  }
0x2f7: {  	[bflag:$0x0] =	sbarrier.arrive $0xFFFF  }
0x2f8: {  	_ =	strace $0x90000047  }
0x2f9: {  	s0 =	stileid.u32;
	[bflag:$0x2] =	sbarrier.arrive $0xFFFF  }
0x2fa: {  	p0 =	sne.s32 s0, $0x0;
	s0 =	rddreg [dreg:$0x5]  }
0x2fb: {  	s0 =	sadd.s32 @!p0 $0x100000, s0  }
0x2fc: {  	[sflag:s0] =	ssyncadd.tile.s32 @!p0 $0x1;
	_ =	shalt  }
.Lfunc_end2:
_tile_overlayer_lowered:
.L_overlay_start_2:
0x2fd: {  	(tag) =	ssettag $0x2  }
0x2fe: {  	s0 =	rddreg [dreg:$0x0];
	s2 =	stileid.u32  }
0x2ff: {  	s1 =	rddreg [dreg:$0x1];
	p0 =	sne.s32 s2, $0x0  }
0x300: {  	s3 =	rddreg [dreg:$0x2];
	[bflag:$0x3] =	sbarrier.arrive $0xFFFF;
	s2 =	simm.s32 @!p0 $0x1C03  }
0x301: {  	[timem:s3], [sflag:s2] =	dma.local @!p0 [hbm:s0], s1  }
0x302: {  	s0 =	simm.s32 @!p0 $0x3  }
0x303: {  	_ =	swait.ge @!p0 [sflag:s0], s1  }
0x304: {  	s1 =	ssub.s32 @!p0 $0x0, s1;
	[sflag:s0] =	ssyncset.done @!p0 $0x0  }
0x305: {  	[sflag:s0] =	ssyncadd.s32 @!p0 s1  }
0x306: {  	[bflag:$0x3] =	sbarrier.arrive $0xFFFF  }
0x307: {  	_ =	shalt  }

// kernel: kernel.14.cloned.1.call-start
scs
__scs_entry_jumppad:
0x0: {  	(pc) =	sbr.rel $0x88, $3  }
0x1: {  	(tag) =	ssettag $0x0;
	lr =	simm.s32 $0x1  }
0x2: {  	[smem:$0x3F93] =	sst lr;
	_ =	strace $0xD0000000  }
0x3: {  	_ = 	snop  }
0x4: {  	_ = 	snop  }
0x5: {  	_ = 	snop  }
0x6: {  	_ = 	snop  }
0x7: {  	_ = 	snop  }
__scs_overlays_trampoline_lowered:
0x8: {  	[smem:$0x3FA2] =	sst s0  }
0x9: {  	[smem:$0x3FA3] =	sst s1  }
0xa: {  	[smem:$0x3FA4] =	sst s2  }
0xb: {  	[smem:$0x3FA5] =	sst s3  }
0xc: {  	[smem:$0x3FA6] =	sst s4  }
0xd: {  	[smem:$0x3FA7] =	sst s5  }
0xe: {  	[smem:$0x3FA8] =	sst s6  }
0xf: {  	[smem:$0x3FA9] =	sst s7  }
0x10: {  	[smem:$0x3FAA] =	sst s8  }
0x11: {  	[smem:$0x3FAB] =	sst s9;
	s0 =	simm.s32 @!p0 $0x0  }
0x12: {  	s1 =	sld [smem:$0x3F91];
	s0 =	simm.s32 @p0 $0x1  }
0x13: {  	[smem:$0x3FAC] =	sst s0;
	s0 =	simm.s32 @!p1 $0x0  }
0x14: {  	s2 =	sld [smem:$0x3F90];
	s0 =	simm.s32 @p1 $0x1  }
0x15: {  	[smem:$0x3FAD] =	sst s0;
	s0 =	simm.s32 @!p2 $0x0  }
0x16: {  	s3 =	sld [smem:$0x3FDB];
	s0 =	simm.s32 @p2 $0x1  }
0x17: {  	s4 =	simm.s32 $0x1BF5;
	[smem:$0x3FAF] =	sst s0  }
0x18: {  	s0 =	sld [smem:$0x3F92];
	_ =	swait.ge [sflag:s4], $0x0  }
0x19: {  	s7 =	sld [smem:$0x3F93]  }
0x1a: {  	s8 =	sadd.s32 $0xFFFFE003, lr  }
0x1b: {  	s9 =	sadd.s32 $0xFFFFFEF7, lr;
	s5 =	simm.s32 $0xFFFFFFFF;
	p2 =	slt.u32 s8, $0xFFFFF086  }
0x1c: {  	p1 =	slt.u32 s9, $0xF7A;
	s5 =	simm.s32 @!p2 $0x0  }
0x1d: {  	s5 =	simm.s32 @p1 $0x1;
	p0 =	seq.s32 s7, s2  }
0x1e: {  	s7 =	smul.u32 @!p0 $0xF7A, s2;
	p2 =	seq.s32 @!p0 s5, $0x0  }
0x1f: {  	s9 =	smul.u32 $0xF7A, s1;
	s8 =	simm.s32 @!p0 $0x1BF5;
	p2 =	por !p2, p0  }
0x20: {  	[sflag:s8] =	ssyncset.s32 @!p0 $0xFFFFF086;
	s6 =	sadd.s32 @!p0 s3, s7;
	s7 =	simm.s32 @!p0 $0x108  }
0x21: {  	s3 =	sadd.s32 s3, s9;
	s6 =	sadd.s32 @!p0 $0x88, s6;
	s7 =	simm.s32 @p2 $0x1082  }
0x22: {  	[simem:s7], [sflag:s8] =	dma.local @!p0 [hbm:s6], $0xF7A  }
0x23: {  	s9 =	sor.u32 $0xD0000000, s2;
	s6 =	simm.s32 $0x108;
	_ =	swait.ge @!p0 [sflag:s8], $0x0  }
0x24: {  	s3 =	sadd.s32 $0x88, s3;
	s6 =	simm.s32 @!p1 $0x1082;
	[sflag:s4] =	ssyncset.s32 $0xFFFFF086  }
0x25: {  	[simem:s6], [sflag:s4] =	dma.local [hbm:s3], $0xF7A  }
0x26: {  	[smem:$0x3F93] =	sst s1;
	(tag) =	ssettag s2;
	_ =	strace s9  }
0x27: {  	s1 =	sld [smem:$0x3FA3]  }
0x28: {  	s2 =	sld [smem:$0x3FA4]  }
0x29: {  	s4 =	sld [smem:$0x3FA6]  }
0x2a: {  	p0 =	seq.s32 s5, $0x0;
	s5 =	sld [smem:$0x3FA7]  }
0x2b: {  	s6 =	sld [smem:$0x3FA8]  }
0x2c: {  	s7 =	sld [smem:$0x3FA9]  }
0x2d: {  	s3 =	simm.s32 $0x108;
	s8 =	sld [smem:$0x3FAA]  }
0x2e: {  	s3 =	simm.s32 @!p0 $0x1082;
	s9 =	sld [smem:$0x3FAB]  }
0x2f: {  	lr =	sadd.s32 s0, s3;
	s0 =	sld [smem:$0x3FA2]  }
0x30: {  	s3 =	sld [smem:$0x3FA5]  }
0x31: {  	[smem:$0x3FAE] =	sst s10  }
0x32: {  	s10 =	sld [smem:$0x3FAC];
	_ =	sdelay $0x3  }
0x33: {  	p0 =	seq.s32 s10, $0x1;
	s10 =	sld [smem:$0x3FAE];
	_ =	sdelay $0x3  }
0x34: {  	[smem:$0x3FAE] =	sst s10  }
0x35: {  	s10 =	sld [smem:$0x3FAD];
	_ =	sdelay $0x3  }
0x36: {  	p1 =	seq.s32 s10, $0x1;
	s10 =	sld [smem:$0x3FAE];
	_ =	sdelay $0x3  }
0x37: {  	[smem:$0x3FAE] =	sst s10  }
0x38: {  	s10 =	sld [smem:$0x3FAF]  }
0x39: {  	_ = 	snop;
	(pc) =	sbr.ind lr, $3  }
0x3a: {  	_ = 	snop  }
0x3b: {  	_ = 	snop  }
0x3c: {  	p2 =	seq.s32 s10, $0x1;
	s10 =	sld [smem:$0x3FAE]  }
0x3d: {  	_ =	shalt  }
0x3e: {  	_ =	shalt  }
0x3f: {  	_ =	shalt  }
0x40: {  	_ =	shalt  }
0x41: {  	_ =	shalt  }
0x42: {  	_ =	shalt  }
0x43: {  	_ =	shalt  }
0x44: {  	_ =	shalt  }
0x45: {  	_ =	shalt  }
0x46: {  	_ =	shalt  }
0x47: {  	_ =	shalt  }
0x48: {  	_ =	shalt  }
0x49: {  	_ =	shalt  }
0x4a: {  	_ =	shalt  }
0x4b: {  	_ =	shalt  }
0x4c: {  	_ =	shalt  }
0x4d: {  	_ =	shalt  }
0x4e: {  	_ =	shalt  }
0x4f: {  	_ =	shalt  }
0x50: {  	_ =	shalt  }
0x51: {  	_ =	shalt  }
0x52: {  	_ =	shalt  }
0x53: {  	_ =	shalt  }
0x54: {  	_ =	shalt  }
0x55: {  	_ =	shalt  }
0x56: {  	_ =	shalt  }
0x57: {  	_ =	shalt  }
0x58: {  	_ =	shalt  }
0x59: {  	_ =	shalt  }
0x5a: {  	_ =	shalt  }
0x5b: {  	_ =	shalt  }
0x5c: {  	_ =	shalt  }
0x5d: {  	_ =	shalt  }
0x5e: {  	_ =	shalt  }
0x5f: {  	_ =	shalt  }
0x60: {  	_ =	shalt  }
0x61: {  	_ =	shalt  }
0x62: {  	_ =	shalt  }
0x63: {  	_ =	shalt  }
0x64: {  	_ =	shalt  }
0x65: {  	_ =	shalt  }
0x66: {  	_ =	shalt  }
0x67: {  	_ =	shalt  }
0x68: {  	_ =	shalt  }
0x69: {  	_ =	shalt  }
0x6a: {  	_ =	shalt  }
0x6b: {  	_ =	shalt  }
0x6c: {  	_ =	shalt  }
0x6d: {  	_ =	shalt  }
0x6e: {  	_ =	shalt  }
0x6f: {  	_ =	shalt  }
0x70: {  	_ =	shalt  }
0x71: {  	_ =	shalt  }
0x72: {  	_ =	shalt  }
0x73: {  	_ =	shalt  }
0x74: {  	_ =	shalt  }
0x75: {  	_ =	shalt  }
0x76: {  	_ =	shalt  }
0x77: {  	_ =	shalt  }
0x78: {  	_ =	shalt  }
0x79: {  	_ =	shalt  }
0x7a: {  	_ =	shalt  }
0x7b: {  	_ =	shalt  }
0x7c: {  	_ =	shalt  }
0x7d: {  	_ =	shalt  }
0x7e: {  	_ =	shalt  }
0x7f: {  	_ =	shalt  }
0x80: {  	_ =	shalt  }
0x81: {  	_ =	shalt  }
0x82: {  	_ =	shalt  }
0x83: {  	_ =	shalt  }
0x84: {  	_ =	shalt  }
0x85: {  	_ =	shalt  }
0x86: {  	_ =	shalt  }
0x87: {  	_ =	shalt  }
.Lfunc_end0:
.L_simem_size_0:
called_computation.2_lowered:
.L_overlay_start_0:
0x88: {  	s2 =	sld [smem:$0x3FD9]  }
0x89: {  	s3 =	sld [smem:$0x3FFE];
	_ =	sdelay $0x1  }
0x8a: {  	s1 =	srdreg.scid  }
0x8b: {  	s0 =	sand.u32 $0x1, s1  }
0x8c: {  	s17 =	sshll.u32 s0, $0xA;
	s2 =	sadd.s32 s3, s2  }
0x8d: {  	s2 =	sadd.s32 s2, s17  }
0x8e: {  	[smem:$0x3FBA] =	sst s2  }
0x8f: {  	_ = 	snop  }
0x90: {  	s2 =	sld [smem:$0x3FD0];
	(tm) =	ssettm $0x1  }
0x91: {  	s18 =	sld [smem:$0x3FFB];
	_ =	sdelay $0x3  }
0x92: {  	_ =	strace s18  }
0x93: {  	s3 =	sld [smem:$0x3FFC];
	_ =	sdelay $0x3  }
0x94: {  	_ =	strace s3  }
0x95: {  	s3 =	sld [smem:$0x3FFD];
	_ =	sdelay $0x3  }
0x96: {  	_ =	strace s3  }
0x97: {  	_ =	strace $0x8FFFFFFF  }
0x98: {  	s19 =	sld [smem:$0x3FDB];
	_ =	sdelay $0x1  }
0x99: {  	s4 =	simm.s32 $_scs_section_size  }
0x9a: {  	s5 =	simm.s32 $_size__tile_overlayer_lowered;
	s6 =	simm.s32 $_tile_overlayer_lowered  }
0x9b: {  	s22 =	simm.s32 $0x1BFF;
	s21 =	sshll.u32 s6, $0x1;
	s3 =	sadd.s32 s4, s19  }
0x9c: {  	s7 =	simm.s32 $0x0;
	s20 =	sshll.u32 s5, $0x1;
	s5 =	sadd.s32 s21, s3  }
0x9d: {  	[timem:s7], [sflag:s22] =	dma.local [hbm:s5], s20  }
0x9e: {  	_ =	swait.ge [sflag:s22], s20  }
0x9f: {  	s4 =	ssub.s32 $0x0, s20;
	[sflag:s22] =	ssyncset.done $0x0  }
0xa0: {  	[sflag:s22] =	ssyncadd.s32 s4;
	_ =	sdelay $0x1  }
0xa1: {  	s23 =	simm.s32 $0x1B8B  }
0xa2: {  	_ =	swait.ge [sflag:s23], $0x1  }
0xa3: {  	[sflag:s23] =	ssyncset.done $0x0  }
0xa4: {  	s25 =	simm.s32 $0x1B8E;
	s24 =	sld [smem:$0x3FFE];
	[sflag:s23] =	ssyncadd.s32 $0xFFFFFFFF  }
0xa5: {  	s26 =	simm.s32 $execute0_lowered;
	[smem:$0x3FD2] =	sst s25  }
0xa6: {  	s5 =	sshll.u32 s26, $0x1;
	_ =	strace $0x8000004C;
	[dreg:$0x1] =	wrdreg $0xFFFFFFFF  }
0xa7: {  	s28 =	simm.s32 $_size_execute0_lowered;
	s3 =	sadd.s32 s3, s5;
	[dreg:$0x0] =	wrdreg $0x0  }
0xa8: {  	s5 =	sshll.u32 s28, $0x1;
	[dreg:$0x2] =	wrdreg s3  }
0xa9: {  	[dreg:$0x3] =	wrdreg s5  }
0xaa: {  	[dreg:$0x4] =	wrdreg $0xC0  }
0xab: {  	_ =	task [dreg:s7], $0x5FFFF  }
0xac: {  	[dreg:$0x1] =	wrdreg $0xFFFFFFFF  }
0xad: {  	[dreg:$0x0] =	wrdreg $0x60  }
0xae: {  	[dreg:$0x2] =	wrdreg s24  }
0xaf: {  	[dreg:$0x3] =	wrdreg s2  }
0xb0: {  	[dreg:$0x4] =	wrdreg $0x9  }
0xb1: {  	_ =	task.clear_ibuf [dreg:s7], $0x5FFFF;
	_ =	strace $0x9000004C  }
0xb2: {  	s29 =	simm.s32 $0x9;
	_ =	strace $0x8000004E  }
0xb3: {  	_ =	swait.ge [sflag:s29], $0x1  }
0xb4: {  	[sflag:s29] =	ssyncadd.s32 $0xFFFFFFFF  }
0xb5: {  	_ =	strace $0x9000004E  }
0xb6: {  	_ =	sfence  }
0xb7: {  	s30 =	sld [smem:$0x0];
	_ =	sdelay $0x2  }
0xb8: {  	s31 =	sshll.u32 s1, $0xD;
	s1 =	sshrl.u32 s1, $0x2  }
0xb9: {  	s3 =	sand.u32 $0x4000, s31;
	s1 =	sadd.s32 s1, s30  }
0xba: {  	s0 =	sor.u32 s3, s0;
	s1 =	sshll.u32 s1, $0x11  }
0xbb: {  	s0 =	sor.u32 s1, s0  }
0xbc: {  	s0 =	sadd.s32 $0x8F2B, s0  }
0xbd: {  	[sflag:s0] =	ssyncadd.remote.s32 $0x1  }
0xbe: {  	_ =	sfence.sel $0xFFFF  }
0xbf: {  	[dreg:$0x0] =	wrdreg $0xFFFFFFFF;
	(pc) =	sbr.abs _section_cstart, $3  }
0xc0: {  	[dreg:$0x1] =	wrdreg $0xFFFFFFFF  }
0xc1: {  	_ =	task.clear_ibuf [dreg:s7], $0x2FFFF;
	_ =	strace $0x9FFFFFFF  }
0xc2: {  	(tm) =	ssettm $0x7FFFFFFF  }
0xc3: {  	_ =	shalt  }
tec
execute0_lowered:
.L_overlay_start_1:
0x0: {  	(tag) =	ssettag $0x1  }
0x1: {  	s0 =	rddreg [dreg:$0x0]  }
0x2: {  	s2 =	rddreg [dreg:$0x1];
	s1 =	srdreg.scid;
	s3 =	simm.s32 $0x0  }
0x3: {  	s4 =	stileid.u32;
	s9 =	simm.s32 $0x800;
	s10 =	simm.s32 $0x1000  }
0x4: {  	s11 =	simm.s32 $0x1800;
	s12 =	simm.s32 $0x2000;
	s13 =	simm.s32 $0x2800  }
0x5: {  	s14 =	simm.s32 $0x3000;
	s15 =	simm.s32 $0x3800;
	s16 =	simm.s32 $0x4000  }
0x6: {  	s17 =	simm.s32 $0x4800;
	s18 =	simm.s32 $0x5000;
	s19 =	simm.s32 $0x5800  }
0x7: {  	s20 =	simm.s32 $0x6000;
	s21 =	simm.s32 $0x6800;
	s22 =	simm.s32 $0x7000  }
0x8: {  	s23 =	simm.s32 $0x7800;
	s24 =	simm.s32 $0x8000;
	s28 =	simm.s32 $0x9800  }
0x9: {  	s29 =	simm.s32 $0xA000;
	s30 =	simm.s32 $0xA800;
	s31 =	simm.s32 $0xB000  }
0xa: {  	s1 =	sand.u32 $0x1, s1;
	[smem:$0x7FF] =	sst s3;
	s4 =	sshll.u32 s4, $0x6  }
0xb: {  	s6 =	sadd.s32 $0x183A00, s0;
	s0 =	sadd.s32 $0x183400, s0;
	s5 =	sshll.u32 s1, $0x5  }
0xc: {  	_ =	strace $0x8000004D;
	s1 =	ssub.s32 $0x2, s1;
	s4 =	sor.u32 s5, s4  }
0xd: {  	s8 =	sshrl.u32 s1, $0x1;
	s5 =	smul.u32 $0x300, s4;
	s7 =	sadd.s32 s0, s4  }
0xe: {  	s4 =	sor.u32 $0x10, s4;
	s1 =	ssub.s32 s1, s8;
	s8 =	simm.s32 $0x2  }
0xf: {  	[dreg:$0x3] =	wrdreg s7;
	s25 =	smul.u32 $0x300, s4;
	s0 =	sadd.s32 s0, s4  }
0x10: {  	s4 =	sadd.s32 $0x100, s2;
	s5 =	sadd.s32 s6, s5;
	[dreg:$0x5] =	wrdreg s0  }
0x11: {  	v2 =	vlaneseq.u32;
	s7 =	simm.s32 $0x18000;
	s0 =	simm.s32 $0x1;
	[dreg:$0x4] =	wrdreg s5  }
0x12: {  	vm0 =	vmmov $0xffff;
	v1 =	vshrl.u32 v2, $0x3;
	s26 =	sadd.s32 s6, s25;
	s5 =	sadd.s32 $0x200, s2;
	s6 =	smax.u32 s1, $0x1  }
0x13: {  	v0 =	vand.u32 $0x7, v2;
	v2 =	vor.u32 $0x8, v2;
	v1 =	vmul.u32 $0x8, v1;
	s25 =	simm.s32 $0x8800;
	[dreg:$0x6] =	wrdreg s26;
	s26 =	simm.s32 $0x9000  }
.LBB2_1:
0x14: {  	s1 =	rddreg [dreg:$0x3]  }
0x15: {  	[tilespmem:s7], [sflag:$0x2] =	stream.linear.gather [hbm4b:s1+s3], $0x80, $0x38;
	[tilespmem:$0x18080] =	vst v63  }
0x16: {  	_ =	swait.ge [sflag:s8], $0x80  }
0x17: {  	[sflag:s8] =	ssyncset.done $0x0  }
0x18: {  	s1 =	rddreg [dreg:$0x4];
	[sflag:s8] =	ssyncadd.s32 $0xFFFFFF80  }
0x19: {  	[tilespmem:s3], [sflag:$0x2] =	stream.linear.gather [hbm4b:s1+s3], $0x18000, $0x38;
	[tilespmem:$0x18080] =	vst v63  }
0x1a: {  	_ =	swait.ge [sflag:s8], $0x18000  }
0x1b: {  	[sflag:s8] =	ssyncset.done $0x0  }
0x1c: {  	[sflag:s8] =	ssyncadd.s32 $0xFFFE8000  }
0x1d: {  	v3 =	vld [tilespmem:$0x18000];
	_ =	sdelay $0x4  }
0x1e: {  	v4 =	vshrl.u32 v3, $0x3  }
0x1f: {  	v4 =	vmul.u32 $0x30, v4  }
0x20: {  	v3 =	vand.u32 $0x7, v3  }
0x21: {  	v3 =	vor.u32 v3, v4  }
0x22: {  	v4 =	vperm.xlane v3, v0;
	_ =	sdelay $0x1  }
0x23: {  	v4 =	vadd.s32 v1, v4;
	_ =	sdelay $0x3  }
0x24: {  	v3 =	vperm.xlane v3, v2  }
0x25: {  	[hbm4b:s2+s3] =	stream.indirect_vreg.scatter [tilespmem:s3], [sflag:$0x1], $0x80, v4, vm0, $0xb8;
	[tilespmem:$0x18080] =	vst v63  }
0x26: {  	v3 =	vadd.s32 v1, v3  }
0x27: {  	[hbm4b:s4+s3] =	stream.indirect_vreg.scatter [tilespmem:s9], [sflag:$0x1], $0x80, v4, vm0, $0xb8;
	[tilespmem:$0x18080] =	vst v63  }
0x28: {  	_ = 	snop  }
0x29: {  	[hbm4b:s5+s3] =	stream.indirect_vreg.scatter [tilespmem:s10], [sflag:$0x1], $0x80, v4, vm0, $0xb8;
	[tilespmem:$0x18080] =	vst v63  }
0x2a: {  	_ = 	snop  }
0x2b: {  	[hbm4b:s2+s3] =	stream.indirect_vreg.scatter [tilespmem:s11], [sflag:$0x1], $0x80, v3, vm0, $0xb8;
	[tilespmem:$0x18080] =	vst v63  }
0x2c: {  	_ = 	snop  }
0x2d: {  	[hbm4b:s4+s3] =	stream.indirect_vreg.scatter [tilespmem:s12], [sflag:$0x1], $0x80, v3, vm0, $0xb8;
	[tilespmem:$0x18080] =	vst v63  }
0x2e: {  	_ = 	snop  }
0x2f: {  	[hbm4b:s5+s3] =	stream.indirect_vreg.scatter [tilespmem:s13], [sflag:$0x1], $0x80, v3, vm0, $0xb8;
	[tilespmem:$0x18080] =	vst v63  }
0x30: {  	v3 =	vld [tilespmem:$0x18010];
	_ =	sdelay $0x4  }
0x31: {  	v49 =	vshrl.u32 v3, $0x3  }
0x32: {  	v4 =	vmul.u32 $0x30, v49  }
0x33: {  	v3 =	vand.u32 $0x7, v3  }
0x34: {  	v3 =	vor.u32 v3, v4  }
0x35: {  	v4 =	vperm.xlane v3, v0;
	_ =	sdelay $0x1  }
0x36: {  	v4 =	vadd.s32 v1, v4;
	_ =	sdelay $0x3  }
0x37: {  	v3 =	vperm.xlane v3, v2  }
0x38: {  	[hbm4b:s2+s3] =	stream.indirect_vreg.scatter [tilespmem:s14], [sflag:$0x1], $0x80, v4, vm0, $0xb8;
	[tilespmem:$0x18080] =	vst v63  }
0x39: {  	v3 =	vadd.s32 v1, v3  }
0x3a: {  	[hbm4b:s4+s3] =	stream.indirect_vreg.scatter [tilespmem:s15], [sflag:$0x1], $0x80, v4, vm0, $0xb8;
	[tilespmem:$0x18080] =	vst v63  }
0x3b: {  	_ = 	snop  }
0x3c: {  	[hbm4b:s5+s3] =	stream.indirect_vreg.scatter [tilespmem:s16], [sflag:$0x1], $0x80, v4, vm0, $0xb8;
	[tilespmem:$0x18080] =	vst v63  }
0x3d: {  	_ = 	snop  }
0x3e: {  	[hbm4b:s2+s3] =	stream.indirect_vreg.scatter [tilespmem:s17], [sflag:$0x1], $0x80, v3, vm0, $0xb8;
	[tilespmem:$0x18080] =	vst v63  }
0x3f: {  	_ = 	snop  }
0x40: {  	[hbm4b:s4+s3] =	stream.indirect_vreg.scatter [tilespmem:s18], [sflag:$0x1], $0x80, v3, vm0, $0xb8;
	[tilespmem:$0x18080] =	vst v63  }
0x41: {  	_ = 	snop  }
0x42: {  	[hbm4b:s5+s3] =	stream.indirect_vreg.scatter [tilespmem:s19], [sflag:$0x1], $0x80, v3, vm0, $0xb8;
	[tilespmem:$0x18080] =	vst v63  }
0x43: {  	v3 =	vld [tilespmem:$0x18020];
	_ =	sdelay $0x4  }
0x44: {  	v50 =	vshrl.u32 v3, $0x3  }
0x45: {  	v4 =	vmul.u32 $0x30, v50  }
0x46: {  	v3 =	vand.u32 $0x7, v3  }
0x47: {  	v3 =	vor.u32 v3, v4  }
0x48: {  	v4 =	vperm.xlane v3, v0;
	_ =	sdelay $0x1  }
0x49: {  	v4 =	vadd.s32 v1, v4;
	_ =	sdelay $0x3  }
0x4a: {  	v3 =	vperm.xlane v3, v2  }
0x4b: {  	[hbm4b:s2+s3] =	stream.indirect_vreg.scatter [tilespmem:s20], [sflag:$0x1], $0x80, v4, vm0, $0xb8;
	[tilespmem:$0x18080] =	vst v63  }
0x4c: {  	v3 =	vadd.s32 v1, v3  }
0x4d: {  	[hbm4b:s4+s3] =	stream.indirect_vreg.scatter [tilespmem:s21], [sflag:$0x1], $0x80, v4, vm0, $0xb8;
	[tilespmem:$0x18080] =	vst v63  }
0x4e: {  	_ = 	snop  }
0x4f: {  	[hbm4b:s5+s3] =	stream.indirect_vreg.scatter [tilespmem:s22], [sflag:$0x1], $0x80, v4, vm0, $0xb8;
	[tilespmem:$0x18080] =	vst v63  }
0x50: {  	_ = 	snop  }
0x51: {  	[hbm4b:s2+s3] =	stream.indirect_vreg.scatter [tilespmem:s23], [sflag:$0x1], $0x80, v3, vm0, $0xb8;
	[tilespmem:$0x18080] =	vst v63  }
0x52: {  	_ = 	snop  }
0x53: {  	[hbm4b:s4+s3] =	stream.indirect_vreg.scatter [tilespmem:s24], [sflag:$0x1], $0x80, v3, vm0, $0xb8;
	[tilespmem:$0x18080] =	vst v63  }
0x54: {  	_ = 	snop  }
0x55: {  	[hbm4b:s5+s3] =	stream.indirect_vreg.scatter [tilespmem:s25], [sflag:$0x1], $0x80, v3, vm0, $0xb8;
	[tilespmem:$0x18080] =	vst v63  }
0x56: {  	v3 =	vld [tilespmem:$0x18030];
	_ =	sdelay $0x4  }
0x57: {  	v51 =	vshrl.u32 v3, $0x3  }
0x58: {  	v4 =	vmul.u32 $0x30, v51  }
0x59: {  	v3 =	vand.u32 $0x7, v3  }
0x5a: {  	v3 =	vor.u32 v3, v4  }
0x5b: {  	v4 =	vperm.xlane v3, v0;
	_ =	sdelay $0x1  }
0x5c: {  	v4 =	vadd.s32 v1, v4;
	_ =	sdelay $0x3  }
0x5d: {  	v3 =	vperm.xlane v3, v2  }
0x5e: {  	[hbm4b:s2+s3] =	stream.indirect_vreg.scatter [tilespmem:s26], [sflag:$0x1], $0x80, v4, vm0, $0xb8;
	[tilespmem:$0x18080] =	vst v63  }
0x5f: {  	v3 =	vadd.s32 v1, v3  }
0x60: {  	[hbm4b:s4+s3] =	stream.indirect_vreg.scatter [tilespmem:s28], [sflag:$0x1], $0x80, v4, vm0, $0xb8;
	[tilespmem:$0x18080] =	vst v63  }
0x61: {  	_ = 	snop  }
0x62: {  	[hbm4b:s5+s3] =	stream.indirect_vreg.scatter [tilespmem:s29], [sflag:$0x1], $0x80, v4, vm0, $0xb8;
	[tilespmem:$0x18080] =	vst v63  }
0x63: {  	_ = 	snop  }
0x64: {  	[hbm4b:s2+s3] =	stream.indirect_vreg.scatter [tilespmem:s30], [sflag:$0x1], $0x80, v3, vm0, $0xb8;
	[tilespmem:$0x18080] =	vst v63  }
0x65: {  	_ = 	snop  }
0x66: {  	[hbm4b:s4+s3] =	stream.indirect_vreg.scatter [tilespmem:s31], [sflag:$0x1], $0x80, v3, vm0, $0xb8;
	[tilespmem:$0x18080] =	vst v63  }
0x67: {  	s1 =	simm.s32 $0xB800  }
0x68: {  	[hbm4b:s5+s3] =	stream.indirect_vreg.scatter [tilespmem:s1], [sflag:$0x1], $0x80, v3, vm0, $0xb8;
	[tilespmem:$0x18080] =	vst v63  }
0x69: {  	v3 =	vld [tilespmem:$0x18040];
	_ =	sdelay $0x4  }
0x6a: {  	v52 =	vshrl.u32 v3, $0x3  }
0x6b: {  	v4 =	vmul.u32 $0x30, v52  }
0x6c: {  	v3 =	vand.u32 $0x7, v3  }
0x6d: {  	v3 =	vor.u32 v3, v4  }
0x6e: {  	v4 =	vperm.xlane v3, v0;
	_ =	sdelay $0x1  }
0x6f: {  	v4 =	vadd.s32 v1, v4;
	_ =	sdelay $0x3  }
0x70: {  	s1 =	simm.s32 $0xC000;
	v3 =	vperm.xlane v3, v2  }
0x71: {  	[hbm4b:s2+s3] =	stream.indirect_vreg.scatter [tilespmem:s1], [sflag:$0x1], $0x80, v4, vm0, $0xb8;
	[tilespmem:$0x18080] =	vst v63  }
0x72: {  	v3 =	vadd.s32 v1, v3;
	s1 =	simm.s32 $0xC800  }
0x73: {  	[hbm4b:s4+s3] =	stream.indirect_vreg.scatter [tilespmem:s1], [sflag:$0x1], $0x80, v4, vm0, $0xb8;
	[tilespmem:$0x18080] =	vst v63  }
0x74: {  	s1 =	simm.s32 $0xD000  }
0x75: {  	[hbm4b:s5+s3] =	stream.indirect_vreg.scatter [tilespmem:s1], [sflag:$0x1], $0x80, v4, vm0, $0xb8;
	[tilespmem:$0x18080] =	vst v63  }
0x76: {  	s1 =	simm.s32 $0xD800  }
0x77: {  	[hbm4b:s2+s3] =	stream.indirect_vreg.scatter [tilespmem:s1], [sflag:$0x1], $0x80, v3, vm0, $0xb8;
	[tilespmem:$0x18080] =	vst v63  }
0x78: {  	s1 =	simm.s32 $0xE000  }
0x79: {  	[hbm4b:s4+s3] =	stream.indirect_vreg.scatter [tilespmem:s1], [sflag:$0x1], $0x80, v3, vm0, $0xb8;
	[tilespmem:$0x18080] =	vst v63  }
0x7a: {  	s1 =	simm.s32 $0xE800  }
0x7b: {  	[hbm4b:s5+s3] =	stream.indirect_vreg.scatter [tilespmem:s1], [sflag:$0x1], $0x80, v3, vm0, $0xb8;
	[tilespmem:$0x18080] =	vst v63  }
0x7c: {  	v3 =	vld [tilespmem:$0x18050];
	_ =	sdelay $0x4  }
0x7d: {  	v53 =	vshrl.u32 v3, $0x3  }
0x7e: {  	v4 =	vmul.u32 $0x30, v53  }
0x7f: {  	v3 =	vand.u32 $0x7, v3  }
0x80: {  	v3 =	vor.u32 v3, v4  }
0x81: {  	v4 =	vperm.xlane v3, v0;
	_ =	sdelay $0x1  }
0x82: {  	v4 =	vadd.s32 v1, v4;
	_ =	sdelay $0x3  }
0x83: {  	s1 =	simm.s32 $0xF000;
	v3 =	vperm.xlane v3, v2  }
0x84: {  	[hbm4b:s2+s3] =	stream.indirect_vreg.scatter [tilespmem:s1], [sflag:$0x1], $0x80, v4, vm0, $0xb8;
	[tilespmem:$0x18080] =	vst v63  }
0x85: {  	v3 =	vadd.s32 v1, v3;
	s1 =	simm.s32 $0xF800  }
0x86: {  	[hbm4b:s4+s3] =	stream.indirect_vreg.scatter [tilespmem:s1], [sflag:$0x1], $0x80, v4, vm0, $0xb8;
	[tilespmem:$0x18080] =	vst v63  }
0x87: {  	s1 =	simm.s32 $0x10000  }
0x88: {  	[hbm4b:s5+s3] =	stream.indirect_vreg.scatter [tilespmem:s1], [sflag:$0x1], $0x80, v4, vm0, $0xb8;
	[tilespmem:$0x18080] =	vst v63  }
0x89: {  	s1 =	simm.s32 $0x10800  }
0x8a: {  	[hbm4b:s2+s3] =	stream.indirect_vreg.scatter [tilespmem:s1], [sflag:$0x1], $0x80, v3, vm0, $0xb8;
	[tilespmem:$0x18080] =	vst v63  }
0x8b: {  	s1 =	simm.s32 $0x11000  }
0x8c: {  	[hbm4b:s4+s3] =	stream.indirect_vreg.scatter [tilespmem:s1], [sflag:$0x1], $0x80, v3, vm0, $0xb8;
	[tilespmem:$0x18080] =	vst v63  }
0x8d: {  	s1 =	simm.s32 $0x11800  }
0x8e: {  	[hbm4b:s5+s3] =	stream.indirect_vreg.scatter [tilespmem:s1], [sflag:$0x1], $0x80, v3, vm0, $0xb8;
	[tilespmem:$0x18080] =	vst v63  }
0x8f: {  	v3 =	vld [tilespmem:$0x18060];
	_ =	sdelay $0x4  }
0x90: {  	v54 =	vshrl.u32 v3, $0x3  }
0x91: {  	v4 =	vmul.u32 $0x30, v54  }
0x92: {  	v3 =	vand.u32 $0x7, v3  }
0x93: {  	v3 =	vor.u32 v3, v4  }
0x94: {  	v4 =	vperm.xlane v3, v0;
	_ =	sdelay $0x1  }
0x95: {  	v4 =	vadd.s32 v1, v4;
	_ =	sdelay $0x3  }
0x96: {  	s1 =	simm.s32 $0x12000;
	v3 =	vperm.xlane v3, v2  }
0x97: {  	[hbm4b:s2+s3] =	stream.indirect_vreg.scatter [tilespmem:s1], [sflag:$0x1], $0x80, v4, vm0, $0xb8;
	[tilespmem:$0x18080] =	vst v63  }
0x98: {  	v3 =	vadd.s32 v1, v3;
	s1 =	simm.s32 $0x12800  }
0x99: {  	[hbm4b:s4+s3] =	stream.indirect_vreg.scatter [tilespmem:s1], [sflag:$0x1], $0x80, v4, vm0, $0xb8;
	[tilespmem:$0x18080] =	vst v63  }
0x9a: {  	s1 =	simm.s32 $0x13000  }
0x9b: {  	[hbm4b:s5+s3] =	stream.indirect_vreg.scatter [tilespmem:s1], [sflag:$0x1], $0x80, v4, vm0, $0xb8;
	[tilespmem:$0x18080] =	vst v63  }
0x9c: {  	s1 =	simm.s32 $0x13800  }
0x9d: {  	[hbm4b:s2+s3] =	stream.indirect_vreg.scatter [tilespmem:s1], [sflag:$0x1], $0x80, v3, vm0, $0xb8;
	[tilespmem:$0x18080] =	vst v63  }
0x9e: {  	s1 =	simm.s32 $0x14000  }
0x9f: {  	[hbm4b:s4+s3] =	stream.indirect_vreg.scatter [tilespmem:s1], [sflag:$0x1], $0x80, v3, vm0, $0xb8;
	[tilespmem:$0x18080] =	vst v63  }
0xa0: {  	s1 =	simm.s32 $0x14800  }
0xa1: {  	[hbm4b:s5+s3] =	stream.indirect_vreg.scatter [tilespmem:s1], [sflag:$0x1], $0x80, v3, vm0, $0xb8;
	[tilespmem:$0x18080] =	vst v63  }
0xa2: {  	v3 =	vld [tilespmem:$0x18070];
	_ =	sdelay $0x4  }
0xa3: {  	v55 =	vshrl.u32 v3, $0x3  }
0xa4: {  	v4 =	vmul.u32 $0x30, v55  }
0xa5: {  	v3 =	vand.u32 $0x7, v3  }
0xa6: {  	v3 =	vor.u32 v3, v4  }
0xa7: {  	v4 =	vperm.xlane v3, v0;
	_ =	sdelay $0x1  }
0xa8: {  	v4 =	vadd.s32 v1, v4;
	_ =	sdelay $0x3  }
0xa9: {  	s1 =	simm.s32 $0x15000;
	v3 =	vperm.xlane v3, v2  }
0xaa: {  	[hbm4b:s2+s3] =	stream.indirect_vreg.scatter [tilespmem:s1], [sflag:$0x1], $0x80, v4, vm0, $0xb8;
	[tilespmem:$0x18080] =	vst v63  }
0xab: {  	v3 =	vadd.s32 v1, v3;
	s1 =	simm.s32 $0x15800  }
0xac: {  	[hbm4b:s4+s3] =	stream.indirect_vreg.scatter [tilespmem:s1], [sflag:$0x1], $0x80, v4, vm0, $0xb8;
	[tilespmem:$0x18080] =	vst v63  }
0xad: {  	s1 =	simm.s32 $0x16000  }
0xae: {  	[hbm4b:s5+s3] =	stream.indirect_vreg.scatter [tilespmem:s1], [sflag:$0x1], $0x80, v4, vm0, $0xb8;
	[tilespmem:$0x18080] =	vst v63  }
0xaf: {  	s1 =	simm.s32 $0x16800  }
0xb0: {  	[hbm4b:s2+s3] =	stream.indirect_vreg.scatter [tilespmem:s1], [sflag:$0x1], $0x80, v3, vm0, $0xb8;
	[tilespmem:$0x18080] =	vst v63  }
0xb1: {  	s1 =	simm.s32 $0x17000  }
0xb2: {  	[hbm4b:s4+s3] =	stream.indirect_vreg.scatter [tilespmem:s1], [sflag:$0x1], $0x80, v3, vm0, $0xb8;
	[tilespmem:$0x18080] =	vst v63  }
0xb3: {  	s1 =	simm.s32 $0x17800  }
0xb4: {  	[hbm4b:s5+s3] =	stream.indirect_vreg.scatter [tilespmem:s1], [sflag:$0x1], $0x80, v3, vm0, $0xb8;
	[tilespmem:$0x18080] =	vst v63  }
0xb5: {  	_ =	swait.ge [sflag:s0], $0x18000  }
0xb6: {  	[sflag:s0] =	ssyncset.done $0x0  }
0xb7: {  	s1 =	rddreg [dreg:$0x5];
	[sflag:s0] =	ssyncadd.s32 $0xFFFE8000  }
0xb8: {  	[tilespmem:s7], [sflag:$0x2] =	stream.linear.gather [hbm4b:s1+s3], $0x80, $0x38;
	[tilespmem:$0x18080] =	vst v63  }
0xb9: {  	_ =	swait.ge [sflag:s8], $0x80  }
0xba: {  	[sflag:s8] =	ssyncset.done $0x0  }
0xbb: {  	s1 =	rddreg [dreg:$0x6];
	[sflag:s8] =	ssyncadd.s32 $0xFFFFFF80  }
0xbc: {  	[tilespmem:s3], [sflag:$0x2] =	stream.linear.gather [hbm4b:s1+s3], $0x18000, $0x38;
	[tilespmem:$0x18080] =	vst v63  }
0xbd: {  	_ =	swait.ge [sflag:s8], $0x18000  }
0xbe: {  	[sflag:s8] =	ssyncset.done $0x0  }
0xbf: {  	[sflag:s8] =	ssyncadd.s32 $0xFFFE8000  }
0xc0: {  	v3 =	vld [tilespmem:$0x18000];
	_ =	sdelay $0x4  }
0xc1: {  	v56 =	vshrl.u32 v3, $0x3  }
0xc2: {  	v4 =	vmul.u32 $0x30, v56  }
0xc3: {  	v3 =	vand.u32 $0x7, v3  }
0xc4: {  	v3 =	vor.u32 v3, v4  }
0xc5: {  	v4 =	vperm.xlane v3, v0;
	_ =	sdelay $0x1  }
0xc6: {  	v4 =	vadd.s32 v1, v4;
	_ =	sdelay $0x3  }
0xc7: {  	v3 =	vperm.xlane v3, v2  }
0xc8: {  	[hbm4b:s2+s3] =	stream.indirect_vreg.scatter [tilespmem:s3], [sflag:$0x1], $0x80, v4, vm0, $0xb8;
	[tilespmem:$0x18080] =	vst v63  }
0xc9: {  	v3 =	vadd.s32 v1, v3  }
0xca: {  	[hbm4b:s4+s3] =	stream.indirect_vreg.scatter [tilespmem:s9], [sflag:$0x1], $0x80, v4, vm0, $0xb8;
	[tilespmem:$0x18080] =	vst v63  }
0xcb: {  	_ = 	snop  }
0xcc: {  	[hbm4b:s5+s3] =	stream.indirect_vreg.scatter [tilespmem:s10], [sflag:$0x1], $0x80, v4, vm0, $0xb8;
	[tilespmem:$0x18080] =	vst v63  }
0xcd: {  	_ = 	snop  }
0xce: {  	[hbm4b:s2+s3] =	stream.indirect_vreg.scatter [tilespmem:s11], [sflag:$0x1], $0x80, v3, vm0, $0xb8;
	[tilespmem:$0x18080] =	vst v63  }
0xcf: {  	_ = 	snop  }
0xd0: {  	[hbm4b:s4+s3] =	stream.indirect_vreg.scatter [tilespmem:s12], [sflag:$0x1], $0x80, v3, vm0, $0xb8;
	[tilespmem:$0x18080] =	vst v63  }
0xd1: {  	_ = 	snop  }
0xd2: {  	[hbm4b:s5+s3] =	stream.indirect_vreg.scatter [tilespmem:s13], [sflag:$0x1], $0x80, v3, vm0, $0xb8;
	[tilespmem:$0x18080] =	vst v63  }
0xd3: {  	v3 =	vld [tilespmem:$0x18010];
	_ =	sdelay $0x4  }
0xd4: {  	v57 =	vshrl.u32 v3, $0x3  }
0xd5: {  	v4 =	vmul.u32 $0x30, v57  }
0xd6: {  	v3 =	vand.u32 $0x7, v3  }
0xd7: {  	v3 =	vor.u32 v3, v4  }
0xd8: {  	v4 =	vperm.xlane v3, v0;
	_ =	sdelay $0x1  }
0xd9: {  	v4 =	vadd.s32 v1, v4;
	_ =	sdelay $0x3  }
0xda: {  	v3 =	vperm.xlane v3, v2  }
0xdb: {  	[hbm4b:s2+s3] =	stream.indirect_vreg.scatter [tilespmem:s14], [sflag:$0x1], $0x80, v4, vm0, $0xb8;
	[tilespmem:$0x18080] =	vst v63  }
0xdc: {  	v3 =	vadd.s32 v1, v3  }
0xdd: {  	[hbm4b:s4+s3] =	stream.indirect_vreg.scatter [tilespmem:s15], [sflag:$0x1], $0x80, v4, vm0, $0xb8;
	[tilespmem:$0x18080] =	vst v63  }
0xde: {  	_ = 	snop  }
0xdf: {  	[hbm4b:s5+s3] =	stream.indirect_vreg.scatter [tilespmem:s16], [sflag:$0x1], $0x80, v4, vm0, $0xb8;
	[tilespmem:$0x18080] =	vst v63  }
0xe0: {  	_ = 	snop  }
0xe1: {  	[hbm4b:s2+s3] =	stream.indirect_vreg.scatter [tilespmem:s17], [sflag:$0x1], $0x80, v3, vm0, $0xb8;
	[tilespmem:$0x18080] =	vst v63  }
0xe2: {  	_ = 	snop  }
0xe3: {  	[hbm4b:s4+s3] =	stream.indirect_vreg.scatter [tilespmem:s18], [sflag:$0x1], $0x80, v3, vm0, $0xb8;
	[tilespmem:$0x18080] =	vst v63  }
0xe4: {  	_ = 	snop  }
0xe5: {  	[hbm4b:s5+s3] =	stream.indirect_vreg.scatter [tilespmem:s19], [sflag:$0x1], $0x80, v3, vm0, $0xb8;
	[tilespmem:$0x18080] =	vst v63  }
0xe6: {  	v3 =	vld [tilespmem:$0x18020];
	_ =	sdelay $0x4  }
0xe7: {  	v58 =	vshrl.u32 v3, $0x3  }
0xe8: {  	v4 =	vmul.u32 $0x30, v58  }
0xe9: {  	v3 =	vand.u32 $0x7, v3  }
0xea: {  	v3 =	vor.u32 v3, v4  }
0xeb: {  	v4 =	vperm.xlane v3, v0;
	_ =	sdelay $0x1  }
0xec: {  	v4 =	vadd.s32 v1, v4;
	_ =	sdelay $0x3  }
0xed: {  	v3 =	vperm.xlane v3, v2  }
0xee: {  	[hbm4b:s2+s3] =	stream.indirect_vreg.scatter [tilespmem:s20], [sflag:$0x1], $0x80, v4, vm0, $0xb8;
	[tilespmem:$0x18080] =	vst v63  }
0xef: {  	v3 =	vadd.s32 v1, v3  }
0xf0: {  	[hbm4b:s4+s3] =	stream.indirect_vreg.scatter [tilespmem:s21], [sflag:$0x1], $0x80, v4, vm0, $0xb8;
	[tilespmem:$0x18080] =	vst v63  }
0xf1: {  	_ = 	snop  }
0xf2: {  	[hbm4b:s5+s3] =	stream.indirect_vreg.scatter [tilespmem:s22], [sflag:$0x1], $0x80, v4, vm0, $0xb8;
	[tilespmem:$0x18080] =	vst v63  }
0xf3: {  	_ = 	snop  }
0xf4: {  	[hbm4b:s2+s3] =	stream.indirect_vreg.scatter [tilespmem:s23], [sflag:$0x1], $0x80, v3, vm0, $0xb8;
	[tilespmem:$0x18080] =	vst v63  }
0xf5: {  	_ = 	snop  }
0xf6: {  	[hbm4b:s4+s3] =	stream.indirect_vreg.scatter [tilespmem:s24], [sflag:$0x1], $0x80, v3, vm0, $0xb8;
	[tilespmem:$0x18080] =	vst v63  }
0xf7: {  	_ = 	snop  }
0xf8: {  	[hbm4b:s5+s3] =	stream.indirect_vreg.scatter [tilespmem:s25], [sflag:$0x1], $0x80, v3, vm0, $0xb8;
	[tilespmem:$0x18080] =	vst v63  }
0xf9: {  	v3 =	vld [tilespmem:$0x18030];
	_ =	sdelay $0x4  }
0xfa: {  	v59 =	vshrl.u32 v3, $0x3  }
0xfb: {  	v4 =	vmul.u32 $0x30, v59  }
0xfc: {  	v3 =	vand.u32 $0x7, v3  }
0xfd: {  	v3 =	vor.u32 v3, v4  }
0xfe: {  	v4 =	vperm.xlane v3, v0;
	_ =	sdelay $0x1  }
0xff: {  	v4 =	vadd.s32 v1, v4;
	_ =	sdelay $0x3  }
0x100: {  	v3 =	vperm.xlane v3, v2  }
0x101: {  	[hbm4b:s2+s3] =	stream.indirect_vreg.scatter [tilespmem:s26], [sflag:$0x1], $0x80, v4, vm0, $0xb8;
	[tilespmem:$0x18080] =	vst v63  }
0x102: {  	v3 =	vadd.s32 v1, v3  }
0x103: {  	[hbm4b:s4+s3] =	stream.indirect_vreg.scatter [tilespmem:s28], [sflag:$0x1], $0x80, v4, vm0, $0xb8;
	[tilespmem:$0x18080] =	vst v63  }
0x104: {  	_ = 	snop  }
0x105: {  	[hbm4b:s5+s3] =	stream.indirect_vreg.scatter [tilespmem:s29], [sflag:$0x1], $0x80, v4, vm0, $0xb8;
	[tilespmem:$0x18080] =	vst v63  }
0x106: {  	_ = 	snop  }
0x107: {  	[hbm4b:s2+s3] =	stream.indirect_vreg.scatter [tilespmem:s30], [sflag:$0x1], $0x80, v3, vm0, $0xb8;
	[tilespmem:$0x18080] =	vst v63  }
0x108: {  	_ = 	snop  }
0x109: {  	[hbm4b:s4+s3] =	stream.indirect_vreg.scatter [tilespmem:s31], [sflag:$0x1], $0x80, v3, vm0, $0xb8;
	[tilespmem:$0x18080] =	vst v63  }
0x10a: {  	s1 =	simm.s32 $0xB800  }
0x10b: {  	[hbm4b:s5+s3] =	stream.indirect_vreg.scatter [tilespmem:s1], [sflag:$0x1], $0x80, v3, vm0, $0xb8;
	[tilespmem:$0x18080] =	vst v63  }
0x10c: {  	v3 =	vld [tilespmem:$0x18040];
	_ =	sdelay $0x4  }
0x10d: {  	v60 =	vshrl.u32 v3, $0x3  }
0x10e: {  	v4 =	vmul.u32 $0x30, v60  }
0x10f: {  	v3 =	vand.u32 $0x7, v3  }
0x110: {  	v3 =	vor.u32 v3, v4  }
0x111: {  	v4 =	vperm.xlane v3, v0;
	_ =	sdelay $0x1  }
0x112: {  	v4 =	vadd.s32 v1, v4;
	_ =	sdelay $0x3  }
0x113: {  	s1 =	simm.s32 $0xC000;
	v3 =	vperm.xlane v3, v2  }
0x114: {  	[hbm4b:s2+s3] =	stream.indirect_vreg.scatter [tilespmem:s1], [sflag:$0x1], $0x80, v4, vm0, $0xb8;
	[tilespmem:$0x18080] =	vst v63  }
0x115: {  	v3 =	vadd.s32 v1, v3;
	s1 =	simm.s32 $0xC800  }
0x116: {  	[hbm4b:s4+s3] =	stream.indirect_vreg.scatter [tilespmem:s1], [sflag:$0x1], $0x80, v4, vm0, $0xb8;
	[tilespmem:$0x18080] =	vst v63  }
0x117: {  	s1 =	simm.s32 $0xD000  }
0x118: {  	[hbm4b:s5+s3] =	stream.indirect_vreg.scatter [tilespmem:s1], [sflag:$0x1], $0x80, v4, vm0, $0xb8;
	[tilespmem:$0x18080] =	vst v63  }
0x119: {  	s1 =	simm.s32 $0xD800  }
0x11a: {  	[hbm4b:s2+s3] =	stream.indirect_vreg.scatter [tilespmem:s1], [sflag:$0x1], $0x80, v3, vm0, $0xb8;
	[tilespmem:$0x18080] =	vst v63  }
0x11b: {  	s1 =	simm.s32 $0xE000  }
0x11c: {  	[hbm4b:s4+s3] =	stream.indirect_vreg.scatter [tilespmem:s1], [sflag:$0x1], $0x80, v3, vm0, $0xb8;
	[tilespmem:$0x18080] =	vst v63  }
0x11d: {  	s1 =	simm.s32 $0xE800  }
0x11e: {  	[hbm4b:s5+s3] =	stream.indirect_vreg.scatter [tilespmem:s1], [sflag:$0x1], $0x80, v3, vm0, $0xb8;
	[tilespmem:$0x18080] =	vst v63  }
0x11f: {  	v3 =	vld [tilespmem:$0x18050];
	_ =	sdelay $0x4  }
0x120: {  	v61 =	vshrl.u32 v3, $0x3  }
0x121: {  	v4 =	vmul.u32 $0x30, v61  }
0x122: {  	v3 =	vand.u32 $0x7, v3  }
0x123: {  	v3 =	vor.u32 v3, v4  }
0x124: {  	v4 =	vperm.xlane v3, v0;
	_ =	sdelay $0x1  }
0x125: {  	v4 =	vadd.s32 v1, v4;
	_ =	sdelay $0x3  }
0x126: {  	s1 =	simm.s32 $0xF000;
	v3 =	vperm.xlane v3, v2  }
0x127: {  	[hbm4b:s2+s3] =	stream.indirect_vreg.scatter [tilespmem:s1], [sflag:$0x1], $0x80, v4, vm0, $0xb8;
	[tilespmem:$0x18080] =	vst v63  }
0x128: {  	v3 =	vadd.s32 v1, v3;
	s1 =	simm.s32 $0xF800  }
0x129: {  	[hbm4b:s4+s3] =	stream.indirect_vreg.scatter [tilespmem:s1], [sflag:$0x1], $0x80, v4, vm0, $0xb8;
	[tilespmem:$0x18080] =	vst v63  }
0x12a: {  	s1 =	simm.s32 $0x10000  }
0x12b: {  	[hbm4b:s5+s3] =	stream.indirect_vreg.scatter [tilespmem:s1], [sflag:$0x1], $0x80, v4, vm0, $0xb8;
	[tilespmem:$0x18080] =	vst v63  }
0x12c: {  	s1 =	simm.s32 $0x10800  }
0x12d: {  	[hbm4b:s2+s3] =	stream.indirect_vreg.scatter [tilespmem:s1], [sflag:$0x1], $0x80, v3, vm0, $0xb8;
	[tilespmem:$0x18080] =	vst v63  }
0x12e: {  	s1 =	simm.s32 $0x11000  }
0x12f: {  	[hbm4b:s4+s3] =	stream.indirect_vreg.scatter [tilespmem:s1], [sflag:$0x1], $0x80, v3, vm0, $0xb8;
	[tilespmem:$0x18080] =	vst v63  }
0x130: {  	s1 =	simm.s32 $0x11800  }
0x131: {  	[hbm4b:s5+s3] =	stream.indirect_vreg.scatter [tilespmem:s1], [sflag:$0x1], $0x80, v3, vm0, $0xb8;
	[tilespmem:$0x18080] =	vst v63  }
0x132: {  	v3 =	vld [tilespmem:$0x18060];
	_ =	sdelay $0x4  }
0x133: {  	v62 =	vshrl.u32 v3, $0x3  }
0x134: {  	v4 =	vmul.u32 $0x30, v62  }
0x135: {  	v3 =	vand.u32 $0x7, v3  }
0x136: {  	v3 =	vor.u32 v3, v4  }
0x137: {  	v4 =	vperm.xlane v3, v0;
	_ =	sdelay $0x1  }
0x138: {  	v4 =	vadd.s32 v1, v4;
	_ =	sdelay $0x3  }
0x139: {  	s1 =	simm.s32 $0x12000;
	v3 =	vperm.xlane v3, v2  }
0x13a: {  	[hbm4b:s2+s3] =	stream.indirect_vreg.scatter [tilespmem:s1], [sflag:$0x1], $0x80, v4, vm0, $0xb8;
	[tilespmem:$0x18080] =	vst v63  }
0x13b: {  	v3 =	vadd.s32 v1, v3;
	s1 =	simm.s32 $0x12800  }
0x13c: {  	[hbm4b:s4+s3] =	stream.indirect_vreg.scatter [tilespmem:s1], [sflag:$0x1], $0x80, v4, vm0, $0xb8;
	[tilespmem:$0x18080] =	vst v63  }
0x13d: {  	s1 =	simm.s32 $0x13000  }
0x13e: {  	[hbm4b:s5+s3] =	stream.indirect_vreg.scatter [tilespmem:s1], [sflag:$0x1], $0x80, v4, vm0, $0xb8;
	[tilespmem:$0x18080] =	vst v63  }
0x13f: {  	s1 =	simm.s32 $0x13800  }
0x140: {  	[hbm4b:s2+s3] =	stream.indirect_vreg.scatter [tilespmem:s1], [sflag:$0x1], $0x80, v3, vm0, $0xb8;
	[tilespmem:$0x18080] =	vst v63  }
0x141: {  	s1 =	simm.s32 $0x14000  }
0x142: {  	[hbm4b:s4+s3] =	stream.indirect_vreg.scatter [tilespmem:s1], [sflag:$0x1], $0x80, v3, vm0, $0xb8;
	[tilespmem:$0x18080] =	vst v63  }
0x143: {  	s1 =	simm.s32 $0x14800  }
0x144: {  	[hbm4b:s5+s3] =	stream.indirect_vreg.scatter [tilespmem:s1], [sflag:$0x1], $0x80, v3, vm0, $0xb8;
	[tilespmem:$0x18080] =	vst v63  }
0x145: {  	v3 =	vld [tilespmem:$0x18070];
	_ =	sdelay $0x4  }
0x146: {  	v63 =	vshrl.u32 v3, $0x3  }
0x147: {  	v4 =	vmul.u32 $0x30, v63  }
0x148: {  	v3 =	vand.u32 $0x7, v3  }
0x149: {  	v3 =	vor.u32 v3, v4  }
0x14a: {  	v4 =	vperm.xlane v3, v0;
	_ =	sdelay $0x1  }
0x14b: {  	v4 =	vadd.s32 v1, v4;
	_ =	sdelay $0x3  }
0x14c: {  	s1 =	simm.s32 $0x15000;
	v3 =	vperm.xlane v3, v2  }
0x14d: {  	[hbm4b:s2+s3] =	stream.indirect_vreg.scatter [tilespmem:s1], [sflag:$0x1], $0x80, v4, vm0, $0xb8;
	[tilespmem:$0x18080] =	vst v63  }
0x14e: {  	v3 =	vadd.s32 v1, v3;
	s1 =	simm.s32 $0x15800  }
0x14f: {  	[hbm4b:s4+s3] =	stream.indirect_vreg.scatter [tilespmem:s1], [sflag:$0x1], $0x80, v4, vm0, $0xb8;
	[tilespmem:$0x18080] =	vst v63  }
0x150: {  	s1 =	simm.s32 $0x16000  }
0x151: {  	[hbm4b:s5+s3] =	stream.indirect_vreg.scatter [tilespmem:s1], [sflag:$0x1], $0x80, v4, vm0, $0xb8;
	[tilespmem:$0x18080] =	vst v63  }
0x152: {  	s1 =	simm.s32 $0x16800  }
0x153: {  	[hbm4b:s2+s3] =	stream.indirect_vreg.scatter [tilespmem:s1], [sflag:$0x1], $0x80, v3, vm0, $0xb8;
	[tilespmem:$0x18080] =	vst v63  }
0x154: {  	p0 =	sne.s32 s6, $0x1;
	s1 =	simm.s32 $0x17000  }
0x155: {  	[hbm4b:s4+s3] =	stream.indirect_vreg.scatter [tilespmem:s1], [sflag:$0x1], $0x80, v3, vm0, $0xb8;
	[tilespmem:$0x18080] =	vst v63  }
.Ltmp0:
0x156: {  	s1 =	simm.s32 $0x17800;
	(pc) =	sbr.rel @p0 .LBB2_1-.Ltmp0, $4  }
0x157: {  	[hbm4b:s5+s3] =	stream.indirect_vreg.scatter [tilespmem:s1], [sflag:$0x1], $0x80, v3, vm0, $0xb8;
	[tilespmem:$0x18080] =	vst v63  }
0x158: {  	_ =	swait.ge [sflag:s0], $0x18000  }
0x159: {  	[sflag:s0] =	ssyncset.done $0x0  }
0x15a: {  	s6 =	sadd.s32 $0xFFFFFFFF, s6;
	[sflag:s0] =	ssyncadd.s32 $0xFFFE8000  }
0x15b: {  	_ =	sfence.sel $0x180000  }
0x15c: {  	[bflag:$0x0] =	sbarrier.arrive $0xFFFF  }
0x15d: {  	_ =	strace $0x9000004D  }
0x15e: {  	s0 =	stileid.u32;
	[bflag:$0x2] =	sbarrier.arrive $0xFFFF  }
0x15f: {  	p0 =	sne.s32 s0, $0x0;
	s0 =	rddreg [dreg:$0x2]  }
0x160: {  	s0 =	sadd.s32 @!p0 $0x100000, s0  }
0x161: {  	[sflag:s0] =	ssyncadd.tile.s32 @!p0 $0x1;
	_ =	shalt  }
.Lfunc_end2:
_tile_overlayer_lowered:
.L_overlay_start_2:
0x162: {  	(tag) =	ssettag $0x2  }
0x163: {  	s0 =	rddreg [dreg:$0x0];
	s2 =	stileid.u32  }
0x164: {  	s1 =	rddreg [dreg:$0x1];
	p0 =	sne.s32 s2, $0x0  }
0x165: {  	s3 =	rddreg [dreg:$0x2];
	[bflag:$0x3] =	sbarrier.arrive $0xFFFF;
	s2 =	simm.s32 @!p0 $0x1C02  }
0x166: {  	[timem:s3], [sflag:s2] =	dma.local @!p0 [hbm:s0], s1  }
0x167: {  	s0 =	simm.s32 @!p0 $0x2  }
0x168: {  	_ =	swait.ge @!p0 [sflag:s0], s1  }
0x169: {  	s1 =	ssub.s32 @!p0 $0x0, s1;
	[sflag:s0] =	ssyncset.done @!p0 $0x0  }
0x16a: {  	[sflag:s0] =	ssyncadd.s32 @!p0 s1  }
0x16b: {  	[bflag:$0x3] =	sbarrier.arrive $0xFFFF  }
0x16c: {  	_ =	shalt  }

// kernel: kernel.17.cloned.1.call-start
scs
__scs_entry_jumppad:
0x0: {  	(pc) =	sbr.rel $0x88, $3  }
0x1: {  	(tag) =	ssettag $0x0;
	lr =	simm.s32 $0x1  }
0x2: {  	[smem:$0x3F93] =	sst lr;
	_ =	strace $0xD0000000  }
0x3: {  	_ = 	snop  }
0x4: {  	_ = 	snop  }
0x5: {  	_ = 	snop  }
0x6: {  	_ = 	snop  }
0x7: {  	_ = 	snop  }
__scs_overlays_trampoline_lowered:
0x8: {  	[smem:$0x3FA2] =	sst s0  }
0x9: {  	[smem:$0x3FA3] =	sst s1  }
0xa: {  	[smem:$0x3FA4] =	sst s2  }
0xb: {  	[smem:$0x3FA5] =	sst s3  }
0xc: {  	[smem:$0x3FA6] =	sst s4  }
0xd: {  	[smem:$0x3FA7] =	sst s5  }
0xe: {  	[smem:$0x3FA8] =	sst s6  }
0xf: {  	[smem:$0x3FA9] =	sst s7  }
0x10: {  	[smem:$0x3FAA] =	sst s8  }
0x11: {  	[smem:$0x3FAB] =	sst s9;
	s0 =	simm.s32 @!p0 $0x0  }
0x12: {  	s1 =	sld [smem:$0x3F91];
	s0 =	simm.s32 @p0 $0x1  }
0x13: {  	[smem:$0x3FAC] =	sst s0;
	s0 =	simm.s32 @!p1 $0x0  }
0x14: {  	s2 =	sld [smem:$0x3F90];
	s0 =	simm.s32 @p1 $0x1  }
0x15: {  	[smem:$0x3FAD] =	sst s0;
	s0 =	simm.s32 @!p2 $0x0  }
0x16: {  	s3 =	sld [smem:$0x3FDB];
	s0 =	simm.s32 @p2 $0x1  }
0x17: {  	s4 =	simm.s32 $0x1BF5;
	[smem:$0x3FAF] =	sst s0  }
0x18: {  	s0 =	sld [smem:$0x3F92];
	_ =	swait.ge [sflag:s4], $0x0  }
0x19: {  	s7 =	sld [smem:$0x3F93]  }
0x1a: {  	s8 =	sadd.s32 $0xFFFFE003, lr  }
0x1b: {  	s9 =	sadd.s32 $0xFFFFFEF7, lr;
	s5 =	simm.s32 $0xFFFFFFFF;
	p2 =	slt.u32 s8, $0xFFFFF086  }
0x1c: {  	p1 =	slt.u32 s9, $0xF7A;
	s5 =	simm.s32 @!p2 $0x0  }
0x1d: {  	s5 =	simm.s32 @p1 $0x1;
	p0 =	seq.s32 s7, s2  }
0x1e: {  	s7 =	smul.u32 @!p0 $0xF7A, s2;
	p2 =	seq.s32 @!p0 s5, $0x0  }
0x1f: {  	s9 =	smul.u32 $0xF7A, s1;
	s8 =	simm.s32 @!p0 $0x1BF5;
	p2 =	por !p2, p0  }
0x20: {  	[sflag:s8] =	ssyncset.s32 @!p0 $0xFFFFF086;
	s6 =	sadd.s32 @!p0 s3, s7;
	s7 =	simm.s32 @!p0 $0x108  }
0x21: {  	s3 =	sadd.s32 s3, s9;
	s6 =	sadd.s32 @!p0 $0x88, s6;
	s7 =	simm.s32 @p2 $0x1082  }
0x22: {  	[simem:s7], [sflag:s8] =	dma.local @!p0 [hbm:s6], $0xF7A  }
0x23: {  	s9 =	sor.u32 $0xD0000000, s2;
	s6 =	simm.s32 $0x108;
	_ =	swait.ge @!p0 [sflag:s8], $0x0  }
0x24: {  	s3 =	sadd.s32 $0x88, s3;
	s6 =	simm.s32 @!p1 $0x1082;
	[sflag:s4] =	ssyncset.s32 $0xFFFFF086  }
0x25: {  	[simem:s6], [sflag:s4] =	dma.local [hbm:s3], $0xF7A  }
0x26: {  	[smem:$0x3F93] =	sst s1;
	(tag) =	ssettag s2;
	_ =	strace s9  }
0x27: {  	s1 =	sld [smem:$0x3FA3]  }
0x28: {  	s2 =	sld [smem:$0x3FA4]  }
0x29: {  	s4 =	sld [smem:$0x3FA6]  }
0x2a: {  	p0 =	seq.s32 s5, $0x0;
	s5 =	sld [smem:$0x3FA7]  }
0x2b: {  	s6 =	sld [smem:$0x3FA8]  }
0x2c: {  	s7 =	sld [smem:$0x3FA9]  }
0x2d: {  	s3 =	simm.s32 $0x108;
	s8 =	sld [smem:$0x3FAA]  }
0x2e: {  	s3 =	simm.s32 @!p0 $0x1082;
	s9 =	sld [smem:$0x3FAB]  }
0x2f: {  	lr =	sadd.s32 s0, s3;
	s0 =	sld [smem:$0x3FA2]  }
0x30: {  	s3 =	sld [smem:$0x3FA5]  }
0x31: {  	[smem:$0x3FAE] =	sst s10  }
0x32: {  	s10 =	sld [smem:$0x3FAC];
	_ =	sdelay $0x3  }
0x33: {  	p0 =	seq.s32 s10, $0x1;
	s10 =	sld [smem:$0x3FAE];
	_ =	sdelay $0x3  }
0x34: {  	[smem:$0x3FAE] =	sst s10  }
0x35: {  	s10 =	sld [smem:$0x3FAD];
	_ =	sdelay $0x3  }
0x36: {  	p1 =	seq.s32 s10, $0x1;
	s10 =	sld [smem:$0x3FAE];
	_ =	sdelay $0x3  }
0x37: {  	[smem:$0x3FAE] =	sst s10  }
0x38: {  	s10 =	sld [smem:$0x3FAF]  }
0x39: {  	_ = 	snop;
	(pc) =	sbr.ind lr, $3  }
0x3a: {  	_ = 	snop  }
0x3b: {  	_ = 	snop  }
0x3c: {  	p2 =	seq.s32 s10, $0x1;
	s10 =	sld [smem:$0x3FAE]  }
0x3d: {  	_ =	shalt  }
0x3e: {  	_ =	shalt  }
0x3f: {  	_ =	shalt  }
0x40: {  	_ =	shalt  }
0x41: {  	_ =	shalt  }
0x42: {  	_ =	shalt  }
0x43: {  	_ =	shalt  }
0x44: {  	_ =	shalt  }
0x45: {  	_ =	shalt  }
0x46: {  	_ =	shalt  }
0x47: {  	_ =	shalt  }
0x48: {  	_ =	shalt  }
0x49: {  	_ =	shalt  }
0x4a: {  	_ =	shalt  }
0x4b: {  	_ =	shalt  }
0x4c: {  	_ =	shalt  }
0x4d: {  	_ =	shalt  }
0x4e: {  	_ =	shalt  }
0x4f: {  	_ =	shalt  }
0x50: {  	_ =	shalt  }
0x51: {  	_ =	shalt  }
0x52: {  	_ =	shalt  }
0x53: {  	_ =	shalt  }
0x54: {  	_ =	shalt  }
0x55: {  	_ =	shalt  }
0x56: {  	_ =	shalt  }
0x57: {  	_ =	shalt  }
0x58: {  	_ =	shalt  }
0x59: {  	_ =	shalt  }
0x5a: {  	_ =	shalt  }
0x5b: {  	_ =	shalt  }
0x5c: {  	_ =	shalt  }
0x5d: {  	_ =	shalt  }
0x5e: {  	_ =	shalt  }
0x5f: {  	_ =	shalt  }
0x60: {  	_ =	shalt  }
0x61: {  	_ =	shalt  }
0x62: {  	_ =	shalt  }
0x63: {  	_ =	shalt  }
0x64: {  	_ =	shalt  }
0x65: {  	_ =	shalt  }
0x66: {  	_ =	shalt  }
0x67: {  	_ =	shalt  }
0x68: {  	_ =	shalt  }
0x69: {  	_ =	shalt  }
0x6a: {  	_ =	shalt  }
0x6b: {  	_ =	shalt  }
0x6c: {  	_ =	shalt  }
0x6d: {  	_ =	shalt  }
0x6e: {  	_ =	shalt  }
0x6f: {  	_ =	shalt  }
0x70: {  	_ =	shalt  }
0x71: {  	_ =	shalt  }
0x72: {  	_ =	shalt  }
0x73: {  	_ =	shalt  }
0x74: {  	_ =	shalt  }
0x75: {  	_ =	shalt  }
0x76: {  	_ =	shalt  }
0x77: {  	_ =	shalt  }
0x78: {  	_ =	shalt  }
0x79: {  	_ =	shalt  }
0x7a: {  	_ =	shalt  }
0x7b: {  	_ =	shalt  }
0x7c: {  	_ =	shalt  }
0x7d: {  	_ =	shalt  }
0x7e: {  	_ =	shalt  }
0x7f: {  	_ =	shalt  }
0x80: {  	_ =	shalt  }
0x81: {  	_ =	shalt  }
0x82: {  	_ =	shalt  }
0x83: {  	_ =	shalt  }
0x84: {  	_ =	shalt  }
0x85: {  	_ =	shalt  }
0x86: {  	_ =	shalt  }
0x87: {  	_ =	shalt  }
.Lfunc_end0:
.L_simem_size_0:
called_computation.3_lowered:
.L_overlay_start_0:
0x88: {  	s2 =	sld [smem:$0x3FD9]  }
0x89: {  	s3 =	sld [smem:$0x3FFE];
	_ =	sdelay $0x1  }
0x8a: {  	s1 =	srdreg.scid  }
0x8b: {  	s0 =	sand.u32 $0x1, s1  }
0x8c: {  	s17 =	sshll.u32 s0, $0xA;
	s2 =	sadd.s32 s3, s2  }
0x8d: {  	s2 =	sadd.s32 s2, s17  }
0x8e: {  	[smem:$0x3FBA] =	sst s2  }
0x8f: {  	_ = 	snop  }
0x90: {  	s2 =	sld [smem:$0x3FD0];
	(tm) =	ssettm $0x1  }
0x91: {  	s18 =	sld [smem:$0x3FFB];
	_ =	sdelay $0x3  }
0x92: {  	_ =	strace s18  }
0x93: {  	s3 =	sld [smem:$0x3FFC];
	_ =	sdelay $0x3  }
0x94: {  	_ =	strace s3  }
0x95: {  	s3 =	sld [smem:$0x3FFD];
	_ =	sdelay $0x3  }
0x96: {  	_ =	strace s3  }
0x97: {  	_ =	strace $0x8FFFFFFF  }
0x98: {  	s19 =	sld [smem:$0x3FDB];
	_ =	sdelay $0x1  }
0x99: {  	s4 =	simm.s32 $_scs_section_size  }
0x9a: {  	s5 =	simm.s32 $_size__tile_overlayer_lowered;
	s6 =	simm.s32 $_tile_overlayer_lowered  }
0x9b: {  	s22 =	simm.s32 $0x1BFF;
	s21 =	sshll.u32 s6, $0x1;
	s3 =	sadd.s32 s4, s19  }
0x9c: {  	s7 =	simm.s32 $0x0;
	s20 =	sshll.u32 s5, $0x1;
	s5 =	sadd.s32 s21, s3  }
0x9d: {  	[timem:s7], [sflag:s22] =	dma.local [hbm:s5], s20  }
0x9e: {  	_ =	swait.ge [sflag:s22], s20  }
0x9f: {  	s4 =	ssub.s32 $0x0, s20;
	[sflag:s22] =	ssyncset.done $0x0  }
0xa0: {  	[sflag:s22] =	ssyncadd.s32 s4;
	_ =	sdelay $0x1  }
0xa1: {  	s23 =	simm.s32 $0x1B8B  }
0xa2: {  	_ =	swait.ge [sflag:s23], $0x1  }
0xa3: {  	[sflag:s23] =	ssyncset.done $0x0  }
0xa4: {  	s25 =	simm.s32 $0x1B8E;
	s24 =	sld [smem:$0x3FFE];
	[sflag:s23] =	ssyncadd.s32 $0xFFFFFFFF  }
0xa5: {  	s26 =	simm.s32 $execute0_lowered;
	[smem:$0x3FD2] =	sst s25  }
0xa6: {  	s5 =	sshll.u32 s26, $0x1;
	_ =	strace $0x8000004F;
	[dreg:$0x1] =	wrdreg $0xFFFFFFFF  }
0xa7: {  	s28 =	simm.s32 $_size_execute0_lowered;
	s3 =	sadd.s32 s3, s5;
	[dreg:$0x0] =	wrdreg $0x0  }
0xa8: {  	s5 =	sshll.u32 s28, $0x1;
	[dreg:$0x2] =	wrdreg s3  }
0xa9: {  	[dreg:$0x3] =	wrdreg s5  }
0xaa: {  	[dreg:$0x4] =	wrdreg $0xC0  }
0xab: {  	_ =	task [dreg:s7], $0x5FFFF  }
0xac: {  	[dreg:$0x1] =	wrdreg $0xFFFFFFFF  }
0xad: {  	[dreg:$0x0] =	wrdreg $0x60  }
0xae: {  	[dreg:$0x2] =	wrdreg s24  }
0xaf: {  	[dreg:$0x3] =	wrdreg s2  }
0xb0: {  	[dreg:$0x4] =	wrdreg $0x9  }
0xb1: {  	_ =	task.clear_ibuf [dreg:s7], $0x5FFFF;
	_ =	strace $0x9000004F  }
0xb2: {  	s29 =	simm.s32 $0x9;
	_ =	strace $0x80000051  }
0xb3: {  	_ =	swait.ge [sflag:s29], $0x1  }
0xb4: {  	[sflag:s29] =	ssyncadd.s32 $0xFFFFFFFF  }
0xb5: {  	_ =	strace $0x90000051  }
0xb6: {  	_ =	sfence  }
0xb7: {  	s30 =	sld [smem:$0x0];
	_ =	sdelay $0x2  }
0xb8: {  	s31 =	sshll.u32 s1, $0xD;
	s1 =	sshrl.u32 s1, $0x2  }
0xb9: {  	s3 =	sand.u32 $0x4000, s31;
	s1 =	sadd.s32 s1, s30  }
0xba: {  	s0 =	sor.u32 s3, s0;
	s1 =	sshll.u32 s1, $0x11  }
0xbb: {  	s0 =	sor.u32 s1, s0  }
0xbc: {  	s0 =	sadd.s32 $0x8F2B, s0  }
0xbd: {  	[sflag:s0] =	ssyncadd.remote.s32 $0x1  }
0xbe: {  	_ =	sfence.sel $0xFFFF  }
0xbf: {  	[dreg:$0x0] =	wrdreg $0xFFFFFFFF;
	(pc) =	sbr.abs _section_cstart, $3  }
0xc0: {  	[dreg:$0x1] =	wrdreg $0xFFFFFFFF  }
0xc1: {  	_ =	task.clear_ibuf [dreg:s7], $0x2FFFF;
	_ =	strace $0x9FFFFFFF  }
0xc2: {  	(tm) =	ssettm $0x7FFFFFFF  }
0xc3: {  	_ =	shalt  }
tec
execute0_lowered:
.L_overlay_start_1:
0x0: {  	(tag) =	ssettag $0x1  }
0x1: {  	s0 =	srdreg.scid  }
0x2: {  	s18 =	sand.u32 $0x1, s0;
	s0 =	stileid.u32  }
0x3: {  	s3 =	sshll.u32 s0, $0x1;
	s4 =	ssub.s32 $0x0, s18  }
0x4: {  	p0 =	sne.s32 s3, s4  }
.Ltmp0:
0x5: {  	_ = 	snop;
	(pc) =	sbr.rel @p0 .LBB2_4-.Ltmp0, $4  }
0x6: {  	_ = 	snop  }
0x7: {  	s10 =	rddreg [dreg:$0x0]  }
0x8: {  	s2 =	rddreg [dreg:$0x1]  }
0x9: {  	s1 =	rddreg [dreg:$0x2];
	_ =	strace $0x80000050  }
0xa: {  	v4 =	vlaneseq.u32  }
0xb: {  	v5 =	vimm.s32 $0xBFD7;
	v0 =	vand.u32 $0x7, v4;
	v1 =	vshrl.u32 v4, $0x3  }
0xc: {  	s3 =	sadd.s32 $0x183800, s10;
	v2 =	vperm.xlane v5, v0;
	v1 =	vmul.u32 $0x8, v1  }
0xd: {  	s4 =	simm.s32 $0x0;
	s5 =	simm.s32 $0x3000;
	s6 =	simm.s32 $0x2  }
0xe: {  	[tilespmem:s5], [sflag:$0x2] =	stream.linear.gather [hbm4b:s3+s4], $0x10, $0x38;
	v2 =	vadd.s32 v1, v2;
	[tilespmem:$0x3100] =	vst v63  }
0xf: {  	_ =	swait.ge [sflag:s6], $0x10  }
0x10: {  	[sflag:s6] =	ssyncset.done $0x0  }
0x11: {  	v3 =	vimm.s32 $0x1FFF;
	v4 =	vor.u32 $0x8, v4;
	[sflag:s6] =	ssyncadd.s32 $0xFFFFFFF0  }
0x12: {  	s7 =	sadd.s32 $0x183A00, s10;
	vm0 =	vmmov $0xffff;
	v5 =	vperm.xlane v5, v4;
	[tilespmem:$0x3080] =	vst v3  }
0x13: {  	[tilespmem:s4], [sflag:$0x1] =	stream.indirect_vreg.gather [hbm4b:s7+s4], $0x80, v2, vm0, $0xb8;
	[tilespmem:$0x3100] =	vst v63  }
0x14: {  	s8 =	sadd.s32 $0x183B00, s10;
	s9 =	simm.s32 $0x800;
	v5 =	vadd.s32 v1, v5  }
0x15: {  	[tilespmem:s9], [sflag:$0x1] =	stream.indirect_vreg.gather [hbm4b:s8+s4], $0x80, v2, vm0, $0xb8;
	[tilespmem:$0x3100] =	vst v63  }
0x16: {  	s10 =	sadd.s32 $0x183C00, s10;
	s11 =	simm.s32 $0x1000  }
0x17: {  	[tilespmem:s11], [sflag:$0x1] =	stream.indirect_vreg.gather [hbm4b:s10+s4], $0x80, v2, vm0, $0xb8;
	[tilespmem:$0x3100] =	vst v63  }
0x18: {  	s12 =	simm.s32 $0x1800  }
0x19: {  	[tilespmem:s12], [sflag:$0x1] =	stream.indirect_vreg.gather [hbm4b:s7+s4], $0x80, v5, vm0, $0xb8;
	[tilespmem:$0x3100] =	vst v63  }
0x1a: {  	s13 =	simm.s32 $0x2000  }
0x1b: {  	[tilespmem:s13], [sflag:$0x1] =	stream.indirect_vreg.gather [hbm4b:s8+s4], $0x80, v5, vm0, $0xb8;
	[tilespmem:$0x3100] =	vst v63  }
0x1c: {  	s15 =	simm.s32 $0x2800;
	s14 =	simm.s32 $0x1  }
0x1d: {  	[tilespmem:s15], [sflag:$0x1] =	stream.indirect_vreg.gather [hbm4b:s10+s4], $0x80, v5, vm0, $0xb8;
	[tilespmem:$0x3100] =	vst v63  }
0x1e: {  	_ =	swait.ge [sflag:s14], $0x3000  }
0x1f: {  	[sflag:s14] =	ssyncset.done $0x0  }
0x20: {  	[sflag:s14] =	ssyncadd.s32 $0xFFFFD000  }
0x21: {  	v6 =	vld [tilespmem:$0x3000];
	_ =	sdelay $0x4  }
0x22: {  	v7 =	vshrl.u32 v6, $0x3  }
0x23: {  	v7 =	vmul.u32 $0x30, v7  }
0x24: {  	v6 =	vand.u32 $0x7, v6  }
0x25: {  	v6 =	vor.u32 v6, v7  }
0x26: {  	v7 =	vperm.xlane v6, v0;
	_ =	sdelay $0x1  }
0x27: {  	v7 =	vadd.s32 v1, v7;
	_ =	sdelay $0x3  }
0x28: {  	s18 =	ssub.s32 $0x2, s18;
	v6 =	vperm.xlane v6, v4  }
0x29: {  	[hbm4b:s2+s4] =	stream.indirect_vreg.scatter [tilespmem:s4], [sflag:$0x1], $0x80, v7, vm0, $0xb8;
	[tilespmem:$0x3100] =	vst v63  }
0x2a: {  	s16 =	sadd.s32 $0x100, s2;
	s19 =	sshrl.u32 s18, $0x1;
	v6 =	vadd.s32 v1, v6  }
0x2b: {  	[hbm4b:s16+s4] =	stream.indirect_vreg.scatter [tilespmem:s9], [sflag:$0x1], $0x80, v7, vm0, $0xb8;
	[tilespmem:$0x3100] =	vst v63  }
0x2c: {  	s17 =	sadd.s32 $0x200, s2;
	s18 =	ssub.s32 s18, s19  }
0x2d: {  	[hbm4b:s17+s4] =	stream.indirect_vreg.scatter [tilespmem:s11], [sflag:$0x1], $0x80, v7, vm0, $0xb8;
	[tilespmem:$0x3100] =	vst v63  }
0x2e: {  	s18 =	smax.u32 s18, $0x1  }
0x2f: {  	[hbm4b:s2+s4] =	stream.indirect_vreg.scatter [tilespmem:s12], [sflag:$0x1], $0x80, v6, vm0, $0xb8;
	[tilespmem:$0x3100] =	vst v63  }
0x30: {  	p0 =	sne.s32 s18, $0x1  }
0x31: {  	[hbm4b:s16+s4] =	stream.indirect_vreg.scatter [tilespmem:s13], [sflag:$0x1], $0x80, v6, vm0, $0xb8;
	[tilespmem:$0x3100] =	vst v63  }
.Ltmp1:
0x32: {  	_ = 	snop;
	(pc) =	sbr.rel @!p0 .LBB2_3-.Ltmp1, $4  }
0x33: {  	_ = 	snop  }
0x34: {  	[hbm4b:s17+s4] =	stream.indirect_vreg.scatter [tilespmem:s15], [sflag:$0x1], $0x80, v6, vm0, $0xb8;
	[tilespmem:$0x3100] =	vst v63  }
0x35: {  	_ =	swait.ge [sflag:s14], $0x3000  }
0x36: {  	s18 =	sadd.s32 $0xFFFFFFFF, s18;
	[sflag:s14] =	ssyncset.done $0x0  }
.LBB2_2:
0x37: {  	p0 =	sne.s32 s18, $0x1;
	s18 =	sadd.s32 $0xFFFFFFFF, s18;
	[sflag:s14] =	ssyncadd.s32 $0xFFFFD000  }
0x38: {  	_ = 	snop  }
0x39: {  	[tilespmem:s5], [sflag:$0x2] =	stream.linear.gather [hbm4b:s3+s4], $0x10, $0x38;
	[tilespmem:$0x3100] =	vst v63  }
0x3a: {  	_ =	swait.ge [sflag:s6], $0x10  }
0x3b: {  	[sflag:s6] =	ssyncset.done $0x0  }
0x3c: {  	[sflag:s6] =	ssyncadd.s32 $0xFFFFFFF0  }
0x3d: {  	[tilespmem:$0x3080] =	vst v3  }
0x3e: {  	[tilespmem:s4], [sflag:$0x1] =	stream.indirect_vreg.gather [hbm4b:s7+s4], $0x80, v2, vm0, $0xb8;
	[tilespmem:$0x3100] =	vst v63  }
0x3f: {  	_ = 	snop  }
0x40: {  	[tilespmem:s9], [sflag:$0x1] =	stream.indirect_vreg.gather [hbm4b:s8+s4], $0x80, v2, vm0, $0xb8;
	[tilespmem:$0x3100] =	vst v63  }
0x41: {  	_ = 	snop  }
0x42: {  	[tilespmem:s11], [sflag:$0x1] =	stream.indirect_vreg.gather [hbm4b:s10+s4], $0x80, v2, vm0, $0xb8;
	[tilespmem:$0x3100] =	vst v63  }
0x43: {  	_ = 	snop  }
0x44: {  	[tilespmem:s12], [sflag:$0x1] =	stream.indirect_vreg.gather [hbm4b:s7+s4], $0x80, v5, vm0, $0xb8;
	[tilespmem:$0x3100] =	vst v63  }
0x45: {  	_ = 	snop  }
0x46: {  	[tilespmem:s13], [sflag:$0x1] =	stream.indirect_vreg.gather [hbm4b:s8+s4], $0x80, v5, vm0, $0xb8;
	[tilespmem:$0x3100] =	vst v63  }
0x47: {  	_ = 	snop  }
0x48: {  	[tilespmem:s15], [sflag:$0x1] =	stream.indirect_vreg.gather [hbm4b:s10+s4], $0x80, v5, vm0, $0xb8;
	[tilespmem:$0x3100] =	vst v63  }
0x49: {  	_ =	swait.ge [sflag:s14], $0x3000  }
0x4a: {  	[sflag:s14] =	ssyncset.done $0x0  }
0x4b: {  	[sflag:s14] =	ssyncadd.s32 $0xFFFFD000  }
0x4c: {  	v6 =	vld [tilespmem:$0x3000];
	_ =	sdelay $0x4  }
0x4d: {  	v7 =	vshrl.u32 v6, $0x3  }
0x4e: {  	v7 =	vmul.u32 $0x30, v7  }
0x4f: {  	v6 =	vand.u32 $0x7, v6  }
0x50: {  	v6 =	vor.u32 v6, v7  }
0x51: {  	v7 =	vperm.xlane v6, v0;
	v6 =	vperm.xlane v6, v4;
	_ =	sdelay $0x1  }
0x52: {  	v7 =	vadd.s32 v1, v7;
	_ =	sdelay $0x4  }
0x53: {  	[hbm4b:s2+s4] =	stream.indirect_vreg.scatter [tilespmem:s4], [sflag:$0x1], $0x80, v7, vm0, $0xb8;
	[tilespmem:$0x3100] =	vst v63  }
0x54: {  	v6 =	vadd.s32 v1, v6  }
0x55: {  	[hbm4b:s16+s4] =	stream.indirect_vreg.scatter [tilespmem:s9], [sflag:$0x1], $0x80, v7, vm0, $0xb8;
	[tilespmem:$0x3100] =	vst v63  }
0x56: {  	_ = 	snop  }
0x57: {  	[hbm4b:s17+s4] =	stream.indirect_vreg.scatter [tilespmem:s11], [sflag:$0x1], $0x80, v7, vm0, $0xb8;
	[tilespmem:$0x3100] =	vst v63  }
0x58: {  	_ = 	snop  }
0x59: {  	[hbm4b:s2+s4] =	stream.indirect_vreg.scatter [tilespmem:s12], [sflag:$0x1], $0x80, v6, vm0, $0xb8;
	[tilespmem:$0x3100] =	vst v63  }
0x5a: {  	_ = 	snop  }
0x5b: {  	[hbm4b:s16+s4] =	stream.indirect_vreg.scatter [tilespmem:s13], [sflag:$0x1], $0x80, v6, vm0, $0xb8;
	[tilespmem:$0x3100] =	vst v63  }
.Ltmp2:
0x5c: {  	_ = 	snop;
	(pc) =	sbr.rel @p0 .LBB2_2-.Ltmp2, $4  }
0x5d: {  	_ = 	snop  }
0x5e: {  	[hbm4b:s17+s4] =	stream.indirect_vreg.scatter [tilespmem:s15], [sflag:$0x1], $0x80, v6, vm0, $0xb8;
	[tilespmem:$0x3100] =	vst v63  }
0x5f: {  	_ =	swait.ge [sflag:s14], $0x3000  }
0x60: {  	[sflag:s14] =	ssyncset.done $0x0  }
.LBB2_3:
0x61: {  	[sflag:s14] =	ssyncadd.s32 $0xFFFFD000  }
.LBB2_4:
0x62: {  	_ =	sfence.sel $0x180000  }
0x63: {  	[bflag:$0x0] =	sbarrier.arrive $0xFFFF  }
0x64: {  	p0 =	sne.s32 s0, $0x0;
	_ =	strace $0x90000050  }
0x65: {  	s0 =	sadd.s32 @!p0 $0x100000, s1;
	[bflag:$0x2] =	sbarrier.arrive $0xFFFF  }
0x66: {  	[sflag:s0] =	ssyncadd.tile.s32 @!p0 $0x1;
	_ =	shalt  }
.Lfunc_end2:
_tile_overlayer_lowered:
.L_overlay_start_2:
0x67: {  	(tag) =	ssettag $0x2  }
0x68: {  	s0 =	rddreg [dreg:$0x0];
	s2 =	stileid.u32  }
0x69: {  	s1 =	rddreg [dreg:$0x1];
	p0 =	sne.s32 s2, $0x0  }
0x6a: {  	s3 =	rddreg [dreg:$0x2];
	[bflag:$0x3] =	sbarrier.arrive $0xFFFF;
	s2 =	simm.s32 @!p0 $0x1C02  }
0x6b: {  	[timem:s3], [sflag:s2] =	dma.local @!p0 [hbm:s0], s1  }
0x6c: {  	s0 =	simm.s32 @!p0 $0x2  }
0x6d: {  	_ =	swait.ge @!p0 [sflag:s0], s1  }
0x6e: {  	s1 =	ssub.s32 @!p0 $0x0, s1;
	[sflag:s0] =	ssyncset.done @!p0 $0x0  }
0x6f: {  	[sflag:s0] =	ssyncadd.s32 @!p0 s1  }
0x70: {  	[bflag:$0x3] =	sbarrier.arrive $0xFFFF  }
0x71: {  	_ =	shalt  }

// kernel: kernel.8.cloned.1.call-start
scs
__scs_entry_jumppad:
0x0: {  	(pc) =	sbr.rel $0x88, $3  }
0x1: {  	(tag) =	ssettag $0x0;
	lr =	simm.s32 $0x1  }
0x2: {  	[smem:$0x3F93] =	sst lr;
	_ =	strace $0xD0000000  }
0x3: {  	_ = 	snop  }
0x4: {  	_ = 	snop  }
0x5: {  	_ = 	snop  }
0x6: {  	_ = 	snop  }
0x7: {  	_ = 	snop  }
__scs_overlays_trampoline_lowered:
0x8: {  	[smem:$0x3FA2] =	sst s0  }
0x9: {  	[smem:$0x3FA3] =	sst s1  }
0xa: {  	[smem:$0x3FA4] =	sst s2  }
0xb: {  	[smem:$0x3FA5] =	sst s3  }
0xc: {  	[smem:$0x3FA6] =	sst s4  }
0xd: {  	[smem:$0x3FA7] =	sst s5  }
0xe: {  	[smem:$0x3FA8] =	sst s6  }
0xf: {  	[smem:$0x3FA9] =	sst s7  }
0x10: {  	[smem:$0x3FAA] =	sst s8  }
0x11: {  	[smem:$0x3FAB] =	sst s9;
	s0 =	simm.s32 @!p0 $0x0  }
0x12: {  	s1 =	sld [smem:$0x3F91];
	s0 =	simm.s32 @p0 $0x1  }
0x13: {  	[smem:$0x3FAC] =	sst s0;
	s0 =	simm.s32 @!p1 $0x0  }
0x14: {  	s2 =	sld [smem:$0x3F90];
	s0 =	simm.s32 @p1 $0x1  }
0x15: {  	[smem:$0x3FAD] =	sst s0;
	s0 =	simm.s32 @!p2 $0x0  }
0x16: {  	s3 =	sld [smem:$0x3FDB];
	s0 =	simm.s32 @p2 $0x1  }
0x17: {  	s4 =	simm.s32 $0x1BF5;
	[smem:$0x3FAF] =	sst s0  }
0x18: {  	s0 =	sld [smem:$0x3F92];
	_ =	swait.ge [sflag:s4], $0x0  }
0x19: {  	s7 =	sld [smem:$0x3F93]  }
0x1a: {  	s8 =	sadd.s32 $0xFFFFE003, lr  }
0x1b: {  	s9 =	sadd.s32 $0xFFFFFEF7, lr;
	s5 =	simm.s32 $0xFFFFFFFF;
	p2 =	slt.u32 s8, $0xFFFFF086  }
0x1c: {  	p1 =	slt.u32 s9, $0xF7A;
	s5 =	simm.s32 @!p2 $0x0  }
0x1d: {  	s5 =	simm.s32 @p1 $0x1;
	p0 =	seq.s32 s7, s2  }
0x1e: {  	s7 =	smul.u32 @!p0 $0xF7A, s2;
	p2 =	seq.s32 @!p0 s5, $0x0  }
0x1f: {  	s9 =	smul.u32 $0xF7A, s1;
	s8 =	simm.s32 @!p0 $0x1BF5;
	p2 =	por !p2, p0  }
0x20: {  	[sflag:s8] =	ssyncset.s32 @!p0 $0xFFFFF086;
	s6 =	sadd.s32 @!p0 s3, s7;
	s7 =	simm.s32 @!p0 $0x108  }
0x21: {  	s3 =	sadd.s32 s3, s9;
	s6 =	sadd.s32 @!p0 $0x88, s6;
	s7 =	simm.s32 @p2 $0x1082  }
0x22: {  	[simem:s7], [sflag:s8] =	dma.local @!p0 [hbm:s6], $0xF7A  }
0x23: {  	s9 =	sor.u32 $0xD0000000, s2;
	s6 =	simm.s32 $0x108;
	_ =	swait.ge @!p0 [sflag:s8], $0x0  }
0x24: {  	s3 =	sadd.s32 $0x88, s3;
	s6 =	simm.s32 @!p1 $0x1082;
	[sflag:s4] =	ssyncset.s32 $0xFFFFF086  }
0x25: {  	[simem:s6], [sflag:s4] =	dma.local [hbm:s3], $0xF7A  }
0x26: {  	[smem:$0x3F93] =	sst s1;
	(tag) =	ssettag s2;
	_ =	strace s9  }
0x27: {  	s1 =	sld [smem:$0x3FA3]  }
0x28: {  	s2 =	sld [smem:$0x3FA4]  }
0x29: {  	s4 =	sld [smem:$0x3FA6]  }
0x2a: {  	p0 =	seq.s32 s5, $0x0;
	s5 =	sld [smem:$0x3FA7]  }
0x2b: {  	s6 =	sld [smem:$0x3FA8]  }
0x2c: {  	s7 =	sld [smem:$0x3FA9]  }
0x2d: {  	s3 =	simm.s32 $0x108;
	s8 =	sld [smem:$0x3FAA]  }
0x2e: {  	s3 =	simm.s32 @!p0 $0x1082;
	s9 =	sld [smem:$0x3FAB]  }
0x2f: {  	lr =	sadd.s32 s0, s3;
	s0 =	sld [smem:$0x3FA2]  }
0x30: {  	s3 =	sld [smem:$0x3FA5]  }
0x31: {  	[smem:$0x3FAE] =	sst s10  }
0x32: {  	s10 =	sld [smem:$0x3FAC];
	_ =	sdelay $0x3  }
0x33: {  	p0 =	seq.s32 s10, $0x1;
	s10 =	sld [smem:$0x3FAE];
	_ =	sdelay $0x3  }
0x34: {  	[smem:$0x3FAE] =	sst s10  }
0x35: {  	s10 =	sld [smem:$0x3FAD];
	_ =	sdelay $0x3  }
0x36: {  	p1 =	seq.s32 s10, $0x1;
	s10 =	sld [smem:$0x3FAE];
	_ =	sdelay $0x3  }
0x37: {  	[smem:$0x3FAE] =	sst s10  }
0x38: {  	s10 =	sld [smem:$0x3FAF]  }
0x39: {  	_ = 	snop;
	(pc) =	sbr.ind lr, $3  }
0x3a: {  	_ = 	snop  }
0x3b: {  	_ = 	snop  }
0x3c: {  	p2 =	seq.s32 s10, $0x1;
	s10 =	sld [smem:$0x3FAE]  }
0x3d: {  	_ =	shalt  }
0x3e: {  	_ =	shalt  }
0x3f: {  	_ =	shalt  }
0x40: {  	_ =	shalt  }
0x41: {  	_ =	shalt  }
0x42: {  	_ =	shalt  }
0x43: {  	_ =	shalt  }
0x44: {  	_ =	shalt  }
0x45: {  	_ =	shalt  }
0x46: {  	_ =	shalt  }
0x47: {  	_ =	shalt  }
0x48: {  	_ =	shalt  }
0x49: {  	_ =	shalt  }
0x4a: {  	_ =	shalt  }
0x4b: {  	_ =	shalt  }
0x4c: {  	_ =	shalt  }
0x4d: {  	_ =	shalt  }
0x4e: {  	_ =	shalt  }
0x4f: {  	_ =	shalt  }
0x50: {  	_ =	shalt  }
0x51: {  	_ =	shalt  }
0x52: {  	_ =	shalt  }
0x53: {  	_ =	shalt  }
0x54: {  	_ =	shalt  }
0x55: {  	_ =	shalt  }
0x56: {  	_ =	shalt  }
0x57: {  	_ =	shalt  }
0x58: {  	_ =	shalt  }
0x59: {  	_ =	shalt  }
0x5a: {  	_ =	shalt  }
0x5b: {  	_ =	shalt  }
0x5c: {  	_ =	shalt  }
0x5d: {  	_ =	shalt  }
0x5e: {  	_ =	shalt  }
0x5f: {  	_ =	shalt  }
0x60: {  	_ =	shalt  }
0x61: {  	_ =	shalt  }
0x62: {  	_ =	shalt  }
0x63: {  	_ =	shalt  }
0x64: {  	_ =	shalt  }
0x65: {  	_ =	shalt  }
0x66: {  	_ =	shalt  }
0x67: {  	_ =	shalt  }
0x68: {  	_ =	shalt  }
0x69: {  	_ =	shalt  }
0x6a: {  	_ =	shalt  }
0x6b: {  	_ =	shalt  }
0x6c: {  	_ =	shalt  }
0x6d: {  	_ =	shalt  }
0x6e: {  	_ =	shalt  }
0x6f: {  	_ =	shalt  }
0x70: {  	_ =	shalt  }
0x71: {  	_ =	shalt  }
0x72: {  	_ =	shalt  }
0x73: {  	_ =	shalt  }
0x74: {  	_ =	shalt  }
0x75: {  	_ =	shalt  }
0x76: {  	_ =	shalt  }
0x77: {  	_ =	shalt  }
0x78: {  	_ =	shalt  }
0x79: {  	_ =	shalt  }
0x7a: {  	_ =	shalt  }
0x7b: {  	_ =	shalt  }
0x7c: {  	_ =	shalt  }
0x7d: {  	_ =	shalt  }
0x7e: {  	_ =	shalt  }
0x7f: {  	_ =	shalt  }
0x80: {  	_ =	shalt  }
0x81: {  	_ =	shalt  }
0x82: {  	_ =	shalt  }
0x83: {  	_ =	shalt  }
0x84: {  	_ =	shalt  }
0x85: {  	_ =	shalt  }
0x86: {  	_ =	shalt  }
0x87: {  	_ =	shalt  }
.Lfunc_end0:
.L_simem_size_0:
called_computation_lowered:
.L_overlay_start_0:
0x88: {  	s2 =	sld [smem:$0x3FD9]  }
0x89: {  	s3 =	sld [smem:$0x3FFE];
	_ =	sdelay $0x1  }
0x8a: {  	s1 =	srdreg.scid  }
0x8b: {  	s0 =	sand.u32 $0x1, s1  }
0x8c: {  	s18 =	sshll.u32 s0, $0xA;
	s2 =	sadd.s32 s3, s2  }
0x8d: {  	s2 =	sadd.s32 s2, s18  }
0x8e: {  	[smem:$0x3FBA] =	sst s2  }
0x8f: {  	_ = 	snop  }
0x90: {  	s19 =	sld [smem:$0x3FC9]  }
0x91: {  	s4 =	sld [smem:$0x3FD0];
	(tm) =	ssettm $0x1  }
0x92: {  	s20 =	sld [smem:$0x3FFB];
	_ =	sdelay $0x3  }
0x93: {  	_ =	strace s20  }
0x94: {  	s2 =	sld [smem:$0x3FFC];
	_ =	sdelay $0x3  }
0x95: {  	_ =	strace s2  }
0x96: {  	s2 =	sld [smem:$0x3FFD];
	_ =	sdelay $0x3  }
0x97: {  	_ =	strace s2  }
0x98: {  	_ =	strace $0x8FFFFFFF  }
0x99: {  	s21 =	sld [smem:$0x3FDB];
	_ =	sdelay $0x1  }
0x9a: {  	s5 =	simm.s32 $_scs_section_size  }
0x9b: {  	s6 =	simm.s32 $_size__tile_overlayer_lowered;
	s7 =	simm.s32 $_tile_overlayer_lowered  }
0x9c: {  	s8 =	simm.s32 $0x1BFF;
	s22 =	sshll.u32 s7, $0x1;
	s5 =	sadd.s32 s5, s21  }
0x9d: {  	s23 =	simm.s32 $0x0;
	s6 =	sshll.u32 s6, $0x1;
	s7 =	sadd.s32 s22, s5  }
0x9e: {  	[timem:s23], [sflag:s8] =	dma.local [hbm:s7], s6  }
0x9f: {  	_ =	swait.ge [sflag:s8], s6  }
0xa0: {  	s6 =	ssub.s32 $0x0, s6;
	[sflag:s8] =	ssyncset.done $0x0  }
0xa1: {  	[sflag:s8] =	ssyncadd.s32 s6;
	_ =	sdelay $0x1  }
0xa2: {  	s24 =	simm.s32 $0x1B8B  }
0xa3: {  	_ =	swait.ge [sflag:s24], $0x1  }
0xa4: {  	[sflag:s24] =	ssyncset.done $0x0  }
0xa5: {  	[sflag:s24] =	ssyncadd.s32 $0xFFFFFFFF  }
0xa6: {  	s6 =	sld [smem:$0x0]  }
0xa7: {  	s7 =	sand.u32 $0xFFFFFFFE, s1  }
0xa8: {  	p0 =	sne.s32 s1, s7  }
0xa9: {  	s7 =	sshll.u32 @p0 s7, $0xE  }
0xaa: {  	s7 =	sadd.s32 @p0 $0x11B8D, s7;
	s8 =	sshll.u32 @p0 s6, $0x11  }
0xab: {  	s7 =	sor.u32 @p0 s8, s7  }
0xac: {  	[sflag:s7] =	ssyncadd.remote.s32 @p0 $0x1;
	_ =	sdelay $0x1  }
0xad: {  	s7 =	simm.s32 @p0 $0x1B8D  }
0xae: {  	_ =	swait.eq @p0 [sflag:s7], $0x1  }
0xaf: {  	[sflag:s7] =	ssyncadd.s32 @p0 $0xFFFFFFFF  }
0xb0: {  	s8 =	sshll.u32 @!p0 s1, $0xE  }
0xb1: {  	s8 =	sor.u32 @!p0 $0x4000, s8;
	s7 =	simm.s32 @!p0 $0x1B8D  }
0xb2: {  	s6 =	sshll.u32 @!p0 s6, $0x11;
	s8 =	sadd.s32 @!p0 $0x11B8D, s8;
	_ =	swait.eq @!p0 [sflag:s7], $0x1  }
0xb3: {  	s6 =	sor.u32 @!p0 s6, s8;
	[sflag:s7] =	ssyncadd.s32 @!p0 $0xFFFFFFFF  }
0xb4: {  	s25 =	simm.s32 $0x1B8E;
	[sflag:s6] =	ssyncadd.remote.s32 @!p0 $0x1  }
0xb5: {  	s26 =	simm.s32 $execute0_lowered;
	[smem:$0x3FD2] =	sst s25  }
0xb6: {  	s6 =	sshll.u32 s26, $0x1;
	_ =	strace $0x80000049;
	[dreg:$0x1] =	wrdreg $0xFFFFFFFF  }
0xb7: {  	s28 =	simm.s32 $_size_execute0_lowered;
	s5 =	sadd.s32 s5, s6;
	[dreg:$0x0] =	wrdreg $0x0  }
0xb8: {  	s6 =	sshll.u32 s28, $0x1;
	[dreg:$0x2] =	wrdreg s5  }
0xb9: {  	[dreg:$0x3] =	wrdreg s6  }
0xba: {  	[dreg:$0x4] =	wrdreg $0xC0  }
0xbb: {  	_ =	task [dreg:s23], $0x5FFFF  }
0xbc: {  	[dreg:$0x1] =	wrdreg $0xFFFFFFFF  }
0xbd: {  	[dreg:$0x0] =	wrdreg $0x60  }
0xbe: {  	[dreg:$0x2] =	wrdreg s19  }
0xbf: {  	[dreg:$0x3] =	wrdreg s4  }
0xc0: {  	[dreg:$0x4] =	wrdreg $0x9  }
0xc1: {  	_ =	task.clear_ibuf [dreg:s23], $0x5FFFF;
	_ =	strace $0x90000049  }
0xc2: {  	s29 =	simm.s32 $0x9;
	_ =	strace $0x8000004B  }
0xc3: {  	_ =	swait.ge [sflag:s29], $0x1  }
0xc4: {  	[sflag:s29] =	ssyncadd.s32 $0xFFFFFFFF  }
0xc5: {  	_ =	strace $0x9000004B  }
0xc6: {  	_ =	sfence  }
0xc7: {  	s30 =	sld [smem:$0x0];
	_ =	sdelay $0x2  }
0xc8: {  	s31 =	sshll.u32 s1, $0xD;
	s1 =	sshrl.u32 s1, $0x2  }
0xc9: {  	s4 =	sand.u32 $0x4000, s31;
	s1 =	sadd.s32 s1, s30  }
0xca: {  	s0 =	sor.u32 s4, s0;
	s1 =	sshll.u32 s1, $0x11  }
0xcb: {  	s0 =	sor.u32 s1, s0  }
0xcc: {  	s0 =	sadd.s32 $0x8F2B, s0  }
0xcd: {  	[sflag:s0] =	ssyncadd.remote.s32 $0x1  }
0xce: {  	_ =	sfence.sel $0xFFFF  }
0xcf: {  	[dreg:$0x0] =	wrdreg $0xFFFFFFFF;
	(pc) =	sbr.abs _section_cstart, $3  }
0xd0: {  	[dreg:$0x1] =	wrdreg $0xFFFFFFFF  }
0xd1: {  	_ =	task.clear_ibuf [dreg:s23], $0x2FFFF;
	_ =	strace $0x9FFFFFFF  }
0xd2: {  	(tm) =	ssettm $0x7FFFFFFF  }
0xd3: {  	_ =	shalt  }
tec
execute0_lowered:
.L_overlay_start_1:
0x0: {  	(tag) =	ssettag $0x1  }
0x1: {  	s1 =	srdreg.scid;
	s0 =	stileid.u32  }
0x2: {  	s28 =	sand.u32 $0x1, s1;
	s13 =	sshll.u32 s0, $0x1  }
0x3: {  	s30 =	sor.u32 s28, s13  }
0x4: {  	s2 =	smul.u32 $0x5F0, s30;
	_ =	sdelay $0x1  }
0x5: {  	s3 =	sshrl.u32 s2, $0x3  }
0x6: {  	s29 =	rddreg [dreg:$0x0];
	s2 =	simm.s32 $0x0;
	s25 =	smul.u32 $0x300, s3  }
0x7: {  	[smem:$0x7FF] =	sst s2  }
0x8: {  	s0 =	rddreg [dreg:$0x1];
	_ =	strace $0x8000004A;
	s3 =	sadd.s32 s29, s25  }
0x9: {  	s14 =	sadd.s32 s0, s25;
	s4 =	sadd.s32 $0x1E00, s25;
	[dreg:$0x3] =	wrdreg s3  }
0xa: {  	[dreg:$0x4] =	wrdreg s14;
	s15 =	sadd.s32 s29, s4  }
0xb: {  	s17 =	sadd.s32 $0x3C00, s25;
	s16 =	sadd.s32 s0, s4;
	[dreg:$0x5] =	wrdreg s15  }
0xc: {  	s18 =	sadd.s32 s29, s17;
	[dreg:$0x6] =	wrdreg s16  }
0xd: {  	s20 =	sadd.s32 $0x5A00, s25;
	s19 =	sadd.s32 s0, s17;
	[dreg:$0x7] =	wrdreg s18  }
0xe: {  	s21 =	sadd.s32 s29, s20;
	[dreg:$0x8] =	wrdreg s19  }
0xf: {  	s23 =	sadd.s32 $0x7800, s25;
	s22 =	sadd.s32 s0, s20;
	[dreg:$0x9] =	wrdreg s21  }
0x10: {  	s24 =	sadd.s32 s29, s23;
	[dreg:$0xa] =	wrdreg s22  }
0x11: {  	s1 =	sadd.s32 $0x9600, s25;
	s26 =	sadd.s32 s0, s23;
	[dreg:$0xb] =	wrdreg s24  }
0x12: {  	s5 =	sadd.s32 s29, s1;
	[dreg:$0xc] =	wrdreg s26  }
0x13: {  	s7 =	sadd.s32 $0xB400, s25;
	s6 =	sadd.s32 s0, s1;
	[dreg:$0xd] =	wrdreg s5  }
0x14: {  	s8 =	sadd.s32 s29, s7;
	[dreg:$0xe] =	wrdreg s6  }
0x15: {  	[dreg:$0xf] =	wrdreg s8  }
0x16: {  	s10 =	sadd.s32 $0xD200, s25;
	s9 =	sadd.s32 s0, s7;
	s5 =	rddreg [dreg:$0x3]  }
0x17: {  	s11 =	sadd.s32 s29, s10;
	[dreg:$0x10] =	wrdreg s9  }
0x18: {  	s3 =	simm.s32 $0x1;
	[dreg:$0x11] =	wrdreg s11  }
0x19: {  	[tilespmem:s2], [sflag:$0x1] =	stream.linear.gather [hbm4b:s5+s2], $0xF000, $0x38;
	[tilespmem:$0xF000] =	vst v63  }
0x1a: {  	_ =	swait.ge [sflag:s3], $0xF000  }
0x1b: {  	[sflag:s3] =	ssyncset.done $0x0  }
0x1c: {  	s12 =	rddreg [dreg:$0x4];
	[sflag:s3] =	ssyncadd.s32 $0xFFFF1000  }
0x1d: {  	[hbm4b:s12+s2] =	stream.linear.scatter [tilespmem:s2], [sflag:$0x1], $0xF000, $0x38;
	[tilespmem:$0xF000] =	vst v63  }
0x1e: {  	_ =	swait.ge [sflag:s3], $0xF000  }
0x1f: {  	[sflag:s3] =	ssyncset.done $0x0  }
0x20: {  	s13 =	rddreg [dreg:$0x5];
	[sflag:s3] =	ssyncadd.s32 $0xFFFF1000  }
0x21: {  	[tilespmem:s2], [sflag:$0x1] =	stream.linear.gather [hbm4b:s13+s2], $0xF000, $0x38;
	[tilespmem:$0xF000] =	vst v63  }
0x22: {  	_ =	swait.ge [sflag:s3], $0xF000  }
0x23: {  	[sflag:s3] =	ssyncset.done $0x0  }
0x24: {  	s14 =	rddreg [dreg:$0x6];
	[sflag:s3] =	ssyncadd.s32 $0xFFFF1000  }
0x25: {  	[hbm4b:s14+s2] =	stream.linear.scatter [tilespmem:s2], [sflag:$0x1], $0xF000, $0x38;
	[tilespmem:$0xF000] =	vst v63  }
0x26: {  	_ =	swait.ge [sflag:s3], $0xF000  }
0x27: {  	[sflag:s3] =	ssyncset.done $0x0  }
0x28: {  	s15 =	rddreg [dreg:$0x7];
	[sflag:s3] =	ssyncadd.s32 $0xFFFF1000  }
0x29: {  	[tilespmem:s2], [sflag:$0x1] =	stream.linear.gather [hbm4b:s15+s2], $0xF000, $0x38;
	[tilespmem:$0xF000] =	vst v63  }
0x2a: {  	_ =	swait.ge [sflag:s3], $0xF000  }
0x2b: {  	[sflag:s3] =	ssyncset.done $0x0  }
0x2c: {  	s16 =	rddreg [dreg:$0x8];
	[sflag:s3] =	ssyncadd.s32 $0xFFFF1000  }
0x2d: {  	[hbm4b:s16+s2] =	stream.linear.scatter [tilespmem:s2], [sflag:$0x1], $0xF000, $0x38;
	[tilespmem:$0xF000] =	vst v63  }
0x2e: {  	_ =	swait.ge [sflag:s3], $0xF000  }
0x2f: {  	[sflag:s3] =	ssyncset.done $0x0  }
0x30: {  	s17 =	rddreg [dreg:$0x9];
	[sflag:s3] =	ssyncadd.s32 $0xFFFF1000  }
0x31: {  	[tilespmem:s2], [sflag:$0x1] =	stream.linear.gather [hbm4b:s17+s2], $0xF000, $0x38;
	[tilespmem:$0xF000] =	vst v63  }
0x32: {  	_ =	swait.ge [sflag:s3], $0xF000  }
0x33: {  	[sflag:s3] =	ssyncset.done $0x0  }
0x34: {  	s18 =	rddreg [dreg:$0xa];
	[sflag:s3] =	ssyncadd.s32 $0xFFFF1000  }
0x35: {  	[hbm4b:s18+s2] =	stream.linear.scatter [tilespmem:s2], [sflag:$0x1], $0xF000, $0x38;
	[tilespmem:$0xF000] =	vst v63  }
0x36: {  	_ =	swait.ge [sflag:s3], $0xF000  }
0x37: {  	[sflag:s3] =	ssyncset.done $0x0  }
0x38: {  	s19 =	rddreg [dreg:$0xb];
	[sflag:s3] =	ssyncadd.s32 $0xFFFF1000  }
0x39: {  	[tilespmem:s2], [sflag:$0x1] =	stream.linear.gather [hbm4b:s19+s2], $0xF000, $0x38;
	[tilespmem:$0xF000] =	vst v63  }
0x3a: {  	_ =	swait.ge [sflag:s3], $0xF000  }
0x3b: {  	[sflag:s3] =	ssyncset.done $0x0  }
0x3c: {  	s20 =	rddreg [dreg:$0xc];
	[sflag:s3] =	ssyncadd.s32 $0xFFFF1000  }
0x3d: {  	[hbm4b:s20+s2] =	stream.linear.scatter [tilespmem:s2], [sflag:$0x1], $0xF000, $0x38;
	[tilespmem:$0xF000] =	vst v63  }
0x3e: {  	_ =	swait.ge [sflag:s3], $0xF000  }
0x3f: {  	[sflag:s3] =	ssyncset.done $0x0  }
0x40: {  	s21 =	rddreg [dreg:$0xd];
	[sflag:s3] =	ssyncadd.s32 $0xFFFF1000  }
0x41: {  	[tilespmem:s2], [sflag:$0x1] =	stream.linear.gather [hbm4b:s21+s2], $0xF000, $0x38;
	[tilespmem:$0xF000] =	vst v63  }
0x42: {  	_ =	swait.ge [sflag:s3], $0xF000  }
0x43: {  	[sflag:s3] =	ssyncset.done $0x0  }
0x44: {  	s22 =	rddreg [dreg:$0xe];
	[sflag:s3] =	ssyncadd.s32 $0xFFFF1000  }
0x45: {  	[hbm4b:s22+s2] =	stream.linear.scatter [tilespmem:s2], [sflag:$0x1], $0xF000, $0x38;
	[tilespmem:$0xF000] =	vst v63  }
0x46: {  	_ =	swait.ge [sflag:s3], $0xF000  }
0x47: {  	[sflag:s3] =	ssyncset.done $0x0  }
0x48: {  	s23 =	rddreg [dreg:$0xf];
	[sflag:s3] =	ssyncadd.s32 $0xFFFF1000  }
0x49: {  	[tilespmem:s2], [sflag:$0x1] =	stream.linear.gather [hbm4b:s23+s2], $0xF000, $0x38;
	[tilespmem:$0xF000] =	vst v63  }
0x4a: {  	_ =	swait.ge [sflag:s3], $0xF000  }
0x4b: {  	[sflag:s3] =	ssyncset.done $0x0  }
0x4c: {  	s24 =	rddreg [dreg:$0x10];
	[sflag:s3] =	ssyncadd.s32 $0xFFFF1000  }
0x4d: {  	[hbm4b:s24+s2] =	stream.linear.scatter [tilespmem:s2], [sflag:$0x1], $0xF000, $0x38;
	[tilespmem:$0xF000] =	vst v63  }
0x4e: {  	_ =	swait.ge [sflag:s3], $0xF000  }
0x4f: {  	[sflag:s3] =	ssyncset.done $0x0  }
0x50: {  	s26 =	rddreg [dreg:$0x11];
	[sflag:s3] =	ssyncadd.s32 $0xFFFF1000  }
0x51: {  	[tilespmem:s2], [sflag:$0x1] =	stream.linear.gather [hbm4b:s26+s2], $0xF000, $0x38;
	[tilespmem:$0xF000] =	vst v63  }
0x52: {  	_ =	swait.ge [sflag:s3], $0xF000  }
0x53: {  	[sflag:s3] =	ssyncset.done $0x0  }
0x54: {  	s4 =	sadd.s32 s0, s10;
	[sflag:s3] =	ssyncadd.s32 $0xFFFF1000  }
0x55: {  	[hbm4b:s4+s2] =	stream.linear.scatter [tilespmem:s2], [sflag:$0x1], $0xF000, $0x38;
	[tilespmem:$0xF000] =	vst v63  }
0x56: {  	_ =	swait.ge [sflag:s3], $0xF000  }
0x57: {  	s6 =	sadd.s32 $0xF000, s25;
	[sflag:s3] =	ssyncset.done $0x0  }
0x58: {  	s5 =	sadd.s32 s29, s6;
	[sflag:s3] =	ssyncadd.s32 $0xFFFF1000  }
0x59: {  	[tilespmem:s2], [sflag:$0x1] =	stream.linear.gather [hbm4b:s5+s2], $0xF000, $0x38;
	[tilespmem:$0xF000] =	vst v63  }
0x5a: {  	_ =	swait.ge [sflag:s3], $0xF000  }
0x5b: {  	[sflag:s3] =	ssyncset.done $0x0  }
0x5c: {  	s6 =	sadd.s32 s0, s6;
	[sflag:s3] =	ssyncadd.s32 $0xFFFF1000  }
0x5d: {  	[hbm4b:s6+s2] =	stream.linear.scatter [tilespmem:s2], [sflag:$0x1], $0xF000, $0x38;
	[tilespmem:$0xF000] =	vst v63  }
0x5e: {  	_ =	swait.ge [sflag:s3], $0xF000  }
0x5f: {  	s8 =	sadd.s32 $0x10E00, s25;
	[sflag:s3] =	ssyncset.done $0x0  }
0x60: {  	s7 =	sadd.s32 s29, s8;
	[sflag:s3] =	ssyncadd.s32 $0xFFFF1000  }
0x61: {  	[tilespmem:s2], [sflag:$0x1] =	stream.linear.gather [hbm4b:s7+s2], $0xF000, $0x38;
	[tilespmem:$0xF000] =	vst v63  }
0x62: {  	_ =	swait.ge [sflag:s3], $0xF000  }
0x63: {  	[sflag:s3] =	ssyncset.done $0x0  }
0x64: {  	s8 =	sadd.s32 s0, s8;
	[sflag:s3] =	ssyncadd.s32 $0xFFFF1000  }
0x65: {  	[hbm4b:s8+s2] =	stream.linear.scatter [tilespmem:s2], [sflag:$0x1], $0xF000, $0x38;
	[tilespmem:$0xF000] =	vst v63  }
0x66: {  	_ =	swait.ge [sflag:s3], $0xF000  }
0x67: {  	s10 =	sadd.s32 $0x12C00, s25;
	[sflag:s3] =	ssyncset.done $0x0  }
0x68: {  	s9 =	sadd.s32 s29, s10;
	[sflag:s3] =	ssyncadd.s32 $0xFFFF1000  }
0x69: {  	[tilespmem:s2], [sflag:$0x1] =	stream.linear.gather [hbm4b:s9+s2], $0xF000, $0x38;
	[tilespmem:$0xF000] =	vst v63  }
0x6a: {  	_ =	swait.ge [sflag:s3], $0xF000  }
0x6b: {  	[sflag:s3] =	ssyncset.done $0x0  }
0x6c: {  	s10 =	sadd.s32 s0, s10;
	[sflag:s3] =	ssyncadd.s32 $0xFFFF1000  }
0x6d: {  	[hbm4b:s10+s2] =	stream.linear.scatter [tilespmem:s2], [sflag:$0x1], $0xF000, $0x38;
	[tilespmem:$0xF000] =	vst v63  }
0x6e: {  	_ =	swait.ge [sflag:s3], $0xF000  }
0x6f: {  	s12 =	sadd.s32 $0x14A00, s25;
	[sflag:s3] =	ssyncset.done $0x0  }
0x70: {  	s11 =	sadd.s32 s29, s12;
	[sflag:s3] =	ssyncadd.s32 $0xFFFF1000  }
0x71: {  	[tilespmem:s2], [sflag:$0x1] =	stream.linear.gather [hbm4b:s11+s2], $0xF000, $0x38;
	[tilespmem:$0xF000] =	vst v63  }
0x72: {  	_ =	swait.ge [sflag:s3], $0xF000  }
0x73: {  	[sflag:s3] =	ssyncset.done $0x0  }
0x74: {  	s12 =	sadd.s32 s0, s12;
	[sflag:s3] =	ssyncadd.s32 $0xFFFF1000  }
0x75: {  	[hbm4b:s12+s2] =	stream.linear.scatter [tilespmem:s2], [sflag:$0x1], $0xF000, $0x38;
	[tilespmem:$0xF000] =	vst v63  }
0x76: {  	_ =	swait.ge [sflag:s3], $0xF000  }
0x77: {  	s14 =	sadd.s32 $0x16800, s25;
	[sflag:s3] =	ssyncset.done $0x0  }
0x78: {  	s13 =	sadd.s32 s29, s14;
	[sflag:s3] =	ssyncadd.s32 $0xFFFF1000  }
0x79: {  	[tilespmem:s2], [sflag:$0x1] =	stream.linear.gather [hbm4b:s13+s2], $0xF000, $0x38;
	[tilespmem:$0xF000] =	vst v63  }
0x7a: {  	_ =	swait.ge [sflag:s3], $0xF000  }
0x7b: {  	[sflag:s3] =	ssyncset.done $0x0  }
0x7c: {  	s14 =	sadd.s32 s0, s14;
	[sflag:s3] =	ssyncadd.s32 $0xFFFF1000  }
0x7d: {  	[hbm4b:s14+s2] =	stream.linear.scatter [tilespmem:s2], [sflag:$0x1], $0xF000, $0x38;
	[tilespmem:$0xF000] =	vst v63  }
0x7e: {  	_ =	swait.ge [sflag:s3], $0xF000  }
0x7f: {  	s16 =	sadd.s32 $0x18600, s25;
	[sflag:s3] =	ssyncset.done $0x0  }
0x80: {  	s15 =	sadd.s32 s29, s16;
	[sflag:s3] =	ssyncadd.s32 $0xFFFF1000  }
0x81: {  	[tilespmem:s2], [sflag:$0x1] =	stream.linear.gather [hbm4b:s15+s2], $0xF000, $0x38;
	[tilespmem:$0xF000] =	vst v63  }
0x82: {  	_ =	swait.ge [sflag:s3], $0xF000  }
0x83: {  	[sflag:s3] =	ssyncset.done $0x0  }
0x84: {  	s16 =	sadd.s32 s0, s16;
	[sflag:s3] =	ssyncadd.s32 $0xFFFF1000  }
0x85: {  	[hbm4b:s16+s2] =	stream.linear.scatter [tilespmem:s2], [sflag:$0x1], $0xF000, $0x38;
	[tilespmem:$0xF000] =	vst v63  }
0x86: {  	_ =	swait.ge [sflag:s3], $0xF000  }
0x87: {  	s18 =	sadd.s32 $0x1A400, s25;
	[sflag:s3] =	ssyncset.done $0x0  }
0x88: {  	s17 =	sadd.s32 s29, s18;
	[sflag:s3] =	ssyncadd.s32 $0xFFFF1000  }
0x89: {  	[tilespmem:s2], [sflag:$0x1] =	stream.linear.gather [hbm4b:s17+s2], $0xF000, $0x38;
	[tilespmem:$0xF000] =	vst v63  }
0x8a: {  	_ =	swait.ge [sflag:s3], $0xF000  }
0x8b: {  	[sflag:s3] =	ssyncset.done $0x0  }
0x8c: {  	s18 =	sadd.s32 s0, s18;
	[sflag:s3] =	ssyncadd.s32 $0xFFFF1000  }
0x8d: {  	[hbm4b:s18+s2] =	stream.linear.scatter [tilespmem:s2], [sflag:$0x1], $0xF000, $0x38;
	[tilespmem:$0xF000] =	vst v63  }
0x8e: {  	_ =	swait.ge [sflag:s3], $0xF000  }
0x8f: {  	s20 =	sadd.s32 $0x1C200, s25;
	[sflag:s3] =	ssyncset.done $0x0  }
0x90: {  	s19 =	sadd.s32 s29, s20;
	[sflag:s3] =	ssyncadd.s32 $0xFFFF1000  }
0x91: {  	[tilespmem:s2], [sflag:$0x1] =	stream.linear.gather [hbm4b:s19+s2], $0xF000, $0x38;
	[tilespmem:$0xF000] =	vst v63  }
0x92: {  	_ =	swait.ge [sflag:s3], $0xF000  }
0x93: {  	[sflag:s3] =	ssyncset.done $0x0  }
0x94: {  	s20 =	sadd.s32 s0, s20;
	[sflag:s3] =	ssyncadd.s32 $0xFFFF1000  }
0x95: {  	[hbm4b:s20+s2] =	stream.linear.scatter [tilespmem:s2], [sflag:$0x1], $0xF000, $0x38;
	[tilespmem:$0xF000] =	vst v63  }
0x96: {  	_ =	swait.ge [sflag:s3], $0xF000  }
0x97: {  	s22 =	sadd.s32 $0x1E000, s25;
	[sflag:s3] =	ssyncset.done $0x0  }
0x98: {  	s21 =	sadd.s32 s29, s22;
	[sflag:s3] =	ssyncadd.s32 $0xFFFF1000  }
0x99: {  	[tilespmem:s2], [sflag:$0x1] =	stream.linear.gather [hbm4b:s21+s2], $0xF000, $0x38;
	[tilespmem:$0xF000] =	vst v63  }
0x9a: {  	_ =	swait.ge [sflag:s3], $0xF000  }
0x9b: {  	[sflag:s3] =	ssyncset.done $0x0  }
0x9c: {  	s22 =	sadd.s32 s0, s22;
	[sflag:s3] =	ssyncadd.s32 $0xFFFF1000  }
0x9d: {  	[hbm4b:s22+s2] =	stream.linear.scatter [tilespmem:s2], [sflag:$0x1], $0xF000, $0x38;
	[tilespmem:$0xF000] =	vst v63  }
0x9e: {  	_ =	swait.ge [sflag:s3], $0xF000  }
0x9f: {  	s24 =	sadd.s32 $0x1FE00, s25;
	[sflag:s3] =	ssyncset.done $0x0  }
0xa0: {  	s23 =	sadd.s32 s29, s24;
	[sflag:s3] =	ssyncadd.s32 $0xFFFF1000  }
0xa1: {  	[tilespmem:s2], [sflag:$0x1] =	stream.linear.gather [hbm4b:s23+s2], $0xF000, $0x38;
	[tilespmem:$0xF000] =	vst v63  }
0xa2: {  	_ =	swait.ge [sflag:s3], $0xF000  }
0xa3: {  	[sflag:s3] =	ssyncset.done $0x0  }
0xa4: {  	s24 =	sadd.s32 s0, s24;
	[sflag:s3] =	ssyncadd.s32 $0xFFFF1000  }
0xa5: {  	[hbm4b:s24+s2] =	stream.linear.scatter [tilespmem:s2], [sflag:$0x1], $0xF000, $0x38;
	[tilespmem:$0xF000] =	vst v63  }
0xa6: {  	_ =	swait.ge [sflag:s3], $0xF000  }
0xa7: {  	s26 =	sadd.s32 $0x21C00, s25;
	[sflag:s3] =	ssyncset.done $0x0  }
0xa8: {  	s31 =	smul.u32 $0x50, s30;
	s25 =	sadd.s32 s29, s26;
	[sflag:s3] =	ssyncadd.s32 $0xFFFF1000  }
0xa9: {  	[tilespmem:s2], [sflag:$0x1] =	stream.linear.gather [hbm4b:s25+s2], $0xF000, $0x38;
	[tilespmem:$0xF000] =	vst v63  }
0xaa: {  	_ =	swait.ge [sflag:s3], $0xF000  }
0xab: {  	p0 =	sgt.u32 s30, $0x10;
	s31 =	sshrl.u32 s31, $0x3;
	[sflag:s3] =	ssyncset.done $0x0  }
0xac: {  	s31 =	smul.u32 $0x300, s31;
	s26 =	sadd.s32 s0, s26;
	[sflag:s3] =	ssyncadd.s32 $0xFFFF1000  }
0xad: {  	[hbm4b:s26+s2] =	stream.linear.scatter [tilespmem:s2], [sflag:$0x1], $0xF000, $0x38;
	[tilespmem:$0xF000] =	vst v63  }
0xae: {  	s30 =	simm.s32 @!p0 $0x0;
	_ =	swait.ge [sflag:s3], $0xF000  }
0xaf: {  	s31 =	sadd.s32 $0x474000, s31;
	s0 =	ssub.s32 $0x2, s28;
	[sflag:s3] =	ssyncset.done $0x0  }
0xb0: {  	s29 =	sadd.s32 s29, s31;
	s28 =	simm.s32 @!p0 $0x1;
	[sflag:s3] =	ssyncadd.s32 $0xFFFF1000  }
0xb1: {  	[tilespmem:s30], [sflag:$0x1] =	stream.linear.gather @!p0 [hbm4b:s29+s30], $0xF000, $0x38;
	[tilespmem:$0xF000] =	vst v63  }
0xb2: {  	s1 =	sshrl.u32 s0, $0x1;
	_ =	swait.ge @!p0 [sflag:s28], $0xF000  }
0xb3: {  	s0 =	ssub.s32 s0, s1;
	[sflag:s28] =	ssyncset.done @!p0 $0x0  }
0xb4: {  	s0 =	smax.u32 s0, $0x1;
	s1 =	rddreg [dreg:$0x1]  }
0xb5: {  	s31 =	sadd.s32 s1, s31;
	s1 =	sadd.s32 $0xFFFFFFFF, s0  }
0xb6: {  	p1 =	sne.s32 s1, $0x0  }
.Ltmp0:
0xb7: {  	_ = 	snop;
	(pc) =	sbr.rel @!p1 .LBB2_2-.Ltmp0, $4  }
0xb8: {  	_ = 	snop  }
0xb9: {  	[sflag:s28] =	ssyncadd.s32 @!p0 $0xFFFF1000  }
0xba: {  	[hbm4b:s31+s30] =	stream.linear.scatter @!p0 [tilespmem:s30], [sflag:$0x1], $0xF000, $0x38;
	[tilespmem:$0xF000] =	vst v63  }
0xbb: {  	_ =	swait.ge @!p0 [sflag:s28], $0xF000  }
.LBB2_1:
0xbc: {  	[sflag:s28] =	ssyncset.done @!p0 $0x0  }
0xbd: {  	s0 =	rddreg [dreg:$0x3];
	[sflag:s28] =	ssyncadd.s32 @!p0 $0xFFFF1000  }
0xbe: {  	[tilespmem:s2], [sflag:$0x1] =	stream.linear.gather [hbm4b:s0+s2], $0xF000, $0x38;
	[tilespmem:$0xF000] =	vst v63  }
0xbf: {  	_ =	swait.ge [sflag:s3], $0xF000  }
0xc0: {  	[sflag:s3] =	ssyncset.done $0x0  }
0xc1: {  	s0 =	rddreg [dreg:$0x4];
	[sflag:s3] =	ssyncadd.s32 $0xFFFF1000  }
0xc2: {  	[hbm4b:s0+s2] =	stream.linear.scatter [tilespmem:s2], [sflag:$0x1], $0xF000, $0x38;
	[tilespmem:$0xF000] =	vst v63  }
0xc3: {  	_ =	swait.ge [sflag:s3], $0xF000  }
0xc4: {  	[sflag:s3] =	ssyncset.done $0x0  }
0xc5: {  	s0 =	rddreg [dreg:$0x5];
	[sflag:s3] =	ssyncadd.s32 $0xFFFF1000  }
0xc6: {  	[tilespmem:s2], [sflag:$0x1] =	stream.linear.gather [hbm4b:s0+s2], $0xF000, $0x38;
	[tilespmem:$0xF000] =	vst v63  }
0xc7: {  	_ =	swait.ge [sflag:s3], $0xF000  }
0xc8: {  	[sflag:s3] =	ssyncset.done $0x0  }
0xc9: {  	s0 =	rddreg [dreg:$0x6];
	[sflag:s3] =	ssyncadd.s32 $0xFFFF1000  }
0xca: {  	[hbm4b:s0+s2] =	stream.linear.scatter [tilespmem:s2], [sflag:$0x1], $0xF000, $0x38;
	[tilespmem:$0xF000] =	vst v63  }
0xcb: {  	_ =	swait.ge [sflag:s3], $0xF000  }
0xcc: {  	[sflag:s3] =	ssyncset.done $0x0  }
0xcd: {  	s0 =	rddreg [dreg:$0x7];
	[sflag:s3] =	ssyncadd.s32 $0xFFFF1000  }
0xce: {  	[tilespmem:s2], [sflag:$0x1] =	stream.linear.gather [hbm4b:s0+s2], $0xF000, $0x38;
	[tilespmem:$0xF000] =	vst v63  }
0xcf: {  	_ =	swait.ge [sflag:s3], $0xF000  }
0xd0: {  	[sflag:s3] =	ssyncset.done $0x0  }
0xd1: {  	s0 =	rddreg [dreg:$0x8];
	[sflag:s3] =	ssyncadd.s32 $0xFFFF1000  }
0xd2: {  	[hbm4b:s0+s2] =	stream.linear.scatter [tilespmem:s2], [sflag:$0x1], $0xF000, $0x38;
	[tilespmem:$0xF000] =	vst v63  }
0xd3: {  	_ =	swait.ge [sflag:s3], $0xF000  }
0xd4: {  	[sflag:s3] =	ssyncset.done $0x0  }
0xd5: {  	s0 =	rddreg [dreg:$0x9];
	[sflag:s3] =	ssyncadd.s32 $0xFFFF1000  }
0xd6: {  	[tilespmem:s2], [sflag:$0x1] =	stream.linear.gather [hbm4b:s0+s2], $0xF000, $0x38;
	[tilespmem:$0xF000] =	vst v63  }
0xd7: {  	_ =	swait.ge [sflag:s3], $0xF000  }
0xd8: {  	[sflag:s3] =	ssyncset.done $0x0  }
0xd9: {  	s0 =	rddreg [dreg:$0xa];
	[sflag:s3] =	ssyncadd.s32 $0xFFFF1000  }
0xda: {  	[hbm4b:s0+s2] =	stream.linear.scatter [tilespmem:s2], [sflag:$0x1], $0xF000, $0x38;
	[tilespmem:$0xF000] =	vst v63  }
0xdb: {  	_ =	swait.ge [sflag:s3], $0xF000  }
0xdc: {  	[sflag:s3] =	ssyncset.done $0x0  }
0xdd: {  	s0 =	rddreg [dreg:$0xb];
	[sflag:s3] =	ssyncadd.s32 $0xFFFF1000  }
0xde: {  	[tilespmem:s2], [sflag:$0x1] =	stream.linear.gather [hbm4b:s0+s2], $0xF000, $0x38;
	[tilespmem:$0xF000] =	vst v63  }
0xdf: {  	_ =	swait.ge [sflag:s3], $0xF000  }
0xe0: {  	[sflag:s3] =	ssyncset.done $0x0  }
0xe1: {  	s0 =	rddreg [dreg:$0xc];
	[sflag:s3] =	ssyncadd.s32 $0xFFFF1000  }
0xe2: {  	[hbm4b:s0+s2] =	stream.linear.scatter [tilespmem:s2], [sflag:$0x1], $0xF000, $0x38;
	[tilespmem:$0xF000] =	vst v63  }
0xe3: {  	_ =	swait.ge [sflag:s3], $0xF000  }
0xe4: {  	[sflag:s3] =	ssyncset.done $0x0  }
0xe5: {  	s0 =	rddreg [dreg:$0xd];
	[sflag:s3] =	ssyncadd.s32 $0xFFFF1000  }
0xe6: {  	[tilespmem:s2], [sflag:$0x1] =	stream.linear.gather [hbm4b:s0+s2], $0xF000, $0x38;
	[tilespmem:$0xF000] =	vst v63  }
0xe7: {  	_ =	swait.ge [sflag:s3], $0xF000  }
0xe8: {  	[sflag:s3] =	ssyncset.done $0x0  }
0xe9: {  	s0 =	rddreg [dreg:$0xe];
	[sflag:s3] =	ssyncadd.s32 $0xFFFF1000  }
0xea: {  	[hbm4b:s0+s2] =	stream.linear.scatter [tilespmem:s2], [sflag:$0x1], $0xF000, $0x38;
	[tilespmem:$0xF000] =	vst v63  }
0xeb: {  	_ =	swait.ge [sflag:s3], $0xF000  }
0xec: {  	[sflag:s3] =	ssyncset.done $0x0  }
0xed: {  	s0 =	rddreg [dreg:$0xf];
	[sflag:s3] =	ssyncadd.s32 $0xFFFF1000  }
0xee: {  	[tilespmem:s2], [sflag:$0x1] =	stream.linear.gather [hbm4b:s0+s2], $0xF000, $0x38;
	[tilespmem:$0xF000] =	vst v63  }
0xef: {  	_ =	swait.ge [sflag:s3], $0xF000  }
0xf0: {  	[sflag:s3] =	ssyncset.done $0x0  }
0xf1: {  	s0 =	rddreg [dreg:$0x10];
	[sflag:s3] =	ssyncadd.s32 $0xFFFF1000  }
0xf2: {  	[hbm4b:s0+s2] =	stream.linear.scatter [tilespmem:s2], [sflag:$0x1], $0xF000, $0x38;
	[tilespmem:$0xF000] =	vst v63  }
0xf3: {  	_ =	swait.ge [sflag:s3], $0xF000  }
0xf4: {  	[sflag:s3] =	ssyncset.done $0x0  }
0xf5: {  	s0 =	rddreg [dreg:$0x11];
	[sflag:s3] =	ssyncadd.s32 $0xFFFF1000  }
0xf6: {  	[tilespmem:s2], [sflag:$0x1] =	stream.linear.gather [hbm4b:s0+s2], $0xF000, $0x38;
	[tilespmem:$0xF000] =	vst v63  }
0xf7: {  	_ =	swait.ge [sflag:s3], $0xF000  }
0xf8: {  	[sflag:s3] =	ssyncset.done $0x0  }
0xf9: {  	[sflag:s3] =	ssyncadd.s32 $0xFFFF1000  }
0xfa: {  	[hbm4b:s4+s2] =	stream.linear.scatter [tilespmem:s2], [sflag:$0x1], $0xF000, $0x38;
	[tilespmem:$0xF000] =	vst v63  }
0xfb: {  	_ =	swait.ge [sflag:s3], $0xF000  }
0xfc: {  	[sflag:s3] =	ssyncset.done $0x0  }
0xfd: {  	[sflag:s3] =	ssyncadd.s32 $0xFFFF1000  }
0xfe: {  	[tilespmem:s2], [sflag:$0x1] =	stream.linear.gather [hbm4b:s5+s2], $0xF000, $0x38;
	[tilespmem:$0xF000] =	vst v63  }
0xff: {  	_ =	swait.ge [sflag:s3], $0xF000  }
0x100: {  	[sflag:s3] =	ssyncset.done $0x0  }
0x101: {  	[sflag:s3] =	ssyncadd.s32 $0xFFFF1000  }
0x102: {  	[hbm4b:s6+s2] =	stream.linear.scatter [tilespmem:s2], [sflag:$0x1], $0xF000, $0x38;
	[tilespmem:$0xF000] =	vst v63  }
0x103: {  	_ =	swait.ge [sflag:s3], $0xF000  }
0x104: {  	[sflag:s3] =	ssyncset.done $0x0  }
0x105: {  	[sflag:s3] =	ssyncadd.s32 $0xFFFF1000  }
0x106: {  	[tilespmem:s2], [sflag:$0x1] =	stream.linear.gather [hbm4b:s7+s2], $0xF000, $0x38;
	[tilespmem:$0xF000] =	vst v63  }
0x107: {  	_ =	swait.ge [sflag:s3], $0xF000  }
0x108: {  	[sflag:s3] =	ssyncset.done $0x0  }
0x109: {  	[sflag:s3] =	ssyncadd.s32 $0xFFFF1000  }
0x10a: {  	[hbm4b:s8+s2] =	stream.linear.scatter [tilespmem:s2], [sflag:$0x1], $0xF000, $0x38;
	[tilespmem:$0xF000] =	vst v63  }
0x10b: {  	_ =	swait.ge [sflag:s3], $0xF000  }
0x10c: {  	[sflag:s3] =	ssyncset.done $0x0  }
0x10d: {  	[sflag:s3] =	ssyncadd.s32 $0xFFFF1000  }
0x10e: {  	[tilespmem:s2], [sflag:$0x1] =	stream.linear.gather [hbm4b:s9+s2], $0xF000, $0x38;
	[tilespmem:$0xF000] =	vst v63  }
0x10f: {  	_ =	swait.ge [sflag:s3], $0xF000  }
0x110: {  	[sflag:s3] =	ssyncset.done $0x0  }
0x111: {  	[sflag:s3] =	ssyncadd.s32 $0xFFFF1000  }
0x112: {  	[hbm4b:s10+s2] =	stream.linear.scatter [tilespmem:s2], [sflag:$0x1], $0xF000, $0x38;
	[tilespmem:$0xF000] =	vst v63  }
0x113: {  	_ =	swait.ge [sflag:s3], $0xF000  }
0x114: {  	[sflag:s3] =	ssyncset.done $0x0  }
0x115: {  	[sflag:s3] =	ssyncadd.s32 $0xFFFF1000  }
0x116: {  	[tilespmem:s2], [sflag:$0x1] =	stream.linear.gather [hbm4b:s11+s2], $0xF000, $0x38;
	[tilespmem:$0xF000] =	vst v63  }
0x117: {  	_ =	swait.ge [sflag:s3], $0xF000  }
0x118: {  	[sflag:s3] =	ssyncset.done $0x0  }
0x119: {  	[sflag:s3] =	ssyncadd.s32 $0xFFFF1000  }
0x11a: {  	[hbm4b:s12+s2] =	stream.linear.scatter [tilespmem:s2], [sflag:$0x1], $0xF000, $0x38;
	[tilespmem:$0xF000] =	vst v63  }
0x11b: {  	_ =	swait.ge [sflag:s3], $0xF000  }
0x11c: {  	[sflag:s3] =	ssyncset.done $0x0  }
0x11d: {  	[sflag:s3] =	ssyncadd.s32 $0xFFFF1000  }
0x11e: {  	[tilespmem:s2], [sflag:$0x1] =	stream.linear.gather [hbm4b:s13+s2], $0xF000, $0x38;
	[tilespmem:$0xF000] =	vst v63  }
0x11f: {  	_ =	swait.ge [sflag:s3], $0xF000  }
0x120: {  	[sflag:s3] =	ssyncset.done $0x0  }
0x121: {  	[sflag:s3] =	ssyncadd.s32 $0xFFFF1000  }
0x122: {  	[hbm4b:s14+s2] =	stream.linear.scatter [tilespmem:s2], [sflag:$0x1], $0xF000, $0x38;
	[tilespmem:$0xF000] =	vst v63  }
0x123: {  	_ =	swait.ge [sflag:s3], $0xF000  }
0x124: {  	[sflag:s3] =	ssyncset.done $0x0  }
0x125: {  	[sflag:s3] =	ssyncadd.s32 $0xFFFF1000  }
0x126: {  	[tilespmem:s2], [sflag:$0x1] =	stream.linear.gather [hbm4b:s15+s2], $0xF000, $0x38;
	[tilespmem:$0xF000] =	vst v63  }
0x127: {  	_ =	swait.ge [sflag:s3], $0xF000  }
0x128: {  	[sflag:s3] =	ssyncset.done $0x0  }
0x129: {  	[sflag:s3] =	ssyncadd.s32 $0xFFFF1000  }
0x12a: {  	[hbm4b:s16+s2] =	stream.linear.scatter [tilespmem:s2], [sflag:$0x1], $0xF000, $0x38;
	[tilespmem:$0xF000] =	vst v63  }
0x12b: {  	_ =	swait.ge [sflag:s3], $0xF000  }
0x12c: {  	[sflag:s3] =	ssyncset.done $0x0  }
0x12d: {  	[sflag:s3] =	ssyncadd.s32 $0xFFFF1000  }
0x12e: {  	[tilespmem:s2], [sflag:$0x1] =	stream.linear.gather [hbm4b:s17+s2], $0xF000, $0x38;
	[tilespmem:$0xF000] =	vst v63  }
0x12f: {  	_ =	swait.ge [sflag:s3], $0xF000  }
0x130: {  	[sflag:s3] =	ssyncset.done $0x0  }
0x131: {  	[sflag:s3] =	ssyncadd.s32 $0xFFFF1000  }
0x132: {  	[hbm4b:s18+s2] =	stream.linear.scatter [tilespmem:s2], [sflag:$0x1], $0xF000, $0x38;
	[tilespmem:$0xF000] =	vst v63  }
0x133: {  	_ =	swait.ge [sflag:s3], $0xF000  }
0x134: {  	[sflag:s3] =	ssyncset.done $0x0  }
0x135: {  	[sflag:s3] =	ssyncadd.s32 $0xFFFF1000  }
0x136: {  	[tilespmem:s2], [sflag:$0x1] =	stream.linear.gather [hbm4b:s19+s2], $0xF000, $0x38;
	[tilespmem:$0xF000] =	vst v63  }
0x137: {  	_ =	swait.ge [sflag:s3], $0xF000  }
0x138: {  	[sflag:s3] =	ssyncset.done $0x0  }
0x139: {  	[sflag:s3] =	ssyncadd.s32 $0xFFFF1000  }
0x13a: {  	[hbm4b:s20+s2] =	stream.linear.scatter [tilespmem:s2], [sflag:$0x1], $0xF000, $0x38;
	[tilespmem:$0xF000] =	vst v63  }
0x13b: {  	_ =	swait.ge [sflag:s3], $0xF000  }
0x13c: {  	[sflag:s3] =	ssyncset.done $0x0  }
0x13d: {  	[sflag:s3] =	ssyncadd.s32 $0xFFFF1000  }
0x13e: {  	[tilespmem:s2], [sflag:$0x1] =	stream.linear.gather [hbm4b:s21+s2], $0xF000, $0x38;
	[tilespmem:$0xF000] =	vst v63  }
0x13f: {  	_ =	swait.ge [sflag:s3], $0xF000  }
0x140: {  	[sflag:s3] =	ssyncset.done $0x0  }
0x141: {  	[sflag:s3] =	ssyncadd.s32 $0xFFFF1000  }
0x142: {  	[hbm4b:s22+s2] =	stream.linear.scatter [tilespmem:s2], [sflag:$0x1], $0xF000, $0x38;
	[tilespmem:$0xF000] =	vst v63  }
0x143: {  	_ =	swait.ge [sflag:s3], $0xF000  }
0x144: {  	[sflag:s3] =	ssyncset.done $0x0  }
0x145: {  	[sflag:s3] =	ssyncadd.s32 $0xFFFF1000  }
0x146: {  	[tilespmem:s2], [sflag:$0x1] =	stream.linear.gather [hbm4b:s23+s2], $0xF000, $0x38;
	[tilespmem:$0xF000] =	vst v63  }
0x147: {  	_ =	swait.ge [sflag:s3], $0xF000  }
0x148: {  	[sflag:s3] =	ssyncset.done $0x0  }
0x149: {  	[sflag:s3] =	ssyncadd.s32 $0xFFFF1000  }
0x14a: {  	[hbm4b:s24+s2] =	stream.linear.scatter [tilespmem:s2], [sflag:$0x1], $0xF000, $0x38;
	[tilespmem:$0xF000] =	vst v63  }
0x14b: {  	_ =	swait.ge [sflag:s3], $0xF000  }
0x14c: {  	[sflag:s3] =	ssyncset.done $0x0  }
0x14d: {  	[sflag:s3] =	ssyncadd.s32 $0xFFFF1000  }
0x14e: {  	[tilespmem:s2], [sflag:$0x1] =	stream.linear.gather [hbm4b:s25+s2], $0xF000, $0x38;
	[tilespmem:$0xF000] =	vst v63  }
0x14f: {  	_ =	swait.ge [sflag:s3], $0xF000  }
0x150: {  	[sflag:s3] =	ssyncset.done $0x0  }
0x151: {  	[sflag:s3] =	ssyncadd.s32 $0xFFFF1000  }
0x152: {  	[hbm4b:s26+s2] =	stream.linear.scatter [tilespmem:s2], [sflag:$0x1], $0xF000, $0x38;
	[tilespmem:$0xF000] =	vst v63  }
0x153: {  	_ =	swait.ge [sflag:s3], $0xF000  }
0x154: {  	s1 =	sadd.s32 $0xFFFFFFFF, s1;
	[sflag:s3] =	ssyncset.done $0x0  }
0x155: {  	p1 =	sne.s32 s1, $0x0;
	[sflag:s3] =	ssyncadd.s32 $0xFFFF1000  }
0x156: {  	[tilespmem:s30], [sflag:$0x1] =	stream.linear.gather @!p0 [hbm4b:s29+s30], $0xF000, $0x38;
	[tilespmem:$0xF000] =	vst v63  }
.Ltmp1:
0x157: {  	_ =	swait.ge @!p0 [sflag:s28], $0xF000;
	(pc) =	sbr.rel @p1 .LBB2_1-.Ltmp1, $4  }
0x158: {  	[sflag:s28] =	ssyncset.done @!p0 $0x0  }
0x159: {  	[sflag:s28] =	ssyncadd.s32 @!p0 $0xFFFF1000  }
0x15a: {  	[hbm4b:s31+s30] =	stream.linear.scatter @!p0 [tilespmem:s30], [sflag:$0x1], $0xF000, $0x38;
	[tilespmem:$0xF000] =	vst v63  }
0x15b: {  	_ =	swait.ge @!p0 [sflag:s28], $0xF000  }
.LBB2_2:
0x15c: {  	[sflag:s28] =	ssyncset.done @!p0 $0x0  }
0x15d: {  	[sflag:s28] =	ssyncadd.s32 @!p0 $0xFFFF1000  }
0x15e: {  	_ =	sfence.sel $0x180000  }
0x15f: {  	[bflag:$0x0] =	sbarrier.arrive $0xFFFF  }
0x160: {  	_ =	strace $0x9000004A  }
0x161: {  	s0 =	stileid.u32;
	[bflag:$0x2] =	sbarrier.arrive $0xFFFF  }
0x162: {  	p0 =	sne.s32 s0, $0x0;
	s0 =	rddreg [dreg:$0x2]  }
0x163: {  	s0 =	sadd.s32 @!p0 $0x100000, s0  }
0x164: {  	[sflag:s0] =	ssyncadd.tile.s32 @!p0 $0x1;
	_ =	shalt  }
.Lfunc_end2:
_tile_overlayer_lowered:
.L_overlay_start_2:
0x165: {  	(tag) =	ssettag $0x2  }
0x166: {  	s0 =	rddreg [dreg:$0x0];
	s2 =	stileid.u32  }
0x167: {  	s1 =	rddreg [dreg:$0x1];
	p0 =	sne.s32 s2, $0x0  }
0x168: {  	s3 =	rddreg [dreg:$0x2];
	[bflag:$0x3] =	sbarrier.arrive $0xFFFF;
	s2 =	simm.s32 @!p0 $0x1C01  }
0x169: {  	[timem:s3], [sflag:s2] =	dma.local @!p0 [hbm:s0], s1  }
0x16a: {  	s0 =	simm.s32 @!p0 $0x1  }
0x16b: {  	_ =	swait.ge @!p0 [sflag:s0], s1  }
0x16c: {  	s1 =	ssub.s32 @!p0 $0x0, s1;
	[sflag:s0] =	ssyncset.done @!p0 $0x0  }
0x16d: {  	[sflag:s0] =	ssyncadd.s32 @!p0 s1  }
0x16e: {  	[bflag:$0x3] =	sbarrier.arrive $0xFFFF  }
0x16f: {  	_ =	shalt  }

</sc_bundles>
